<compile_context>
chip_gen: v7x
topology: tpu7x:2x2x1
jax: 0.10.2.dev20260603
libtpu: 0.0.44.dev20260713+nightly
codegen_flags: <defaults>
</compile_context>

<pallas_src>
import functools

import jax
import jax.numpy as jnp
from jax import lax
from jax.experimental import pallas as pl
from jax.experimental.pallas import tpu as pltpu
from jax.experimental.pallas import tpu_sc as plsc

XW = 335
OW = 408
MAXL = 16
ALPHA = 20
P = 34
S15 = 15
F = 9
O = 12
NC = 2
NS = 16
NW = NC * NS
L = 16


def _sc_conv(xf, tabf, fltf, B):
    spw = B // NW
    ng = spw // L

    mesh = plsc.VectorSubcoreMesh(core_axis_name="c", subcore_axis_name="s")

    @functools.partial(
        pl.kernel,
        mesh=mesh,
        out_type=jax.ShapeDtypeStruct((B * OW,), jnp.float32),
        scratch_types=[
            pltpu.VMEM((L * XW,), jnp.float32),
            pltpu.VMEM((L * XW,), jnp.float32),
            pltpu.VMEM((spw * OW,), jnp.float32),
            pltpu.VMEM((MAXL * P,), jnp.int32),
            pltpu.VMEM((ALPHA * F,), jnp.float32),
            pltpu.SemaphoreType.DMA,
            pltpu.SemaphoreType.DMA,
            pltpu.SemaphoreType.DMA,
        ],
        compiler_params=pltpu.CompilerParams(needs_layout_passes=False),
    )
    def k(x_hbm, tab_hbm, flt_hbm, out_hbm, xa, xb, outs, tabs, flts,
          sa, sb, so):
        wid = lax.axis_index("s") * NC + lax.axis_index("c")
        base = wid * spw

        xbufs = (xa, xb)
        sems = (sa, sb)
        in_desc = [None, None]

        def start_in(g):
            in_desc[g % 2] = pltpu.async_copy(
                x_hbm.at[pl.ds((base + g * L) * XW, L * XW)],
                xbufs[g % 2], sems[g % 2])

        start_in(0)
        pltpu.sync_copy(tab_hbm, tabs)
        pltpu.sync_copy(flt_hbm, flts)

        lanes = lax.broadcasted_iota(jnp.int32, (L,), 0)
        rb = lanes * XW
        out_descs = []

        for g in range(ng):
            xs = xbufs[g % 2]
            in_desc[g % 2].wait()
            if g + 1 < ng:
                start_in(g + 1)

            ob = (lanes + g * L) * OW
            len_i = plsc.load_gather(xs, [rb]).astype(jnp.int32)
            tb = len_i * P

            def pbody(p, _, xs=xs, tb=tb, ob=ob):
                pv = plsc.load_gather(tabs, [tb + p])
                a = plsc.load_gather(xs, [rb + (301 + p)]).astype(jnp.int32) * F
                kf = [plsc.load_gather(flts, [a + f]) for f in range(F)]
                c0 = rb + lax.shift_right_logical(pv, 10) - 19
                c1 = rb + (pv & 1023) - 19
                s = [plsc.load_gather(xs, [c0 + c]) + plsc.load_gather(xs, [c1 + c])
                     for c in range(20)]
                po = ob + p * O
                for o in range(O):
                    acc = s[o] * kf[0]
                    for f in range(1, F):
                        acc = acc + s[o + f] * kf[f]
                    plsc.store_scatter(outs, [po + o], acc)
                return 0

            lax.fori_loop(0, P, pbody, 0, unroll=1)
            out_descs.append(pltpu.async_copy(
                outs.at[pl.ds(g * L * OW, L * OW)],
                out_hbm.at[pl.ds((base + g * L) * OW, L * OW)], so))

        for d in out_descs:
            d.wait()

    return k(xf, tabf, fltf)


def kernel(x, kernel, pocket_table):
    B = x.shape[0]
    t = pocket_table.astype(jnp.int32)
    packed = ((t[:, :, 0] * ALPHA) << 10) | (t[:, :, 1] * ALPHA)
    out = _sc_conv(
        x.reshape(-1),
        packed.reshape(-1),
        kernel.reshape(-1),
        B,
    )
    return out.reshape(B, OW)

# --- scband reference (transcript-rebuilt; emitter-appended) ---
"""Pipeline reference for scband-single-input-peptide-pocket-conv-layer-11072425689947 (READ-ONLY COPY).

The authoritative reference and input builder live on the scoring server;
editing this copy changes nothing except your own understanding.
"""

import jax, jax.numpy as jnp
import numpy as np

MAX_PEP = 15
AA_REP = 20
FILTER = 9
ALPHA = 20
P = 34
B = 4096


def _build_table():
    # Mirrors SingleInputPeptidePocketConvLayer.__init__ with int keys:
    # mapping[L][j] = [j % L, (j + 3) % L] for L in {9, 10}, j in pocket_positions=range(34)
    mapping = {L: {j: [j % L, (j + 3) % L] for j in range(P)} for L in (9, 10)}
    table = np.zeros((MAX_PEP + 1, P, MAX_PEP), dtype=np.int32)
    for i in range(MAX_PEP + 1):
        if i in mapping:
            for jidx, j in enumerate(sorted(range(P))):
                pos = [x + 1 for x in mapping[i][j]]  # +1 because a zero row is prepended to peptide
                table[i, jidx, :len(pos)] = np.asarray(pos, dtype=np.int32)
    return jnp.asarray(table)


def setup_inputs(seed: int = 0) -> dict:
    key = jax.random.key(seed)
    k1, k2, k3, k4 = jax.random.split(key, 4)
    lengths = jax.random.randint(k1, (B, 1), 9, 11).astype(jnp.float32)
    pep = jax.random.normal(k2, (B, MAX_PEP * AA_REP), dtype=jnp.float32)
    pocket = jax.random.randint(k3, (B, P), 0, ALPHA).astype(jnp.float32)
    x = jnp.concatenate([lengths, pep, pocket], axis=1)
    kernel = jax.random.uniform(k4, (ALPHA, FILTER), minval=-0.05, maxval=0.05, dtype=jnp.float32)
    return {"x": x, "kernel": kernel, "pocket_table": _build_table()}


def reference(x, kernel, pocket_table):
    Bn = x.shape[0]
    pep_len = x[:, 0].astype(jnp.int32)                                   # (B,)
    peptide = x[:, 1:1 + MAX_PEP * AA_REP].reshape(Bn, MAX_PEP, AA_REP)
    peptide = jnp.concatenate([jnp.zeros((Bn, 1, AA_REP), peptide.dtype), peptide], axis=1)  # (B,16,20)
    pocket = x[:, 1 + MAX_PEP * AA_REP:].astype(jnp.int32)                # (B,34)
    pocket_filters = jnp.take(kernel, pocket, axis=0)                     # (B,P,F) gather
    p2p = jnp.take(pocket_table, pep_len, axis=0)                         # (B,P,MAX_PEP) gather
    # ready[b,p,t,:] = peptide[b, p2p[b,p,t], :]
    ready = jax.vmap(lambda pep_b, idx_b: jnp.take(pep_b, idx_b, axis=0))(peptide, p2p)  # (B,P,15,20)
    # tf.nn.convolution over the aa_rep axis with a shared 1-D filter, then reduce_sum over
    # the contact axis t. Conv is linear and the filter is shared across t, so summing over
    # t first is mathematically identical.
    s = ready.sum(axis=2)                                                 # (B,P,AA_REP)
    O = AA_REP - FILTER + 1
    win = jnp.stack([s[..., o:o + FILTER] for o in range(O)], axis=-2)    # (B,P,O,F)
    out = jnp.einsum('bpof,bpf->bpo', win, pocket_filters)                # (B,P,O)
    return out.reshape(Bn, P * O)

if __name__ == "__main__":
    import jax
    _d = setup_inputs()
    print(jax.jit(kernel)(*tuple(_d.values())))

</pallas_src>

<mosaic_0001>
#map = affine_map<(d0, d1) -> (0)>
module attributes {stable_mosaic.version = 14 : i64} {
  func.func @k(%arg0: i32, %arg1: i32, %arg2: memref<1372160xf32, #tpu.memory_space<hbm>>, %arg3: memref<544xi32, #tpu.memory_space<hbm>>, %arg4: memref<180xf32, #tpu.memory_space<hbm>>, %arg5: memref<1671168xf32, #tpu.memory_space<hbm>>, %arg6: memref<5360xf32, #tpu.memory_space<vmem>>, %arg7: memref<5360xf32, #tpu.memory_space<vmem>>, %arg8: memref<52224xf32, #tpu.memory_space<vmem>>, %arg9: memref<544xi32, #tpu.memory_space<vmem>>, %arg10: memref<180xf32, #tpu.memory_space<vmem>>, %arg11: memref<!tpu.dma_semaphore, #tpu.memory_space<semaphore_mem>>, %arg12: memref<!tpu.dma_semaphore, #tpu.memory_space<semaphore_mem>>, %arg13: memref<!tpu.dma_semaphore, #tpu.memory_space<semaphore_mem>>) attributes {dimension_semantics = [#tpu.dimension_semantics<core_parallel>, #tpu.dimension_semantics<subcore_parallel>], iteration_bounds = array<i64: 2, 16>, scalar_prefetch = 0 : i64, scratch_operands = 8 : i64, tpu.core_type = #tpu.core_type<sc_vector_subcore>, window_params = [{transform_indices = #map}, {transform_indices = #map}, {transform_indices = #map}, {transform_indices = #map}]} {
    %mul3A = arith.constant 2 : i32
    %mul3A_0 = arith.muli %arg1, %mul3A : i32
    %add3A = arith.addi %mul3A_0, %arg0 : i32
    %mul3A_1 = arith.constant 128 : i32
    %mul3A_2 = arith.muli %add3A, %mul3A_1 : i32
    %add3A_3 = arith.constant 0 : i32
    %add3A_4 = arith.addi %mul3A_2, %add3A_3 : i32
    %mul3A_5 = arith.constant 335 : i32
    %mul3A_6 = arith.muli %add3A_4, %mul3A_5 : i32
    %dma_start3A = tpu.memref_slice %arg2[%mul3A_6] : memref<1372160xf32, #tpu.memory_space<hbm>> -> memref<5360xf32, #tpu.memory_space<hbm>>
    %dma_start3A_7 = tpu.memref_slice %arg2[%mul3A_6] : memref<1372160xf32, #tpu.memory_space<hbm>> -> memref<5360xf32, #tpu.memory_space<hbm>>
    tpu.enqueue_dma source(%dma_start3A_7 : memref<5360xf32, #tpu.memory_space<hbm>>) target(%arg6 : memref<5360xf32, #tpu.memory_space<vmem>>) target_semaphore(%arg11 : memref<!tpu.dma_semaphore, #tpu.memory_space<semaphore_mem>>)
    "tpu.region"() ({
      %run_scoped3A = tpu.sem_alloc : memref<!tpu.dma_semaphore, #tpu.memory_space<semaphore_mem>>
      tpu.enqueue_dma source(%arg3 : memref<544xi32, #tpu.memory_space<hbm>>) target(%arg9 : memref<544xi32, #tpu.memory_space<vmem>>) target_semaphore(%run_scoped3A : memref<!tpu.dma_semaphore, #tpu.memory_space<semaphore_mem>>)
      tpu.wait_dma2 semaphore(%run_scoped3A : memref<!tpu.dma_semaphore, #tpu.memory_space<semaphore_mem>>) src(%arg3 : memref<544xi32, #tpu.memory_space<hbm>>) dst(%arg9 : memref<544xi32, #tpu.memory_space<vmem>>)
      tpu.yield
    }) : () -> ()
    "tpu.region"() ({
      %run_scoped3A = tpu.sem_alloc : memref<!tpu.dma_semaphore, #tpu.memory_space<semaphore_mem>>
      tpu.enqueue_dma source(%arg4 : memref<180xf32, #tpu.memory_space<hbm>>) target(%arg10 : memref<180xf32, #tpu.memory_space<vmem>>) target_semaphore(%run_scoped3A : memref<!tpu.dma_semaphore, #tpu.memory_space<semaphore_mem>>)
      tpu.wait_dma2 semaphore(%run_scoped3A : memref<!tpu.dma_semaphore, #tpu.memory_space<semaphore_mem>>) src(%arg4 : memref<180xf32, #tpu.memory_space<hbm>>) dst(%arg10 : memref<180xf32, #tpu.memory_space<vmem>>)
      tpu.yield
    }) : () -> ()
    %iota3A = tpu.iota {dimensions = array<i32: 0>} : vector<16xi32>
    %mul3A_8 = arith.constant 335 : i32
    %mul3A_9 = vector.broadcast %mul3A_8 : i32 to vector<16xi32>
    %mul3A_10 = arith.muli %iota3A, %mul3A_9 : vector<16xi32>
    %dma_wait3A = tpu.memref_slice %arg2[%mul3A_6] : memref<1372160xf32, #tpu.memory_space<hbm>> -> memref<5360xf32, #tpu.memory_space<hbm>>
    %dma_wait3A_11 = tpu.memref_slice %arg2[%mul3A_6] : memref<1372160xf32, #tpu.memory_space<hbm>> -> memref<5360xf32, #tpu.memory_space<hbm>>
    tpu.wait_dma2 semaphore(%arg11 : memref<!tpu.dma_semaphore, #tpu.memory_space<semaphore_mem>>) src(%dma_wait3A_11 : memref<5360xf32, #tpu.memory_space<hbm>>) dst(%arg6 : memref<5360xf32, #tpu.memory_space<vmem>>)
    %add3A_12 = arith.constant 16 : i32
    %add3A_13 = arith.addi %mul3A_2, %add3A_12 : i32
    %mul3A_14 = arith.constant 335 : i32
    %mul3A_15 = arith.muli %add3A_13, %mul3A_14 : i32
    %dma_start3A_16 = tpu.memref_slice %arg2[%mul3A_15] : memref<1372160xf32, #tpu.memory_space<hbm>> -> memref<5360xf32, #tpu.memory_space<hbm>>
    %dma_start3A_17 = tpu.memref_slice %arg2[%mul3A_15] : memref<1372160xf32, #tpu.memory_space<hbm>> -> memref<5360xf32, #tpu.memory_space<hbm>>
    tpu.enqueue_dma source(%dma_start3A_17 : memref<5360xf32, #tpu.memory_space<hbm>>) target(%arg7 : memref<5360xf32, #tpu.memory_space<vmem>>) target_semaphore(%arg12 : memref<!tpu.dma_semaphore, #tpu.memory_space<semaphore_mem>>)
    %add3A_18 = arith.constant 0 : i32
    %add3A_19 = vector.broadcast %add3A_18 : i32 to vector<16xi32>
    %add3A_20 = arith.addi %iota3A, %add3A_19 : vector<16xi32>
    %mul3A_21 = arith.constant 408 : i32
    %mul3A_22 = vector.broadcast %mul3A_21 : i32 to vector<16xi32>
    %mul3A_23 = arith.muli %add3A_20, %mul3A_22 : vector<16xi32>
    %gather3A = tpu.vector_load_idx %arg6[%mul3A_10] : memref<5360xf32, #tpu.memory_space<vmem>>[vector<16xi32>], vector<16xf32>,
    %convert_element_type3A = arith.fptosi %gather3A : vector<16xf32> to vector<16xi32>
    %mul3A_24 = arith.constant 34 : i32
    %mul3A_25 = vector.broadcast %mul3A_24 : i32 to vector<16xi32>
    %mul3A_26 = arith.muli %convert_element_type3A, %mul3A_25 : vector<16xi32>
    %scan3A = arith.constant 0 : i32
    %scan3A_27 = arith.constant 0 : i32
    %scan3A_28 = arith.constant 34 : i32
    %scan3A_29 = arith.addi %scan3A_27, %scan3A_28 : i32
    %scan3A_30 = arith.constant 1 : i32
    %scan3A_31 = scf.for %scan3A_337 = %scan3A_27 to %scan3A_29 step %scan3A_30 iter_args(%scan3A_338 = %scan3A) -> (i32)  : i32 {
      %add3A_339 = vector.broadcast %scan3A_337 : i32 to vector<16xi32>
      %add3A_340 = arith.addi %mul3A_26, %add3A_339 : vector<16xi32>
      %gather3A_341 = tpu.vector_load_idx %arg9[%add3A_340] : memref<544xi32, #tpu.memory_space<vmem>>[vector<16xi32>], vector<16xi32>,
      %add3A_342 = arith.constant 301 : i32
      %add3A_343 = arith.addi %add3A_342, %scan3A_337 : i32
      %add3A_344 = vector.broadcast %add3A_343 : i32 to vector<16xi32>
      %add3A_345 = arith.addi %mul3A_10, %add3A_344 : vector<16xi32>
      %gather3A_346 = tpu.vector_load_idx %arg6[%add3A_345] : memref<5360xf32, #tpu.memory_space<vmem>>[vector<16xi32>], vector<16xf32>,
      %convert_element_type3A_347 = arith.fptosi %gather3A_346 : vector<16xf32> to vector<16xi32>
      %mul3A_348 = arith.constant 9 : i32
      %mul3A_349 = vector.broadcast %mul3A_348 : i32 to vector<16xi32>
      %mul3A_350 = arith.muli %convert_element_type3A_347, %mul3A_349 : vector<16xi32>
      %add3A_351 = arith.constant 0 : i32
      %add3A_352 = vector.broadcast %add3A_351 : i32 to vector<16xi32>
      %add3A_353 = arith.addi %mul3A_350, %add3A_352 : vector<16xi32>
      %gather3A_354 = tpu.vector_load_idx %arg10[%add3A_353] : memref<180xf32, #tpu.memory_space<vmem>>[vector<16xi32>], vector<16xf32>,
      %add3A_355 = arith.constant 1 : i32
      %add3A_356 = vector.broadcast %add3A_355 : i32 to vector<16xi32>
      %add3A_357 = arith.addi %mul3A_350, %add3A_356 : vector<16xi32>
      %gather3A_358 = tpu.vector_load_idx %arg10[%add3A_357] : memref<180xf32, #tpu.memory_space<vmem>>[vector<16xi32>], vector<16xf32>,
      %add3A_359 = arith.constant 2 : i32
      %add3A_360 = vector.broadcast %add3A_359 : i32 to vector<16xi32>
      %add3A_361 = arith.addi %mul3A_350, %add3A_360 : vector<16xi32>
      %gather3A_362 = tpu.vector_load_idx %arg10[%add3A_361] : memref<180xf32, #tpu.memory_space<vmem>>[vector<16xi32>], vector<16xf32>,
      %add3A_363 = arith.constant 3 : i32
      %add3A_364 = vector.broadcast %add3A_363 : i32 to vector<16xi32>
      %add3A_365 = arith.addi %mul3A_350, %add3A_364 : vector<16xi32>
      %gather3A_366 = tpu.vector_load_idx %arg10[%add3A_365] : memref<180xf32, #tpu.memory_space<vmem>>[vector<16xi32>], vector<16xf32>,
      %add3A_367 = arith.constant 4 : i32
      %add3A_368 = vector.broadcast %add3A_367 : i32 to vector<16xi32>
      %add3A_369 = arith.addi %mul3A_350, %add3A_368 : vector<16xi32>
      %gather3A_370 = tpu.vector_load_idx %arg10[%add3A_369] : memref<180xf32, #tpu.memory_space<vmem>>[vector<16xi32>], vector<16xf32>,
      %add3A_371 = arith.constant 5 : i32
      %add3A_372 = vector.broadcast %add3A_371 : i32 to vector<16xi32>
      %add3A_373 = arith.addi %mul3A_350, %add3A_372 : vector<16xi32>
      %gather3A_374 = tpu.vector_load_idx %arg10[%add3A_373] : memref<180xf32, #tpu.memory_space<vmem>>[vector<16xi32>], vector<16xf32>,
      %add3A_375 = arith.constant 6 : i32
      %add3A_376 = vector.broadcast %add3A_375 : i32 to vector<16xi32>
      %add3A_377 = arith.addi %mul3A_350, %add3A_376 : vector<16xi32>
      %gather3A_378 = tpu.vector_load_idx %arg10[%add3A_377] : memref<180xf32, #tpu.memory_space<vmem>>[vector<16xi32>], vector<16xf32>,
      %add3A_379 = arith.constant 7 : i32
      %add3A_380 = vector.broadcast %add3A_379 : i32 to vector<16xi32>
      %add3A_381 = arith.addi %mul3A_350, %add3A_380 : vector<16xi32>
      %gather3A_382 = tpu.vector_load_idx %arg10[%add3A_381] : memref<180xf32, #tpu.memory_space<vmem>>[vector<16xi32>], vector<16xf32>,
      %add3A_383 = arith.constant 8 : i32
      %add3A_384 = vector.broadcast %add3A_383 : i32 to vector<16xi32>
      %add3A_385 = arith.addi %mul3A_350, %add3A_384 : vector<16xi32>
      %gather3A_386 = tpu.vector_load_idx %arg10[%add3A_385] : memref<180xf32, #tpu.memory_space<vmem>>[vector<16xi32>], vector<16xf32>,
      %shift_right_logical3A = arith.constant 10 : i32
      %shift_right_logical3A_387 = vector.broadcast %shift_right_logical3A : i32 to vector<16xi32>
      %shift_right_logical3A_388 = arith.shrui %gather3A_341, %shift_right_logical3A_387 : vector<16xi32>
      %add3A_389 = arith.addi %mul3A_10, %shift_right_logical3A_388 : vector<16xi32>
      %sub3A = arith.constant 19 : i32
      %sub3A_390 = vector.broadcast %sub3A : i32 to vector<16xi32>
      %sub3A_391 = arith.subi %add3A_389, %sub3A_390 : vector<16xi32>
      %and3A = arith.constant 1023 : i32
      %and3A_392 = vector.broadcast %and3A : i32 to vector<16xi32>
      %and3A_393 = arith.andi %gather3A_341, %and3A_392 : vector<16xi32>
      %add3A_394 = arith.addi %mul3A_10, %and3A_393 : vector<16xi32>
      %sub3A_395 = arith.constant 19 : i32
      %sub3A_396 = vector.broadcast %sub3A_395 : i32 to vector<16xi32>
      %sub3A_397 = arith.subi %add3A_394, %sub3A_396 : vector<16xi32>
      %add3A_398 = arith.constant 0 : i32
      %add3A_399 = vector.broadcast %add3A_398 : i32 to vector<16xi32>
      %add3A_400 = arith.addi %sub3A_391, %add3A_399 : vector<16xi32>
      %gather3A_401 = tpu.vector_load_idx %arg6[%add3A_400] : memref<5360xf32, #tpu.memory_space<vmem>>[vector<16xi32>], vector<16xf32>,
      %add3A_402 = arith.constant 0 : i32
      %add3A_403 = vector.broadcast %add3A_402 : i32 to vector<16xi32>
      %add3A_404 = arith.addi %sub3A_397, %add3A_403 : vector<16xi32>
      %gather3A_405 = tpu.vector_load_idx %arg6[%add3A_404] : memref<5360xf32, #tpu.memory_space<vmem>>[vector<16xi32>], vector<16xf32>,
      %add3A_406 = arith.addf %gather3A_401, %gather3A_405 : vector<16xf32>
      %add3A_407 = arith.constant 1 : i32
      %add3A_408 = vector.broadcast %add3A_407 : i32 to vector<16xi32>
      %add3A_409 = arith.addi %sub3A_391, %add3A_408 : vector<16xi32>
      %gather3A_410 = tpu.vector_load_idx %arg6[%add3A_409] : memref<5360xf32, #tpu.memory_space<vmem>>[vector<16xi32>], vector<16xf32>,
      %add3A_411 = arith.constant 1 : i32
      %add3A_412 = vector.broadcast %add3A_411 : i32 to vector<16xi32>
      %add3A_413 = arith.addi %sub3A_397, %add3A_412 : vector<16xi32>
      %gather3A_414 = tpu.vector_load_idx %arg6[%add3A_413] : memref<5360xf32, #tpu.memory_space<vmem>>[vector<16xi32>], vector<16xf32>,
      %add3A_415 = arith.addf %gather3A_410, %gather3A_414 : vector<16xf32>
      %add3A_416 = arith.constant 2 : i32
      %add3A_417 = vector.broadcast %add3A_416 : i32 to vector<16xi32>
      %add3A_418 = arith.addi %sub3A_391, %add3A_417 : vector<16xi32>
      %gather3A_419 = tpu.vector_load_idx %arg6[%add3A_418] : memref<5360xf32, #tpu.memory_space<vmem>>[vector<16xi32>], vector<16xf32>,
      %add3A_420 = arith.constant 2 : i32
      %add3A_421 = vector.broadcast %add3A_420 : i32 to vector<16xi32>
      %add3A_422 = arith.addi %sub3A_397, %add3A_421 : vector<16xi32>
      %gather3A_423 = tpu.vector_load_idx %arg6[%add3A_422] : memref<5360xf32, #tpu.memory_space<vmem>>[vector<16xi32>], vector<16xf32>,
      %add3A_424 = arith.addf %gather3A_419, %gather3A_423 : vector<16xf32>
      %add3A_425 = arith.constant 3 : i32
      %add3A_426 = vector.broadcast %add3A_425 : i32 to vector<16xi32>
      %add3A_427 = arith.addi %sub3A_391, %add3A_426 : vector<16xi32>
      %gather3A_428 = tpu.vector_load_idx %arg6[%add3A_427] : memref<5360xf32, #tpu.memory_space<vmem>>[vector<16xi32>], vector<16xf32>,
      %add3A_429 = arith.constant 3 : i32
      %add3A_430 = vector.broadcast %add3A_429 : i32 to vector<16xi32>
      %add3A_431 = arith.addi %sub3A_397, %add3A_430 : vector<16xi32>
      %gather3A_432 = tpu.vector_load_idx %arg6[%add3A_431] : memref<5360xf32, #tpu.memory_space<vmem>>[vector<16xi32>], vector<16xf32>,
      %add3A_433 = arith.addf %gather3A_428, %gather3A_432 : vector<16xf32>
      %add3A_434 = arith.constant 4 : i32
      %add3A_435 = vector.broadcast %add3A_434 : i32 to vector<16xi32>
      %add3A_436 = arith.addi %sub3A_391, %add3A_435 : vector<16xi32>
      %gather3A_437 = tpu.vector_load_idx %arg6[%add3A_436] : memref<5360xf32, #tpu.memory_space<vmem>>[vector<16xi32>], vector<16xf32>,
      %add3A_438 = arith.constant 4 : i32
      %add3A_439 = vector.broadcast %add3A_438 : i32 to vector<16xi32>
      %add3A_440 = arith.addi %sub3A_397, %add3A_439 : vector<16xi32>
      %gather3A_441 = tpu.vector_load_idx %arg6[%add3A_440] : memref<5360xf32, #tpu.memory_space<vmem>>[vector<16xi32>], vector<16xf32>,
      %add3A_442 = arith.addf %gather3A_437, %gather3A_441 : vector<16xf32>
      %add3A_443 = arith.constant 5 : i32
      %add3A_444 = vector.broadcast %add3A_443 : i32 to vector<16xi32>
      %add3A_445 = arith.addi %sub3A_391, %add3A_444 : vector<16xi32>
      %gather3A_446 = tpu.vector_load_idx %arg6[%add3A_445] : memref<5360xf32, #tpu.memory_space<vmem>>[vector<16xi32>], vector<16xf32>,
      %add3A_447 = arith.constant 5 : i32
      %add3A_448 = vector.broadcast %add3A_447 : i32 to vector<16xi32>
      %add3A_449 = arith.addi %sub3A_397, %add3A_448 : vector<16xi32>
      %gather3A_450 = tpu.vector_load_idx %arg6[%add3A_449] : memref<5360xf32, #tpu.memory_space<vmem>>[vector<16xi32>], vector<16xf32>,
      %add3A_451 = arith.addf %gather3A_446, %gather3A_450 : vector<16xf32>
      %add3A_452 = arith.constant 6 : i32
      %add3A_453 = vector.broadcast %add3A_452 : i32 to vector<16xi32>
      %add3A_454 = arith.addi %sub3A_391, %add3A_453 : vector<16xi32>
      %gather3A_455 = tpu.vector_load_idx %arg6[%add3A_454] : memref<5360xf32, #tpu.memory_space<vmem>>[vector<16xi32>], vector<16xf32>,
      %add3A_456 = arith.constant 6 : i32
      %add3A_457 = vector.broadcast %add3A_456 : i32 to vector<16xi32>
      %add3A_458 = arith.addi %sub3A_397, %add3A_457 : vector<16xi32>
      %gather3A_459 = tpu.vector_load_idx %arg6[%add3A_458] : memref<5360xf32, #tpu.memory_space<vmem>>[vector<16xi32>], vector<16xf32>,
      %add3A_460 = arith.addf %gather3A_455, %gather3A_459 : vector<16xf32>
      %add3A_461 = arith.constant 7 : i32
      %add3A_462 = vector.broadcast %add3A_461 : i32 to vector<16xi32>
      %add3A_463 = arith.addi %sub3A_391, %add3A_462 : vector<16xi32>
      %gather3A_464 = tpu.vector_load_idx %arg6[%add3A_463] : memref<5360xf32, #tpu.memory_space<vmem>>[vector<16xi32>], vector<16xf32>,
      %add3A_465 = arith.constant 7 : i32
      %add3A_466 = vector.broadcast %add3A_465 : i32 to vector<16xi32>
      %add3A_467 = arith.addi %sub3A_397, %add3A_466 : vector<16xi32>
      %gather3A_468 = tpu.vector_load_idx %arg6[%add3A_467] : memref<5360xf32, #tpu.memory_space<vmem>>[vector<16xi32>], vector<16xf32>,
      %add3A_469 = arith.addf %gather3A_464, %gather3A_468 : vector<16xf32>
      %add3A_470 = arith.constant 8 : i32
      %add3A_471 = vector.broadcast %add3A_470 : i32 to vector<16xi32>
      %add3A_472 = arith.addi %sub3A_391, %add3A_471 : vector<16xi32>
      %gather3A_473 = tpu.vector_load_idx %arg6[%add3A_472] : memref<5360xf32, #tpu.memory_space<vmem>>[vector<16xi32>], vector<16xf32>,
      %add3A_474 = arith.constant 8 : i32
      %add3A_475 = vector.broadcast %add3A_474 : i32 to vector<16xi32>
      %add3A_476 = arith.addi %sub3A_397, %add3A_475 : vector<16xi32>
      %gather3A_477 = tpu.vector_load_idx %arg6[%add3A_476] : memref<5360xf32, #tpu.memory_space<vmem>>[vector<16xi32>], vector<16xf32>,
      %add3A_478 = arith.addf %gather3A_473, %gather3A_477 : vector<16xf32>
      %add3A_479 = arith.constant 9 : i32
      %add3A_480 = vector.broadcast %add3A_479 : i32 to vector<16xi32>
      %add3A_481 = arith.addi %sub3A_391, %add3A_480 : vector<16xi32>
      %gather3A_482 = tpu.vector_load_idx %arg6[%add3A_481] : memref<5360xf32, #tpu.memory_space<vmem>>[vector<16xi32>], vector<16xf32>,
      %add3A_483 = arith.constant 9 : i32
      %add3A_484 = vector.broadcast %add3A_483 : i32 to vector<16xi32>
      %add3A_485 = arith.addi %sub3A_397, %add3A_484 : vector<16xi32>
      %gather3A_486 = tpu.vector_load_idx %arg6[%add3A_485] : memref<5360xf32, #tpu.memory_space<vmem>>[vector<16xi32>], vector<16xf32>,
      %add3A_487 = arith.addf %gather3A_482, %gather3A_486 : vector<16xf32>
      %add3A_488 = arith.constant 10 : i32
      %add3A_489 = vector.broadcast %add3A_488 : i32 to vector<16xi32>
      %add3A_490 = arith.addi %sub3A_391, %add3A_489 : vector<16xi32>
      %gather3A_491 = tpu.vector_load_idx %arg6[%add3A_490] : memref<5360xf32, #tpu.memory_space<vmem>>[vector<16xi32>], vector<16xf32>,
      %add3A_492 = arith.constant 10 : i32
      %add3A_493 = vector.broadcast %add3A_492 : i32 to vector<16xi32>
      %add3A_494 = arith.addi %sub3A_397, %add3A_493 : vector<16xi32>
      %gather3A_495 = tpu.vector_load_idx %arg6[%add3A_494] : memref<5360xf32, #tpu.memory_space<vmem>>[vector<16xi32>], vector<16xf32>,
      %add3A_496 = arith.addf %gather3A_491, %gather3A_495 : vector<16xf32>
      %add3A_497 = arith.constant 11 : i32
      %add3A_498 = vector.broadcast %add3A_497 : i32 to vector<16xi32>
      %add3A_499 = arith.addi %sub3A_391, %add3A_498 : vector<16xi32>
      %gather3A_500 = tpu.vector_load_idx %arg6[%add3A_499] : memref<5360xf32, #tpu.memory_space<vmem>>[vector<16xi32>], vector<16xf32>,
      %add3A_501 = arith.constant 11 : i32
      %add3A_502 = vector.broadcast %add3A_501 : i32 to vector<16xi32>
      %add3A_503 = arith.addi %sub3A_397, %add3A_502 : vector<16xi32>
      %gather3A_504 = tpu.vector_load_idx %arg6[%add3A_503] : memref<5360xf32, #tpu.memory_space<vmem>>[vector<16xi32>], vector<16xf32>,
      %add3A_505 = arith.addf %gather3A_500, %gather3A_504 : vector<16xf32>
      %add3A_506 = arith.constant 12 : i32
      %add3A_507 = vector.broadcast %add3A_506 : i32 to vector<16xi32>
      %add3A_508 = arith.addi %sub3A_391, %add3A_507 : vector<16xi32>
      %gather3A_509 = tpu.vector_load_idx %arg6[%add3A_508] : memref<5360xf32, #tpu.memory_space<vmem>>[vector<16xi32>], vector<16xf32>,
      %add3A_510 = arith.constant 12 : i32
      %add3A_511 = vector.broadcast %add3A_510 : i32 to vector<16xi32>
      %add3A_512 = arith.addi %sub3A_397, %add3A_511 : vector<16xi32>
      %gather3A_513 = tpu.vector_load_idx %arg6[%add3A_512] : memref<5360xf32, #tpu.memory_space<vmem>>[vector<16xi32>], vector<16xf32>,
      %add3A_514 = arith.addf %gather3A_509, %gather3A_513 : vector<16xf32>
      %add3A_515 = arith.constant 13 : i32
      %add3A_516 = vector.broadcast %add3A_515 : i32 to vector<16xi32>
      %add3A_517 = arith.addi %sub3A_391, %add3A_516 : vector<16xi32>
      %gather3A_518 = tpu.vector_load_idx %arg6[%add3A_517] : memref<5360xf32, #tpu.memory_space<vmem>>[vector<16xi32>], vector<16xf32>,
      %add3A_519 = arith.constant 13 : i32
      %add3A_520 = vector.broadcast %add3A_519 : i32 to vector<16xi32>
      %add3A_521 = arith.addi %sub3A_397, %add3A_520 : vector<16xi32>
      %gather3A_522 = tpu.vector_load_idx %arg6[%add3A_521] : memref<5360xf32, #tpu.memory_space<vmem>>[vector<16xi32>], vector<16xf32>,
      %add3A_523 = arith.addf %gather3A_518, %gather3A_522 : vector<16xf32>
      %add3A_524 = arith.constant 14 : i32
      %add3A_525 = vector.broadcast %add3A_524 : i32 to vector<16xi32>
      %add3A_526 = arith.addi %sub3A_391, %add3A_525 : vector<16xi32>
      %gather3A_527 = tpu.vector_load_idx %arg6[%add3A_526] : memref<5360xf32, #tpu.memory_space<vmem>>[vector<16xi32>], vector<16xf32>,
      %add3A_528 = arith.constant 14 : i32
      %add3A_529 = vector.broadcast %add3A_528 : i32 to vector<16xi32>
      %add3A_530 = arith.addi %sub3A_397, %add3A_529 : vector<16xi32>
      %gather3A_531 = tpu.vector_load_idx %arg6[%add3A_530] : memref<5360xf32, #tpu.memory_space<vmem>>[vector<16xi32>], vector<16xf32>,
      %add3A_532 = arith.addf %gather3A_527, %gather3A_531 : vector<16xf32>
      %add3A_533 = arith.constant 15 : i32
      %add3A_534 = vector.broadcast %add3A_533 : i32 to vector<16xi32>
      %add3A_535 = arith.addi %sub3A_391, %add3A_534 : vector<16xi32>
      %gather3A_536 = tpu.vector_load_idx %arg6[%add3A_535] : memref<5360xf32, #tpu.memory_space<vmem>>[vector<16xi32>], vector<16xf32>,
      %add3A_537 = arith.constant 15 : i32
      %add3A_538 = vector.broadcast %add3A_537 : i32 to vector<16xi32>
      %add3A_539 = arith.addi %sub3A_397, %add3A_538 : vector<16xi32>
      %gather3A_540 = tpu.vector_load_idx %arg6[%add3A_539] : memref<5360xf32, #tpu.memory_space<vmem>>[vector<16xi32>], vector<16xf32>,
      %add3A_541 = arith.addf %gather3A_536, %gather3A_540 : vector<16xf32>
      %add3A_542 = arith.constant 16 : i32
      %add3A_543 = vector.broadcast %add3A_542 : i32 to vector<16xi32>
      %add3A_544 = arith.addi %sub3A_391, %add3A_543 : vector<16xi32>
      %gather3A_545 = tpu.vector_load_idx %arg6[%add3A_544] : memref<5360xf32, #tpu.memory_space<vmem>>[vector<16xi32>], vector<16xf32>,
      %add3A_546 = arith.constant 16 : i32
      %add3A_547 = vector.broadcast %add3A_546 : i32 to vector<16xi32>
      %add3A_548 = arith.addi %sub3A_397, %add3A_547 : vector<16xi32>
      %gather3A_549 = tpu.vector_load_idx %arg6[%add3A_548] : memref<5360xf32, #tpu.memory_space<vmem>>[vector<16xi32>], vector<16xf32>,
      %add3A_550 = arith.addf %gather3A_545, %gather3A_549 : vector<16xf32>
      %add3A_551 = arith.constant 17 : i32
      %add3A_552 = vector.broadcast %add3A_551 : i32 to vector<16xi32>
      %add3A_553 = arith.addi %sub3A_391, %add3A_552 : vector<16xi32>
      %gather3A_554 = tpu.vector_load_idx %arg6[%add3A_553] : memref<5360xf32, #tpu.memory_space<vmem>>[vector<16xi32>], vector<16xf32>,
      %add3A_555 = arith.constant 17 : i32
      %add3A_556 = vector.broadcast %add3A_555 : i32 to vector<16xi32>
      %add3A_557 = arith.addi %sub3A_397, %add3A_556 : vector<16xi32>
      %gather3A_558 = tpu.vector_load_idx %arg6[%add3A_557] : memref<5360xf32, #tpu.memory_space<vmem>>[vector<16xi32>], vector<16xf32>,
      %add3A_559 = arith.addf %gather3A_554, %gather3A_558 : vector<16xf32>
      %add3A_560 = arith.constant 18 : i32
      %add3A_561 = vector.broadcast %add3A_560 : i32 to vector<16xi32>
      %add3A_562 = arith.addi %sub3A_391, %add3A_561 : vector<16xi32>
      %gather3A_563 = tpu.vector_load_idx %arg6[%add3A_562] : memref<5360xf32, #tpu.memory_space<vmem>>[vector<16xi32>], vector<16xf32>,
      %add3A_564 = arith.constant 18 : i32
      %add3A_565 = vector.broadcast %add3A_564 : i32 to vector<16xi32>
      %add3A_566 = arith.addi %sub3A_397, %add3A_565 : vector<16xi32>
      %gather3A_567 = tpu.vector_load_idx %arg6[%add3A_566] : memref<5360xf32, #tpu.memory_space<vmem>>[vector<16xi32>], vector<16xf32>,
      %add3A_568 = arith.addf %gather3A_563, %gather3A_567 : vector<16xf32>
      %add3A_569 = arith.constant 19 : i32
      %add3A_570 = vector.broadcast %add3A_569 : i32 to vector<16xi32>
      %add3A_571 = arith.addi %sub3A_391, %add3A_570 : vector<16xi32>
      %gather3A_572 = tpu.vector_load_idx %arg6[%add3A_571] : memref<5360xf32, #tpu.memory_space<vmem>>[vector<16xi32>], vector<16xf32>,
      %add3A_573 = arith.constant 19 : i32
      %add3A_574 = vector.broadcast %add3A_573 : i32 to vector<16xi32>
      %add3A_575 = arith.addi %sub3A_397, %add3A_574 : vector<16xi32>
      %gather3A_576 = tpu.vector_load_idx %arg6[%add3A_575] : memref<5360xf32, #tpu.memory_space<vmem>>[vector<16xi32>], vector<16xf32>,
      %add3A_577 = arith.addf %gather3A_572, %gather3A_576 : vector<16xf32>
      %mul3A_578 = arith.constant 12 : i32
      %mul3A_579 = arith.muli %scan3A_337, %mul3A_578 : i32
      %add3A_580 = vector.broadcast %mul3A_579 : i32 to vector<16xi32>
      %add3A_581 = arith.addi %mul3A_23, %add3A_580 : vector<16xi32>
      %mul3A_582 = arith.mulf %add3A_406, %gather3A_354 : vector<16xf32>
      %mul3A_583 = arith.mulf %add3A_415, %gather3A_358 : vector<16xf32>
      %add3A_584 = arith.addf %mul3A_582, %mul3A_583 : vector<16xf32>
      %mul3A_585 = arith.mulf %add3A_424, %gather3A_362 : vector<16xf32>
      %add3A_586 = arith.addf %add3A_584, %mul3A_585 : vector<16xf32>
      %mul3A_587 = arith.mulf %add3A_433, %gather3A_366 : vector<16xf32>
      %add3A_588 = arith.addf %add3A_586, %mul3A_587 : vector<16xf32>
      %mul3A_589 = arith.mulf %add3A_442, %gather3A_370 : vector<16xf32>
      %add3A_590 = arith.addf %add3A_588, %mul3A_589 : vector<16xf32>
      %mul3A_591 = arith.mulf %add3A_451, %gather3A_374 : vector<16xf32>
      %add3A_592 = arith.addf %add3A_590, %mul3A_591 : vector<16xf32>
      %mul3A_593 = arith.mulf %add3A_460, %gather3A_378 : vector<16xf32>
      %add3A_594 = arith.addf %add3A_592, %mul3A_593 : vector<16xf32>
      %mul3A_595 = arith.mulf %add3A_469, %gather3A_382 : vector<16xf32>
      %add3A_596 = arith.addf %add3A_594, %mul3A_595 : vector<16xf32>
      %mul3A_597 = arith.mulf %add3A_478, %gather3A_386 : vector<16xf32>
      %add3A_598 = arith.addf %add3A_596, %mul3A_597 : vector<16xf32>
      %add3A_599 = arith.constant 0 : i32
      %add3A_600 = vector.broadcast %add3A_599 : i32 to vector<16xi32>
      %add3A_601 = arith.addi %add3A_581, %add3A_600 : vector<16xi32>
      tpu.vector_store_idx %arg8[%add3A_601], %add3A_598 : memref<52224xf32, #tpu.memory_space<vmem>>[vector<16xi32>], vector<16xf32>,
      %mul3A_602 = arith.mulf %add3A_415, %gather3A_354 : vector<16xf32>
      %mul3A_603 = arith.mulf %add3A_424, %gather3A_358 : vector<16xf32>
      %add3A_604 = arith.addf %mul3A_602, %mul3A_603 : vector<16xf32>
      %mul3A_605 = arith.mulf %add3A_433, %gather3A_362 : vector<16xf32>
      %add3A_606 = arith.addf %add3A_604, %mul3A_605 : vector<16xf32>
      %mul3A_607 = arith.mulf %add3A_442, %gather3A_366 : vector<16xf32>
      %add3A_608 = arith.addf %add3A_606, %mul3A_607 : vector<16xf32>
      %mul3A_609 = arith.mulf %add3A_451, %gather3A_370 : vector<16xf32>
      %add3A_610 = arith.addf %add3A_608, %mul3A_609 : vector<16xf32>
      %mul3A_611 = arith.mulf %add3A_460, %gather3A_374 : vector<16xf32>
      %add3A_612 = arith.addf %add3A_610, %mul3A_611 : vector<16xf32>
      %mul3A_613 = arith.mulf %add3A_469, %gather3A_378 : vector<16xf32>
      %add3A_614 = arith.addf %add3A_612, %mul3A_613 : vector<16xf32>
      %mul3A_615 = arith.mulf %add3A_478, %gather3A_382 : vector<16xf32>
      %add3A_616 = arith.addf %add3A_614, %mul3A_615 : vector<16xf32>
      %mul3A_617 = arith.mulf %add3A_487, %gather3A_386 : vector<16xf32>
      %add3A_618 = arith.addf %add3A_616, %mul3A_617 : vector<16xf32>
      %add3A_619 = arith.constant 1 : i32
      %add3A_620 = vector.broadcast %add3A_619 : i32 to vector<16xi32>
      %add3A_621 = arith.addi %add3A_581, %add3A_620 : vector<16xi32>
      tpu.vector_store_idx %arg8[%add3A_621], %add3A_618 : memref<52224xf32, #tpu.memory_space<vmem>>[vector<16xi32>], vector<16xf32>,
      %mul3A_622 = arith.mulf %add3A_424, %gather3A_354 : vector<16xf32>
      %mul3A_623 = arith.mulf %add3A_433, %gather3A_358 : vector<16xf32>
      %add3A_624 = arith.addf %mul3A_622, %mul3A_623 : vector<16xf32>
      %mul3A_625 = arith.mulf %add3A_442, %gather3A_362 : vector<16xf32>
      %add3A_626 = arith.addf %add3A_624, %mul3A_625 : vector<16xf32>
      %mul3A_627 = arith.mulf %add3A_451, %gather3A_366 : vector<16xf32>
      %add3A_628 = arith.addf %add3A_626, %mul3A_627 : vector<16xf32>
      %mul3A_629 = arith.mulf %add3A_460, %gather3A_370 : vector<16xf32>
      %add3A_630 = arith.addf %add3A_628, %mul3A_629 : vector<16xf32>
      %mul3A_631 = arith.mulf %add3A_469, %gather3A_374 : vector<16xf32>
      %add3A_632 = arith.addf %add3A_630, %mul3A_631 : vector<16xf32>
      %mul3A_633 = arith.mulf %add3A_478, %gather3A_378 : vector<16xf32>
      %add3A_634 = arith.addf %add3A_632, %mul3A_633 : vector<16xf32>
      %mul3A_635 = arith.mulf %add3A_487, %gather3A_382 : vector<16xf32>
      %add3A_636 = arith.addf %add3A_634, %mul3A_635 : vector<16xf32>
      %mul3A_637 = arith.mulf %add3A_496, %gather3A_386 : vector<16xf32>
      %add3A_638 = arith.addf %add3A_636, %mul3A_637 : vector<16xf32>
      %add3A_639 = arith.constant 2 : i32
      %add3A_640 = vector.broadcast %add3A_639 : i32 to vector<16xi32>
      %add3A_641 = arith.addi %add3A_581, %add3A_640 : vector<16xi32>
      tpu.vector_store_idx %arg8[%add3A_641], %add3A_638 : memref<52224xf32, #tpu.memory_space<vmem>>[vector<16xi32>], vector<16xf32>,
      %mul3A_642 = arith.mulf %add3A_433, %gather3A_354 : vector<16xf32>
      %mul3A_643 = arith.mulf %add3A_442, %gather3A_358 : vector<16xf32>
      %add3A_644 = arith.addf %mul3A_642, %mul3A_643 : vector<16xf32>
      %mul3A_645 = arith.mulf %add3A_451, %gather3A_362 : vector<16xf32>
      %add3A_646 = arith.addf %add3A_644, %mul3A_645 : vector<16xf32>
      %mul3A_647 = arith.mulf %add3A_460, %gather3A_366 : vector<16xf32>
      %add3A_648 = arith.addf %add3A_646, %mul3A_647 : vector<16xf32>
      %mul3A_649 = arith.mulf %add3A_469, %gather3A_370 : vector<16xf32>
      %add3A_650 = arith.addf %add3A_648, %mul3A_649 : vector<16xf32>
      %mul3A_651 = arith.mulf %add3A_478, %gather3A_374 : vector<16xf32>
      %add3A_652 = arith.addf %add3A_650, %mul3A_651 : vector<16xf32>
      %mul3A_653 = arith.mulf %add3A_487, %gather3A_378 : vector<16xf32>
      %add3A_654 = arith.addf %add3A_652, %mul3A_653 : vector<16xf32>
      %mul3A_655 = arith.mulf %add3A_496, %gather3A_382 : vector<16xf32>
      %add3A_656 = arith.addf %add3A_654, %mul3A_655 : vector<16xf32>
      %mul3A_657 = arith.mulf %add3A_505, %gather3A_386 : vector<16xf32>
      %add3A_658 = arith.addf %add3A_656, %mul3A_657 : vector<16xf32>
      %add3A_659 = arith.constant 3 : i32
      %add3A_660 = vector.broadcast %add3A_659 : i32 to vector<16xi32>
      %add3A_661 = arith.addi %add3A_581, %add3A_660 : vector<16xi32>
      tpu.vector_store_idx %arg8[%add3A_661], %add3A_658 : memref<52224xf32, #tpu.memory_space<vmem>>[vector<16xi32>], vector<16xf32>,
      %mul3A_662 = arith.mulf %add3A_442, %gather3A_354 : vector<16xf32>
      %mul3A_663 = arith.mulf %add3A_451, %gather3A_358 : vector<16xf32>
      %add3A_664 = arith.addf %mul3A_662, %mul3A_663 : vector<16xf32>
      %mul3A_665 = arith.mulf %add3A_460, %gather3A_362 : vector<16xf32>
      %add3A_666 = arith.addf %add3A_664, %mul3A_665 : vector<16xf32>
      %mul3A_667 = arith.mulf %add3A_469, %gather3A_366 : vector<16xf32>
      %add3A_668 = arith.addf %add3A_666, %mul3A_667 : vector<16xf32>
      %mul3A_669 = arith.mulf %add3A_478, %gather3A_370 : vector<16xf32>
      %add3A_670 = arith.addf %add3A_668, %mul3A_669 : vector<16xf32>
      %mul3A_671 = arith.mulf %add3A_487, %gather3A_374 : vector<16xf32>
      %add3A_672 = arith.addf %add3A_670, %mul3A_671 : vector<16xf32>
      %mul3A_673 = arith.mulf %add3A_496, %gather3A_378 : vector<16xf32>
      %add3A_674 = arith.addf %add3A_672, %mul3A_673 : vector<16xf32>
      %mul3A_675 = arith.mulf %add3A_505, %gather3A_382 : vector<16xf32>
      %add3A_676 = arith.addf %add3A_674, %mul3A_675 : vector<16xf32>
      %mul3A_677 = arith.mulf %add3A_514, %gather3A_386 : vector<16xf32>
      %add3A_678 = arith.addf %add3A_676, %mul3A_677 : vector<16xf32>
      %add3A_679 = arith.constant 4 : i32
      %add3A_680 = vector.broadcast %add3A_679 : i32 to vector<16xi32>
      %add3A_681 = arith.addi %add3A_581, %add3A_680 : vector<16xi32>
      tpu.vector_store_idx %arg8[%add3A_681], %add3A_678 : memref<52224xf32, #tpu.memory_space<vmem>>[vector<16xi32>], vector<16xf32>,
      %mul3A_682 = arith.mulf %add3A_451, %gather3A_354 : vector<16xf32>
      %mul3A_683 = arith.mulf %add3A_460, %gather3A_358 : vector<16xf32>
      %add3A_684 = arith.addf %mul3A_682, %mul3A_683 : vector<16xf32>
      %mul3A_685 = arith.mulf %add3A_469, %gather3A_362 : vector<16xf32>
      %add3A_686 = arith.addf %add3A_684, %mul3A_685 : vector<16xf32>
      %mul3A_687 = arith.mulf %add3A_478, %gather3A_366 : vector<16xf32>
      %add3A_688 = arith.addf %add3A_686, %mul3A_687 : vector<16xf32>
      %mul3A_689 = arith.mulf %add3A_487, %gather3A_370 : vector<16xf32>
      %add3A_690 = arith.addf %add3A_688, %mul3A_689 : vector<16xf32>
      %mul3A_691 = arith.mulf %add3A_496, %gather3A_374 : vector<16xf32>
      %add3A_692 = arith.addf %add3A_690, %mul3A_691 : vector<16xf32>
      %mul3A_693 = arith.mulf %add3A_505, %gather3A_378 : vector<16xf32>
      %add3A_694 = arith.addf %add3A_692, %mul3A_693 : vector<16xf32>
      %mul3A_695 = arith.mulf %add3A_514, %gather3A_382 : vector<16xf32>
      %add3A_696 = arith.addf %add3A_694, %mul3A_695 : vector<16xf32>
      %mul3A_697 = arith.mulf %add3A_523, %gather3A_386 : vector<16xf32>
      %add3A_698 = arith.addf %add3A_696, %mul3A_697 : vector<16xf32>
      %add3A_699 = arith.constant 5 : i32
      %add3A_700 = vector.broadcast %add3A_699 : i32 to vector<16xi32>
      %add3A_701 = arith.addi %add3A_581, %add3A_700 : vector<16xi32>
      tpu.vector_store_idx %arg8[%add3A_701], %add3A_698 : memref<52224xf32, #tpu.memory_space<vmem>>[vector<16xi32>], vector<16xf32>,
      %mul3A_702 = arith.mulf %add3A_460, %gather3A_354 : vector<16xf32>
      %mul3A_703 = arith.mulf %add3A_469, %gather3A_358 : vector<16xf32>
      %add3A_704 = arith.addf %mul3A_702, %mul3A_703 : vector<16xf32>
      %mul3A_705 = arith.mulf %add3A_478, %gather3A_362 : vector<16xf32>
      %add3A_706 = arith.addf %add3A_704, %mul3A_705 : vector<16xf32>
      %mul3A_707 = arith.mulf %add3A_487, %gather3A_366 : vector<16xf32>
      %add3A_708 = arith.addf %add3A_706, %mul3A_707 : vector<16xf32>
      %mul3A_709 = arith.mulf %add3A_496, %gather3A_370 : vector<16xf32>
      %add3A_710 = arith.addf %add3A_708, %mul3A_709 : vector<16xf32>
      %mul3A_711 = arith.mulf %add3A_505, %gather3A_374 : vector<16xf32>
      %add3A_712 = arith.addf %add3A_710, %mul3A_711 : vector<16xf32>
      %mul3A_713 = arith.mulf %add3A_514, %gather3A_378 : vector<16xf32>
      %add3A_714 = arith.addf %add3A_712, %mul3A_713 : vector<16xf32>
      %mul3A_715 = arith.mulf %add3A_523, %gather3A_382 : vector<16xf32>
      %add3A_716 = arith.addf %add3A_714, %mul3A_715 : vector<16xf32>
      %mul3A_717 = arith.mulf %add3A_532, %gather3A_386 : vector<16xf32>
      %add3A_718 = arith.addf %add3A_716, %mul3A_717 : vector<16xf32>
      %add3A_719 = arith.constant 6 : i32
      %add3A_720 = vector.broadcast %add3A_719 : i32 to vector<16xi32>
      %add3A_721 = arith.addi %add3A_581, %add3A_720 : vector<16xi32>
      tpu.vector_store_idx %arg8[%add3A_721], %add3A_718 : memref<52224xf32, #tpu.memory_space<vmem>>[vector<16xi32>], vector<16xf32>,
      %mul3A_722 = arith.mulf %add3A_469, %gather3A_354 : vector<16xf32>
      %mul3A_723 = arith.mulf %add3A_478, %gather3A_358 : vector<16xf32>
      %add3A_724 = arith.addf %mul3A_722, %mul3A_723 : vector<16xf32>
      %mul3A_725 = arith.mulf %add3A_487, %gather3A_362 : vector<16xf32>
      %add3A_726 = arith.addf %add3A_724, %mul3A_725 : vector<16xf32>
      %mul3A_727 = arith.mulf %add3A_496, %gather3A_366 : vector<16xf32>
      %add3A_728 = arith.addf %add3A_726, %mul3A_727 : vector<16xf32>
      %mul3A_729 = arith.mulf %add3A_505, %gather3A_370 : vector<16xf32>
      %add3A_730 = arith.addf %add3A_728, %mul3A_729 : vector<16xf32>
      %mul3A_731 = arith.mulf %add3A_514, %gather3A_374 : vector<16xf32>
      %add3A_732 = arith.addf %add3A_730, %mul3A_731 : vector<16xf32>
      %mul3A_733 = arith.mulf %add3A_523, %gather3A_378 : vector<16xf32>
      %add3A_734 = arith.addf %add3A_732, %mul3A_733 : vector<16xf32>
      %mul3A_735 = arith.mulf %add3A_532, %gather3A_382 : vector<16xf32>
      %add3A_736 = arith.addf %add3A_734, %mul3A_735 : vector<16xf32>
      %mul3A_737 = arith.mulf %add3A_541, %gather3A_386 : vector<16xf32>
      %add3A_738 = arith.addf %add3A_736, %mul3A_737 : vector<16xf32>
      %add3A_739 = arith.constant 7 : i32
      %add3A_740 = vector.broadcast %add3A_739 : i32 to vector<16xi32>
      %add3A_741 = arith.addi %add3A_581, %add3A_740 : vector<16xi32>
      tpu.vector_store_idx %arg8[%add3A_741], %add3A_738 : memref<52224xf32, #tpu.memory_space<vmem>>[vector<16xi32>], vector<16xf32>,
      %mul3A_742 = arith.mulf %add3A_478, %gather3A_354 : vector<16xf32>
      %mul3A_743 = arith.mulf %add3A_487, %gather3A_358 : vector<16xf32>
      %add3A_744 = arith.addf %mul3A_742, %mul3A_743 : vector<16xf32>
      %mul3A_745 = arith.mulf %add3A_496, %gather3A_362 : vector<16xf32>
      %add3A_746 = arith.addf %add3A_744, %mul3A_745 : vector<16xf32>
      %mul3A_747 = arith.mulf %add3A_505, %gather3A_366 : vector<16xf32>
      %add3A_748 = arith.addf %add3A_746, %mul3A_747 : vector<16xf32>
      %mul3A_749 = arith.mulf %add3A_514, %gather3A_370 : vector<16xf32>
      %add3A_750 = arith.addf %add3A_748, %mul3A_749 : vector<16xf32>
      %mul3A_751 = arith.mulf %add3A_523, %gather3A_374 : vector<16xf32>
      %add3A_752 = arith.addf %add3A_750, %mul3A_751 : vector<16xf32>
      %mul3A_753 = arith.mulf %add3A_532, %gather3A_378 : vector<16xf32>
      %add3A_754 = arith.addf %add3A_752, %mul3A_753 : vector<16xf32>
      %mul3A_755 = arith.mulf %add3A_541, %gather3A_382 : vector<16xf32>
      %add3A_756 = arith.addf %add3A_754, %mul3A_755 : vector<16xf32>
      %mul3A_757 = arith.mulf %add3A_550, %gather3A_386 : vector<16xf32>
      %add3A_758 = arith.addf %add3A_756, %mul3A_757 : vector<16xf32>
      %add3A_759 = arith.constant 8 : i32
      %add3A_760 = vector.broadcast %add3A_759 : i32 to vector<16xi32>
      %add3A_761 = arith.addi %add3A_581, %add3A_760 : vector<16xi32>
      tpu.vector_store_idx %arg8[%add3A_761], %add3A_758 : memref<52224xf32, #tpu.memory_space<vmem>>[vector<16xi32>], vector<16xf32>,
      %mul3A_762 = arith.mulf %add3A_487, %gather3A_354 : vector<16xf32>
      %mul3A_763 = arith.mulf %add3A_496, %gather3A_358 : vector<16xf32>
      %add3A_764 = arith.addf %mul3A_762, %mul3A_763 : vector<16xf32>
      %mul3A_765 = arith.mulf %add3A_505, %gather3A_362 : vector<16xf32>
      %add3A_766 = arith.addf %add3A_764, %mul3A_765 : vector<16xf32>
      %mul3A_767 = arith.mulf %add3A_514, %gather3A_366 : vector<16xf32>
      %add3A_768 = arith.addf %add3A_766, %mul3A_767 : vector<16xf32>
      %mul3A_769 = arith.mulf %add3A_523, %gather3A_370 : vector<16xf32>
      %add3A_770 = arith.addf %add3A_768, %mul3A_769 : vector<16xf32>
      %mul3A_771 = arith.mulf %add3A_532, %gather3A_374 : vector<16xf32>
      %add3A_772 = arith.addf %add3A_770, %mul3A_771 : vector<16xf32>
      %mul3A_773 = arith.mulf %add3A_541, %gather3A_378 : vector<16xf32>
      %add3A_774 = arith.addf %add3A_772, %mul3A_773 : vector<16xf32>
      %mul3A_775 = arith.mulf %add3A_550, %gather3A_382 : vector<16xf32>
      %add3A_776 = arith.addf %add3A_774, %mul3A_775 : vector<16xf32>
      %mul3A_777 = arith.mulf %add3A_559, %gather3A_386 : vector<16xf32>
      %add3A_778 = arith.addf %add3A_776, %mul3A_777 : vector<16xf32>
      %add3A_779 = arith.constant 9 : i32
      %add3A_780 = vector.broadcast %add3A_779 : i32 to vector<16xi32>
      %add3A_781 = arith.addi %add3A_581, %add3A_780 : vector<16xi32>
      tpu.vector_store_idx %arg8[%add3A_781], %add3A_778 : memref<52224xf32, #tpu.memory_space<vmem>>[vector<16xi32>], vector<16xf32>,
      %mul3A_782 = arith.mulf %add3A_496, %gather3A_354 : vector<16xf32>
      %mul3A_783 = arith.mulf %add3A_505, %gather3A_358 : vector<16xf32>
      %add3A_784 = arith.addf %mul3A_782, %mul3A_783 : vector<16xf32>
      %mul3A_785 = arith.mulf %add3A_514, %gather3A_362 : vector<16xf32>
      %add3A_786 = arith.addf %add3A_784, %mul3A_785 : vector<16xf32>
      %mul3A_787 = arith.mulf %add3A_523, %gather3A_366 : vector<16xf32>
      %add3A_788 = arith.addf %add3A_786, %mul3A_787 : vector<16xf32>
      %mul3A_789 = arith.mulf %add3A_532, %gather3A_370 : vector<16xf32>
      %add3A_790 = arith.addf %add3A_788, %mul3A_789 : vector<16xf32>
      %mul3A_791 = arith.mulf %add3A_541, %gather3A_374 : vector<16xf32>
      %add3A_792 = arith.addf %add3A_790, %mul3A_791 : vector<16xf32>
      %mul3A_793 = arith.mulf %add3A_550, %gather3A_378 : vector<16xf32>
      %add3A_794 = arith.addf %add3A_792, %mul3A_793 : vector<16xf32>
      %mul3A_795 = arith.mulf %add3A_559, %gather3A_382 : vector<16xf32>
      %add3A_796 = arith.addf %add3A_794, %mul3A_795 : vector<16xf32>
      %mul3A_797 = arith.mulf %add3A_568, %gather3A_386 : vector<16xf32>
      %add3A_798 = arith.addf %add3A_796, %mul3A_797 : vector<16xf32>
      %add3A_799 = arith.constant 10 : i32
      %add3A_800 = vector.broadcast %add3A_799 : i32 to vector<16xi32>
      %add3A_801 = arith.addi %add3A_581, %add3A_800 : vector<16xi32>
      tpu.vector_store_idx %arg8[%add3A_801], %add3A_798 : memref<52224xf32, #tpu.memory_space<vmem>>[vector<16xi32>], vector<16xf32>,
      %mul3A_802 = arith.mulf %add3A_505, %gather3A_354 : vector<16xf32>
      %mul3A_803 = arith.mulf %add3A_514, %gather3A_358 : vector<16xf32>
      %add3A_804 = arith.addf %mul3A_802, %mul3A_803 : vector<16xf32>
      %mul3A_805 = arith.mulf %add3A_523, %gather3A_362 : vector<16xf32>
      %add3A_806 = arith.addf %add3A_804, %mul3A_805 : vector<16xf32>
      %mul3A_807 = arith.mulf %add3A_532, %gather3A_366 : vector<16xf32>
      %add3A_808 = arith.addf %add3A_806, %mul3A_807 : vector<16xf32>
      %mul3A_809 = arith.mulf %add3A_541, %gather3A_370 : vector<16xf32>
      %add3A_810 = arith.addf %add3A_808, %mul3A_809 : vector<16xf32>
      %mul3A_811 = arith.mulf %add3A_550, %gather3A_374 : vector<16xf32>
      %add3A_812 = arith.addf %add3A_810, %mul3A_811 : vector<16xf32>
      %mul3A_813 = arith.mulf %add3A_559, %gather3A_378 : vector<16xf32>
      %add3A_814 = arith.addf %add3A_812, %mul3A_813 : vector<16xf32>
      %mul3A_815 = arith.mulf %add3A_568, %gather3A_382 : vector<16xf32>
      %add3A_816 = arith.addf %add3A_814, %mul3A_815 : vector<16xf32>
      %mul3A_817 = arith.mulf %add3A_577, %gather3A_386 : vector<16xf32>
      %add3A_818 = arith.addf %add3A_816, %mul3A_817 : vector<16xf32>
      %add3A_819 = arith.constant 11 : i32
      %add3A_820 = vector.broadcast %add3A_819 : i32 to vector<16xi32>
      %add3A_821 = arith.addi %add3A_581, %add3A_820 : vector<16xi32>
      tpu.vector_store_idx %arg8[%add3A_821], %add3A_818 : memref<52224xf32, #tpu.memory_space<vmem>>[vector<16xi32>], vector<16xf32>,
      %scan3A_822 = arith.constant 0 : i32
      scf.yield %scan3A_822 : i32
    }
    %scan3A_32 = arith.constant 34 : i32
    %add3A_33 = arith.constant 0 : i32
    %add3A_34 = arith.addi %mul3A_2, %add3A_33 : i32
    %mul3A_35 = arith.constant 408 : i32
    %mul3A_36 = arith.muli %add3A_34, %mul3A_35 : i32
    %dma_start3A_37 = arith.constant 0 : i32
    %dma_start3A_38 = tpu.memref_slice %arg8[%dma_start3A_37] : memref<52224xf32, #tpu.memory_space<vmem>> -> memref<6528xf32, #tpu.memory_space<vmem>>
    %dma_start3A_39 = tpu.memref_slice %arg5[%mul3A_36] : memref<1671168xf32, #tpu.memory_space<hbm>> -> memref<6528xf32, #tpu.memory_space<hbm>>
    %dma_start3A_40 = tpu.memref_slice %arg5[%mul3A_36] : memref<1671168xf32, #tpu.memory_space<hbm>> -> memref<6528xf32, #tpu.memory_space<hbm>>
    %dma_start3A_41 = arith.constant 0 : i32
    %dma_start3A_42 = tpu.memref_slice %arg8[%dma_start3A_41] : memref<52224xf32, #tpu.memory_space<vmem>> -> memref<6528xf32, #tpu.memory_space<vmem>>
    tpu.enqueue_dma source(%dma_start3A_42 : memref<6528xf32, #tpu.memory_space<vmem>>) target(%dma_start3A_40 : memref<6528xf32, #tpu.memory_space<hbm>>) target_semaphore(%arg13 : memref<!tpu.dma_semaphore, #tpu.memory_space<semaphore_mem>>)
    %dma_wait3A_43 = tpu.memref_slice %arg2[%mul3A_15] : memref<1372160xf32, #tpu.memory_space<hbm>> -> memref<5360xf32, #tpu.memory_space<hbm>>
    %dma_wait3A_44 = tpu.memref_slice %arg2[%mul3A_15] : memref<1372160xf32, #tpu.memory_space<hbm>> -> memref<5360xf32, #tpu.memory_space<hbm>>
    tpu.wait_dma2 semaphore(%arg12 : memref<!tpu.dma_semaphore, #tpu.memory_space<semaphore_mem>>) src(%dma_wait3A_44 : memref<5360xf32, #tpu.memory_space<hbm>>) dst(%arg7 : memref<5360xf32, #tpu.memory_space<vmem>>)
    %add3A_45 = arith.constant 32 : i32
    %add3A_46 = arith.addi %mul3A_2, %add3A_45 : i32
    %mul3A_47 = arith.constant 335 : i32
    %mul3A_48 = arith.muli %add3A_46, %mul3A_47 : i32
    %dma_start3A_49 = tpu.memref_slice %arg2[%mul3A_48] : memref<1372160xf32, #tpu.memory_space<hbm>> -> memref<5360xf32, #tpu.memory_space<hbm>>
    %dma_start3A_50 = tpu.memref_slice %arg2[%mul3A_48] : memref<1372160xf32, #tpu.memory_space<hbm>> -> memref<5360xf32, #tpu.memory_space<hbm>>
    tpu.enqueue_dma source(%dma_start3A_50 : memref<5360xf32, #tpu.memory_space<hbm>>) target(%arg6 : memref<5360xf32, #tpu.memory_space<vmem>>) target_semaphore(%arg11 : memref<!tpu.dma_semaphore, #tpu.memory_space<semaphore_mem>>)
    %add3A_51 = arith.constant 16 : i32
    %add3A_52 = vector.broadcast %add3A_51 : i32 to vector<16xi32>
    %add3A_53 = arith.addi %iota3A, %add3A_52 : vector<16xi32>
    %mul3A_54 = arith.constant 408 : i32
    %mul3A_55 = vector.broadcast %mul3A_54 : i32 to vector<16xi32>
    %mul3A_56 = arith.muli %add3A_53, %mul3A_55 : vector<16xi32>
    %gather3A_57 = tpu.vector_load_idx %arg7[%mul3A_10] : memref<5360xf32, #tpu.memory_space<vmem>>[vector<16xi32>], vector<16xf32>,
    %convert_element_type3A_58 = arith.fptosi %gather3A_57 : vector<16xf32> to vector<16xi32>
    %mul3A_59 = arith.constant 34 : i32
    %mul3A_60 = vector.broadcast %mul3A_59 : i32 to vector<16xi32>
    %mul3A_61 = arith.muli %convert_element_type3A_58, %mul3A_60 : vector<16xi32>
    %scan3A_62 = arith.constant 0 : i32
    %scan3A_63 = arith.constant 0 : i32
    %scan3A_64 = arith.constant 34 : i32
    %scan3A_65 = arith.addi %scan3A_63, %scan3A_64 : i32
    %scan3A_66 = arith.constant 1 : i32
    %scan3A_67 = scf.for %scan3A_337 = %scan3A_63 to %scan3A_65 step %scan3A_66 iter_args(%scan3A_338 = %scan3A_62) -> (i32)  : i32 {
      %add3A_339 = vector.broadcast %scan3A_337 : i32 to vector<16xi32>
      %add3A_340 = arith.addi %mul3A_61, %add3A_339 : vector<16xi32>
      %gather3A_341 = tpu.vector_load_idx %arg9[%add3A_340] : memref<544xi32, #tpu.memory_space<vmem>>[vector<16xi32>], vector<16xi32>,
      %add3A_342 = arith.constant 301 : i32
      %add3A_343 = arith.addi %add3A_342, %scan3A_337 : i32
      %add3A_344 = vector.broadcast %add3A_343 : i32 to vector<16xi32>
      %add3A_345 = arith.addi %mul3A_10, %add3A_344 : vector<16xi32>
      %gather3A_346 = tpu.vector_load_idx %arg7[%add3A_345] : memref<5360xf32, #tpu.memory_space<vmem>>[vector<16xi32>], vector<16xf32>,
      %convert_element_type3A_347 = arith.fptosi %gather3A_346 : vector<16xf32> to vector<16xi32>
      %mul3A_348 = arith.constant 9 : i32
      %mul3A_349 = vector.broadcast %mul3A_348 : i32 to vector<16xi32>
      %mul3A_350 = arith.muli %convert_element_type3A_347, %mul3A_349 : vector<16xi32>
      %add3A_351 = arith.constant 0 : i32
      %add3A_352 = vector.broadcast %add3A_351 : i32 to vector<16xi32>
      %add3A_353 = arith.addi %mul3A_350, %add3A_352 : vector<16xi32>
      %gather3A_354 = tpu.vector_load_idx %arg10[%add3A_353] : memref<180xf32, #tpu.memory_space<vmem>>[vector<16xi32>], vector<16xf32>,
      %add3A_355 = arith.constant 1 : i32
      %add3A_356 = vector.broadcast %add3A_355 : i32 to vector<16xi32>
      %add3A_357 = arith.addi %mul3A_350, %add3A_356 : vector<16xi32>
      %gather3A_358 = tpu.vector_load_idx %arg10[%add3A_357] : memref<180xf32, #tpu.memory_space<vmem>>[vector<16xi32>], vector<16xf32>,
      %add3A_359 = arith.constant 2 : i32
      %add3A_360 = vector.broadcast %add3A_359 : i32 to vector<16xi32>
      %add3A_361 = arith.addi %mul3A_350, %add3A_360 : vector<16xi32>
      %gather3A_362 = tpu.vector_load_idx %arg10[%add3A_361] : memref<180xf32, #tpu.memory_space<vmem>>[vector<16xi32>], vector<16xf32>,
      %add3A_363 = arith.constant 3 : i32
      %add3A_364 = vector.broadcast %add3A_363 : i32 to vector<16xi32>
      %add3A_365 = arith.addi %mul3A_350, %add3A_364 : vector<16xi32>
      %gather3A_366 = tpu.vector_load_idx %arg10[%add3A_365] : memref<180xf32, #tpu.memory_space<vmem>>[vector<16xi32>], vector<16xf32>,
      %add3A_367 = arith.constant 4 : i32
      %add3A_368 = vector.broadcast %add3A_367 : i32 to vector<16xi32>
      %add3A_369 = arith.addi %mul3A_350, %add3A_368 : vector<16xi32>
      %gather3A_370 = tpu.vector_load_idx %arg10[%add3A_369] : memref<180xf32, #tpu.memory_space<vmem>>[vector<16xi32>], vector<16xf32>,
      %add3A_371 = arith.constant 5 : i32
      %add3A_372 = vector.broadcast %add3A_371 : i32 to vector<16xi32>
      %add3A_373 = arith.addi %mul3A_350, %add3A_372 : vector<16xi32>
      %gather3A_374 = tpu.vector_load_idx %arg10[%add3A_373] : memref<180xf32, #tpu.memory_space<vmem>>[vector<16xi32>], vector<16xf32>,
      %add3A_375 = arith.constant 6 : i32
      %add3A_376 = vector.broadcast %add3A_375 : i32 to vector<16xi32>
      %add3A_377 = arith.addi %mul3A_350, %add3A_376 : vector<16xi32>
      %gather3A_378 = tpu.vector_load_idx %arg10[%add3A_377] : memref<180xf32, #tpu.memory_space<vmem>>[vector<16xi32>], vector<16xf32>,
      %add3A_379 = arith.constant 7 : i32
      %add3A_380 = vector.broadcast %add3A_379 : i32 to vector<16xi32>
      %add3A_381 = arith.addi %mul3A_350, %add3A_380 : vector<16xi32>
      %gather3A_382 = tpu.vector_load_idx %arg10[%add3A_381] : memref<180xf32, #tpu.memory_space<vmem>>[vector<16xi32>], vector<16xf32>,
      %add3A_383 = arith.constant 8 : i32
      %add3A_384 = vector.broadcast %add3A_383 : i32 to vector<16xi32>
      %add3A_385 = arith.addi %mul3A_350, %add3A_384 : vector<16xi32>
      %gather3A_386 = tpu.vector_load_idx %arg10[%add3A_385] : memref<180xf32, #tpu.memory_space<vmem>>[vector<16xi32>], vector<16xf32>,
      %shift_right_logical3A = arith.constant 10 : i32
      %shift_right_logical3A_387 = vector.broadcast %shift_right_logical3A : i32 to vector<16xi32>
      %shift_right_logical3A_388 = arith.shrui %gather3A_341, %shift_right_logical3A_387 : vector<16xi32>
      %add3A_389 = arith.addi %mul3A_10, %shift_right_logical3A_388 : vector<16xi32>
      %sub3A = arith.constant 19 : i32
      %sub3A_390 = vector.broadcast %sub3A : i32 to vector<16xi32>
      %sub3A_391 = arith.subi %add3A_389, %sub3A_390 : vector<16xi32>
      %and3A = arith.constant 1023 : i32
      %and3A_392 = vector.broadcast %and3A : i32 to vector<16xi32>
      %and3A_393 = arith.andi %gather3A_341, %and3A_392 : vector<16xi32>
      %add3A_394 = arith.addi %mul3A_10, %and3A_393 : vector<16xi32>
      %sub3A_395 = arith.constant 19 : i32
      %sub3A_396 = vector.broadcast %sub3A_395 : i32 to vector<16xi32>
      %sub3A_397 = arith.subi %add3A_394, %sub3A_396 : vector<16xi32>
      %add3A_398 = arith.constant 0 : i32
      %add3A_399 = vector.broadcast %add3A_398 : i32 to vector<16xi32>
      %add3A_400 = arith.addi %sub3A_391, %add3A_399 : vector<16xi32>
      %gather3A_401 = tpu.vector_load_idx %arg7[%add3A_400] : memref<5360xf32, #tpu.memory_space<vmem>>[vector<16xi32>], vector<16xf32>,
      %add3A_402 = arith.constant 0 : i32
      %add3A_403 = vector.broadcast %add3A_402 : i32 to vector<16xi32>
      %add3A_404 = arith.addi %sub3A_397, %add3A_403 : vector<16xi32>
      %gather3A_405 = tpu.vector_load_idx %arg7[%add3A_404] : memref<5360xf32, #tpu.memory_space<vmem>>[vector<16xi32>], vector<16xf32>,
      %add3A_406 = arith.addf %gather3A_401, %gather3A_405 : vector<16xf32>
      %add3A_407 = arith.constant 1 : i32
      %add3A_408 = vector.broadcast %add3A_407 : i32 to vector<16xi32>
      %add3A_409 = arith.addi %sub3A_391, %add3A_408 : vector<16xi32>
      %gather3A_410 = tpu.vector_load_idx %arg7[%add3A_409] : memref<5360xf32, #tpu.memory_space<vmem>>[vector<16xi32>], vector<16xf32>,
      %add3A_411 = arith.constant 1 : i32
      %add3A_412 = vector.broadcast %add3A_411 : i32 to vector<16xi32>
      %add3A_413 = arith.addi %sub3A_397, %add3A_412 : vector<16xi32>
      %gather3A_414 = tpu.vector_load_idx %arg7[%add3A_413] : memref<5360xf32, #tpu.memory_space<vmem>>[vector<16xi32>], vector<16xf32>,
      %add3A_415 = arith.addf %gather3A_410, %gather3A_414 : vector<16xf32>
      %add3A_416 = arith.constant 2 : i32
      %add3A_417 = vector.broadcast %add3A_416 : i32 to vector<16xi32>
      %add3A_418 = arith.addi %sub3A_391, %add3A_417 : vector<16xi32>
      %gather3A_419 = tpu.vector_load_idx %arg7[%add3A_418] : memref<5360xf32, #tpu.memory_space<vmem>>[vector<16xi32>], vector<16xf32>,
      %add3A_420 = arith.constant 2 : i32
      %add3A_421 = vector.broadcast %add3A_420 : i32 to vector<16xi32>
      %add3A_422 = arith.addi %sub3A_397, %add3A_421 : vector<16xi32>
      %gather3A_423 = tpu.vector_load_idx %arg7[%add3A_422] : memref<5360xf32, #tpu.memory_space<vmem>>[vector<16xi32>], vector<16xf32>,
      %add3A_424 = arith.addf %gather3A_419, %gather3A_423 : vector<16xf32>
      %add3A_425 = arith.constant 3 : i32
      %add3A_426 = vector.broadcast %add3A_425 : i32 to vector<16xi32>
      %add3A_427 = arith.addi %sub3A_391, %add3A_426 : vector<16xi32>
      %gather3A_428 = tpu.vector_load_idx %arg7[%add3A_427] : memref<5360xf32, #tpu.memory_space<vmem>>[vector<16xi32>], vector<16xf32>,
      %add3A_429 = arith.constant 3 : i32
      %add3A_430 = vector.broadcast %add3A_429 : i32 to vector<16xi32>
      %add3A_431 = arith.addi %sub3A_397, %add3A_430 : vector<16xi32>
      %gather3A_432 = tpu.vector_load_idx %arg7[%add3A_431] : memref<5360xf32, #tpu.memory_space<vmem>>[vector<16xi32>], vector<16xf32>,
      %add3A_433 = arith.addf %gather3A_428, %gather3A_432 : vector<16xf32>
      %add3A_434 = arith.constant 4 : i32
      %add3A_435 = vector.broadcast %add3A_434 : i32 to vector<16xi32>
      %add3A_436 = arith.addi %sub3A_391, %add3A_435 : vector<16xi32>
      %gather3A_437 = tpu.vector_load_idx %arg7[%add3A_436] : memref<5360xf32, #tpu.memory_space<vmem>>[vector<16xi32>], vector<16xf32>,
      %add3A_438 = arith.constant 4 : i32
      %add3A_439 = vector.broadcast %add3A_438 : i32 to vector<16xi32>
      %add3A_440 = arith.addi %sub3A_397, %add3A_439 : vector<16xi32>
      %gather3A_441 = tpu.vector_load_idx %arg7[%add3A_440] : memref<5360xf32, #tpu.memory_space<vmem>>[vector<16xi32>], vector<16xf32>,
      %add3A_442 = arith.addf %gather3A_437, %gather3A_441 : vector<16xf32>
      %add3A_443 = arith.constant 5 : i32
      %add3A_444 = vector.broadcast %add3A_443 : i32 to vector<16xi32>
      %add3A_445 = arith.addi %sub3A_391, %add3A_444 : vector<16xi32>
      %gather3A_446 = tpu.vector_load_idx %arg7[%add3A_445] : memref<5360xf32, #tpu.memory_space<vmem>>[vector<16xi32>], vector<16xf32>,
      %add3A_447 = arith.constant 5 : i32
      %add3A_448 = vector.broadcast %add3A_447 : i32 to vector<16xi32>
      %add3A_449 = arith.addi %sub3A_397, %add3A_448 : vector<16xi32>
      %gather3A_450 = tpu.vector_load_idx %arg7[%add3A_449] : memref<5360xf32, #tpu.memory_space<vmem>>[vector<16xi32>], vector<16xf32>,
      %add3A_451 = arith.addf %gather3A_446, %gather3A_450 : vector<16xf32>
      %add3A_452 = arith.constant 6 : i32
      %add3A_453 = vector.broadcast %add3A_452 : i32 to vector<16xi32>
      %add3A_454 = arith.addi %sub3A_391, %add3A_453 : vector<16xi32>
      %gather3A_455 = tpu.vector_load_idx %arg7[%add3A_454] : memref<5360xf32, #tpu.memory_space<vmem>>[vector<16xi32>], vector<16xf32>,
      %add3A_456 = arith.constant 6 : i32
      %add3A_457 = vector.broadcast %add3A_456 : i32 to vector<16xi32>
      %add3A_458 = arith.addi %sub3A_397, %add3A_457 : vector<16xi32>
      %gather3A_459 = tpu.vector_load_idx %arg7[%add3A_458] : memref<5360xf32, #tpu.memory_space<vmem>>[vector<16xi32>], vector<16xf32>,
      %add3A_460 = arith.addf %gather3A_455, %gather3A_459 : vector<16xf32>
      %add3A_461 = arith.constant 7 : i32
      %add3A_462 = vector.broadcast %add3A_461 : i32 to vector<16xi32>
      %add3A_463 = arith.addi %sub3A_391, %add3A_462 : vector<16xi32>
      %gather3A_464 = tpu.vector_load_idx %arg7[%add3A_463] : memref<5360xf32, #tpu.memory_space<vmem>>[vector<16xi32>], vector<16xf32>,
      %add3A_465 = arith.constant 7 : i32
      %add3A_466 = vector.broadcast %add3A_465 : i32 to vector<16xi32>
      %add3A_467 = arith.addi %sub3A_397, %add3A_466 : vector<16xi32>
      %gather3A_468 = tpu.vector_load_idx %arg7[%add3A_467] : memref<5360xf32, #tpu.memory_space<vmem>>[vector<16xi32>], vector<16xf32>,
      %add3A_469 = arith.addf %gather3A_464, %gather3A_468 : vector<16xf32>
      %add3A_470 = arith.constant 8 : i32
      %add3A_471 = vector.broadcast %add3A_470 : i32 to vector<16xi32>
      %add3A_472 = arith.addi %sub3A_391, %add3A_471 : vector<16xi32>
      %gather3A_473 = tpu.vector_load_idx %arg7[%add3A_472] : memref<5360xf32, #tpu.memory_space<vmem>>[vector<16xi32>], vector<16xf32>,
      %add3A_474 = arith.constant 8 : i32
      %add3A_475 = vector.broadcast %add3A_474 : i32 to vector<16xi32>
      %add3A_476 = arith.addi %sub3A_397, %add3A_475 : vector<16xi32>
      %gather3A_477 = tpu.vector_load_idx %arg7[%add3A_476] : memref<5360xf32, #tpu.memory_space<vmem>>[vector<16xi32>], vector<16xf32>,
      %add3A_478 = arith.addf %gather3A_473, %gather3A_477 : vector<16xf32>
      %add3A_479 = arith.constant 9 : i32
      %add3A_480 = vector.broadcast %add3A_479 : i32 to vector<16xi32>
      %add3A_481 = arith.addi %sub3A_391, %add3A_480 : vector<16xi32>
      %gather3A_482 = tpu.vector_load_idx %arg7[%add3A_481] : memref<5360xf32, #tpu.memory_space<vmem>>[vector<16xi32>], vector<16xf32>,
      %add3A_483 = arith.constant 9 : i32
      %add3A_484 = vector.broadcast %add3A_483 : i32 to vector<16xi32>
      %add3A_485 = arith.addi %sub3A_397, %add3A_484 : vector<16xi32>
      %gather3A_486 = tpu.vector_load_idx %arg7[%add3A_485] : memref<5360xf32, #tpu.memory_space<vmem>>[vector<16xi32>], vector<16xf32>,
      %add3A_487 = arith.addf %gather3A_482, %gather3A_486 : vector<16xf32>
      %add3A_488 = arith.constant 10 : i32
      %add3A_489 = vector.broadcast %add3A_488 : i32 to vector<16xi32>
      %add3A_490 = arith.addi %sub3A_391, %add3A_489 : vector<16xi32>
      %gather3A_491 = tpu.vector_load_idx %arg7[%add3A_490] : memref<5360xf32, #tpu.memory_space<vmem>>[vector<16xi32>], vector<16xf32>,
      %add3A_492 = arith.constant 10 : i32
      %add3A_493 = vector.broadcast %add3A_492 : i32 to vector<16xi32>
      %add3A_494 = arith.addi %sub3A_397, %add3A_493 : vector<16xi32>
      %gather3A_495 = tpu.vector_load_idx %arg7[%add3A_494] : memref<5360xf32, #tpu.memory_space<vmem>>[vector<16xi32>], vector<16xf32>,
      %add3A_496 = arith.addf %gather3A_491, %gather3A_495 : vector<16xf32>
      %add3A_497 = arith.constant 11 : i32
      %add3A_498 = vector.broadcast %add3A_497 : i32 to vector<16xi32>
      %add3A_499 = arith.addi %sub3A_391, %add3A_498 : vector<16xi32>
      %gather3A_500 = tpu.vector_load_idx %arg7[%add3A_499] : memref<5360xf32, #tpu.memory_space<vmem>>[vector<16xi32>], vector<16xf32>,
      %add3A_501 = arith.constant 11 : i32
      %add3A_502 = vector.broadcast %add3A_501 : i32 to vector<16xi32>
      %add3A_503 = arith.addi %sub3A_397, %add3A_502 : vector<16xi32>
      %gather3A_504 = tpu.vector_load_idx %arg7[%add3A_503] : memref<5360xf32, #tpu.memory_space<vmem>>[vector<16xi32>], vector<16xf32>,
      %add3A_505 = arith.addf %gather3A_500, %gather3A_504 : vector<16xf32>
      %add3A_506 = arith.constant 12 : i32
      %add3A_507 = vector.broadcast %add3A_506 : i32 to vector<16xi32>
      %add3A_508 = arith.addi %sub3A_391, %add3A_507 : vector<16xi32>
      %gather3A_509 = tpu.vector_load_idx %arg7[%add3A_508] : memref<5360xf32, #tpu.memory_space<vmem>>[vector<16xi32>], vector<16xf32>,
      %add3A_510 = arith.constant 12 : i32
      %add3A_511 = vector.broadcast %add3A_510 : i32 to vector<16xi32>
      %add3A_512 = arith.addi %sub3A_397, %add3A_511 : vector<16xi32>
      %gather3A_513 = tpu.vector_load_idx %arg7[%add3A_512] : memref<5360xf32, #tpu.memory_space<vmem>>[vector<16xi32>], vector<16xf32>,
      %add3A_514 = arith.addf %gather3A_509, %gather3A_513 : vector<16xf32>
      %add3A_515 = arith.constant 13 : i32
      %add3A_516 = vector.broadcast %add3A_515 : i32 to vector<16xi32>
      %add3A_517 = arith.addi %sub3A_391, %add3A_516 : vector<16xi32>
      %gather3A_518 = tpu.vector_load_idx %arg7[%add3A_517] : memref<5360xf32, #tpu.memory_space<vmem>>[vector<16xi32>], vector<16xf32>,
      %add3A_519 = arith.constant 13 : i32
      %add3A_520 = vector.broadcast %add3A_519 : i32 to vector<16xi32>
      %add3A_521 = arith.addi %sub3A_397, %add3A_520 : vector<16xi32>
      %gather3A_522 = tpu.vector_load_idx %arg7[%add3A_521] : memref<5360xf32, #tpu.memory_space<vmem>>[vector<16xi32>], vector<16xf32>,
      %add3A_523 = arith.addf %gather3A_518, %gather3A_522 : vector<16xf32>
      %add3A_524 = arith.constant 14 : i32
      %add3A_525 = vector.broadcast %add3A_524 : i32 to vector<16xi32>
      %add3A_526 = arith.addi %sub3A_391, %add3A_525 : vector<16xi32>
      %gather3A_527 = tpu.vector_load_idx %arg7[%add3A_526] : memref<5360xf32, #tpu.memory_space<vmem>>[vector<16xi32>], vector<16xf32>,
      %add3A_528 = arith.constant 14 : i32
      %add3A_529 = vector.broadcast %add3A_528 : i32 to vector<16xi32>
      %add3A_530 = arith.addi %sub3A_397, %add3A_529 : vector<16xi32>
      %gather3A_531 = tpu.vector_load_idx %arg7[%add3A_530] : memref<5360xf32, #tpu.memory_space<vmem>>[vector<16xi32>], vector<16xf32>,
      %add3A_532 = arith.addf %gather3A_527, %gather3A_531 : vector<16xf32>
      %add3A_533 = arith.constant 15 : i32
      %add3A_534 = vector.broadcast %add3A_533 : i32 to vector<16xi32>
      %add3A_535 = arith.addi %sub3A_391, %add3A_534 : vector<16xi32>
      %gather3A_536 = tpu.vector_load_idx %arg7[%add3A_535] : memref<5360xf32, #tpu.memory_space<vmem>>[vector<16xi32>], vector<16xf32>,
      %add3A_537 = arith.constant 15 : i32
      %add3A_538 = vector.broadcast %add3A_537 : i32 to vector<16xi32>
      %add3A_539 = arith.addi %sub3A_397, %add3A_538 : vector<16xi32>
      %gather3A_540 = tpu.vector_load_idx %arg7[%add3A_539] : memref<5360xf32, #tpu.memory_space<vmem>>[vector<16xi32>], vector<16xf32>,
      %add3A_541 = arith.addf %gather3A_536, %gather3A_540 : vector<16xf32>
      %add3A_542 = arith.constant 16 : i32
      %add3A_543 = vector.broadcast %add3A_542 : i32 to vector<16xi32>
      %add3A_544 = arith.addi %sub3A_391, %add3A_543 : vector<16xi32>
      %gather3A_545 = tpu.vector_load_idx %arg7[%add3A_544] : memref<5360xf32, #tpu.memory_space<vmem>>[vector<16xi32>], vector<16xf32>,
      %add3A_546 = arith.constant 16 : i32
      %add3A_547 = vector.broadcast %add3A_546 : i32 to vector<16xi32>
      %add3A_548 = arith.addi %sub3A_397, %add3A_547 : vector<16xi32>
      %gather3A_549 = tpu.vector_load_idx %arg7[%add3A_548] : memref<5360xf32, #tpu.memory_space<vmem>>[vector<16xi32>], vector<16xf32>,
      %add3A_550 = arith.addf %gather3A_545, %gather3A_549 : vector<16xf32>
      %add3A_551 = arith.constant 17 : i32
      %add3A_552 = vector.broadcast %add3A_551 : i32 to vector<16xi32>
      %add3A_553 = arith.addi %sub3A_391, %add3A_552 : vector<16xi32>
      %gather3A_554 = tpu.vector_load_idx %arg7[%add3A_553] : memref<5360xf32, #tpu.memory_space<vmem>>[vector<16xi32>], vector<16xf32>,
      %add3A_555 = arith.constant 17 : i32
      %add3A_556 = vector.broadcast %add3A_555 : i32 to vector<16xi32>
      %add3A_557 = arith.addi %sub3A_397, %add3A_556 : vector<16xi32>
      %gather3A_558 = tpu.vector_load_idx %arg7[%add3A_557] : memref<5360xf32, #tpu.memory_space<vmem>>[vector<16xi32>], vector<16xf32>,
      %add3A_559 = arith.addf %gather3A_554, %gather3A_558 : vector<16xf32>
      %add3A_560 = arith.constant 18 : i32
      %add3A_561 = vector.broadcast %add3A_560 : i32 to vector<16xi32>
      %add3A_562 = arith.addi %sub3A_391, %add3A_561 : vector<16xi32>
      %gather3A_563 = tpu.vector_load_idx %arg7[%add3A_562] : memref<5360xf32, #tpu.memory_space<vmem>>[vector<16xi32>], vector<16xf32>,
      %add3A_564 = arith.constant 18 : i32
      %add3A_565 = vector.broadcast %add3A_564 : i32 to vector<16xi32>
      %add3A_566 = arith.addi %sub3A_397, %add3A_565 : vector<16xi32>
      %gather3A_567 = tpu.vector_load_idx %arg7[%add3A_566] : memref<5360xf32, #tpu.memory_space<vmem>>[vector<16xi32>], vector<16xf32>,
      %add3A_568 = arith.addf %gather3A_563, %gather3A_567 : vector<16xf32>
      %add3A_569 = arith.constant 19 : i32
      %add3A_570 = vector.broadcast %add3A_569 : i32 to vector<16xi32>
      %add3A_571 = arith.addi %sub3A_391, %add3A_570 : vector<16xi32>
      %gather3A_572 = tpu.vector_load_idx %arg7[%add3A_571] : memref<5360xf32, #tpu.memory_space<vmem>>[vector<16xi32>], vector<16xf32>,
      %add3A_573 = arith.constant 19 : i32
      %add3A_574 = vector.broadcast %add3A_573 : i32 to vector<16xi32>
      %add3A_575 = arith.addi %sub3A_397, %add3A_574 : vector<16xi32>
      %gather3A_576 = tpu.vector_load_idx %arg7[%add3A_575] : memref<5360xf32, #tpu.memory_space<vmem>>[vector<16xi32>], vector<16xf32>,
      %add3A_577 = arith.addf %gather3A_572, %gather3A_576 : vector<16xf32>
      %mul3A_578 = arith.constant 12 : i32
      %mul3A_579 = arith.muli %scan3A_337, %mul3A_578 : i32
      %add3A_580 = vector.broadcast %mul3A_579 : i32 to vector<16xi32>
      %add3A_581 = arith.addi %mul3A_56, %add3A_580 : vector<16xi32>
      %mul3A_582 = arith.mulf %add3A_406, %gather3A_354 : vector<16xf32>
      %mul3A_583 = arith.mulf %add3A_415, %gather3A_358 : vector<16xf32>
      %add3A_584 = arith.addf %mul3A_582, %mul3A_583 : vector<16xf32>
      %mul3A_585 = arith.mulf %add3A_424, %gather3A_362 : vector<16xf32>
      %add3A_586 = arith.addf %add3A_584, %mul3A_585 : vector<16xf32>
      %mul3A_587 = arith.mulf %add3A_433, %gather3A_366 : vector<16xf32>
      %add3A_588 = arith.addf %add3A_586, %mul3A_587 : vector<16xf32>
      %mul3A_589 = arith.mulf %add3A_442, %gather3A_370 : vector<16xf32>
      %add3A_590 = arith.addf %add3A_588, %mul3A_589 : vector<16xf32>
      %mul3A_591 = arith.mulf %add3A_451, %gather3A_374 : vector<16xf32>
      %add3A_592 = arith.addf %add3A_590, %mul3A_591 : vector<16xf32>
      %mul3A_593 = arith.mulf %add3A_460, %gather3A_378 : vector<16xf32>
      %add3A_594 = arith.addf %add3A_592, %mul3A_593 : vector<16xf32>
      %mul3A_595 = arith.mulf %add3A_469, %gather3A_382 : vector<16xf32>
      %add3A_596 = arith.addf %add3A_594, %mul3A_595 : vector<16xf32>
      %mul3A_597 = arith.mulf %add3A_478, %gather3A_386 : vector<16xf32>
      %add3A_598 = arith.addf %add3A_596, %mul3A_597 : vector<16xf32>
      %add3A_599 = arith.constant 0 : i32
      %add3A_600 = vector.broadcast %add3A_599 : i32 to vector<16xi32>
      %add3A_601 = arith.addi %add3A_581, %add3A_600 : vector<16xi32>
      tpu.vector_store_idx %arg8[%add3A_601], %add3A_598 : memref<52224xf32, #tpu.memory_space<vmem>>[vector<16xi32>], vector<16xf32>,
      %mul3A_602 = arith.mulf %add3A_415, %gather3A_354 : vector<16xf32>
      %mul3A_603 = arith.mulf %add3A_424, %gather3A_358 : vector<16xf32>
      %add3A_604 = arith.addf %mul3A_602, %mul3A_603 : vector<16xf32>
      %mul3A_605 = arith.mulf %add3A_433, %gather3A_362 : vector<16xf32>
      %add3A_606 = arith.addf %add3A_604, %mul3A_605 : vector<16xf32>
      %mul3A_607 = arith.mulf %add3A_442, %gather3A_366 : vector<16xf32>
      %add3A_608 = arith.addf %add3A_606, %mul3A_607 : vector<16xf32>
      %mul3A_609 = arith.mulf %add3A_451, %gather3A_370 : vector<16xf32>
      %add3A_610 = arith.addf %add3A_608, %mul3A_609 : vector<16xf32>
      %mul3A_611 = arith.mulf %add3A_460, %gather3A_374 : vector<16xf32>
      %add3A_612 = arith.addf %add3A_610, %mul3A_611 : vector<16xf32>
      %mul3A_613 = arith.mulf %add3A_469, %gather3A_378 : vector<16xf32>
      %add3A_614 = arith.addf %add3A_612, %mul3A_613 : vector<16xf32>
      %mul3A_615 = arith.mulf %add3A_478, %gather3A_382 : vector<16xf32>
      %add3A_616 = arith.addf %add3A_614, %mul3A_615 : vector<16xf32>
      %mul3A_617 = arith.mulf %add3A_487, %gather3A_386 : vector<16xf32>
      %add3A_618 = arith.addf %add3A_616, %mul3A_617 : vector<16xf32>
      %add3A_619 = arith.constant 1 : i32
      %add3A_620 = vector.broadcast %add3A_619 : i32 to vector<16xi32>
      %add3A_621 = arith.addi %add3A_581, %add3A_620 : vector<16xi32>
      tpu.vector_store_idx %arg8[%add3A_621], %add3A_618 : memref<52224xf32, #tpu.memory_space<vmem>>[vector<16xi32>], vector<16xf32>,
      %mul3A_622 = arith.mulf %add3A_424, %gather3A_354 : vector<16xf32>
      %mul3A_623 = arith.mulf %add3A_433, %gather3A_358 : vector<16xf32>
      %add3A_624 = arith.addf %mul3A_622, %mul3A_623 : vector<16xf32>
      %mul3A_625 = arith.mulf %add3A_442, %gather3A_362 : vector<16xf32>
      %add3A_626 = arith.addf %add3A_624, %mul3A_625 : vector<16xf32>
      %mul3A_627 = arith.mulf %add3A_451, %gather3A_366 : vector<16xf32>
      %add3A_628 = arith.addf %add3A_626, %mul3A_627 : vector<16xf32>
      %mul3A_629 = arith.mulf %add3A_460, %gather3A_370 : vector<16xf32>
      %add3A_630 = arith.addf %add3A_628, %mul3A_629 : vector<16xf32>
      %mul3A_631 = arith.mulf %add3A_469, %gather3A_374 : vector<16xf32>
      %add3A_632 = arith.addf %add3A_630, %mul3A_631 : vector<16xf32>
      %mul3A_633 = arith.mulf %add3A_478, %gather3A_378 : vector<16xf32>
      %add3A_634 = arith.addf %add3A_632, %mul3A_633 : vector<16xf32>
      %mul3A_635 = arith.mulf %add3A_487, %gather3A_382 : vector<16xf32>
      %add3A_636 = arith.addf %add3A_634, %mul3A_635 : vector<16xf32>
      %mul3A_637 = arith.mulf %add3A_496, %gather3A_386 : vector<16xf32>
      %add3A_638 = arith.addf %add3A_636, %mul3A_637 : vector<16xf32>
      %add3A_639 = arith.constant 2 : i32
      %add3A_640 = vector.broadcast %add3A_639 : i32 to vector<16xi32>
      %add3A_641 = arith.addi %add3A_581, %add3A_640 : vector<16xi32>
      tpu.vector_store_idx %arg8[%add3A_641], %add3A_638 : memref<52224xf32, #tpu.memory_space<vmem>>[vector<16xi32>], vector<16xf32>,
      %mul3A_642 = arith.mulf %add3A_433, %gather3A_354 : vector<16xf32>
      %mul3A_643 = arith.mulf %add3A_442, %gather3A_358 : vector<16xf32>
      %add3A_644 = arith.addf %mul3A_642, %mul3A_643 : vector<16xf32>
      %mul3A_645 = arith.mulf %add3A_451, %gather3A_362 : vector<16xf32>
      %add3A_646 = arith.addf %add3A_644, %mul3A_645 : vector<16xf32>
      %mul3A_647 = arith.mulf %add3A_460, %gather3A_366 : vector<16xf32>
      %add3A_648 = arith.addf %add3A_646, %mul3A_647 : vector<16xf32>
      %mul3A_649 = arith.mulf %add3A_469, %gather3A_370 : vector<16xf32>
      %add3A_650 = arith.addf %add3A_648, %mul3A_649 : vector<16xf32>
      %mul3A_651 = arith.mulf %add3A_478, %gather3A_374 : vector<16xf32>
      %add3A_652 = arith.addf %add3A_650, %mul3A_651 : vector<16xf32>
      %mul3A_653 = arith.mulf %add3A_487, %gather3A_378 : vector<16xf32>
      %add3A_654 = arith.addf %add3A_652, %mul3A_653 : vector<16xf32>
      %mul3A_655 = arith.mulf %add3A_496, %gather3A_382 : vector<16xf32>
      %add3A_656 = arith.addf %add3A_654, %mul3A_655 : vector<16xf32>
      %mul3A_657 = arith.mulf %add3A_505, %gather3A_386 : vector<16xf32>
      %add3A_658 = arith.addf %add3A_656, %mul3A_657 : vector<16xf32>
      %add3A_659 = arith.constant 3 : i32
      %add3A_660 = vector.broadcast %add3A_659 : i32 to vector<16xi32>
      %add3A_661 = arith.addi %add3A_581, %add3A_660 : vector<16xi32>
      tpu.vector_store_idx %arg8[%add3A_661], %add3A_658 : memref<52224xf32, #tpu.memory_space<vmem>>[vector<16xi32>], vector<16xf32>,
      %mul3A_662 = arith.mulf %add3A_442, %gather3A_354 : vector<16xf32>
      %mul3A_663 = arith.mulf %add3A_451, %gather3A_358 : vector<16xf32>
      %add3A_664 = arith.addf %mul3A_662, %mul3A_663 : vector<16xf32>
      %mul3A_665 = arith.mulf %add3A_460, %gather3A_362 : vector<16xf32>
      %add3A_666 = arith.addf %add3A_664, %mul3A_665 : vector<16xf32>
      %mul3A_667 = arith.mulf %add3A_469, %gather3A_366 : vector<16xf32>
      %add3A_668 = arith.addf %add3A_666, %mul3A_667 : vector<16xf32>
      %mul3A_669 = arith.mulf %add3A_478, %gather3A_370 : vector<16xf32>
      %add3A_670 = arith.addf %add3A_668, %mul3A_669 : vector<16xf32>
      %mul3A_671 = arith.mulf %add3A_487, %gather3A_374 : vector<16xf32>
      %add3A_672 = arith.addf %add3A_670, %mul3A_671 : vector<16xf32>
      %mul3A_673 = arith.mulf %add3A_496, %gather3A_378 : vector<16xf32>
      %add3A_674 = arith.addf %add3A_672, %mul3A_673 : vector<16xf32>
      %mul3A_675 = arith.mulf %add3A_505, %gather3A_382 : vector<16xf32>
      %add3A_676 = arith.addf %add3A_674, %mul3A_675 : vector<16xf32>
      %mul3A_677 = arith.mulf %add3A_514, %gather3A_386 : vector<16xf32>
      %add3A_678 = arith.addf %add3A_676, %mul3A_677 : vector<16xf32>
      %add3A_679 = arith.constant 4 : i32
      %add3A_680 = vector.broadcast %add3A_679 : i32 to vector<16xi32>
      %add3A_681 = arith.addi %add3A_581, %add3A_680 : vector<16xi32>
      tpu.vector_store_idx %arg8[%add3A_681], %add3A_678 : memref<52224xf32, #tpu.memory_space<vmem>>[vector<16xi32>], vector<16xf32>,
      %mul3A_682 = arith.mulf %add3A_451, %gather3A_354 : vector<16xf32>
      %mul3A_683 = arith.mulf %add3A_460, %gather3A_358 : vector<16xf32>
      %add3A_684 = arith.addf %mul3A_682, %mul3A_683 : vector<16xf32>
      %mul3A_685 = arith.mulf %add3A_469, %gather3A_362 : vector<16xf32>
      %add3A_686 = arith.addf %add3A_684, %mul3A_685 : vector<16xf32>
      %mul3A_687 = arith.mulf %add3A_478, %gather3A_366 : vector<16xf32>
      %add3A_688 = arith.addf %add3A_686, %mul3A_687 : vector<16xf32>
      %mul3A_689 = arith.mulf %add3A_487, %gather3A_370 : vector<16xf32>
      %add3A_690 = arith.addf %add3A_688, %mul3A_689 : vector<16xf32>
      %mul3A_691 = arith.mulf %add3A_496, %gather3A_374 : vector<16xf32>
      %add3A_692 = arith.addf %add3A_690, %mul3A_691 : vector<16xf32>
      %mul3A_693 = arith.mulf %add3A_505, %gather3A_378 : vector<16xf32>
      %add3A_694 = arith.addf %add3A_692, %mul3A_693 : vector<16xf32>
      %mul3A_695 = arith.mulf %add3A_514, %gather3A_382 : vector<16xf32>
      %add3A_696 = arith.addf %add3A_694, %mul3A_695 : vector<16xf32>
      %mul3A_697 = arith.mulf %add3A_523, %gather3A_386 : vector<16xf32>
      %add3A_698 = arith.addf %add3A_696, %mul3A_697 : vector<16xf32>
      %add3A_699 = arith.constant 5 : i32
      %add3A_700 = vector.broadcast %add3A_699 : i32 to vector<16xi32>
      %add3A_701 = arith.addi %add3A_581, %add3A_700 : vector<16xi32>
      tpu.vector_store_idx %arg8[%add3A_701], %add3A_698 : memref<52224xf32, #tpu.memory_space<vmem>>[vector<16xi32>], vector<16xf32>,
      %mul3A_702 = arith.mulf %add3A_460, %gather3A_354 : vector<16xf32>
      %mul3A_703 = arith.mulf %add3A_469, %gather3A_358 : vector<16xf32>
      %add3A_704 = arith.addf %mul3A_702, %mul3A_703 : vector<16xf32>
      %mul3A_705 = arith.mulf %add3A_478, %gather3A_362 : vector<16xf32>
      %add3A_706 = arith.addf %add3A_704, %mul3A_705 : vector<16xf32>
      %mul3A_707 = arith.mulf %add3A_487, %gather3A_366 : vector<16xf32>
      %add3A_708 = arith.addf %add3A_706, %mul3A_707 : vector<16xf32>
      %mul3A_709 = arith.mulf %add3A_496, %gather3A_370 : vector<16xf32>
      %add3A_710 = arith.addf %add3A_708, %mul3A_709 : vector<16xf32>
      %mul3A_711 = arith.mulf %add3A_505, %gather3A_374 : vector<16xf32>
      %add3A_712 = arith.addf %add3A_710, %mul3A_711 : vector<16xf32>
      %mul3A_713 = arith.mulf %add3A_514, %gather3A_378 : vector<16xf32>
      %add3A_714 = arith.addf %add3A_712, %mul3A_713 : vector<16xf32>
      %mul3A_715 = arith.mulf %add3A_523, %gather3A_382 : vector<16xf32>
      %add3A_716 = arith.addf %add3A_714, %mul3A_715 : vector<16xf32>
      %mul3A_717 = arith.mulf %add3A_532, %gather3A_386 : vector<16xf32>
      %add3A_718 = arith.addf %add3A_716, %mul3A_717 : vector<16xf32>
      %add3A_719 = arith.constant 6 : i32
      %add3A_720 = vector.broadcast %add3A_719 : i32 to vector<16xi32>
      %add3A_721 = arith.addi %add3A_581, %add3A_720 : vector<16xi32>
      tpu.vector_store_idx %arg8[%add3A_721], %add3A_718 : memref<52224xf32, #tpu.memory_space<vmem>>[vector<16xi32>], vector<16xf32>,
      %mul3A_722 = arith.mulf %add3A_469, %gather3A_354 : vector<16xf32>
      %mul3A_723 = arith.mulf %add3A_478, %gather3A_358 : vector<16xf32>
      %add3A_724 = arith.addf %mul3A_722, %mul3A_723 : vector<16xf32>
      %mul3A_725 = arith.mulf %add3A_487, %gather3A_362 : vector<16xf32>
      %add3A_726 = arith.addf %add3A_724, %mul3A_725 : vector<16xf32>
      %mul3A_727 = arith.mulf %add3A_496, %gather3A_366 : vector<16xf32>
      %add3A_728 = arith.addf %add3A_726, %mul3A_727 : vector<16xf32>
      %mul3A_729 = arith.mulf %add3A_505, %gather3A_370 : vector<16xf32>
      %add3A_730 = arith.addf %add3A_728, %mul3A_729 : vector<16xf32>
      %mul3A_731 = arith.mulf %add3A_514, %gather3A_374 : vector<16xf32>
      %add3A_732 = arith.addf %add3A_730, %mul3A_731 : vector<16xf32>
      %mul3A_733 = arith.mulf %add3A_523, %gather3A_378 : vector<16xf32>
      %add3A_734 = arith.addf %add3A_732, %mul3A_733 : vector<16xf32>
      %mul3A_735 = arith.mulf %add3A_532, %gather3A_382 : vector<16xf32>
      %add3A_736 = arith.addf %add3A_734, %mul3A_735 : vector<16xf32>
      %mul3A_737 = arith.mulf %add3A_541, %gather3A_386 : vector<16xf32>
      %add3A_738 = arith.addf %add3A_736, %mul3A_737 : vector<16xf32>
      %add3A_739 = arith.constant 7 : i32
      %add3A_740 = vector.broadcast %add3A_739 : i32 to vector<16xi32>
      %add3A_741 = arith.addi %add3A_581, %add3A_740 : vector<16xi32>
      tpu.vector_store_idx %arg8[%add3A_741], %add3A_738 : memref<52224xf32, #tpu.memory_space<vmem>>[vector<16xi32>], vector<16xf32>,
      %mul3A_742 = arith.mulf %add3A_478, %gather3A_354 : vector<16xf32>
      %mul3A_743 = arith.mulf %add3A_487, %gather3A_358 : vector<16xf32>
      %add3A_744 = arith.addf %mul3A_742, %mul3A_743 : vector<16xf32>
      %mul3A_745 = arith.mulf %add3A_496, %gather3A_362 : vector<16xf32>
      %add3A_746 = arith.addf %add3A_744, %mul3A_745 : vector<16xf32>
      %mul3A_747 = arith.mulf %add3A_505, %gather3A_366 : vector<16xf32>
      %add3A_748 = arith.addf %add3A_746, %mul3A_747 : vector<16xf32>
      %mul3A_749 = arith.mulf %add3A_514, %gather3A_370 : vector<16xf32>
      %add3A_750 = arith.addf %add3A_748, %mul3A_749 : vector<16xf32>
      %mul3A_751 = arith.mulf %add3A_523, %gather3A_374 : vector<16xf32>
      %add3A_752 = arith.addf %add3A_750, %mul3A_751 : vector<16xf32>
      %mul3A_753 = arith.mulf %add3A_532, %gather3A_378 : vector<16xf32>
      %add3A_754 = arith.addf %add3A_752, %mul3A_753 : vector<16xf32>
      %mul3A_755 = arith.mulf %add3A_541, %gather3A_382 : vector<16xf32>
      %add3A_756 = arith.addf %add3A_754, %mul3A_755 : vector<16xf32>
      %mul3A_757 = arith.mulf %add3A_550, %gather3A_386 : vector<16xf32>
      %add3A_758 = arith.addf %add3A_756, %mul3A_757 : vector<16xf32>
      %add3A_759 = arith.constant 8 : i32
      %add3A_760 = vector.broadcast %add3A_759 : i32 to vector<16xi32>
      %add3A_761 = arith.addi %add3A_581, %add3A_760 : vector<16xi32>
      tpu.vector_store_idx %arg8[%add3A_761], %add3A_758 : memref<52224xf32, #tpu.memory_space<vmem>>[vector<16xi32>], vector<16xf32>,
      %mul3A_762 = arith.mulf %add3A_487, %gather3A_354 : vector<16xf32>
      %mul3A_763 = arith.mulf %add3A_496, %gather3A_358 : vector<16xf32>
      %add3A_764 = arith.addf %mul3A_762, %mul3A_763 : vector<16xf32>
      %mul3A_765 = arith.mulf %add3A_505, %gather3A_362 : vector<16xf32>
      %add3A_766 = arith.addf %add3A_764, %mul3A_765 : vector<16xf32>
      %mul3A_767 = arith.mulf %add3A_514, %gather3A_366 : vector<16xf32>
      %add3A_768 = arith.addf %add3A_766, %mul3A_767 : vector<16xf32>
      %mul3A_769 = arith.mulf %add3A_523, %gather3A_370 : vector<16xf32>
      %add3A_770 = arith.addf %add3A_768, %mul3A_769 : vector<16xf32>
      %mul3A_771 = arith.mulf %add3A_532, %gather3A_374 : vector<16xf32>
      %add3A_772 = arith.addf %add3A_770, %mul3A_771 : vector<16xf32>
      %mul3A_773 = arith.mulf %add3A_541, %gather3A_378 : vector<16xf32>
      %add3A_774 = arith.addf %add3A_772, %mul3A_773 : vector<16xf32>
      %mul3A_775 = arith.mulf %add3A_550, %gather3A_382 : vector<16xf32>
      %add3A_776 = arith.addf %add3A_774, %mul3A_775 : vector<16xf32>
      %mul3A_777 = arith.mulf %add3A_559, %gather3A_386 : vector<16xf32>
      %add3A_778 = arith.addf %add3A_776, %mul3A_777 : vector<16xf32>
      %add3A_779 = arith.constant 9 : i32
      %add3A_780 = vector.broadcast %add3A_779 : i32 to vector<16xi32>
      %add3A_781 = arith.addi %add3A_581, %add3A_780 : vector<16xi32>
      tpu.vector_store_idx %arg8[%add3A_781], %add3A_778 : memref<52224xf32, #tpu.memory_space<vmem>>[vector<16xi32>], vector<16xf32>,
      %mul3A_782 = arith.mulf %add3A_496, %gather3A_354 : vector<16xf32>
      %mul3A_783 = arith.mulf %add3A_505, %gather3A_358 : vector<16xf32>
      %add3A_784 = arith.addf %mul3A_782, %mul3A_783 : vector<16xf32>
      %mul3A_785 = arith.mulf %add3A_514, %gather3A_362 : vector<16xf32>
      %add3A_786 = arith.addf %add3A_784, %mul3A_785 : vector<16xf32>
      %mul3A_787 = arith.mulf %add3A_523, %gather3A_366 : vector<16xf32>
      %add3A_788 = arith.addf %add3A_786, %mul3A_787 : vector<16xf32>
      %mul3A_789 = arith.mulf %add3A_532, %gather3A_370 : vector<16xf32>
      %add3A_790 = arith.addf %add3A_788, %mul3A_789 : vector<16xf32>
      %mul3A_791 = arith.mulf %add3A_541, %gather3A_374 : vector<16xf32>
      %add3A_792 = arith.addf %add3A_790, %mul3A_791 : vector<16xf32>
      %mul3A_793 = arith.mulf %add3A_550, %gather3A_378 : vector<16xf32>
      %add3A_794 = arith.addf %add3A_792, %mul3A_793 : vector<16xf32>
      %mul3A_795 = arith.mulf %add3A_559, %gather3A_382 : vector<16xf32>
      %add3A_796 = arith.addf %add3A_794, %mul3A_795 : vector<16xf32>
      %mul3A_797 = arith.mulf %add3A_568, %gather3A_386 : vector<16xf32>
      %add3A_798 = arith.addf %add3A_796, %mul3A_797 : vector<16xf32>
      %add3A_799 = arith.constant 10 : i32
      %add3A_800 = vector.broadcast %add3A_799 : i32 to vector<16xi32>
      %add3A_801 = arith.addi %add3A_581, %add3A_800 : vector<16xi32>
      tpu.vector_store_idx %arg8[%add3A_801], %add3A_798 : memref<52224xf32, #tpu.memory_space<vmem>>[vector<16xi32>], vector<16xf32>,
      %mul3A_802 = arith.mulf %add3A_505, %gather3A_354 : vector<16xf32>
      %mul3A_803 = arith.mulf %add3A_514, %gather3A_358 : vector<16xf32>
      %add3A_804 = arith.addf %mul3A_802, %mul3A_803 : vector<16xf32>
      %mul3A_805 = arith.mulf %add3A_523, %gather3A_362 : vector<16xf32>
      %add3A_806 = arith.addf %add3A_804, %mul3A_805 : vector<16xf32>
      %mul3A_807 = arith.mulf %add3A_532, %gather3A_366 : vector<16xf32>
      %add3A_808 = arith.addf %add3A_806, %mul3A_807 : vector<16xf32>
      %mul3A_809 = arith.mulf %add3A_541, %gather3A_370 : vector<16xf32>
      %add3A_810 = arith.addf %add3A_808, %mul3A_809 : vector<16xf32>
      %mul3A_811 = arith.mulf %add3A_550, %gather3A_374 : vector<16xf32>
      %add3A_812 = arith.addf %add3A_810, %mul3A_811 : vector<16xf32>
      %mul3A_813 = arith.mulf %add3A_559, %gather3A_378 : vector<16xf32>
      %add3A_814 = arith.addf %add3A_812, %mul3A_813 : vector<16xf32>
      %mul3A_815 = arith.mulf %add3A_568, %gather3A_382 : vector<16xf32>
      %add3A_816 = arith.addf %add3A_814, %mul3A_815 : vector<16xf32>
      %mul3A_817 = arith.mulf %add3A_577, %gather3A_386 : vector<16xf32>
      %add3A_818 = arith.addf %add3A_816, %mul3A_817 : vector<16xf32>
      %add3A_819 = arith.constant 11 : i32
      %add3A_820 = vector.broadcast %add3A_819 : i32 to vector<16xi32>
      %add3A_821 = arith.addi %add3A_581, %add3A_820 : vector<16xi32>
      tpu.vector_store_idx %arg8[%add3A_821], %add3A_818 : memref<52224xf32, #tpu.memory_space<vmem>>[vector<16xi32>], vector<16xf32>,
      %scan3A_822 = arith.constant 0 : i32
      scf.yield %scan3A_822 : i32
    }
    %scan3A_68 = arith.constant 34 : i32
    %add3A_69 = arith.constant 16 : i32
    %add3A_70 = arith.addi %mul3A_2, %add3A_69 : i32
    %mul3A_71 = arith.constant 408 : i32
    %mul3A_72 = arith.muli %add3A_70, %mul3A_71 : i32
    %dma_start3A_73 = arith.constant 6528 : i32
    %dma_start3A_74 = tpu.memref_slice %arg8[%dma_start3A_73] : memref<52224xf32, #tpu.memory_space<vmem>> -> memref<6528xf32, #tpu.memory_space<vmem>>
    %dma_start3A_75 = tpu.memref_slice %arg5[%mul3A_72] : memref<1671168xf32, #tpu.memory_space<hbm>> -> memref<6528xf32, #tpu.memory_space<hbm>>
    %dma_start3A_76 = tpu.memref_slice %arg5[%mul3A_72] : memref<1671168xf32, #tpu.memory_space<hbm>> -> memref<6528xf32, #tpu.memory_space<hbm>>
    %dma_start3A_77 = arith.constant 6528 : i32
    %dma_start3A_78 = tpu.memref_slice %arg8[%dma_start3A_77] : memref<52224xf32, #tpu.memory_space<vmem>> -> memref<6528xf32, #tpu.memory_space<vmem>>
    tpu.enqueue_dma source(%dma_start3A_78 : memref<6528xf32, #tpu.memory_space<vmem>>) target(%dma_start3A_76 : memref<6528xf32, #tpu.memory_space<hbm>>) target_semaphore(%arg13 : memref<!tpu.dma_semaphore, #tpu.memory_space<semaphore_mem>>)
    %dma_wait3A_79 = tpu.memref_slice %arg2[%mul3A_48] : memref<1372160xf32, #tpu.memory_space<hbm>> -> memref<5360xf32, #tpu.memory_space<hbm>>
    %dma_wait3A_80 = tpu.memref_slice %arg2[%mul3A_48] : memref<1372160xf32, #tpu.memory_space<hbm>> -> memref<5360xf32, #tpu.memory_space<hbm>>
    tpu.wait_dma2 semaphore(%arg11 : memref<!tpu.dma_semaphore, #tpu.memory_space<semaphore_mem>>) src(%dma_wait3A_80 : memref<5360xf32, #tpu.memory_space<hbm>>) dst(%arg6 : memref<5360xf32, #tpu.memory_space<vmem>>)
    %add3A_81 = arith.constant 48 : i32
    %add3A_82 = arith.addi %mul3A_2, %add3A_81 : i32
    %mul3A_83 = arith.constant 335 : i32
    %mul3A_84 = arith.muli %add3A_82, %mul3A_83 : i32
    %dma_start3A_85 = tpu.memref_slice %arg2[%mul3A_84] : memref<1372160xf32, #tpu.memory_space<hbm>> -> memref<5360xf32, #tpu.memory_space<hbm>>
    %dma_start3A_86 = tpu.memref_slice %arg2[%mul3A_84] : memref<1372160xf32, #tpu.memory_space<hbm>> -> memref<5360xf32, #tpu.memory_space<hbm>>
    tpu.enqueue_dma source(%dma_start3A_86 : memref<5360xf32, #tpu.memory_space<hbm>>) target(%arg7 : memref<5360xf32, #tpu.memory_space<vmem>>) target_semaphore(%arg12 : memref<!tpu.dma_semaphore, #tpu.memory_space<semaphore_mem>>)
    %add3A_87 = arith.constant 32 : i32
    %add3A_88 = vector.broadcast %add3A_87 : i32 to vector<16xi32>
    %add3A_89 = arith.addi %iota3A, %add3A_88 : vector<16xi32>
    %mul3A_90 = arith.constant 408 : i32
    %mul3A_91 = vector.broadcast %mul3A_90 : i32 to vector<16xi32>
    %mul3A_92 = arith.muli %add3A_89, %mul3A_91 : vector<16xi32>
    %gather3A_93 = tpu.vector_load_idx %arg6[%mul3A_10] : memref<5360xf32, #tpu.memory_space<vmem>>[vector<16xi32>], vector<16xf32>,
    %convert_element_type3A_94 = arith.fptosi %gather3A_93 : vector<16xf32> to vector<16xi32>
    %mul3A_95 = arith.constant 34 : i32
    %mul3A_96 = vector.broadcast %mul3A_95 : i32 to vector<16xi32>
    %mul3A_97 = arith.muli %convert_element_type3A_94, %mul3A_96 : vector<16xi32>
    %scan3A_98 = arith.constant 0 : i32
    %scan3A_99 = arith.constant 0 : i32
    %scan3A_100 = arith.constant 34 : i32
    %scan3A_101 = arith.addi %scan3A_99, %scan3A_100 : i32
    %scan3A_102 = arith.constant 1 : i32
    %scan3A_103 = scf.for %scan3A_337 = %scan3A_99 to %scan3A_101 step %scan3A_102 iter_args(%scan3A_338 = %scan3A_98) -> (i32)  : i32 {
      %add3A_339 = vector.broadcast %scan3A_337 : i32 to vector<16xi32>
      %add3A_340 = arith.addi %mul3A_97, %add3A_339 : vector<16xi32>
      %gather3A_341 = tpu.vector_load_idx %arg9[%add3A_340] : memref<544xi32, #tpu.memory_space<vmem>>[vector<16xi32>], vector<16xi32>,
      %add3A_342 = arith.constant 301 : i32
      %add3A_343 = arith.addi %add3A_342, %scan3A_337 : i32
      %add3A_344 = vector.broadcast %add3A_343 : i32 to vector<16xi32>
      %add3A_345 = arith.addi %mul3A_10, %add3A_344 : vector<16xi32>
      %gather3A_346 = tpu.vector_load_idx %arg6[%add3A_345] : memref<5360xf32, #tpu.memory_space<vmem>>[vector<16xi32>], vector<16xf32>,
      %convert_element_type3A_347 = arith.fptosi %gather3A_346 : vector<16xf32> to vector<16xi32>
      %mul3A_348 = arith.constant 9 : i32
      %mul3A_349 = vector.broadcast %mul3A_348 : i32 to vector<16xi32>
      %mul3A_350 = arith.muli %convert_element_type3A_347, %mul3A_349 : vector<16xi32>
      %add3A_351 = arith.constant 0 : i32
      %add3A_352 = vector.broadcast %add3A_351 : i32 to vector<16xi32>
      %add3A_353 = arith.addi %mul3A_350, %add3A_352 : vector<16xi32>
      %gather3A_354 = tpu.vector_load_idx %arg10[%add3A_353] : memref<180xf32, #tpu.memory_space<vmem>>[vector<16xi32>], vector<16xf32>,
      %add3A_355 = arith.constant 1 : i32
      %add3A_356 = vector.broadcast %add3A_355 : i32 to vector<16xi32>
      %add3A_357 = arith.addi %mul3A_350, %add3A_356 : vector<16xi32>
      %gather3A_358 = tpu.vector_load_idx %arg10[%add3A_357] : memref<180xf32, #tpu.memory_space<vmem>>[vector<16xi32>], vector<16xf32>,
      %add3A_359 = arith.constant 2 : i32
      %add3A_360 = vector.broadcast %add3A_359 : i32 to vector<16xi32>
      %add3A_361 = arith.addi %mul3A_350, %add3A_360 : vector<16xi32>
      %gather3A_362 = tpu.vector_load_idx %arg10[%add3A_361] : memref<180xf32, #tpu.memory_space<vmem>>[vector<16xi32>], vector<16xf32>,
      %add3A_363 = arith.constant 3 : i32
      %add3A_364 = vector.broadcast %add3A_363 : i32 to vector<16xi32>
      %add3A_365 = arith.addi %mul3A_350, %add3A_364 : vector<16xi32>
      %gather3A_366 = tpu.vector_load_idx %arg10[%add3A_365] : memref<180xf32, #tpu.memory_space<vmem>>[vector<16xi32>], vector<16xf32>,
      %add3A_367 = arith.constant 4 : i32
      %add3A_368 = vector.broadcast %add3A_367 : i32 to vector<16xi32>
      %add3A_369 = arith.addi %mul3A_350, %add3A_368 : vector<16xi32>
      %gather3A_370 = tpu.vector_load_idx %arg10[%add3A_369] : memref<180xf32, #tpu.memory_space<vmem>>[vector<16xi32>], vector<16xf32>,
      %add3A_371 = arith.constant 5 : i32
      %add3A_372 = vector.broadcast %add3A_371 : i32 to vector<16xi32>
      %add3A_373 = arith.addi %mul3A_350, %add3A_372 : vector<16xi32>
      %gather3A_374 = tpu.vector_load_idx %arg10[%add3A_373] : memref<180xf32, #tpu.memory_space<vmem>>[vector<16xi32>], vector<16xf32>,
      %add3A_375 = arith.constant 6 : i32
      %add3A_376 = vector.broadcast %add3A_375 : i32 to vector<16xi32>
      %add3A_377 = arith.addi %mul3A_350, %add3A_376 : vector<16xi32>
      %gather3A_378 = tpu.vector_load_idx %arg10[%add3A_377] : memref<180xf32, #tpu.memory_space<vmem>>[vector<16xi32>], vector<16xf32>,
      %add3A_379 = arith.constant 7 : i32
      %add3A_380 = vector.broadcast %add3A_379 : i32 to vector<16xi32>
      %add3A_381 = arith.addi %mul3A_350, %add3A_380 : vector<16xi32>
      %gather3A_382 = tpu.vector_load_idx %arg10[%add3A_381] : memref<180xf32, #tpu.memory_space<vmem>>[vector<16xi32>], vector<16xf32>,
      %add3A_383 = arith.constant 8 : i32
      %add3A_384 = vector.broadcast %add3A_383 : i32 to vector<16xi32>
      %add3A_385 = arith.addi %mul3A_350, %add3A_384 : vector<16xi32>
      %gather3A_386 = tpu.vector_load_idx %arg10[%add3A_385] : memref<180xf32, #tpu.memory_space<vmem>>[vector<16xi32>], vector<16xf32>,
      %shift_right_logical3A = arith.constant 10 : i32
      %shift_right_logical3A_387 = vector.broadcast %shift_right_logical3A : i32 to vector<16xi32>
      %shift_right_logical3A_388 = arith.shrui %gather3A_341, %shift_right_logical3A_387 : vector<16xi32>
      %add3A_389 = arith.addi %mul3A_10, %shift_right_logical3A_388 : vector<16xi32>
      %sub3A = arith.constant 19 : i32
      %sub3A_390 = vector.broadcast %sub3A : i32 to vector<16xi32>
      %sub3A_391 = arith.subi %add3A_389, %sub3A_390 : vector<16xi32>
      %and3A = arith.constant 1023 : i32
      %and3A_392 = vector.broadcast %and3A : i32 to vector<16xi32>
      %and3A_393 = arith.andi %gather3A_341, %and3A_392 : vector<16xi32>
      %add3A_394 = arith.addi %mul3A_10, %and3A_393 : vector<16xi32>
      %sub3A_395 = arith.constant 19 : i32
      %sub3A_396 = vector.broadcast %sub3A_395 : i32 to vector<16xi32>
      %sub3A_397 = arith.subi %add3A_394, %sub3A_396 : vector<16xi32>
      %add3A_398 = arith.constant 0 : i32
      %add3A_399 = vector.broadcast %add3A_398 : i32 to vector<16xi32>
      %add3A_400 = arith.addi %sub3A_391, %add3A_399 : vector<16xi32>
      %gather3A_401 = tpu.vector_load_idx %arg6[%add3A_400] : memref<5360xf32, #tpu.memory_space<vmem>>[vector<16xi32>], vector<16xf32>,
      %add3A_402 = arith.constant 0 : i32
      %add3A_403 = vector.broadcast %add3A_402 : i32 to vector<16xi32>
      %add3A_404 = arith.addi %sub3A_397, %add3A_403 : vector<16xi32>
      %gather3A_405 = tpu.vector_load_idx %arg6[%add3A_404] : memref<5360xf32, #tpu.memory_space<vmem>>[vector<16xi32>], vector<16xf32>,
      %add3A_406 = arith.addf %gather3A_401, %gather3A_405 : vector<16xf32>
      %add3A_407 = arith.constant 1 : i32
      %add3A_408 = vector.broadcast %add3A_407 : i32 to vector<16xi32>
      %add3A_409 = arith.addi %sub3A_391, %add3A_408 : vector<16xi32>
      %gather3A_410 = tpu.vector_load_idx %arg6[%add3A_409] : memref<5360xf32, #tpu.memory_space<vmem>>[vector<16xi32>], vector<16xf32>,
      %add3A_411 = arith.constant 1 : i32
      %add3A_412 = vector.broadcast %add3A_411 : i32 to vector<16xi32>
      %add3A_413 = arith.addi %sub3A_397, %add3A_412 : vector<16xi32>
      %gather3A_414 = tpu.vector_load_idx %arg6[%add3A_413] : memref<5360xf32, #tpu.memory_space<vmem>>[vector<16xi32>], vector<16xf32>,
      %add3A_415 = arith.addf %gather3A_410, %gather3A_414 : vector<16xf32>
      %add3A_416 = arith.constant 2 : i32
      %add3A_417 = vector.broadcast %add3A_416 : i32 to vector<16xi32>
      %add3A_418 = arith.addi %sub3A_391, %add3A_417 : vector<16xi32>
      %gather3A_419 = tpu.vector_load_idx %arg6[%add3A_418] : memref<5360xf32, #tpu.memory_space<vmem>>[vector<16xi32>], vector<16xf32>,
      %add3A_420 = arith.constant 2 : i32
      %add3A_421 = vector.broadcast %add3A_420 : i32 to vector<16xi32>
      %add3A_422 = arith.addi %sub3A_397, %add3A_421 : vector<16xi32>
      %gather3A_423 = tpu.vector_load_idx %arg6[%add3A_422] : memref<5360xf32, #tpu.memory_space<vmem>>[vector<16xi32>], vector<16xf32>,
      %add3A_424 = arith.addf %gather3A_419, %gather3A_423 : vector<16xf32>
      %add3A_425 = arith.constant 3 : i32
      %add3A_426 = vector.broadcast %add3A_425 : i32 to vector<16xi32>
      %add3A_427 = arith.addi %sub3A_391, %add3A_426 : vector<16xi32>
      %gather3A_428 = tpu.vector_load_idx %arg6[%add3A_427] : memref<5360xf32, #tpu.memory_space<vmem>>[vector<16xi32>], vector<16xf32>,
      %add3A_429 = arith.constant 3 : i32
      %add3A_430 = vector.broadcast %add3A_429 : i32 to vector<16xi32>
      %add3A_431 = arith.addi %sub3A_397, %add3A_430 : vector<16xi32>
      %gather3A_432 = tpu.vector_load_idx %arg6[%add3A_431] : memref<5360xf32, #tpu.memory_space<vmem>>[vector<16xi32>], vector<16xf32>,
      %add3A_433 = arith.addf %gather3A_428, %gather3A_432 : vector<16xf32>
      %add3A_434 = arith.constant 4 : i32
      %add3A_435 = vector.broadcast %add3A_434 : i32 to vector<16xi32>
      %add3A_436 = arith.addi %sub3A_391, %add3A_435 : vector<16xi32>
      %gather3A_437 = tpu.vector_load_idx %arg6[%add3A_436] : memref<5360xf32, #tpu.memory_space<vmem>>[vector<16xi32>], vector<16xf32>,
      %add3A_438 = arith.constant 4 : i32
      %add3A_439 = vector.broadcast %add3A_438 : i32 to vector<16xi32>
      %add3A_440 = arith.addi %sub3A_397, %add3A_439 : vector<16xi32>
      %gather3A_441 = tpu.vector_load_idx %arg6[%add3A_440] : memref<5360xf32, #tpu.memory_space<vmem>>[vector<16xi32>], vector<16xf32>,
      %add3A_442 = arith.addf %gather3A_437, %gather3A_441 : vector<16xf32>
      %add3A_443 = arith.constant 5 : i32
      %add3A_444 = vector.broadcast %add3A_443 : i32 to vector<16xi32>
      %add3A_445 = arith.addi %sub3A_391, %add3A_444 : vector<16xi32>
      %gather3A_446 = tpu.vector_load_idx %arg6[%add3A_445] : memref<5360xf32, #tpu.memory_space<vmem>>[vector<16xi32>], vector<16xf32>,
      %add3A_447 = arith.constant 5 : i32
      %add3A_448 = vector.broadcast %add3A_447 : i32 to vector<16xi32>
      %add3A_449 = arith.addi %sub3A_397, %add3A_448 : vector<16xi32>
      %gather3A_450 = tpu.vector_load_idx %arg6[%add3A_449] : memref<5360xf32, #tpu.memory_space<vmem>>[vector<16xi32>], vector<16xf32>,
      %add3A_451 = arith.addf %gather3A_446, %gather3A_450 : vector<16xf32>
      %add3A_452 = arith.constant 6 : i32
      %add3A_453 = vector.broadcast %add3A_452 : i32 to vector<16xi32>
      %add3A_454 = arith.addi %sub3A_391, %add3A_453 : vector<16xi32>
      %gather3A_455 = tpu.vector_load_idx %arg6[%add3A_454] : memref<5360xf32, #tpu.memory_space<vmem>>[vector<16xi32>], vector<16xf32>,
      %add3A_456 = arith.constant 6 : i32
      %add3A_457 = vector.broadcast %add3A_456 : i32 to vector<16xi32>
      %add3A_458 = arith.addi %sub3A_397, %add3A_457 : vector<16xi32>
      %gather3A_459 = tpu.vector_load_idx %arg6[%add3A_458] : memref<5360xf32, #tpu.memory_space<vmem>>[vector<16xi32>], vector<16xf32>,
      %add3A_460 = arith.addf %gather3A_455, %gather3A_459 : vector<16xf32>
      %add3A_461 = arith.constant 7 : i32
      %add3A_462 = vector.broadcast %add3A_461 : i32 to vector<16xi32>
      %add3A_463 = arith.addi %sub3A_391, %add3A_462 : vector<16xi32>
      %gather3A_464 = tpu.vector_load_idx %arg6[%add3A_463] : memref<5360xf32, #tpu.memory_space<vmem>>[vector<16xi32>], vector<16xf32>,
      %add3A_465 = arith.constant 7 : i32
      %add3A_466 = vector.broadcast %add3A_465 : i32 to vector<16xi32>
      %add3A_467 = arith.addi %sub3A_397, %add3A_466 : vector<16xi32>
      %gather3A_468 = tpu.vector_load_idx %arg6[%add3A_467] : memref<5360xf32, #tpu.memory_space<vmem>>[vector<16xi32>], vector<16xf32>,
      %add3A_469 = arith.addf %gather3A_464, %gather3A_468 : vector<16xf32>
      %add3A_470 = arith.constant 8 : i32
      %add3A_471 = vector.broadcast %add3A_470 : i32 to vector<16xi32>
      %add3A_472 = arith.addi %sub3A_391, %add3A_471 : vector<16xi32>
      %gather3A_473 = tpu.vector_load_idx %arg6[%add3A_472] : memref<5360xf32, #tpu.memory_space<vmem>>[vector<16xi32>], vector<16xf32>,
      %add3A_474 = arith.constant 8 : i32
      %add3A_475 = vector.broadcast %add3A_474 : i32 to vector<16xi32>
      %add3A_476 = arith.addi %sub3A_397, %add3A_475 : vector<16xi32>
      %gather3A_477 = tpu.vector_load_idx %arg6[%add3A_476] : memref<5360xf32, #tpu.memory_space<vmem>>[vector<16xi32>], vector<16xf32>,
      %add3A_478 = arith.addf %gather3A_473, %gather3A_477 : vector<16xf32>
      %add3A_479 = arith.constant 9 : i32
      %add3A_480 = vector.broadcast %add3A_479 : i32 to vector<16xi32>
      %add3A_481 = arith.addi %sub3A_391, %add3A_480 : vector<16xi32>
      %gather3A_482 = tpu.vector_load_idx %arg6[%add3A_481] : memref<5360xf32, #tpu.memory_space<vmem>>[vector<16xi32>], vector<16xf32>,
      %add3A_483 = arith.constant 9 : i32
      %add3A_484 = vector.broadcast %add3A_483 : i32 to vector<16xi32>
      %add3A_485 = arith.addi %sub3A_397, %add3A_484 : vector<16xi32>
      %gather3A_486 = tpu.vector_load_idx %arg6[%add3A_485] : memref<5360xf32, #tpu.memory_space<vmem>>[vector<16xi32>], vector<16xf32>,
      %add3A_487 = arith.addf %gather3A_482, %gather3A_486 : vector<16xf32>
      %add3A_488 = arith.constant 10 : i32
      %add3A_489 = vector.broadcast %add3A_488 : i32 to vector<16xi32>
      %add3A_490 = arith.addi %sub3A_391, %add3A_489 : vector<16xi32>
      %gather3A_491 = tpu.vector_load_idx %arg6[%add3A_490] : memref<5360xf32, #tpu.memory_space<vmem>>[vector<16xi32>], vector<16xf32>,
      %add3A_492 = arith.constant 10 : i32
      %add3A_493 = vector.broadcast %add3A_492 : i32 to vector<16xi32>
      %add3A_494 = arith.addi %sub3A_397, %add3A_493 : vector<16xi32>
      %gather3A_495 = tpu.vector_load_idx %arg6[%add3A_494] : memref<5360xf32, #tpu.memory_space<vmem>>[vector<16xi32>], vector<16xf32>,
      %add3A_496 = arith.addf %gather3A_491, %gather3A_495 : vector<16xf32>
      %add3A_497 = arith.constant 11 : i32
      %add3A_498 = vector.broadcast %add3A_497 : i32 to vector<16xi32>
      %add3A_499 = arith.addi %sub3A_391, %add3A_498 : vector<16xi32>
      %gather3A_500 = tpu.vector_load_idx %arg6[%add3A_499] : memref<5360xf32, #tpu.memory_space<vmem>>[vector<16xi32>], vector<16xf32>,
      %add3A_501 = arith.constant 11 : i32
      %add3A_502 = vector.broadcast %add3A_501 : i32 to vector<16xi32>
      %add3A_503 = arith.addi %sub3A_397, %add3A_502 : vector<16xi32>
      %gather3A_504 = tpu.vector_load_idx %arg6[%add3A_503] : memref<5360xf32, #tpu.memory_space<vmem>>[vector<16xi32>], vector<16xf32>,
      %add3A_505 = arith.addf %gather3A_500, %gather3A_504 : vector<16xf32>
      %add3A_506 = arith.constant 12 : i32
      %add3A_507 = vector.broadcast %add3A_506 : i32 to vector<16xi32>
      %add3A_508 = arith.addi %sub3A_391, %add3A_507 : vector<16xi32>
      %gather3A_509 = tpu.vector_load_idx %arg6[%add3A_508] : memref<5360xf32, #tpu.memory_space<vmem>>[vector<16xi32>], vector<16xf32>,
      %add3A_510 = arith.constant 12 : i32
      %add3A_511 = vector.broadcast %add3A_510 : i32 to vector<16xi32>
      %add3A_512 = arith.addi %sub3A_397, %add3A_511 : vector<16xi32>
      %gather3A_513 = tpu.vector_load_idx %arg6[%add3A_512] : memref<5360xf32, #tpu.memory_space<vmem>>[vector<16xi32>], vector<16xf32>,
      %add3A_514 = arith.addf %gather3A_509, %gather3A_513 : vector<16xf32>
      %add3A_515 = arith.constant 13 : i32
      %add3A_516 = vector.broadcast %add3A_515 : i32 to vector<16xi32>
      %add3A_517 = arith.addi %sub3A_391, %add3A_516 : vector<16xi32>
      %gather3A_518 = tpu.vector_load_idx %arg6[%add3A_517] : memref<5360xf32, #tpu.memory_space<vmem>>[vector<16xi32>], vector<16xf32>,
      %add3A_519 = arith.constant 13 : i32
      %add3A_520 = vector.broadcast %add3A_519 : i32 to vector<16xi32>
      %add3A_521 = arith.addi %sub3A_397, %add3A_520 : vector<16xi32>
      %gather3A_522 = tpu.vector_load_idx %arg6[%add3A_521] : memref<5360xf32, #tpu.memory_space<vmem>>[vector<16xi32>], vector<16xf32>,
      %add3A_523 = arith.addf %gather3A_518, %gather3A_522 : vector<16xf32>
      %add3A_524 = arith.constant 14 : i32
      %add3A_525 = vector.broadcast %add3A_524 : i32 to vector<16xi32>
      %add3A_526 = arith.addi %sub3A_391, %add3A_525 : vector<16xi32>
      %gather3A_527 = tpu.vector_load_idx %arg6[%add3A_526] : memref<5360xf32, #tpu.memory_space<vmem>>[vector<16xi32>], vector<16xf32>,
      %add3A_528 = arith.constant 14 : i32
      %add3A_529 = vector.broadcast %add3A_528 : i32 to vector<16xi32>
      %add3A_530 = arith.addi %sub3A_397, %add3A_529 : vector<16xi32>
      %gather3A_531 = tpu.vector_load_idx %arg6[%add3A_530] : memref<5360xf32, #tpu.memory_space<vmem>>[vector<16xi32>], vector<16xf32>,
      %add3A_532 = arith.addf %gather3A_527, %gather3A_531 : vector<16xf32>
      %add3A_533 = arith.constant 15 : i32
      %add3A_534 = vector.broadcast %add3A_533 : i32 to vector<16xi32>
      %add3A_535 = arith.addi %sub3A_391, %add3A_534 : vector<16xi32>
      %gather3A_536 = tpu.vector_load_idx %arg6[%add3A_535] : memref<5360xf32, #tpu.memory_space<vmem>>[vector<16xi32>], vector<16xf32>,
      %add3A_537 = arith.constant 15 : i32
      %add3A_538 = vector.broadcast %add3A_537 : i32 to vector<16xi32>
      %add3A_539 = arith.addi %sub3A_397, %add3A_538 : vector<16xi32>
      %gather3A_540 = tpu.vector_load_idx %arg6[%add3A_539] : memref<5360xf32, #tpu.memory_space<vmem>>[vector<16xi32>], vector<16xf32>,
      %add3A_541 = arith.addf %gather3A_536, %gather3A_540 : vector<16xf32>
      %add3A_542 = arith.constant 16 : i32
      %add3A_543 = vector.broadcast %add3A_542 : i32 to vector<16xi32>
      %add3A_544 = arith.addi %sub3A_391, %add3A_543 : vector<16xi32>
      %gather3A_545 = tpu.vector_load_idx %arg6[%add3A_544] : memref<5360xf32, #tpu.memory_space<vmem>>[vector<16xi32>], vector<16xf32>,
      %add3A_546 = arith.constant 16 : i32
      %add3A_547 = vector.broadcast %add3A_546 : i32 to vector<16xi32>
      %add3A_548 = arith.addi %sub3A_397, %add3A_547 : vector<16xi32>
      %gather3A_549 = tpu.vector_load_idx %arg6[%add3A_548] : memref<5360xf32, #tpu.memory_space<vmem>>[vector<16xi32>], vector<16xf32>,
      %add3A_550 = arith.addf %gather3A_545, %gather3A_549 : vector<16xf32>
      %add3A_551 = arith.constant 17 : i32
      %add3A_552 = vector.broadcast %add3A_551 : i32 to vector<16xi32>
      %add3A_553 = arith.addi %sub3A_391, %add3A_552 : vector<16xi32>
      %gather3A_554 = tpu.vector_load_idx %arg6[%add3A_553] : memref<5360xf32, #tpu.memory_space<vmem>>[vector<16xi32>], vector<16xf32>,
      %add3A_555 = arith.constant 17 : i32
      %add3A_556 = vector.broadcast %add3A_555 : i32 to vector<16xi32>
      %add3A_557 = arith.addi %sub3A_397, %add3A_556 : vector<16xi32>
      %gather3A_558 = tpu.vector_load_idx %arg6[%add3A_557] : memref<5360xf32, #tpu.memory_space<vmem>>[vector<16xi32>], vector<16xf32>,
      %add3A_559 = arith.addf %gather3A_554, %gather3A_558 : vector<16xf32>
      %add3A_560 = arith.constant 18 : i32
      %add3A_561 = vector.broadcast %add3A_560 : i32 to vector<16xi32>
      %add3A_562 = arith.addi %sub3A_391, %add3A_561 : vector<16xi32>
      %gather3A_563 = tpu.vector_load_idx %arg6[%add3A_562] : memref<5360xf32, #tpu.memory_space<vmem>>[vector<16xi32>], vector<16xf32>,
      %add3A_564 = arith.constant 18 : i32
      %add3A_565 = vector.broadcast %add3A_564 : i32 to vector<16xi32>
      %add3A_566 = arith.addi %sub3A_397, %add3A_565 : vector<16xi32>
      %gather3A_567 = tpu.vector_load_idx %arg6[%add3A_566] : memref<5360xf32, #tpu.memory_space<vmem>>[vector<16xi32>], vector<16xf32>,
      %add3A_568 = arith.addf %gather3A_563, %gather3A_567 : vector<16xf32>
      %add3A_569 = arith.constant 19 : i32
      %add3A_570 = vector.broadcast %add3A_569 : i32 to vector<16xi32>
      %add3A_571 = arith.addi %sub3A_391, %add3A_570 : vector<16xi32>
      %gather3A_572 = tpu.vector_load_idx %arg6[%add3A_571] : memref<5360xf32, #tpu.memory_space<vmem>>[vector<16xi32>], vector<16xf32>,
      %add3A_573 = arith.constant 19 : i32
      %add3A_574 = vector.broadcast %add3A_573 : i32 to vector<16xi32>
      %add3A_575 = arith.addi %sub3A_397, %add3A_574 : vector<16xi32>
      %gather3A_576 = tpu.vector_load_idx %arg6[%add3A_575] : memref<5360xf32, #tpu.memory_space<vmem>>[vector<16xi32>], vector<16xf32>,
      %add3A_577 = arith.addf %gather3A_572, %gather3A_576 : vector<16xf32>
      %mul3A_578 = arith.constant 12 : i32
      %mul3A_579 = arith.muli %scan3A_337, %mul3A_578 : i32
      %add3A_580 = vector.broadcast %mul3A_579 : i32 to vector<16xi32>
      %add3A_581 = arith.addi %mul3A_92, %add3A_580 : vector<16xi32>
      %mul3A_582 = arith.mulf %add3A_406, %gather3A_354 : vector<16xf32>
      %mul3A_583 = arith.mulf %add3A_415, %gather3A_358 : vector<16xf32>
      %add3A_584 = arith.addf %mul3A_582, %mul3A_583 : vector<16xf32>
      %mul3A_585 = arith.mulf %add3A_424, %gather3A_362 : vector<16xf32>
      %add3A_586 = arith.addf %add3A_584, %mul3A_585 : vector<16xf32>
      %mul3A_587 = arith.mulf %add3A_433, %gather3A_366 : vector<16xf32>
      %add3A_588 = arith.addf %add3A_586, %mul3A_587 : vector<16xf32>
      %mul3A_589 = arith.mulf %add3A_442, %gather3A_370 : vector<16xf32>
      %add3A_590 = arith.addf %add3A_588, %mul3A_589 : vector<16xf32>
      %mul3A_591 = arith.mulf %add3A_451, %gather3A_374 : vector<16xf32>
      %add3A_592 = arith.addf %add3A_590, %mul3A_591 : vector<16xf32>
      %mul3A_593 = arith.mulf %add3A_460, %gather3A_378 : vector<16xf32>
      %add3A_594 = arith.addf %add3A_592, %mul3A_593 : vector<16xf32>
      %mul3A_595 = arith.mulf %add3A_469, %gather3A_382 : vector<16xf32>
      %add3A_596 = arith.addf %add3A_594, %mul3A_595 : vector<16xf32>
      %mul3A_597 = arith.mulf %add3A_478, %gather3A_386 : vector<16xf32>
      %add3A_598 = arith.addf %add3A_596, %mul3A_597 : vector<16xf32>
      %add3A_599 = arith.constant 0 : i32
      %add3A_600 = vector.broadcast %add3A_599 : i32 to vector<16xi32>
      %add3A_601 = arith.addi %add3A_581, %add3A_600 : vector<16xi32>
      tpu.vector_store_idx %arg8[%add3A_601], %add3A_598 : memref<52224xf32, #tpu.memory_space<vmem>>[vector<16xi32>], vector<16xf32>,
      %mul3A_602 = arith.mulf %add3A_415, %gather3A_354 : vector<16xf32>
      %mul3A_603 = arith.mulf %add3A_424, %gather3A_358 : vector<16xf32>
      %add3A_604 = arith.addf %mul3A_602, %mul3A_603 : vector<16xf32>
      %mul3A_605 = arith.mulf %add3A_433, %gather3A_362 : vector<16xf32>
      %add3A_606 = arith.addf %add3A_604, %mul3A_605 : vector<16xf32>
      %mul3A_607 = arith.mulf %add3A_442, %gather3A_366 : vector<16xf32>
      %add3A_608 = arith.addf %add3A_606, %mul3A_607 : vector<16xf32>
      %mul3A_609 = arith.mulf %add3A_451, %gather3A_370 : vector<16xf32>
      %add3A_610 = arith.addf %add3A_608, %mul3A_609 : vector<16xf32>
      %mul3A_611 = arith.mulf %add3A_460, %gather3A_374 : vector<16xf32>
      %add3A_612 = arith.addf %add3A_610, %mul3A_611 : vector<16xf32>
      %mul3A_613 = arith.mulf %add3A_469, %gather3A_378 : vector<16xf32>
      %add3A_614 = arith.addf %add3A_612, %mul3A_613 : vector<16xf32>
      %mul3A_615 = arith.mulf %add3A_478, %gather3A_382 : vector<16xf32>
      %add3A_616 = arith.addf %add3A_614, %mul3A_615 : vector<16xf32>
      %mul3A_617 = arith.mulf %add3A_487, %gather3A_386 : vector<16xf32>
      %add3A_618 = arith.addf %add3A_616, %mul3A_617 : vector<16xf32>
      %add3A_619 = arith.constant 1 : i32
      %add3A_620 = vector.broadcast %add3A_619 : i32 to vector<16xi32>
      %add3A_621 = arith.addi %add3A_581, %add3A_620 : vector<16xi32>
      tpu.vector_store_idx %arg8[%add3A_621], %add3A_618 : memref<52224xf32, #tpu.memory_space<vmem>>[vector<16xi32>], vector<16xf32>,
      %mul3A_622 = arith.mulf %add3A_424, %gather3A_354 : vector<16xf32>
      %mul3A_623 = arith.mulf %add3A_433, %gather3A_358 : vector<16xf32>
      %add3A_624 = arith.addf %mul3A_622, %mul3A_623 : vector<16xf32>
      %mul3A_625 = arith.mulf %add3A_442, %gather3A_362 : vector<16xf32>
      %add3A_626 = arith.addf %add3A_624, %mul3A_625 : vector<16xf32>
      %mul3A_627 = arith.mulf %add3A_451, %gather3A_366 : vector<16xf32>
      %add3A_628 = arith.addf %add3A_626, %mul3A_627 : vector<16xf32>
      %mul3A_629 = arith.mulf %add3A_460, %gather3A_370 : vector<16xf32>
      %add3A_630 = arith.addf %add3A_628, %mul3A_629 : vector<16xf32>
      %mul3A_631 = arith.mulf %add3A_469, %gather3A_374 : vector<16xf32>
      %add3A_632 = arith.addf %add3A_630, %mul3A_631 : vector<16xf32>
      %mul3A_633 = arith.mulf %add3A_478, %gather3A_378 : vector<16xf32>
      %add3A_634 = arith.addf %add3A_632, %mul3A_633 : vector<16xf32>
      %mul3A_635 = arith.mulf %add3A_487, %gather3A_382 : vector<16xf32>
      %add3A_636 = arith.addf %add3A_634, %mul3A_635 : vector<16xf32>
      %mul3A_637 = arith.mulf %add3A_496, %gather3A_386 : vector<16xf32>
      %add3A_638 = arith.addf %add3A_636, %mul3A_637 : vector<16xf32>
      %add3A_639 = arith.constant 2 : i32
      %add3A_640 = vector.broadcast %add3A_639 : i32 to vector<16xi32>
      %add3A_641 = arith.addi %add3A_581, %add3A_640 : vector<16xi32>
      tpu.vector_store_idx %arg8[%add3A_641], %add3A_638 : memref<52224xf32, #tpu.memory_space<vmem>>[vector<16xi32>], vector<16xf32>,
      %mul3A_642 = arith.mulf %add3A_433, %gather3A_354 : vector<16xf32>
      %mul3A_643 = arith.mulf %add3A_442, %gather3A_358 : vector<16xf32>
      %add3A_644 = arith.addf %mul3A_642, %mul3A_643 : vector<16xf32>
      %mul3A_645 = arith.mulf %add3A_451, %gather3A_362 : vector<16xf32>
      %add3A_646 = arith.addf %add3A_644, %mul3A_645 : vector<16xf32>
      %mul3A_647 = arith.mulf %add3A_460, %gather3A_366 : vector<16xf32>
      %add3A_648 = arith.addf %add3A_646, %mul3A_647 : vector<16xf32>
      %mul3A_649 = arith.mulf %add3A_469, %gather3A_370 : vector<16xf32>
      %add3A_650 = arith.addf %add3A_648, %mul3A_649 : vector<16xf32>
      %mul3A_651 = arith.mulf %add3A_478, %gather3A_374 : vector<16xf32>
      %add3A_652 = arith.addf %add3A_650, %mul3A_651 : vector<16xf32>
      %mul3A_653 = arith.mulf %add3A_487, %gather3A_378 : vector<16xf32>
      %add3A_654 = arith.addf %add3A_652, %mul3A_653 : vector<16xf32>
      %mul3A_655 = arith.mulf %add3A_496, %gather3A_382 : vector<16xf32>
      %add3A_656 = arith.addf %add3A_654, %mul3A_655 : vector<16xf32>
      %mul3A_657 = arith.mulf %add3A_505, %gather3A_386 : vector<16xf32>
      %add3A_658 = arith.addf %add3A_656, %mul3A_657 : vector<16xf32>
      %add3A_659 = arith.constant 3 : i32
      %add3A_660 = vector.broadcast %add3A_659 : i32 to vector<16xi32>
      %add3A_661 = arith.addi %add3A_581, %add3A_660 : vector<16xi32>
      tpu.vector_store_idx %arg8[%add3A_661], %add3A_658 : memref<52224xf32, #tpu.memory_space<vmem>>[vector<16xi32>], vector<16xf32>,
      %mul3A_662 = arith.mulf %add3A_442, %gather3A_354 : vector<16xf32>
      %mul3A_663 = arith.mulf %add3A_451, %gather3A_358 : vector<16xf32>
      %add3A_664 = arith.addf %mul3A_662, %mul3A_663 : vector<16xf32>
      %mul3A_665 = arith.mulf %add3A_460, %gather3A_362 : vector<16xf32>
      %add3A_666 = arith.addf %add3A_664, %mul3A_665 : vector<16xf32>
      %mul3A_667 = arith.mulf %add3A_469, %gather3A_366 : vector<16xf32>
      %add3A_668 = arith.addf %add3A_666, %mul3A_667 : vector<16xf32>
      %mul3A_669 = arith.mulf %add3A_478, %gather3A_370 : vector<16xf32>
      %add3A_670 = arith.addf %add3A_668, %mul3A_669 : vector<16xf32>
      %mul3A_671 = arith.mulf %add3A_487, %gather3A_374 : vector<16xf32>
      %add3A_672 = arith.addf %add3A_670, %mul3A_671 : vector<16xf32>
      %mul3A_673 = arith.mulf %add3A_496, %gather3A_378 : vector<16xf32>
      %add3A_674 = arith.addf %add3A_672, %mul3A_673 : vector<16xf32>
      %mul3A_675 = arith.mulf %add3A_505, %gather3A_382 : vector<16xf32>
      %add3A_676 = arith.addf %add3A_674, %mul3A_675 : vector<16xf32>
      %mul3A_677 = arith.mulf %add3A_514, %gather3A_386 : vector<16xf32>
      %add3A_678 = arith.addf %add3A_676, %mul3A_677 : vector<16xf32>
      %add3A_679 = arith.constant 4 : i32
      %add3A_680 = vector.broadcast %add3A_679 : i32 to vector<16xi32>
      %add3A_681 = arith.addi %add3A_581, %add3A_680 : vector<16xi32>
      tpu.vector_store_idx %arg8[%add3A_681], %add3A_678 : memref<52224xf32, #tpu.memory_space<vmem>>[vector<16xi32>], vector<16xf32>,
      %mul3A_682 = arith.mulf %add3A_451, %gather3A_354 : vector<16xf32>
      %mul3A_683 = arith.mulf %add3A_460, %gather3A_358 : vector<16xf32>
      %add3A_684 = arith.addf %mul3A_682, %mul3A_683 : vector<16xf32>
      %mul3A_685 = arith.mulf %add3A_469, %gather3A_362 : vector<16xf32>
      %add3A_686 = arith.addf %add3A_684, %mul3A_685 : vector<16xf32>
      %mul3A_687 = arith.mulf %add3A_478, %gather3A_366 : vector<16xf32>
      %add3A_688 = arith.addf %add3A_686, %mul3A_687 : vector<16xf32>
      %mul3A_689 = arith.mulf %add3A_487, %gather3A_370 : vector<16xf32>
      %add3A_690 = arith.addf %add3A_688, %mul3A_689 : vector<16xf32>
      %mul3A_691 = arith.mulf %add3A_496, %gather3A_374 : vector<16xf32>
      %add3A_692 = arith.addf %add3A_690, %mul3A_691 : vector<16xf32>
      %mul3A_693 = arith.mulf %add3A_505, %gather3A_378 : vector<16xf32>
      %add3A_694 = arith.addf %add3A_692, %mul3A_693 : vector<16xf32>
      %mul3A_695 = arith.mulf %add3A_514, %gather3A_382 : vector<16xf32>
      %add3A_696 = arith.addf %add3A_694, %mul3A_695 : vector<16xf32>
      %mul3A_697 = arith.mulf %add3A_523, %gather3A_386 : vector<16xf32>
      %add3A_698 = arith.addf %add3A_696, %mul3A_697 : vector<16xf32>
      %add3A_699 = arith.constant 5 : i32
      %add3A_700 = vector.broadcast %add3A_699 : i32 to vector<16xi32>
      %add3A_701 = arith.addi %add3A_581, %add3A_700 : vector<16xi32>
      tpu.vector_store_idx %arg8[%add3A_701], %add3A_698 : memref<52224xf32, #tpu.memory_space<vmem>>[vector<16xi32>], vector<16xf32>,
      %mul3A_702 = arith.mulf %add3A_460, %gather3A_354 : vector<16xf32>
      %mul3A_703 = arith.mulf %add3A_469, %gather3A_358 : vector<16xf32>
      %add3A_704 = arith.addf %mul3A_702, %mul3A_703 : vector<16xf32>
      %mul3A_705 = arith.mulf %add3A_478, %gather3A_362 : vector<16xf32>
      %add3A_706 = arith.addf %add3A_704, %mul3A_705 : vector<16xf32>
      %mul3A_707 = arith.mulf %add3A_487, %gather3A_366 : vector<16xf32>
      %add3A_708 = arith.addf %add3A_706, %mul3A_707 : vector<16xf32>
      %mul3A_709 = arith.mulf %add3A_496, %gather3A_370 : vector<16xf32>
      %add3A_710 = arith.addf %add3A_708, %mul3A_709 : vector<16xf32>
      %mul3A_711 = arith.mulf %add3A_505, %gather3A_374 : vector<16xf32>
      %add3A_712 = arith.addf %add3A_710, %mul3A_711 : vector<16xf32>
      %mul3A_713 = arith.mulf %add3A_514, %gather3A_378 : vector<16xf32>
      %add3A_714 = arith.addf %add3A_712, %mul3A_713 : vector<16xf32>
      %mul3A_715 = arith.mulf %add3A_523, %gather3A_382 : vector<16xf32>
      %add3A_716 = arith.addf %add3A_714, %mul3A_715 : vector<16xf32>
      %mul3A_717 = arith.mulf %add3A_532, %gather3A_386 : vector<16xf32>
      %add3A_718 = arith.addf %add3A_716, %mul3A_717 : vector<16xf32>
      %add3A_719 = arith.constant 6 : i32
      %add3A_720 = vector.broadcast %add3A_719 : i32 to vector<16xi32>
      %add3A_721 = arith.addi %add3A_581, %add3A_720 : vector<16xi32>
      tpu.vector_store_idx %arg8[%add3A_721], %add3A_718 : memref<52224xf32, #tpu.memory_space<vmem>>[vector<16xi32>], vector<16xf32>,
      %mul3A_722 = arith.mulf %add3A_469, %gather3A_354 : vector<16xf32>
      %mul3A_723 = arith.mulf %add3A_478, %gather3A_358 : vector<16xf32>
      %add3A_724 = arith.addf %mul3A_722, %mul3A_723 : vector<16xf32>
      %mul3A_725 = arith.mulf %add3A_487, %gather3A_362 : vector<16xf32>
      %add3A_726 = arith.addf %add3A_724, %mul3A_725 : vector<16xf32>
      %mul3A_727 = arith.mulf %add3A_496, %gather3A_366 : vector<16xf32>
      %add3A_728 = arith.addf %add3A_726, %mul3A_727 : vector<16xf32>
      %mul3A_729 = arith.mulf %add3A_505, %gather3A_370 : vector<16xf32>
      %add3A_730 = arith.addf %add3A_728, %mul3A_729 : vector<16xf32>
      %mul3A_731 = arith.mulf %add3A_514, %gather3A_374 : vector<16xf32>
      %add3A_732 = arith.addf %add3A_730, %mul3A_731 : vector<16xf32>
      %mul3A_733 = arith.mulf %add3A_523, %gather3A_378 : vector<16xf32>
      %add3A_734 = arith.addf %add3A_732, %mul3A_733 : vector<16xf32>
      %mul3A_735 = arith.mulf %add3A_532, %gather3A_382 : vector<16xf32>
      %add3A_736 = arith.addf %add3A_734, %mul3A_735 : vector<16xf32>
      %mul3A_737 = arith.mulf %add3A_541, %gather3A_386 : vector<16xf32>
      %add3A_738 = arith.addf %add3A_736, %mul3A_737 : vector<16xf32>
      %add3A_739 = arith.constant 7 : i32
      %add3A_740 = vector.broadcast %add3A_739 : i32 to vector<16xi32>
      %add3A_741 = arith.addi %add3A_581, %add3A_740 : vector<16xi32>
      tpu.vector_store_idx %arg8[%add3A_741], %add3A_738 : memref<52224xf32, #tpu.memory_space<vmem>>[vector<16xi32>], vector<16xf32>,
      %mul3A_742 = arith.mulf %add3A_478, %gather3A_354 : vector<16xf32>
      %mul3A_743 = arith.mulf %add3A_487, %gather3A_358 : vector<16xf32>
      %add3A_744 = arith.addf %mul3A_742, %mul3A_743 : vector<16xf32>
      %mul3A_745 = arith.mulf %add3A_496, %gather3A_362 : vector<16xf32>
      %add3A_746 = arith.addf %add3A_744, %mul3A_745 : vector<16xf32>
      %mul3A_747 = arith.mulf %add3A_505, %gather3A_366 : vector<16xf32>
      %add3A_748 = arith.addf %add3A_746, %mul3A_747 : vector<16xf32>
      %mul3A_749 = arith.mulf %add3A_514, %gather3A_370 : vector<16xf32>
      %add3A_750 = arith.addf %add3A_748, %mul3A_749 : vector<16xf32>
      %mul3A_751 = arith.mulf %add3A_523, %gather3A_374 : vector<16xf32>
      %add3A_752 = arith.addf %add3A_750, %mul3A_751 : vector<16xf32>
      %mul3A_753 = arith.mulf %add3A_532, %gather3A_378 : vector<16xf32>
      %add3A_754 = arith.addf %add3A_752, %mul3A_753 : vector<16xf32>
      %mul3A_755 = arith.mulf %add3A_541, %gather3A_382 : vector<16xf32>
      %add3A_756 = arith.addf %add3A_754, %mul3A_755 : vector<16xf32>
      %mul3A_757 = arith.mulf %add3A_550, %gather3A_386 : vector<16xf32>
      %add3A_758 = arith.addf %add3A_756, %mul3A_757 : vector<16xf32>
      %add3A_759 = arith.constant 8 : i32
      %add3A_760 = vector.broadcast %add3A_759 : i32 to vector<16xi32>
      %add3A_761 = arith.addi %add3A_581, %add3A_760 : vector<16xi32>
      tpu.vector_store_idx %arg8[%add3A_761], %add3A_758 : memref<52224xf32, #tpu.memory_space<vmem>>[vector<16xi32>], vector<16xf32>,
      %mul3A_762 = arith.mulf %add3A_487, %gather3A_354 : vector<16xf32>
      %mul3A_763 = arith.mulf %add3A_496, %gather3A_358 : vector<16xf32>
      %add3A_764 = arith.addf %mul3A_762, %mul3A_763 : vector<16xf32>
      %mul3A_765 = arith.mulf %add3A_505, %gather3A_362 : vector<16xf32>
      %add3A_766 = arith.addf %add3A_764, %mul3A_765 : vector<16xf32>
      %mul3A_767 = arith.mulf %add3A_514, %gather3A_366 : vector<16xf32>
      %add3A_768 = arith.addf %add3A_766, %mul3A_767 : vector<16xf32>
      %mul3A_769 = arith.mulf %add3A_523, %gather3A_370 : vector<16xf32>
      %add3A_770 = arith.addf %add3A_768, %mul3A_769 : vector<16xf32>
      %mul3A_771 = arith.mulf %add3A_532, %gather3A_374 : vector<16xf32>
      %add3A_772 = arith.addf %add3A_770, %mul3A_771 : vector<16xf32>
      %mul3A_773 = arith.mulf %add3A_541, %gather3A_378 : vector<16xf32>
      %add3A_774 = arith.addf %add3A_772, %mul3A_773 : vector<16xf32>
      %mul3A_775 = arith.mulf %add3A_550, %gather3A_382 : vector<16xf32>
      %add3A_776 = arith.addf %add3A_774, %mul3A_775 : vector<16xf32>
      %mul3A_777 = arith.mulf %add3A_559, %gather3A_386 : vector<16xf32>
      %add3A_778 = arith.addf %add3A_776, %mul3A_777 : vector<16xf32>
      %add3A_779 = arith.constant 9 : i32
      %add3A_780 = vector.broadcast %add3A_779 : i32 to vector<16xi32>
      %add3A_781 = arith.addi %add3A_581, %add3A_780 : vector<16xi32>
      tpu.vector_store_idx %arg8[%add3A_781], %add3A_778 : memref<52224xf32, #tpu.memory_space<vmem>>[vector<16xi32>], vector<16xf32>,
      %mul3A_782 = arith.mulf %add3A_496, %gather3A_354 : vector<16xf32>
      %mul3A_783 = arith.mulf %add3A_505, %gather3A_358 : vector<16xf32>
      %add3A_784 = arith.addf %mul3A_782, %mul3A_783 : vector<16xf32>
      %mul3A_785 = arith.mulf %add3A_514, %gather3A_362 : vector<16xf32>
      %add3A_786 = arith.addf %add3A_784, %mul3A_785 : vector<16xf32>
      %mul3A_787 = arith.mulf %add3A_523, %gather3A_366 : vector<16xf32>
      %add3A_788 = arith.addf %add3A_786, %mul3A_787 : vector<16xf32>
      %mul3A_789 = arith.mulf %add3A_532, %gather3A_370 : vector<16xf32>
      %add3A_790 = arith.addf %add3A_788, %mul3A_789 : vector<16xf32>
      %mul3A_791 = arith.mulf %add3A_541, %gather3A_374 : vector<16xf32>
      %add3A_792 = arith.addf %add3A_790, %mul3A_791 : vector<16xf32>
      %mul3A_793 = arith.mulf %add3A_550, %gather3A_378 : vector<16xf32>
      %add3A_794 = arith.addf %add3A_792, %mul3A_793 : vector<16xf32>
      %mul3A_795 = arith.mulf %add3A_559, %gather3A_382 : vector<16xf32>
      %add3A_796 = arith.addf %add3A_794, %mul3A_795 : vector<16xf32>
      %mul3A_797 = arith.mulf %add3A_568, %gather3A_386 : vector<16xf32>
      %add3A_798 = arith.addf %add3A_796, %mul3A_797 : vector<16xf32>
      %add3A_799 = arith.constant 10 : i32
      %add3A_800 = vector.broadcast %add3A_799 : i32 to vector<16xi32>
      %add3A_801 = arith.addi %add3A_581, %add3A_800 : vector<16xi32>
      tpu.vector_store_idx %arg8[%add3A_801], %add3A_798 : memref<52224xf32, #tpu.memory_space<vmem>>[vector<16xi32>], vector<16xf32>,
      %mul3A_802 = arith.mulf %add3A_505, %gather3A_354 : vector<16xf32>
      %mul3A_803 = arith.mulf %add3A_514, %gather3A_358 : vector<16xf32>
      %add3A_804 = arith.addf %mul3A_802, %mul3A_803 : vector<16xf32>
      %mul3A_805 = arith.mulf %add3A_523, %gather3A_362 : vector<16xf32>
      %add3A_806 = arith.addf %add3A_804, %mul3A_805 : vector<16xf32>
      %mul3A_807 = arith.mulf %add3A_532, %gather3A_366 : vector<16xf32>
      %add3A_808 = arith.addf %add3A_806, %mul3A_807 : vector<16xf32>
      %mul3A_809 = arith.mulf %add3A_541, %gather3A_370 : vector<16xf32>
      %add3A_810 = arith.addf %add3A_808, %mul3A_809 : vector<16xf32>
      %mul3A_811 = arith.mulf %add3A_550, %gather3A_374 : vector<16xf32>
      %add3A_812 = arith.addf %add3A_810, %mul3A_811 : vector<16xf32>
      %mul3A_813 = arith.mulf %add3A_559, %gather3A_378 : vector<16xf32>
      %add3A_814 = arith.addf %add3A_812, %mul3A_813 : vector<16xf32>
      %mul3A_815 = arith.mulf %add3A_568, %gather3A_382 : vector<16xf32>
      %add3A_816 = arith.addf %add3A_814, %mul3A_815 : vector<16xf32>
      %mul3A_817 = arith.mulf %add3A_577, %gather3A_386 : vector<16xf32>
      %add3A_818 = arith.addf %add3A_816, %mul3A_817 : vector<16xf32>
      %add3A_819 = arith.constant 11 : i32
      %add3A_820 = vector.broadcast %add3A_819 : i32 to vector<16xi32>
      %add3A_821 = arith.addi %add3A_581, %add3A_820 : vector<16xi32>
      tpu.vector_store_idx %arg8[%add3A_821], %add3A_818 : memref<52224xf32, #tpu.memory_space<vmem>>[vector<16xi32>], vector<16xf32>,
      %scan3A_822 = arith.constant 0 : i32
      scf.yield %scan3A_822 : i32
    }
    %scan3A_104 = arith.constant 34 : i32
    %add3A_105 = arith.constant 32 : i32
    %add3A_106 = arith.addi %mul3A_2, %add3A_105 : i32
    %mul3A_107 = arith.constant 408 : i32
    %mul3A_108 = arith.muli %add3A_106, %mul3A_107 : i32
    %dma_start3A_109 = arith.constant 13056 : i32
    %dma_start3A_110 = tpu.memref_slice %arg8[%dma_start3A_109] : memref<52224xf32, #tpu.memory_space<vmem>> -> memref<6528xf32, #tpu.memory_space<vmem>>
    %dma_start3A_111 = tpu.memref_slice %arg5[%mul3A_108] : memref<1671168xf32, #tpu.memory_space<hbm>> -> memref<6528xf32, #tpu.memory_space<hbm>>
    %dma_start3A_112 = tpu.memref_slice %arg5[%mul3A_108] : memref<1671168xf32, #tpu.memory_space<hbm>> -> memref<6528xf32, #tpu.memory_space<hbm>>
    %dma_start3A_113 = arith.constant 13056 : i32
    %dma_start3A_114 = tpu.memref_slice %arg8[%dma_start3A_113] : memref<52224xf32, #tpu.memory_space<vmem>> -> memref<6528xf32, #tpu.memory_space<vmem>>
    tpu.enqueue_dma source(%dma_start3A_114 : memref<6528xf32, #tpu.memory_space<vmem>>) target(%dma_start3A_112 : memref<6528xf32, #tpu.memory_space<hbm>>) target_semaphore(%arg13 : memref<!tpu.dma_semaphore, #tpu.memory_space<semaphore_mem>>)
    %dma_wait3A_115 = tpu.memref_slice %arg2[%mul3A_84] : memref<1372160xf32, #tpu.memory_space<hbm>> -> memref<5360xf32, #tpu.memory_space<hbm>>
    %dma_wait3A_116 = tpu.memref_slice %arg2[%mul3A_84] : memref<1372160xf32, #tpu.memory_space<hbm>> -> memref<5360xf32, #tpu.memory_space<hbm>>
    tpu.wait_dma2 semaphore(%arg12 : memref<!tpu.dma_semaphore, #tpu.memory_space<semaphore_mem>>) src(%dma_wait3A_116 : memref<5360xf32, #tpu.memory_space<hbm>>) dst(%arg7 : memref<5360xf32, #tpu.memory_space<vmem>>)
    %add3A_117 = arith.constant 64 : i32
    %add3A_118 = arith.addi %mul3A_2, %add3A_117 : i32
    %mul3A_119 = arith.constant 335 : i32
    %mul3A_120 = arith.muli %add3A_118, %mul3A_119 : i32
    %dma_start3A_121 = tpu.memref_slice %arg2[%mul3A_120] : memref<1372160xf32, #tpu.memory_space<hbm>> -> memref<5360xf32, #tpu.memory_space<hbm>>
    %dma_start3A_122 = tpu.memref_slice %arg2[%mul3A_120] : memref<1372160xf32, #tpu.memory_space<hbm>> -> memref<5360xf32, #tpu.memory_space<hbm>>
    tpu.enqueue_dma source(%dma_start3A_122 : memref<5360xf32, #tpu.memory_space<hbm>>) target(%arg6 : memref<5360xf32, #tpu.memory_space<vmem>>) target_semaphore(%arg11 : memref<!tpu.dma_semaphore, #tpu.memory_space<semaphore_mem>>)
    %add3A_123 = arith.constant 48 : i32
    %add3A_124 = vector.broadcast %add3A_123 : i32 to vector<16xi32>
    %add3A_125 = arith.addi %iota3A, %add3A_124 : vector<16xi32>
    %mul3A_126 = arith.constant 408 : i32
    %mul3A_127 = vector.broadcast %mul3A_126 : i32 to vector<16xi32>
    %mul3A_128 = arith.muli %add3A_125, %mul3A_127 : vector<16xi32>
    %gather3A_129 = tpu.vector_load_idx %arg7[%mul3A_10] : memref<5360xf32, #tpu.memory_space<vmem>>[vector<16xi32>], vector<16xf32>,
    %convert_element_type3A_130 = arith.fptosi %gather3A_129 : vector<16xf32> to vector<16xi32>
    %mul3A_131 = arith.constant 34 : i32
    %mul3A_132 = vector.broadcast %mul3A_131 : i32 to vector<16xi32>
    %mul3A_133 = arith.muli %convert_element_type3A_130, %mul3A_132 : vector<16xi32>
    %scan3A_134 = arith.constant 0 : i32
    %scan3A_135 = arith.constant 0 : i32
    %scan3A_136 = arith.constant 34 : i32
    %scan3A_137 = arith.addi %scan3A_135, %scan3A_136 : i32
    %scan3A_138 = arith.constant 1 : i32
    %scan3A_139 = scf.for %scan3A_337 = %scan3A_135 to %scan3A_137 step %scan3A_138 iter_args(%scan3A_338 = %scan3A_134) -> (i32)  : i32 {
      %add3A_339 = vector.broadcast %scan3A_337 : i32 to vector<16xi32>
      %add3A_340 = arith.addi %mul3A_133, %add3A_339 : vector<16xi32>
      %gather3A_341 = tpu.vector_load_idx %arg9[%add3A_340] : memref<544xi32, #tpu.memory_space<vmem>>[vector<16xi32>], vector<16xi32>,
      %add3A_342 = arith.constant 301 : i32
      %add3A_343 = arith.addi %add3A_342, %scan3A_337 : i32
      %add3A_344 = vector.broadcast %add3A_343 : i32 to vector<16xi32>
      %add3A_345 = arith.addi %mul3A_10, %add3A_344 : vector<16xi32>
      %gather3A_346 = tpu.vector_load_idx %arg7[%add3A_345] : memref<5360xf32, #tpu.memory_space<vmem>>[vector<16xi32>], vector<16xf32>,
      %convert_element_type3A_347 = arith.fptosi %gather3A_346 : vector<16xf32> to vector<16xi32>
      %mul3A_348 = arith.constant 9 : i32
      %mul3A_349 = vector.broadcast %mul3A_348 : i32 to vector<16xi32>
      %mul3A_350 = arith.muli %convert_element_type3A_347, %mul3A_349 : vector<16xi32>
      %add3A_351 = arith.constant 0 : i32
      %add3A_352 = vector.broadcast %add3A_351 : i32 to vector<16xi32>
      %add3A_353 = arith.addi %mul3A_350, %add3A_352 : vector<16xi32>
      %gather3A_354 = tpu.vector_load_idx %arg10[%add3A_353] : memref<180xf32, #tpu.memory_space<vmem>>[vector<16xi32>], vector<16xf32>,
      %add3A_355 = arith.constant 1 : i32
      %add3A_356 = vector.broadcast %add3A_355 : i32 to vector<16xi32>
      %add3A_357 = arith.addi %mul3A_350, %add3A_356 : vector<16xi32>
      %gather3A_358 = tpu.vector_load_idx %arg10[%add3A_357] : memref<180xf32, #tpu.memory_space<vmem>>[vector<16xi32>], vector<16xf32>,
      %add3A_359 = arith.constant 2 : i32
      %add3A_360 = vector.broadcast %add3A_359 : i32 to vector<16xi32>
      %add3A_361 = arith.addi %mul3A_350, %add3A_360 : vector<16xi32>
      %gather3A_362 = tpu.vector_load_idx %arg10[%add3A_361] : memref<180xf32, #tpu.memory_space<vmem>>[vector<16xi32>], vector<16xf32>,
      %add3A_363 = arith.constant 3 : i32
      %add3A_364 = vector.broadcast %add3A_363 : i32 to vector<16xi32>
      %add3A_365 = arith.addi %mul3A_350, %add3A_364 : vector<16xi32>
      %gather3A_366 = tpu.vector_load_idx %arg10[%add3A_365] : memref<180xf32, #tpu.memory_space<vmem>>[vector<16xi32>], vector<16xf32>,
      %add3A_367 = arith.constant 4 : i32
      %add3A_368 = vector.broadcast %add3A_367 : i32 to vector<16xi32>
      %add3A_369 = arith.addi %mul3A_350, %add3A_368 : vector<16xi32>
      %gather3A_370 = tpu.vector_load_idx %arg10[%add3A_369] : memref<180xf32, #tpu.memory_space<vmem>>[vector<16xi32>], vector<16xf32>,
      %add3A_371 = arith.constant 5 : i32
      %add3A_372 = vector.broadcast %add3A_371 : i32 to vector<16xi32>
      %add3A_373 = arith.addi %mul3A_350, %add3A_372 : vector<16xi32>
      %gather3A_374 = tpu.vector_load_idx %arg10[%add3A_373] : memref<180xf32, #tpu.memory_space<vmem>>[vector<16xi32>], vector<16xf32>,
      %add3A_375 = arith.constant 6 : i32
      %add3A_376 = vector.broadcast %add3A_375 : i32 to vector<16xi32>
      %add3A_377 = arith.addi %mul3A_350, %add3A_376 : vector<16xi32>
      %gather3A_378 = tpu.vector_load_idx %arg10[%add3A_377] : memref<180xf32, #tpu.memory_space<vmem>>[vector<16xi32>], vector<16xf32>,
      %add3A_379 = arith.constant 7 : i32
      %add3A_380 = vector.broadcast %add3A_379 : i32 to vector<16xi32>
      %add3A_381 = arith.addi %mul3A_350, %add3A_380 : vector<16xi32>
      %gather3A_382 = tpu.vector_load_idx %arg10[%add3A_381] : memref<180xf32, #tpu.memory_space<vmem>>[vector<16xi32>], vector<16xf32>,
      %add3A_383 = arith.constant 8 : i32
      %add3A_384 = vector.broadcast %add3A_383 : i32 to vector<16xi32>
      %add3A_385 = arith.addi %mul3A_350, %add3A_384 : vector<16xi32>
      %gather3A_386 = tpu.vector_load_idx %arg10[%add3A_385] : memref<180xf32, #tpu.memory_space<vmem>>[vector<16xi32>], vector<16xf32>,
      %shift_right_logical3A = arith.constant 10 : i32
      %shift_right_logical3A_387 = vector.broadcast %shift_right_logical3A : i32 to vector<16xi32>
      %shift_right_logical3A_388 = arith.shrui %gather3A_341, %shift_right_logical3A_387 : vector<16xi32>
      %add3A_389 = arith.addi %mul3A_10, %shift_right_logical3A_388 : vector<16xi32>
      %sub3A = arith.constant 19 : i32
      %sub3A_390 = vector.broadcast %sub3A : i32 to vector<16xi32>
      %sub3A_391 = arith.subi %add3A_389, %sub3A_390 : vector<16xi32>
      %and3A = arith.constant 1023 : i32
      %and3A_392 = vector.broadcast %and3A : i32 to vector<16xi32>
      %and3A_393 = arith.andi %gather3A_341, %and3A_392 : vector<16xi32>
      %add3A_394 = arith.addi %mul3A_10, %and3A_393 : vector<16xi32>
      %sub3A_395 = arith.constant 19 : i32
      %sub3A_396 = vector.broadcast %sub3A_395 : i32 to vector<16xi32>
      %sub3A_397 = arith.subi %add3A_394, %sub3A_396 : vector<16xi32>
      %add3A_398 = arith.constant 0 : i32
      %add3A_399 = vector.broadcast %add3A_398 : i32 to vector<16xi32>
      %add3A_400 = arith.addi %sub3A_391, %add3A_399 : vector<16xi32>
      %gather3A_401 = tpu.vector_load_idx %arg7[%add3A_400] : memref<5360xf32, #tpu.memory_space<vmem>>[vector<16xi32>], vector<16xf32>,
      %add3A_402 = arith.constant 0 : i32
      %add3A_403 = vector.broadcast %add3A_402 : i32 to vector<16xi32>
      %add3A_404 = arith.addi %sub3A_397, %add3A_403 : vector<16xi32>
      %gather3A_405 = tpu.vector_load_idx %arg7[%add3A_404] : memref<5360xf32, #tpu.memory_space<vmem>>[vector<16xi32>], vector<16xf32>,
      %add3A_406 = arith.addf %gather3A_401, %gather3A_405 : vector<16xf32>
      %add3A_407 = arith.constant 1 : i32
      %add3A_408 = vector.broadcast %add3A_407 : i32 to vector<16xi32>
      %add3A_409 = arith.addi %sub3A_391, %add3A_408 : vector<16xi32>
      %gather3A_410 = tpu.vector_load_idx %arg7[%add3A_409] : memref<5360xf32, #tpu.memory_space<vmem>>[vector<16xi32>], vector<16xf32>,
      %add3A_411 = arith.constant 1 : i32
      %add3A_412 = vector.broadcast %add3A_411 : i32 to vector<16xi32>
      %add3A_413 = arith.addi %sub3A_397, %add3A_412 : vector<16xi32>
      %gather3A_414 = tpu.vector_load_idx %arg7[%add3A_413] : memref<5360xf32, #tpu.memory_space<vmem>>[vector<16xi32>], vector<16xf32>,
      %add3A_415 = arith.addf %gather3A_410, %gather3A_414 : vector<16xf32>
      %add3A_416 = arith.constant 2 : i32
      %add3A_417 = vector.broadcast %add3A_416 : i32 to vector<16xi32>
      %add3A_418 = arith.addi %sub3A_391, %add3A_417 : vector<16xi32>
      %gather3A_419 = tpu.vector_load_idx %arg7[%add3A_418] : memref<5360xf32, #tpu.memory_space<vmem>>[vector<16xi32>], vector<16xf32>,
      %add3A_420 = arith.constant 2 : i32
      %add3A_421 = vector.broadcast %add3A_420 : i32 to vector<16xi32>
      %add3A_422 = arith.addi %sub3A_397, %add3A_421 : vector<16xi32>
      %gather3A_423 = tpu.vector_load_idx %arg7[%add3A_422] : memref<5360xf32, #tpu.memory_space<vmem>>[vector<16xi32>], vector<16xf32>,
      %add3A_424 = arith.addf %gather3A_419, %gather3A_423 : vector<16xf32>
      %add3A_425 = arith.constant 3 : i32
      %add3A_426 = vector.broadcast %add3A_425 : i32 to vector<16xi32>
      %add3A_427 = arith.addi %sub3A_391, %add3A_426 : vector<16xi32>
      %gather3A_428 = tpu.vector_load_idx %arg7[%add3A_427] : memref<5360xf32, #tpu.memory_space<vmem>>[vector<16xi32>], vector<16xf32>,
      %add3A_429 = arith.constant 3 : i32
      %add3A_430 = vector.broadcast %add3A_429 : i32 to vector<16xi32>
      %add3A_431 = arith.addi %sub3A_397, %add3A_430 : vector<16xi32>
      %gather3A_432 = tpu.vector_load_idx %arg7[%add3A_431] : memref<5360xf32, #tpu.memory_space<vmem>>[vector<16xi32>], vector<16xf32>,
      %add3A_433 = arith.addf %gather3A_428, %gather3A_432 : vector<16xf32>
      %add3A_434 = arith.constant 4 : i32
      %add3A_435 = vector.broadcast %add3A_434 : i32 to vector<16xi32>
      %add3A_436 = arith.addi %sub3A_391, %add3A_435 : vector<16xi32>
      %gather3A_437 = tpu.vector_load_idx %arg7[%add3A_436] : memref<5360xf32, #tpu.memory_space<vmem>>[vector<16xi32>], vector<16xf32>,
      %add3A_438 = arith.constant 4 : i32
      %add3A_439 = vector.broadcast %add3A_438 : i32 to vector<16xi32>
      %add3A_440 = arith.addi %sub3A_397, %add3A_439 : vector<16xi32>
      %gather3A_441 = tpu.vector_load_idx %arg7[%add3A_440] : memref<5360xf32, #tpu.memory_space<vmem>>[vector<16xi32>], vector<16xf32>,
      %add3A_442 = arith.addf %gather3A_437, %gather3A_441 : vector<16xf32>
      %add3A_443 = arith.constant 5 : i32
      %add3A_444 = vector.broadcast %add3A_443 : i32 to vector<16xi32>
      %add3A_445 = arith.addi %sub3A_391, %add3A_444 : vector<16xi32>
      %gather3A_446 = tpu.vector_load_idx %arg7[%add3A_445] : memref<5360xf32, #tpu.memory_space<vmem>>[vector<16xi32>], vector<16xf32>,
      %add3A_447 = arith.constant 5 : i32
      %add3A_448 = vector.broadcast %add3A_447 : i32 to vector<16xi32>
      %add3A_449 = arith.addi %sub3A_397, %add3A_448 : vector<16xi32>
      %gather3A_450 = tpu.vector_load_idx %arg7[%add3A_449] : memref<5360xf32, #tpu.memory_space<vmem>>[vector<16xi32>], vector<16xf32>,
      %add3A_451 = arith.addf %gather3A_446, %gather3A_450 : vector<16xf32>
      %add3A_452 = arith.constant 6 : i32
      %add3A_453 = vector.broadcast %add3A_452 : i32 to vector<16xi32>
      %add3A_454 = arith.addi %sub3A_391, %add3A_453 : vector<16xi32>
      %gather3A_455 = tpu.vector_load_idx %arg7[%add3A_454] : memref<5360xf32, #tpu.memory_space<vmem>>[vector<16xi32>], vector<16xf32>,
      %add3A_456 = arith.constant 6 : i32
      %add3A_457 = vector.broadcast %add3A_456 : i32 to vector<16xi32>
      %add3A_458 = arith.addi %sub3A_397, %add3A_457 : vector<16xi32>
      %gather3A_459 = tpu.vector_load_idx %arg7[%add3A_458] : memref<5360xf32, #tpu.memory_space<vmem>>[vector<16xi32>], vector<16xf32>,
      %add3A_460 = arith.addf %gather3A_455, %gather3A_459 : vector<16xf32>
      %add3A_461 = arith.constant 7 : i32
      %add3A_462 = vector.broadcast %add3A_461 : i32 to vector<16xi32>
      %add3A_463 = arith.addi %sub3A_391, %add3A_462 : vector<16xi32>
      %gather3A_464 = tpu.vector_load_idx %arg7[%add3A_463] : memref<5360xf32, #tpu.memory_space<vmem>>[vector<16xi32>], vector<16xf32>,
      %add3A_465 = arith.constant 7 : i32
      %add3A_466 = vector.broadcast %add3A_465 : i32 to vector<16xi32>
      %add3A_467 = arith.addi %sub3A_397, %add3A_466 : vector<16xi32>
      %gather3A_468 = tpu.vector_load_idx %arg7[%add3A_467] : memref<5360xf32, #tpu.memory_space<vmem>>[vector<16xi32>], vector<16xf32>,
      %add3A_469 = arith.addf %gather3A_464, %gather3A_468 : vector<16xf32>
      %add3A_470 = arith.constant 8 : i32
      %add3A_471 = vector.broadcast %add3A_470 : i32 to vector<16xi32>
      %add3A_472 = arith.addi %sub3A_391, %add3A_471 : vector<16xi32>
      %gather3A_473 = tpu.vector_load_idx %arg7[%add3A_472] : memref<5360xf32, #tpu.memory_space<vmem>>[vector<16xi32>], vector<16xf32>,
      %add3A_474 = arith.constant 8 : i32
      %add3A_475 = vector.broadcast %add3A_474 : i32 to vector<16xi32>
      %add3A_476 = arith.addi %sub3A_397, %add3A_475 : vector<16xi32>
      %gather3A_477 = tpu.vector_load_idx %arg7[%add3A_476] : memref<5360xf32, #tpu.memory_space<vmem>>[vector<16xi32>], vector<16xf32>,
      %add3A_478 = arith.addf %gather3A_473, %gather3A_477 : vector<16xf32>
      %add3A_479 = arith.constant 9 : i32
      %add3A_480 = vector.broadcast %add3A_479 : i32 to vector<16xi32>
      %add3A_481 = arith.addi %sub3A_391, %add3A_480 : vector<16xi32>
      %gather3A_482 = tpu.vector_load_idx %arg7[%add3A_481] : memref<5360xf32, #tpu.memory_space<vmem>>[vector<16xi32>], vector<16xf32>,
      %add3A_483 = arith.constant 9 : i32
      %add3A_484 = vector.broadcast %add3A_483 : i32 to vector<16xi32>
      %add3A_485 = arith.addi %sub3A_397, %add3A_484 : vector<16xi32>
      %gather3A_486 = tpu.vector_load_idx %arg7[%add3A_485] : memref<5360xf32, #tpu.memory_space<vmem>>[vector<16xi32>], vector<16xf32>,
      %add3A_487 = arith.addf %gather3A_482, %gather3A_486 : vector<16xf32>
      %add3A_488 = arith.constant 10 : i32
      %add3A_489 = vector.broadcast %add3A_488 : i32 to vector<16xi32>
      %add3A_490 = arith.addi %sub3A_391, %add3A_489 : vector<16xi32>
      %gather3A_491 = tpu.vector_load_idx %arg7[%add3A_490] : memref<5360xf32, #tpu.memory_space<vmem>>[vector<16xi32>], vector<16xf32>,
      %add3A_492 = arith.constant 10 : i32
      %add3A_493 = vector.broadcast %add3A_492 : i32 to vector<16xi32>
      %add3A_494 = arith.addi %sub3A_397, %add3A_493 : vector<16xi32>
      %gather3A_495 = tpu.vector_load_idx %arg7[%add3A_494] : memref<5360xf32, #tpu.memory_space<vmem>>[vector<16xi32>], vector<16xf32>,
      %add3A_496 = arith.addf %gather3A_491, %gather3A_495 : vector<16xf32>
      %add3A_497 = arith.constant 11 : i32
      %add3A_498 = vector.broadcast %add3A_497 : i32 to vector<16xi32>
      %add3A_499 = arith.addi %sub3A_391, %add3A_498 : vector<16xi32>
      %gather3A_500 = tpu.vector_load_idx %arg7[%add3A_499] : memref<5360xf32, #tpu.memory_space<vmem>>[vector<16xi32>], vector<16xf32>,
      %add3A_501 = arith.constant 11 : i32
      %add3A_502 = vector.broadcast %add3A_501 : i32 to vector<16xi32>
      %add3A_503 = arith.addi %sub3A_397, %add3A_502 : vector<16xi32>
      %gather3A_504 = tpu.vector_load_idx %arg7[%add3A_503] : memref<5360xf32, #tpu.memory_space<vmem>>[vector<16xi32>], vector<16xf32>,
      %add3A_505 = arith.addf %gather3A_500, %gather3A_504 : vector<16xf32>
      %add3A_506 = arith.constant 12 : i32
      %add3A_507 = vector.broadcast %add3A_506 : i32 to vector<16xi32>
      %add3A_508 = arith.addi %sub3A_391, %add3A_507 : vector<16xi32>
      %gather3A_509 = tpu.vector_load_idx %arg7[%add3A_508] : memref<5360xf32, #tpu.memory_space<vmem>>[vector<16xi32>], vector<16xf32>,
      %add3A_510 = arith.constant 12 : i32
      %add3A_511 = vector.broadcast %add3A_510 : i32 to vector<16xi32>
      %add3A_512 = arith.addi %sub3A_397, %add3A_511 : vector<16xi32>
      %gather3A_513 = tpu.vector_load_idx %arg7[%add3A_512] : memref<5360xf32, #tpu.memory_space<vmem>>[vector<16xi32>], vector<16xf32>,
      %add3A_514 = arith.addf %gather3A_509, %gather3A_513 : vector<16xf32>
      %add3A_515 = arith.constant 13 : i32
      %add3A_516 = vector.broadcast %add3A_515 : i32 to vector<16xi32>
      %add3A_517 = arith.addi %sub3A_391, %add3A_516 : vector<16xi32>
      %gather3A_518 = tpu.vector_load_idx %arg7[%add3A_517] : memref<5360xf32, #tpu.memory_space<vmem>>[vector<16xi32>], vector<16xf32>,
      %add3A_519 = arith.constant 13 : i32
      %add3A_520 = vector.broadcast %add3A_519 : i32 to vector<16xi32>
      %add3A_521 = arith.addi %sub3A_397, %add3A_520 : vector<16xi32>
      %gather3A_522 = tpu.vector_load_idx %arg7[%add3A_521] : memref<5360xf32, #tpu.memory_space<vmem>>[vector<16xi32>], vector<16xf32>,
      %add3A_523 = arith.addf %gather3A_518, %gather3A_522 : vector<16xf32>
      %add3A_524 = arith.constant 14 : i32
      %add3A_525 = vector.broadcast %add3A_524 : i32 to vector<16xi32>
      %add3A_526 = arith.addi %sub3A_391, %add3A_525 : vector<16xi32>
      %gather3A_527 = tpu.vector_load_idx %arg7[%add3A_526] : memref<5360xf32, #tpu.memory_space<vmem>>[vector<16xi32>], vector<16xf32>,
      %add3A_528 = arith.constant 14 : i32
      %add3A_529 = vector.broadcast %add3A_528 : i32 to vector<16xi32>
      %add3A_530 = arith.addi %sub3A_397, %add3A_529 : vector<16xi32>
      %gather3A_531 = tpu.vector_load_idx %arg7[%add3A_530] : memref<5360xf32, #tpu.memory_space<vmem>>[vector<16xi32>], vector<16xf32>,
      %add3A_532 = arith.addf %gather3A_527, %gather3A_531 : vector<16xf32>
      %add3A_533 = arith.constant 15 : i32
      %add3A_534 = vector.broadcast %add3A_533 : i32 to vector<16xi32>
      %add3A_535 = arith.addi %sub3A_391, %add3A_534 : vector<16xi32>
      %gather3A_536 = tpu.vector_load_idx %arg7[%add3A_535] : memref<5360xf32, #tpu.memory_space<vmem>>[vector<16xi32>], vector<16xf32>,
      %add3A_537 = arith.constant 15 : i32
      %add3A_538 = vector.broadcast %add3A_537 : i32 to vector<16xi32>
      %add3A_539 = arith.addi %sub3A_397, %add3A_538 : vector<16xi32>
      %gather3A_540 = tpu.vector_load_idx %arg7[%add3A_539] : memref<5360xf32, #tpu.memory_space<vmem>>[vector<16xi32>], vector<16xf32>,
      %add3A_541 = arith.addf %gather3A_536, %gather3A_540 : vector<16xf32>
      %add3A_542 = arith.constant 16 : i32
      %add3A_543 = vector.broadcast %add3A_542 : i32 to vector<16xi32>
      %add3A_544 = arith.addi %sub3A_391, %add3A_543 : vector<16xi32>
      %gather3A_545 = tpu.vector_load_idx %arg7[%add3A_544] : memref<5360xf32, #tpu.memory_space<vmem>>[vector<16xi32>], vector<16xf32>,
      %add3A_546 = arith.constant 16 : i32
      %add3A_547 = vector.broadcast %add3A_546 : i32 to vector<16xi32>
      %add3A_548 = arith.addi %sub3A_397, %add3A_547 : vector<16xi32>
      %gather3A_549 = tpu.vector_load_idx %arg7[%add3A_548] : memref<5360xf32, #tpu.memory_space<vmem>>[vector<16xi32>], vector<16xf32>,
      %add3A_550 = arith.addf %gather3A_545, %gather3A_549 : vector<16xf32>
      %add3A_551 = arith.constant 17 : i32
      %add3A_552 = vector.broadcast %add3A_551 : i32 to vector<16xi32>
      %add3A_553 = arith.addi %sub3A_391, %add3A_552 : vector<16xi32>
      %gather3A_554 = tpu.vector_load_idx %arg7[%add3A_553] : memref<5360xf32, #tpu.memory_space<vmem>>[vector<16xi32>], vector<16xf32>,
      %add3A_555 = arith.constant 17 : i32
      %add3A_556 = vector.broadcast %add3A_555 : i32 to vector<16xi32>
      %add3A_557 = arith.addi %sub3A_397, %add3A_556 : vector<16xi32>
      %gather3A_558 = tpu.vector_load_idx %arg7[%add3A_557] : memref<5360xf32, #tpu.memory_space<vmem>>[vector<16xi32>], vector<16xf32>,
      %add3A_559 = arith.addf %gather3A_554, %gather3A_558 : vector<16xf32>
      %add3A_560 = arith.constant 18 : i32
      %add3A_561 = vector.broadcast %add3A_560 : i32 to vector<16xi32>
      %add3A_562 = arith.addi %sub3A_391, %add3A_561 : vector<16xi32>
      %gather3A_563 = tpu.vector_load_idx %arg7[%add3A_562] : memref<5360xf32, #tpu.memory_space<vmem>>[vector<16xi32>], vector<16xf32>,
      %add3A_564 = arith.constant 18 : i32
      %add3A_565 = vector.broadcast %add3A_564 : i32 to vector<16xi32>
      %add3A_566 = arith.addi %sub3A_397, %add3A_565 : vector<16xi32>
      %gather3A_567 = tpu.vector_load_idx %arg7[%add3A_566] : memref<5360xf32, #tpu.memory_space<vmem>>[vector<16xi32>], vector<16xf32>,
      %add3A_568 = arith.addf %gather3A_563, %gather3A_567 : vector<16xf32>
      %add3A_569 = arith.constant 19 : i32
      %add3A_570 = vector.broadcast %add3A_569 : i32 to vector<16xi32>
      %add3A_571 = arith.addi %sub3A_391, %add3A_570 : vector<16xi32>
      %gather3A_572 = tpu.vector_load_idx %arg7[%add3A_571] : memref<5360xf32, #tpu.memory_space<vmem>>[vector<16xi32>], vector<16xf32>,
      %add3A_573 = arith.constant 19 : i32
      %add3A_574 = vector.broadcast %add3A_573 : i32 to vector<16xi32>
      %add3A_575 = arith.addi %sub3A_397, %add3A_574 : vector<16xi32>
      %gather3A_576 = tpu.vector_load_idx %arg7[%add3A_575] : memref<5360xf32, #tpu.memory_space<vmem>>[vector<16xi32>], vector<16xf32>,
      %add3A_577 = arith.addf %gather3A_572, %gather3A_576 : vector<16xf32>
      %mul3A_578 = arith.constant 12 : i32
      %mul3A_579 = arith.muli %scan3A_337, %mul3A_578 : i32
      %add3A_580 = vector.broadcast %mul3A_579 : i32 to vector<16xi32>
      %add3A_581 = arith.addi %mul3A_128, %add3A_580 : vector<16xi32>
      %mul3A_582 = arith.mulf %add3A_406, %gather3A_354 : vector<16xf32>
      %mul3A_583 = arith.mulf %add3A_415, %gather3A_358 : vector<16xf32>
      %add3A_584 = arith.addf %mul3A_582, %mul3A_583 : vector<16xf32>
      %mul3A_585 = arith.mulf %add3A_424, %gather3A_362 : vector<16xf32>
      %add3A_586 = arith.addf %add3A_584, %mul3A_585 : vector<16xf32>
      %mul3A_587 = arith.mulf %add3A_433, %gather3A_366 : vector<16xf32>
      %add3A_588 = arith.addf %add3A_586, %mul3A_587 : vector<16xf32>
      %mul3A_589 = arith.mulf %add3A_442, %gather3A_370 : vector<16xf32>
      %add3A_590 = arith.addf %add3A_588, %mul3A_589 : vector<16xf32>
      %mul3A_591 = arith.mulf %add3A_451, %gather3A_374 : vector<16xf32>
      %add3A_592 = arith.addf %add3A_590, %mul3A_591 : vector<16xf32>
      %mul3A_593 = arith.mulf %add3A_460, %gather3A_378 : vector<16xf32>
      %add3A_594 = arith.addf %add3A_592, %mul3A_593 : vector<16xf32>
      %mul3A_595 = arith.mulf %add3A_469, %gather3A_382 : vector<16xf32>
      %add3A_596 = arith.addf %add3A_594, %mul3A_595 : vector<16xf32>
      %mul3A_597 = arith.mulf %add3A_478, %gather3A_386 : vector<16xf32>
      %add3A_598 = arith.addf %add3A_596, %mul3A_597 : vector<16xf32>
      %add3A_599 = arith.constant 0 : i32
      %add3A_600 = vector.broadcast %add3A_599 : i32 to vector<16xi32>
      %add3A_601 = arith.addi %add3A_581, %add3A_600 : vector<16xi32>
      tpu.vector_store_idx %arg8[%add3A_601], %add3A_598 : memref<52224xf32, #tpu.memory_space<vmem>>[vector<16xi32>], vector<16xf32>,
      %mul3A_602 = arith.mulf %add3A_415, %gather3A_354 : vector<16xf32>
      %mul3A_603 = arith.mulf %add3A_424, %gather3A_358 : vector<16xf32>
      %add3A_604 = arith.addf %mul3A_602, %mul3A_603 : vector<16xf32>
      %mul3A_605 = arith.mulf %add3A_433, %gather3A_362 : vector<16xf32>
      %add3A_606 = arith.addf %add3A_604, %mul3A_605 : vector<16xf32>
      %mul3A_607 = arith.mulf %add3A_442, %gather3A_366 : vector<16xf32>
      %add3A_608 = arith.addf %add3A_606, %mul3A_607 : vector<16xf32>
      %mul3A_609 = arith.mulf %add3A_451, %gather3A_370 : vector<16xf32>
      %add3A_610 = arith.addf %add3A_608, %mul3A_609 : vector<16xf32>
      %mul3A_611 = arith.mulf %add3A_460, %gather3A_374 : vector<16xf32>
      %add3A_612 = arith.addf %add3A_610, %mul3A_611 : vector<16xf32>
      %mul3A_613 = arith.mulf %add3A_469, %gather3A_378 : vector<16xf32>
      %add3A_614 = arith.addf %add3A_612, %mul3A_613 : vector<16xf32>
      %mul3A_615 = arith.mulf %add3A_478, %gather3A_382 : vector<16xf32>
      %add3A_616 = arith.addf %add3A_614, %mul3A_615 : vector<16xf32>
      %mul3A_617 = arith.mulf %add3A_487, %gather3A_386 : vector<16xf32>
      %add3A_618 = arith.addf %add3A_616, %mul3A_617 : vector<16xf32>
      %add3A_619 = arith.constant 1 : i32
      %add3A_620 = vector.broadcast %add3A_619 : i32 to vector<16xi32>
      %add3A_621 = arith.addi %add3A_581, %add3A_620 : vector<16xi32>
      tpu.vector_store_idx %arg8[%add3A_621], %add3A_618 : memref<52224xf32, #tpu.memory_space<vmem>>[vector<16xi32>], vector<16xf32>,
      %mul3A_622 = arith.mulf %add3A_424, %gather3A_354 : vector<16xf32>
      %mul3A_623 = arith.mulf %add3A_433, %gather3A_358 : vector<16xf32>
      %add3A_624 = arith.addf %mul3A_622, %mul3A_623 : vector<16xf32>
      %mul3A_625 = arith.mulf %add3A_442, %gather3A_362 : vector<16xf32>
      %add3A_626 = arith.addf %add3A_624, %mul3A_625 : vector<16xf32>
      %mul3A_627 = arith.mulf %add3A_451, %gather3A_366 : vector<16xf32>
      %add3A_628 = arith.addf %add3A_626, %mul3A_627 : vector<16xf32>
      %mul3A_629 = arith.mulf %add3A_460, %gather3A_370 : vector<16xf32>
      %add3A_630 = arith.addf %add3A_628, %mul3A_629 : vector<16xf32>
      %mul3A_631 = arith.mulf %add3A_469, %gather3A_374 : vector<16xf32>
      %add3A_632 = arith.addf %add3A_630, %mul3A_631 : vector<16xf32>
      %mul3A_633 = arith.mulf %add3A_478, %gather3A_378 : vector<16xf32>
      %add3A_634 = arith.addf %add3A_632, %mul3A_633 : vector<16xf32>
      %mul3A_635 = arith.mulf %add3A_487, %gather3A_382 : vector<16xf32>
      %add3A_636 = arith.addf %add3A_634, %mul3A_635 : vector<16xf32>
      %mul3A_637 = arith.mulf %add3A_496, %gather3A_386 : vector<16xf32>
      %add3A_638 = arith.addf %add3A_636, %mul3A_637 : vector<16xf32>
      %add3A_639 = arith.constant 2 : i32
      %add3A_640 = vector.broadcast %add3A_639 : i32 to vector<16xi32>
      %add3A_641 = arith.addi %add3A_581, %add3A_640 : vector<16xi32>
      tpu.vector_store_idx %arg8[%add3A_641], %add3A_638 : memref<52224xf32, #tpu.memory_space<vmem>>[vector<16xi32>], vector<16xf32>,
      %mul3A_642 = arith.mulf %add3A_433, %gather3A_354 : vector<16xf32>
      %mul3A_643 = arith.mulf %add3A_442, %gather3A_358 : vector<16xf32>
      %add3A_644 = arith.addf %mul3A_642, %mul3A_643 : vector<16xf32>
      %mul3A_645 = arith.mulf %add3A_451, %gather3A_362 : vector<16xf32>
      %add3A_646 = arith.addf %add3A_644, %mul3A_645 : vector<16xf32>
      %mul3A_647 = arith.mulf %add3A_460, %gather3A_366 : vector<16xf32>
      %add3A_648 = arith.addf %add3A_646, %mul3A_647 : vector<16xf32>
      %mul3A_649 = arith.mulf %add3A_469, %gather3A_370 : vector<16xf32>
      %add3A_650 = arith.addf %add3A_648, %mul3A_649 : vector<16xf32>
      %mul3A_651 = arith.mulf %add3A_478, %gather3A_374 : vector<16xf32>
      %add3A_652 = arith.addf %add3A_650, %mul3A_651 : vector<16xf32>
      %mul3A_653 = arith.mulf %add3A_487, %gather3A_378 : vector<16xf32>
      %add3A_654 = arith.addf %add3A_652, %mul3A_653 : vector<16xf32>
      %mul3A_655 = arith.mulf %add3A_496, %gather3A_382 : vector<16xf32>
      %add3A_656 = arith.addf %add3A_654, %mul3A_655 : vector<16xf32>
      %mul3A_657 = arith.mulf %add3A_505, %gather3A_386 : vector<16xf32>
      %add3A_658 = arith.addf %add3A_656, %mul3A_657 : vector<16xf32>
      %add3A_659 = arith.constant 3 : i32
      %add3A_660 = vector.broadcast %add3A_659 : i32 to vector<16xi32>
      %add3A_661 = arith.addi %add3A_581, %add3A_660 : vector<16xi32>
      tpu.vector_store_idx %arg8[%add3A_661], %add3A_658 : memref<52224xf32, #tpu.memory_space<vmem>>[vector<16xi32>], vector<16xf32>,
      %mul3A_662 = arith.mulf %add3A_442, %gather3A_354 : vector<16xf32>
      %mul3A_663 = arith.mulf %add3A_451, %gather3A_358 : vector<16xf32>
      %add3A_664 = arith.addf %mul3A_662, %mul3A_663 : vector<16xf32>
      %mul3A_665 = arith.mulf %add3A_460, %gather3A_362 : vector<16xf32>
      %add3A_666 = arith.addf %add3A_664, %mul3A_665 : vector<16xf32>
      %mul3A_667 = arith.mulf %add3A_469, %gather3A_366 : vector<16xf32>
      %add3A_668 = arith.addf %add3A_666, %mul3A_667 : vector<16xf32>
      %mul3A_669 = arith.mulf %add3A_478, %gather3A_370 : vector<16xf32>
      %add3A_670 = arith.addf %add3A_668, %mul3A_669 : vector<16xf32>
      %mul3A_671 = arith.mulf %add3A_487, %gather3A_374 : vector<16xf32>
      %add3A_672 = arith.addf %add3A_670, %mul3A_671 : vector<16xf32>
      %mul3A_673 = arith.mulf %add3A_496, %gather3A_378 : vector<16xf32>
      %add3A_674 = arith.addf %add3A_672, %mul3A_673 : vector<16xf32>
      %mul3A_675 = arith.mulf %add3A_505, %gather3A_382 : vector<16xf32>
      %add3A_676 = arith.addf %add3A_674, %mul3A_675 : vector<16xf32>
      %mul3A_677 = arith.mulf %add3A_514, %gather3A_386 : vector<16xf32>
      %add3A_678 = arith.addf %add3A_676, %mul3A_677 : vector<16xf32>
      %add3A_679 = arith.constant 4 : i32
      %add3A_680 = vector.broadcast %add3A_679 : i32 to vector<16xi32>
      %add3A_681 = arith.addi %add3A_581, %add3A_680 : vector<16xi32>
      tpu.vector_store_idx %arg8[%add3A_681], %add3A_678 : memref<52224xf32, #tpu.memory_space<vmem>>[vector<16xi32>], vector<16xf32>,
      %mul3A_682 = arith.mulf %add3A_451, %gather3A_354 : vector<16xf32>
      %mul3A_683 = arith.mulf %add3A_460, %gather3A_358 : vector<16xf32>
      %add3A_684 = arith.addf %mul3A_682, %mul3A_683 : vector<16xf32>
      %mul3A_685 = arith.mulf %add3A_469, %gather3A_362 : vector<16xf32>
      %add3A_686 = arith.addf %add3A_684, %mul3A_685 : vector<16xf32>
      %mul3A_687 = arith.mulf %add3A_478, %gather3A_366 : vector<16xf32>
      %add3A_688 = arith.addf %add3A_686, %mul3A_687 : vector<16xf32>
      %mul3A_689 = arith.mulf %add3A_487, %gather3A_370 : vector<16xf32>
      %add3A_690 = arith.addf %add3A_688, %mul3A_689 : vector<16xf32>
      %mul3A_691 = arith.mulf %add3A_496, %gather3A_374 : vector<16xf32>
      %add3A_692 = arith.addf %add3A_690, %mul3A_691 : vector<16xf32>
      %mul3A_693 = arith.mulf %add3A_505, %gather3A_378 : vector<16xf32>
      %add3A_694 = arith.addf %add3A_692, %mul3A_693 : vector<16xf32>
      %mul3A_695 = arith.mulf %add3A_514, %gather3A_382 : vector<16xf32>
      %add3A_696 = arith.addf %add3A_694, %mul3A_695 : vector<16xf32>
      %mul3A_697 = arith.mulf %add3A_523, %gather3A_386 : vector<16xf32>
      %add3A_698 = arith.addf %add3A_696, %mul3A_697 : vector<16xf32>
      %add3A_699 = arith.constant 5 : i32
      %add3A_700 = vector.broadcast %add3A_699 : i32 to vector<16xi32>
      %add3A_701 = arith.addi %add3A_581, %add3A_700 : vector<16xi32>
      tpu.vector_store_idx %arg8[%add3A_701], %add3A_698 : memref<52224xf32, #tpu.memory_space<vmem>>[vector<16xi32>], vector<16xf32>,
      %mul3A_702 = arith.mulf %add3A_460, %gather3A_354 : vector<16xf32>
      %mul3A_703 = arith.mulf %add3A_469, %gather3A_358 : vector<16xf32>
      %add3A_704 = arith.addf %mul3A_702, %mul3A_703 : vector<16xf32>
      %mul3A_705 = arith.mulf %add3A_478, %gather3A_362 : vector<16xf32>
      %add3A_706 = arith.addf %add3A_704, %mul3A_705 : vector<16xf32>
      %mul3A_707 = arith.mulf %add3A_487, %gather3A_366 : vector<16xf32>
      %add3A_708 = arith.addf %add3A_706, %mul3A_707 : vector<16xf32>
      %mul3A_709 = arith.mulf %add3A_496, %gather3A_370 : vector<16xf32>
      %add3A_710 = arith.addf %add3A_708, %mul3A_709 : vector<16xf32>
      %mul3A_711 = arith.mulf %add3A_505, %gather3A_374 : vector<16xf32>
      %add3A_712 = arith.addf %add3A_710, %mul3A_711 : vector<16xf32>
      %mul3A_713 = arith.mulf %add3A_514, %gather3A_378 : vector<16xf32>
      %add3A_714 = arith.addf %add3A_712, %mul3A_713 : vector<16xf32>
      %mul3A_715 = arith.mulf %add3A_523, %gather3A_382 : vector<16xf32>
      %add3A_716 = arith.addf %add3A_714, %mul3A_715 : vector<16xf32>
      %mul3A_717 = arith.mulf %add3A_532, %gather3A_386 : vector<16xf32>
      %add3A_718 = arith.addf %add3A_716, %mul3A_717 : vector<16xf32>
      %add3A_719 = arith.constant 6 : i32
      %add3A_720 = vector.broadcast %add3A_719 : i32 to vector<16xi32>
      %add3A_721 = arith.addi %add3A_581, %add3A_720 : vector<16xi32>
      tpu.vector_store_idx %arg8[%add3A_721], %add3A_718 : memref<52224xf32, #tpu.memory_space<vmem>>[vector<16xi32>], vector<16xf32>,
      %mul3A_722 = arith.mulf %add3A_469, %gather3A_354 : vector<16xf32>
      %mul3A_723 = arith.mulf %add3A_478, %gather3A_358 : vector<16xf32>
      %add3A_724 = arith.addf %mul3A_722, %mul3A_723 : vector<16xf32>
      %mul3A_725 = arith.mulf %add3A_487, %gather3A_362 : vector<16xf32>
      %add3A_726 = arith.addf %add3A_724, %mul3A_725 : vector<16xf32>
      %mul3A_727 = arith.mulf %add3A_496, %gather3A_366 : vector<16xf32>
      %add3A_728 = arith.addf %add3A_726, %mul3A_727 : vector<16xf32>
      %mul3A_729 = arith.mulf %add3A_505, %gather3A_370 : vector<16xf32>
      %add3A_730 = arith.addf %add3A_728, %mul3A_729 : vector<16xf32>
      %mul3A_731 = arith.mulf %add3A_514, %gather3A_374 : vector<16xf32>
      %add3A_732 = arith.addf %add3A_730, %mul3A_731 : vector<16xf32>
      %mul3A_733 = arith.mulf %add3A_523, %gather3A_378 : vector<16xf32>
      %add3A_734 = arith.addf %add3A_732, %mul3A_733 : vector<16xf32>
      %mul3A_735 = arith.mulf %add3A_532, %gather3A_382 : vector<16xf32>
      %add3A_736 = arith.addf %add3A_734, %mul3A_735 : vector<16xf32>
      %mul3A_737 = arith.mulf %add3A_541, %gather3A_386 : vector<16xf32>
      %add3A_738 = arith.addf %add3A_736, %mul3A_737 : vector<16xf32>
      %add3A_739 = arith.constant 7 : i32
      %add3A_740 = vector.broadcast %add3A_739 : i32 to vector<16xi32>
      %add3A_741 = arith.addi %add3A_581, %add3A_740 : vector<16xi32>
      tpu.vector_store_idx %arg8[%add3A_741], %add3A_738 : memref<52224xf32, #tpu.memory_space<vmem>>[vector<16xi32>], vector<16xf32>,
      %mul3A_742 = arith.mulf %add3A_478, %gather3A_354 : vector<16xf32>
      %mul3A_743 = arith.mulf %add3A_487, %gather3A_358 : vector<16xf32>
      %add3A_744 = arith.addf %mul3A_742, %mul3A_743 : vector<16xf32>
      %mul3A_745 = arith.mulf %add3A_496, %gather3A_362 : vector<16xf32>
      %add3A_746 = arith.addf %add3A_744, %mul3A_745 : vector<16xf32>
      %mul3A_747 = arith.mulf %add3A_505, %gather3A_366 : vector<16xf32>
      %add3A_748 = arith.addf %add3A_746, %mul3A_747 : vector<16xf32>
      %mul3A_749 = arith.mulf %add3A_514, %gather3A_370 : vector<16xf32>
      %add3A_750 = arith.addf %add3A_748, %mul3A_749 : vector<16xf32>
      %mul3A_751 = arith.mulf %add3A_523, %gather3A_374 : vector<16xf32>
      %add3A_752 = arith.addf %add3A_750, %mul3A_751 : vector<16xf32>
      %mul3A_753 = arith.mulf %add3A_532, %gather3A_378 : vector<16xf32>
      %add3A_754 = arith.addf %add3A_752, %mul3A_753 : vector<16xf32>
      %mul3A_755 = arith.mulf %add3A_541, %gather3A_382 : vector<16xf32>
      %add3A_756 = arith.addf %add3A_754, %mul3A_755 : vector<16xf32>
      %mul3A_757 = arith.mulf %add3A_550, %gather3A_386 : vector<16xf32>
      %add3A_758 = arith.addf %add3A_756, %mul3A_757 : vector<16xf32>
      %add3A_759 = arith.constant 8 : i32
      %add3A_760 = vector.broadcast %add3A_759 : i32 to vector<16xi32>
      %add3A_761 = arith.addi %add3A_581, %add3A_760 : vector<16xi32>
      tpu.vector_store_idx %arg8[%add3A_761], %add3A_758 : memref<52224xf32, #tpu.memory_space<vmem>>[vector<16xi32>], vector<16xf32>,
      %mul3A_762 = arith.mulf %add3A_487, %gather3A_354 : vector<16xf32>
      %mul3A_763 = arith.mulf %add3A_496, %gather3A_358 : vector<16xf32>
      %add3A_764 = arith.addf %mul3A_762, %mul3A_763 : vector<16xf32>
      %mul3A_765 = arith.mulf %add3A_505, %gather3A_362 : vector<16xf32>
      %add3A_766 = arith.addf %add3A_764, %mul3A_765 : vector<16xf32>
      %mul3A_767 = arith.mulf %add3A_514, %gather3A_366 : vector<16xf32>
      %add3A_768 = arith.addf %add3A_766, %mul3A_767 : vector<16xf32>
      %mul3A_769 = arith.mulf %add3A_523, %gather3A_370 : vector<16xf32>
      %add3A_770 = arith.addf %add3A_768, %mul3A_769 : vector<16xf32>
      %mul3A_771 = arith.mulf %add3A_532, %gather3A_374 : vector<16xf32>
      %add3A_772 = arith.addf %add3A_770, %mul3A_771 : vector<16xf32>
      %mul3A_773 = arith.mulf %add3A_541, %gather3A_378 : vector<16xf32>
      %add3A_774 = arith.addf %add3A_772, %mul3A_773 : vector<16xf32>
      %mul3A_775 = arith.mulf %add3A_550, %gather3A_382 : vector<16xf32>
      %add3A_776 = arith.addf %add3A_774, %mul3A_775 : vector<16xf32>
      %mul3A_777 = arith.mulf %add3A_559, %gather3A_386 : vector<16xf32>
      %add3A_778 = arith.addf %add3A_776, %mul3A_777 : vector<16xf32>
      %add3A_779 = arith.constant 9 : i32
      %add3A_780 = vector.broadcast %add3A_779 : i32 to vector<16xi32>
      %add3A_781 = arith.addi %add3A_581, %add3A_780 : vector<16xi32>
      tpu.vector_store_idx %arg8[%add3A_781], %add3A_778 : memref<52224xf32, #tpu.memory_space<vmem>>[vector<16xi32>], vector<16xf32>,
      %mul3A_782 = arith.mulf %add3A_496, %gather3A_354 : vector<16xf32>
      %mul3A_783 = arith.mulf %add3A_505, %gather3A_358 : vector<16xf32>
      %add3A_784 = arith.addf %mul3A_782, %mul3A_783 : vector<16xf32>
      %mul3A_785 = arith.mulf %add3A_514, %gather3A_362 : vector<16xf32>
      %add3A_786 = arith.addf %add3A_784, %mul3A_785 : vector<16xf32>
      %mul3A_787 = arith.mulf %add3A_523, %gather3A_366 : vector<16xf32>
      %add3A_788 = arith.addf %add3A_786, %mul3A_787 : vector<16xf32>
      %mul3A_789 = arith.mulf %add3A_532, %gather3A_370 : vector<16xf32>
      %add3A_790 = arith.addf %add3A_788, %mul3A_789 : vector<16xf32>
      %mul3A_791 = arith.mulf %add3A_541, %gather3A_374 : vector<16xf32>
      %add3A_792 = arith.addf %add3A_790, %mul3A_791 : vector<16xf32>
      %mul3A_793 = arith.mulf %add3A_550, %gather3A_378 : vector<16xf32>
      %add3A_794 = arith.addf %add3A_792, %mul3A_793 : vector<16xf32>
      %mul3A_795 = arith.mulf %add3A_559, %gather3A_382 : vector<16xf32>
      %add3A_796 = arith.addf %add3A_794, %mul3A_795 : vector<16xf32>
      %mul3A_797 = arith.mulf %add3A_568, %gather3A_386 : vector<16xf32>
      %add3A_798 = arith.addf %add3A_796, %mul3A_797 : vector<16xf32>
      %add3A_799 = arith.constant 10 : i32
      %add3A_800 = vector.broadcast %add3A_799 : i32 to vector<16xi32>
      %add3A_801 = arith.addi %add3A_581, %add3A_800 : vector<16xi32>
      tpu.vector_store_idx %arg8[%add3A_801], %add3A_798 : memref<52224xf32, #tpu.memory_space<vmem>>[vector<16xi32>], vector<16xf32>,
      %mul3A_802 = arith.mulf %add3A_505, %gather3A_354 : vector<16xf32>
      %mul3A_803 = arith.mulf %add3A_514, %gather3A_358 : vector<16xf32>
      %add3A_804 = arith.addf %mul3A_802, %mul3A_803 : vector<16xf32>
      %mul3A_805 = arith.mulf %add3A_523, %gather3A_362 : vector<16xf32>
      %add3A_806 = arith.addf %add3A_804, %mul3A_805 : vector<16xf32>
      %mul3A_807 = arith.mulf %add3A_532, %gather3A_366 : vector<16xf32>
      %add3A_808 = arith.addf %add3A_806, %mul3A_807 : vector<16xf32>
      %mul3A_809 = arith.mulf %add3A_541, %gather3A_370 : vector<16xf32>
      %add3A_810 = arith.addf %add3A_808, %mul3A_809 : vector<16xf32>
      %mul3A_811 = arith.mulf %add3A_550, %gather3A_374 : vector<16xf32>
      %add3A_812 = arith.addf %add3A_810, %mul3A_811 : vector<16xf32>
      %mul3A_813 = arith.mulf %add3A_559, %gather3A_378 : vector<16xf32>
      %add3A_814 = arith.addf %add3A_812, %mul3A_813 : vector<16xf32>
      %mul3A_815 = arith.mulf %add3A_568, %gather3A_382 : vector<16xf32>
      %add3A_816 = arith.addf %add3A_814, %mul3A_815 : vector<16xf32>
      %mul3A_817 = arith.mulf %add3A_577, %gather3A_386 : vector<16xf32>
      %add3A_818 = arith.addf %add3A_816, %mul3A_817 : vector<16xf32>
      %add3A_819 = arith.constant 11 : i32
      %add3A_820 = vector.broadcast %add3A_819 : i32 to vector<16xi32>
      %add3A_821 = arith.addi %add3A_581, %add3A_820 : vector<16xi32>
      tpu.vector_store_idx %arg8[%add3A_821], %add3A_818 : memref<52224xf32, #tpu.memory_space<vmem>>[vector<16xi32>], vector<16xf32>,
      %scan3A_822 = arith.constant 0 : i32
      scf.yield %scan3A_822 : i32
    }
    %scan3A_140 = arith.constant 34 : i32
    %add3A_141 = arith.constant 48 : i32
    %add3A_142 = arith.addi %mul3A_2, %add3A_141 : i32
    %mul3A_143 = arith.constant 408 : i32
    %mul3A_144 = arith.muli %add3A_142, %mul3A_143 : i32
    %dma_start3A_145 = arith.constant 19584 : i32
    %dma_start3A_146 = tpu.memref_slice %arg8[%dma_start3A_145] : memref<52224xf32, #tpu.memory_space<vmem>> -> memref<6528xf32, #tpu.memory_space<vmem>>
    %dma_start3A_147 = tpu.memref_slice %arg5[%mul3A_144] : memref<1671168xf32, #tpu.memory_space<hbm>> -> memref<6528xf32, #tpu.memory_space<hbm>>
    %dma_start3A_148 = tpu.memref_slice %arg5[%mul3A_144] : memref<1671168xf32, #tpu.memory_space<hbm>> -> memref<6528xf32, #tpu.memory_space<hbm>>
    %dma_start3A_149 = arith.constant 19584 : i32
    %dma_start3A_150 = tpu.memref_slice %arg8[%dma_start3A_149] : memref<52224xf32, #tpu.memory_space<vmem>> -> memref<6528xf32, #tpu.memory_space<vmem>>
    tpu.enqueue_dma source(%dma_start3A_150 : memref<6528xf32, #tpu.memory_space<vmem>>) target(%dma_start3A_148 : memref<6528xf32, #tpu.memory_space<hbm>>) target_semaphore(%arg13 : memref<!tpu.dma_semaphore, #tpu.memory_space<semaphore_mem>>)
    %dma_wait3A_151 = tpu.memref_slice %arg2[%mul3A_120] : memref<1372160xf32, #tpu.memory_space<hbm>> -> memref<5360xf32, #tpu.memory_space<hbm>>
    %dma_wait3A_152 = tpu.memref_slice %arg2[%mul3A_120] : memref<1372160xf32, #tpu.memory_space<hbm>> -> memref<5360xf32, #tpu.memory_space<hbm>>
    tpu.wait_dma2 semaphore(%arg11 : memref<!tpu.dma_semaphore, #tpu.memory_space<semaphore_mem>>) src(%dma_wait3A_152 : memref<5360xf32, #tpu.memory_space<hbm>>) dst(%arg6 : memref<5360xf32, #tpu.memory_space<vmem>>)
    %add3A_153 = arith.constant 80 : i32
    %add3A_154 = arith.addi %mul3A_2, %add3A_153 : i32
    %mul3A_155 = arith.constant 335 : i32
    %mul3A_156 = arith.muli %add3A_154, %mul3A_155 : i32
    %dma_start3A_157 = tpu.memref_slice %arg2[%mul3A_156] : memref<1372160xf32, #tpu.memory_space<hbm>> -> memref<5360xf32, #tpu.memory_space<hbm>>
    %dma_start3A_158 = tpu.memref_slice %arg2[%mul3A_156] : memref<1372160xf32, #tpu.memory_space<hbm>> -> memref<5360xf32, #tpu.memory_space<hbm>>
    tpu.enqueue_dma source(%dma_start3A_158 : memref<5360xf32, #tpu.memory_space<hbm>>) target(%arg7 : memref<5360xf32, #tpu.memory_space<vmem>>) target_semaphore(%arg12 : memref<!tpu.dma_semaphore, #tpu.memory_space<semaphore_mem>>)
    %add3A_159 = arith.constant 64 : i32
    %add3A_160 = vector.broadcast %add3A_159 : i32 to vector<16xi32>
    %add3A_161 = arith.addi %iota3A, %add3A_160 : vector<16xi32>
    %mul3A_162 = arith.constant 408 : i32
    %mul3A_163 = vector.broadcast %mul3A_162 : i32 to vector<16xi32>
    %mul3A_164 = arith.muli %add3A_161, %mul3A_163 : vector<16xi32>
    %gather3A_165 = tpu.vector_load_idx %arg6[%mul3A_10] : memref<5360xf32, #tpu.memory_space<vmem>>[vector<16xi32>], vector<16xf32>,
    %convert_element_type3A_166 = arith.fptosi %gather3A_165 : vector<16xf32> to vector<16xi32>
    %mul3A_167 = arith.constant 34 : i32
    %mul3A_168 = vector.broadcast %mul3A_167 : i32 to vector<16xi32>
    %mul3A_169 = arith.muli %convert_element_type3A_166, %mul3A_168 : vector<16xi32>
    %scan3A_170 = arith.constant 0 : i32
    %scan3A_171 = arith.constant 0 : i32
    %scan3A_172 = arith.constant 34 : i32
    %scan3A_173 = arith.addi %scan3A_171, %scan3A_172 : i32
    %scan3A_174 = arith.constant 1 : i32
    %scan3A_175 = scf.for %scan3A_337 = %scan3A_171 to %scan3A_173 step %scan3A_174 iter_args(%scan3A_338 = %scan3A_170) -> (i32)  : i32 {
      %add3A_339 = vector.broadcast %scan3A_337 : i32 to vector<16xi32>
      %add3A_340 = arith.addi %mul3A_169, %add3A_339 : vector<16xi32>
      %gather3A_341 = tpu.vector_load_idx %arg9[%add3A_340] : memref<544xi32, #tpu.memory_space<vmem>>[vector<16xi32>], vector<16xi32>,
      %add3A_342 = arith.constant 301 : i32
      %add3A_343 = arith.addi %add3A_342, %scan3A_337 : i32
      %add3A_344 = vector.broadcast %add3A_343 : i32 to vector<16xi32>
      %add3A_345 = arith.addi %mul3A_10, %add3A_344 : vector<16xi32>
      %gather3A_346 = tpu.vector_load_idx %arg6[%add3A_345] : memref<5360xf32, #tpu.memory_space<vmem>>[vector<16xi32>], vector<16xf32>,
      %convert_element_type3A_347 = arith.fptosi %gather3A_346 : vector<16xf32> to vector<16xi32>
      %mul3A_348 = arith.constant 9 : i32
      %mul3A_349 = vector.broadcast %mul3A_348 : i32 to vector<16xi32>
      %mul3A_350 = arith.muli %convert_element_type3A_347, %mul3A_349 : vector<16xi32>
      %add3A_351 = arith.constant 0 : i32
      %add3A_352 = vector.broadcast %add3A_351 : i32 to vector<16xi32>
      %add3A_353 = arith.addi %mul3A_350, %add3A_352 : vector<16xi32>
      %gather3A_354 = tpu.vector_load_idx %arg10[%add3A_353] : memref<180xf32, #tpu.memory_space<vmem>>[vector<16xi32>], vector<16xf32>,
      %add3A_355 = arith.constant 1 : i32
      %add3A_356 = vector.broadcast %add3A_355 : i32 to vector<16xi32>
      %add3A_357 = arith.addi %mul3A_350, %add3A_356 : vector<16xi32>
      %gather3A_358 = tpu.vector_load_idx %arg10[%add3A_357] : memref<180xf32, #tpu.memory_space<vmem>>[vector<16xi32>], vector<16xf32>,
      %add3A_359 = arith.constant 2 : i32
      %add3A_360 = vector.broadcast %add3A_359 : i32 to vector<16xi32>
      %add3A_361 = arith.addi %mul3A_350, %add3A_360 : vector<16xi32>
      %gather3A_362 = tpu.vector_load_idx %arg10[%add3A_361] : memref<180xf32, #tpu.memory_space<vmem>>[vector<16xi32>], vector<16xf32>,
      %add3A_363 = arith.constant 3 : i32
      %add3A_364 = vector.broadcast %add3A_363 : i32 to vector<16xi32>
      %add3A_365 = arith.addi %mul3A_350, %add3A_364 : vector<16xi32>
      %gather3A_366 = tpu.vector_load_idx %arg10[%add3A_365] : memref<180xf32, #tpu.memory_space<vmem>>[vector<16xi32>], vector<16xf32>,
      %add3A_367 = arith.constant 4 : i32
      %add3A_368 = vector.broadcast %add3A_367 : i32 to vector<16xi32>
      %add3A_369 = arith.addi %mul3A_350, %add3A_368 : vector<16xi32>
      %gather3A_370 = tpu.vector_load_idx %arg10[%add3A_369] : memref<180xf32, #tpu.memory_space<vmem>>[vector<16xi32>], vector<16xf32>,
      %add3A_371 = arith.constant 5 : i32
      %add3A_372 = vector.broadcast %add3A_371 : i32 to vector<16xi32>
      %add3A_373 = arith.addi %mul3A_350, %add3A_372 : vector<16xi32>
      %gather3A_374 = tpu.vector_load_idx %arg10[%add3A_373] : memref<180xf32, #tpu.memory_space<vmem>>[vector<16xi32>], vector<16xf32>,
      %add3A_375 = arith.constant 6 : i32
      %add3A_376 = vector.broadcast %add3A_375 : i32 to vector<16xi32>
      %add3A_377 = arith.addi %mul3A_350, %add3A_376 : vector<16xi32>
      %gather3A_378 = tpu.vector_load_idx %arg10[%add3A_377] : memref<180xf32, #tpu.memory_space<vmem>>[vector<16xi32>], vector<16xf32>,
      %add3A_379 = arith.constant 7 : i32
      %add3A_380 = vector.broadcast %add3A_379 : i32 to vector<16xi32>
      %add3A_381 = arith.addi %mul3A_350, %add3A_380 : vector<16xi32>
      %gather3A_382 = tpu.vector_load_idx %arg10[%add3A_381] : memref<180xf32, #tpu.memory_space<vmem>>[vector<16xi32>], vector<16xf32>,
      %add3A_383 = arith.constant 8 : i32
      %add3A_384 = vector.broadcast %add3A_383 : i32 to vector<16xi32>
      %add3A_385 = arith.addi %mul3A_350, %add3A_384 : vector<16xi32>
      %gather3A_386 = tpu.vector_load_idx %arg10[%add3A_385] : memref<180xf32, #tpu.memory_space<vmem>>[vector<16xi32>], vector<16xf32>,
      %shift_right_logical3A = arith.constant 10 : i32
      %shift_right_logical3A_387 = vector.broadcast %shift_right_logical3A : i32 to vector<16xi32>
      %shift_right_logical3A_388 = arith.shrui %gather3A_341, %shift_right_logical3A_387 : vector<16xi32>
      %add3A_389 = arith.addi %mul3A_10, %shift_right_logical3A_388 : vector<16xi32>
      %sub3A = arith.constant 19 : i32
      %sub3A_390 = vector.broadcast %sub3A : i32 to vector<16xi32>
      %sub3A_391 = arith.subi %add3A_389, %sub3A_390 : vector<16xi32>
      %and3A = arith.constant 1023 : i32
      %and3A_392 = vector.broadcast %and3A : i32 to vector<16xi32>
      %and3A_393 = arith.andi %gather3A_341, %and3A_392 : vector<16xi32>
      %add3A_394 = arith.addi %mul3A_10, %and3A_393 : vector<16xi32>
      %sub3A_395 = arith.constant 19 : i32
      %sub3A_396 = vector.broadcast %sub3A_395 : i32 to vector<16xi32>
      %sub3A_397 = arith.subi %add3A_394, %sub3A_396 : vector<16xi32>
      %add3A_398 = arith.constant 0 : i32
      %add3A_399 = vector.broadcast %add3A_398 : i32 to vector<16xi32>
      %add3A_400 = arith.addi %sub3A_391, %add3A_399 : vector<16xi32>
      %gather3A_401 = tpu.vector_load_idx %arg6[%add3A_400] : memref<5360xf32, #tpu.memory_space<vmem>>[vector<16xi32>], vector<16xf32>,
      %add3A_402 = arith.constant 0 : i32
      %add3A_403 = vector.broadcast %add3A_402 : i32 to vector<16xi32>
      %add3A_404 = arith.addi %sub3A_397, %add3A_403 : vector<16xi32>
      %gather3A_405 = tpu.vector_load_idx %arg6[%add3A_404] : memref<5360xf32, #tpu.memory_space<vmem>>[vector<16xi32>], vector<16xf32>,
      %add3A_406 = arith.addf %gather3A_401, %gather3A_405 : vector<16xf32>
      %add3A_407 = arith.constant 1 : i32
      %add3A_408 = vector.broadcast %add3A_407 : i32 to vector<16xi32>
      %add3A_409 = arith.addi %sub3A_391, %add3A_408 : vector<16xi32>
      %gather3A_410 = tpu.vector_load_idx %arg6[%add3A_409] : memref<5360xf32, #tpu.memory_space<vmem>>[vector<16xi32>], vector<16xf32>,
      %add3A_411 = arith.constant 1 : i32
      %add3A_412 = vector.broadcast %add3A_411 : i32 to vector<16xi32>
      %add3A_413 = arith.addi %sub3A_397, %add3A_412 : vector<16xi32>
      %gather3A_414 = tpu.vector_load_idx %arg6[%add3A_413] : memref<5360xf32, #tpu.memory_space<vmem>>[vector<16xi32>], vector<16xf32>,
      %add3A_415 = arith.addf %gather3A_410, %gather3A_414 : vector<16xf32>
      %add3A_416 = arith.constant 2 : i32
      %add3A_417 = vector.broadcast %add3A_416 : i32 to vector<16xi32>
      %add3A_418 = arith.addi %sub3A_391, %add3A_417 : vector<16xi32>
      %gather3A_419 = tpu.vector_load_idx %arg6[%add3A_418] : memref<5360xf32, #tpu.memory_space<vmem>>[vector<16xi32>], vector<16xf32>,
      %add3A_420 = arith.constant 2 : i32
      %add3A_421 = vector.broadcast %add3A_420 : i32 to vector<16xi32>
      %add3A_422 = arith.addi %sub3A_397, %add3A_421 : vector<16xi32>
      %gather3A_423 = tpu.vector_load_idx %arg6[%add3A_422] : memref<5360xf32, #tpu.memory_space<vmem>>[vector<16xi32>], vector<16xf32>,
      %add3A_424 = arith.addf %gather3A_419, %gather3A_423 : vector<16xf32>
      %add3A_425 = arith.constant 3 : i32
      %add3A_426 = vector.broadcast %add3A_425 : i32 to vector<16xi32>
      %add3A_427 = arith.addi %sub3A_391, %add3A_426 : vector<16xi32>
      %gather3A_428 = tpu.vector_load_idx %arg6[%add3A_427] : memref<5360xf32, #tpu.memory_space<vmem>>[vector<16xi32>], vector<16xf32>,
      %add3A_429 = arith.constant 3 : i32
      %add3A_430 = vector.broadcast %add3A_429 : i32 to vector<16xi32>
      %add3A_431 = arith.addi %sub3A_397, %add3A_430 : vector<16xi32>
      %gather3A_432 = tpu.vector_load_idx %arg6[%add3A_431] : memref<5360xf32, #tpu.memory_space<vmem>>[vector<16xi32>], vector<16xf32>,
      %add3A_433 = arith.addf %gather3A_428, %gather3A_432 : vector<16xf32>
      %add3A_434 = arith.constant 4 : i32
      %add3A_435 = vector.broadcast %add3A_434 : i32 to vector<16xi32>
      %add3A_436 = arith.addi %sub3A_391, %add3A_435 : vector<16xi32>
      %gather3A_437 = tpu.vector_load_idx %arg6[%add3A_436] : memref<5360xf32, #tpu.memory_space<vmem>>[vector<16xi32>], vector<16xf32>,
      %add3A_438 = arith.constant 4 : i32
      %add3A_439 = vector.broadcast %add3A_438 : i32 to vector<16xi32>
      %add3A_440 = arith.addi %sub3A_397, %add3A_439 : vector<16xi32>
      %gather3A_441 = tpu.vector_load_idx %arg6[%add3A_440] : memref<5360xf32, #tpu.memory_space<vmem>>[vector<16xi32>], vector<16xf32>,
      %add3A_442 = arith.addf %gather3A_437, %gather3A_441 : vector<16xf32>
      %add3A_443 = arith.constant 5 : i32
      %add3A_444 = vector.broadcast %add3A_443 : i32 to vector<16xi32>
      %add3A_445 = arith.addi %sub3A_391, %add3A_444 : vector<16xi32>
      %gather3A_446 = tpu.vector_load_idx %arg6[%add3A_445] : memref<5360xf32, #tpu.memory_space<vmem>>[vector<16xi32>], vector<16xf32>,
      %add3A_447 = arith.constant 5 : i32
      %add3A_448 = vector.broadcast %add3A_447 : i32 to vector<16xi32>
      %add3A_449 = arith.addi %sub3A_397, %add3A_448 : vector<16xi32>
      %gather3A_450 = tpu.vector_load_idx %arg6[%add3A_449] : memref<5360xf32, #tpu.memory_space<vmem>>[vector<16xi32>], vector<16xf32>,
      %add3A_451 = arith.addf %gather3A_446, %gather3A_450 : vector<16xf32>
      %add3A_452 = arith.constant 6 : i32
      %add3A_453 = vector.broadcast %add3A_452 : i32 to vector<16xi32>
      %add3A_454 = arith.addi %sub3A_391, %add3A_453 : vector<16xi32>
      %gather3A_455 = tpu.vector_load_idx %arg6[%add3A_454] : memref<5360xf32, #tpu.memory_space<vmem>>[vector<16xi32>], vector<16xf32>,
      %add3A_456 = arith.constant 6 : i32
      %add3A_457 = vector.broadcast %add3A_456 : i32 to vector<16xi32>
      %add3A_458 = arith.addi %sub3A_397, %add3A_457 : vector<16xi32>
      %gather3A_459 = tpu.vector_load_idx %arg6[%add3A_458] : memref<5360xf32, #tpu.memory_space<vmem>>[vector<16xi32>], vector<16xf32>,
      %add3A_460 = arith.addf %gather3A_455, %gather3A_459 : vector<16xf32>
      %add3A_461 = arith.constant 7 : i32
      %add3A_462 = vector.broadcast %add3A_461 : i32 to vector<16xi32>
      %add3A_463 = arith.addi %sub3A_391, %add3A_462 : vector<16xi32>
      %gather3A_464 = tpu.vector_load_idx %arg6[%add3A_463] : memref<5360xf32, #tpu.memory_space<vmem>>[vector<16xi32>], vector<16xf32>,
      %add3A_465 = arith.constant 7 : i32
      %add3A_466 = vector.broadcast %add3A_465 : i32 to vector<16xi32>
      %add3A_467 = arith.addi %sub3A_397, %add3A_466 : vector<16xi32>
      %gather3A_468 = tpu.vector_load_idx %arg6[%add3A_467] : memref<5360xf32, #tpu.memory_space<vmem>>[vector<16xi32>], vector<16xf32>,
      %add3A_469 = arith.addf %gather3A_464, %gather3A_468 : vector<16xf32>
      %add3A_470 = arith.constant 8 : i32
      %add3A_471 = vector.broadcast %add3A_470 : i32 to vector<16xi32>
      %add3A_472 = arith.addi %sub3A_391, %add3A_471 : vector<16xi32>
      %gather3A_473 = tpu.vector_load_idx %arg6[%add3A_472] : memref<5360xf32, #tpu.memory_space<vmem>>[vector<16xi32>], vector<16xf32>,
      %add3A_474 = arith.constant 8 : i32
      %add3A_475 = vector.broadcast %add3A_474 : i32 to vector<16xi32>
      %add3A_476 = arith.addi %sub3A_397, %add3A_475 : vector<16xi32>
      %gather3A_477 = tpu.vector_load_idx %arg6[%add3A_476] : memref<5360xf32, #tpu.memory_space<vmem>>[vector<16xi32>], vector<16xf32>,
      %add3A_478 = arith.addf %gather3A_473, %gather3A_477 : vector<16xf32>
      %add3A_479 = arith.constant 9 : i32
      %add3A_480 = vector.broadcast %add3A_479 : i32 to vector<16xi32>
      %add3A_481 = arith.addi %sub3A_391, %add3A_480 : vector<16xi32>
      %gather3A_482 = tpu.vector_load_idx %arg6[%add3A_481] : memref<5360xf32, #tpu.memory_space<vmem>>[vector<16xi32>], vector<16xf32>,
      %add3A_483 = arith.constant 9 : i32
      %add3A_484 = vector.broadcast %add3A_483 : i32 to vector<16xi32>
      %add3A_485 = arith.addi %sub3A_397, %add3A_484 : vector<16xi32>
      %gather3A_486 = tpu.vector_load_idx %arg6[%add3A_485] : memref<5360xf32, #tpu.memory_space<vmem>>[vector<16xi32>], vector<16xf32>,
      %add3A_487 = arith.addf %gather3A_482, %gather3A_486 : vector<16xf32>
      %add3A_488 = arith.constant 10 : i32
      %add3A_489 = vector.broadcast %add3A_488 : i32 to vector<16xi32>
      %add3A_490 = arith.addi %sub3A_391, %add3A_489 : vector<16xi32>
      %gather3A_491 = tpu.vector_load_idx %arg6[%add3A_490] : memref<5360xf32, #tpu.memory_space<vmem>>[vector<16xi32>], vector<16xf32>,
      %add3A_492 = arith.constant 10 : i32
      %add3A_493 = vector.broadcast %add3A_492 : i32 to vector<16xi32>
      %add3A_494 = arith.addi %sub3A_397, %add3A_493 : vector<16xi32>
      %gather3A_495 = tpu.vector_load_idx %arg6[%add3A_494] : memref<5360xf32, #tpu.memory_space<vmem>>[vector<16xi32>], vector<16xf32>,
      %add3A_496 = arith.addf %gather3A_491, %gather3A_495 : vector<16xf32>
      %add3A_497 = arith.constant 11 : i32
      %add3A_498 = vector.broadcast %add3A_497 : i32 to vector<16xi32>
      %add3A_499 = arith.addi %sub3A_391, %add3A_498 : vector<16xi32>
      %gather3A_500 = tpu.vector_load_idx %arg6[%add3A_499] : memref<5360xf32, #tpu.memory_space<vmem>>[vector<16xi32>], vector<16xf32>,
      %add3A_501 = arith.constant 11 : i32
      %add3A_502 = vector.broadcast %add3A_501 : i32 to vector<16xi32>
      %add3A_503 = arith.addi %sub3A_397, %add3A_502 : vector<16xi32>
      %gather3A_504 = tpu.vector_load_idx %arg6[%add3A_503] : memref<5360xf32, #tpu.memory_space<vmem>>[vector<16xi32>], vector<16xf32>,
      %add3A_505 = arith.addf %gather3A_500, %gather3A_504 : vector<16xf32>
      %add3A_506 = arith.constant 12 : i32
      %add3A_507 = vector.broadcast %add3A_506 : i32 to vector<16xi32>
      %add3A_508 = arith.addi %sub3A_391, %add3A_507 : vector<16xi32>
      %gather3A_509 = tpu.vector_load_idx %arg6[%add3A_508] : memref<5360xf32, #tpu.memory_space<vmem>>[vector<16xi32>], vector<16xf32>,
      %add3A_510 = arith.constant 12 : i32
      %add3A_511 = vector.broadcast %add3A_510 : i32 to vector<16xi32>
      %add3A_512 = arith.addi %sub3A_397, %add3A_511 : vector<16xi32>
      %gather3A_513 = tpu.vector_load_idx %arg6[%add3A_512] : memref<5360xf32, #tpu.memory_space<vmem>>[vector<16xi32>], vector<16xf32>,
      %add3A_514 = arith.addf %gather3A_509, %gather3A_513 : vector<16xf32>
      %add3A_515 = arith.constant 13 : i32
      %add3A_516 = vector.broadcast %add3A_515 : i32 to vector<16xi32>
      %add3A_517 = arith.addi %sub3A_391, %add3A_516 : vector<16xi32>
      %gather3A_518 = tpu.vector_load_idx %arg6[%add3A_517] : memref<5360xf32, #tpu.memory_space<vmem>>[vector<16xi32>], vector<16xf32>,
      %add3A_519 = arith.constant 13 : i32
      %add3A_520 = vector.broadcast %add3A_519 : i32 to vector<16xi32>
      %add3A_521 = arith.addi %sub3A_397, %add3A_520 : vector<16xi32>
      %gather3A_522 = tpu.vector_load_idx %arg6[%add3A_521] : memref<5360xf32, #tpu.memory_space<vmem>>[vector<16xi32>], vector<16xf32>,
      %add3A_523 = arith.addf %gather3A_518, %gather3A_522 : vector<16xf32>
      %add3A_524 = arith.constant 14 : i32
      %add3A_525 = vector.broadcast %add3A_524 : i32 to vector<16xi32>
      %add3A_526 = arith.addi %sub3A_391, %add3A_525 : vector<16xi32>
      %gather3A_527 = tpu.vector_load_idx %arg6[%add3A_526] : memref<5360xf32, #tpu.memory_space<vmem>>[vector<16xi32>], vector<16xf32>,
      %add3A_528 = arith.constant 14 : i32
      %add3A_529 = vector.broadcast %add3A_528 : i32 to vector<16xi32>
      %add3A_530 = arith.addi %sub3A_397, %add3A_529 : vector<16xi32>
      %gather3A_531 = tpu.vector_load_idx %arg6[%add3A_530] : memref<5360xf32, #tpu.memory_space<vmem>>[vector<16xi32>], vector<16xf32>,
      %add3A_532 = arith.addf %gather3A_527, %gather3A_531 : vector<16xf32>
      %add3A_533 = arith.constant 15 : i32
      %add3A_534 = vector.broadcast %add3A_533 : i32 to vector<16xi32>
      %add3A_535 = arith.addi %sub3A_391, %add3A_534 : vector<16xi32>
      %gather3A_536 = tpu.vector_load_idx %arg6[%add3A_535] : memref<5360xf32, #tpu.memory_space<vmem>>[vector<16xi32>], vector<16xf32>,
      %add3A_537 = arith.constant 15 : i32
      %add3A_538 = vector.broadcast %add3A_537 : i32 to vector<16xi32>
      %add3A_539 = arith.addi %sub3A_397, %add3A_538 : vector<16xi32>
      %gather3A_540 = tpu.vector_load_idx %arg6[%add3A_539] : memref<5360xf32, #tpu.memory_space<vmem>>[vector<16xi32>], vector<16xf32>,
      %add3A_541 = arith.addf %gather3A_536, %gather3A_540 : vector<16xf32>
      %add3A_542 = arith.constant 16 : i32
      %add3A_543 = vector.broadcast %add3A_542 : i32 to vector<16xi32>
      %add3A_544 = arith.addi %sub3A_391, %add3A_543 : vector<16xi32>
      %gather3A_545 = tpu.vector_load_idx %arg6[%add3A_544] : memref<5360xf32, #tpu.memory_space<vmem>>[vector<16xi32>], vector<16xf32>,
      %add3A_546 = arith.constant 16 : i32
      %add3A_547 = vector.broadcast %add3A_546 : i32 to vector<16xi32>
      %add3A_548 = arith.addi %sub3A_397, %add3A_547 : vector<16xi32>
      %gather3A_549 = tpu.vector_load_idx %arg6[%add3A_548] : memref<5360xf32, #tpu.memory_space<vmem>>[vector<16xi32>], vector<16xf32>,
      %add3A_550 = arith.addf %gather3A_545, %gather3A_549 : vector<16xf32>
      %add3A_551 = arith.constant 17 : i32
      %add3A_552 = vector.broadcast %add3A_551 : i32 to vector<16xi32>
      %add3A_553 = arith.addi %sub3A_391, %add3A_552 : vector<16xi32>
      %gather3A_554 = tpu.vector_load_idx %arg6[%add3A_553] : memref<5360xf32, #tpu.memory_space<vmem>>[vector<16xi32>], vector<16xf32>,
      %add3A_555 = arith.constant 17 : i32
      %add3A_556 = vector.broadcast %add3A_555 : i32 to vector<16xi32>
      %add3A_557 = arith.addi %sub3A_397, %add3A_556 : vector<16xi32>
      %gather3A_558 = tpu.vector_load_idx %arg6[%add3A_557] : memref<5360xf32, #tpu.memory_space<vmem>>[vector<16xi32>], vector<16xf32>,
      %add3A_559 = arith.addf %gather3A_554, %gather3A_558 : vector<16xf32>
      %add3A_560 = arith.constant 18 : i32
      %add3A_561 = vector.broadcast %add3A_560 : i32 to vector<16xi32>
      %add3A_562 = arith.addi %sub3A_391, %add3A_561 : vector<16xi32>
      %gather3A_563 = tpu.vector_load_idx %arg6[%add3A_562] : memref<5360xf32, #tpu.memory_space<vmem>>[vector<16xi32>], vector<16xf32>,
      %add3A_564 = arith.constant 18 : i32
      %add3A_565 = vector.broadcast %add3A_564 : i32 to vector<16xi32>
      %add3A_566 = arith.addi %sub3A_397, %add3A_565 : vector<16xi32>
      %gather3A_567 = tpu.vector_load_idx %arg6[%add3A_566] : memref<5360xf32, #tpu.memory_space<vmem>>[vector<16xi32>], vector<16xf32>,
      %add3A_568 = arith.addf %gather3A_563, %gather3A_567 : vector<16xf32>
      %add3A_569 = arith.constant 19 : i32
      %add3A_570 = vector.broadcast %add3A_569 : i32 to vector<16xi32>
      %add3A_571 = arith.addi %sub3A_391, %add3A_570 : vector<16xi32>
      %gather3A_572 = tpu.vector_load_idx %arg6[%add3A_571] : memref<5360xf32, #tpu.memory_space<vmem>>[vector<16xi32>], vector<16xf32>,
      %add3A_573 = arith.constant 19 : i32
      %add3A_574 = vector.broadcast %add3A_573 : i32 to vector<16xi32>
      %add3A_575 = arith.addi %sub3A_397, %add3A_574 : vector<16xi32>
      %gather3A_576 = tpu.vector_load_idx %arg6[%add3A_575] : memref<5360xf32, #tpu.memory_space<vmem>>[vector<16xi32>], vector<16xf32>,
      %add3A_577 = arith.addf %gather3A_572, %gather3A_576 : vector<16xf32>
      %mul3A_578 = arith.constant 12 : i32
      %mul3A_579 = arith.muli %scan3A_337, %mul3A_578 : i32
      %add3A_580 = vector.broadcast %mul3A_579 : i32 to vector<16xi32>
      %add3A_581 = arith.addi %mul3A_164, %add3A_580 : vector<16xi32>
      %mul3A_582 = arith.mulf %add3A_406, %gather3A_354 : vector<16xf32>
      %mul3A_583 = arith.mulf %add3A_415, %gather3A_358 : vector<16xf32>
      %add3A_584 = arith.addf %mul3A_582, %mul3A_583 : vector<16xf32>
      %mul3A_585 = arith.mulf %add3A_424, %gather3A_362 : vector<16xf32>
      %add3A_586 = arith.addf %add3A_584, %mul3A_585 : vector<16xf32>
      %mul3A_587 = arith.mulf %add3A_433, %gather3A_366 : vector<16xf32>
      %add3A_588 = arith.addf %add3A_586, %mul3A_587 : vector<16xf32>
      %mul3A_589 = arith.mulf %add3A_442, %gather3A_370 : vector<16xf32>
      %add3A_590 = arith.addf %add3A_588, %mul3A_589 : vector<16xf32>
      %mul3A_591 = arith.mulf %add3A_451, %gather3A_374 : vector<16xf32>
      %add3A_592 = arith.addf %add3A_590, %mul3A_591 : vector<16xf32>
      %mul3A_593 = arith.mulf %add3A_460, %gather3A_378 : vector<16xf32>
      %add3A_594 = arith.addf %add3A_592, %mul3A_593 : vector<16xf32>
      %mul3A_595 = arith.mulf %add3A_469, %gather3A_382 : vector<16xf32>
      %add3A_596 = arith.addf %add3A_594, %mul3A_595 : vector<16xf32>
      %mul3A_597 = arith.mulf %add3A_478, %gather3A_386 : vector<16xf32>
      %add3A_598 = arith.addf %add3A_596, %mul3A_597 : vector<16xf32>
      %add3A_599 = arith.constant 0 : i32
      %add3A_600 = vector.broadcast %add3A_599 : i32 to vector<16xi32>
      %add3A_601 = arith.addi %add3A_581, %add3A_600 : vector<16xi32>
      tpu.vector_store_idx %arg8[%add3A_601], %add3A_598 : memref<52224xf32, #tpu.memory_space<vmem>>[vector<16xi32>], vector<16xf32>,
      %mul3A_602 = arith.mulf %add3A_415, %gather3A_354 : vector<16xf32>
      %mul3A_603 = arith.mulf %add3A_424, %gather3A_358 : vector<16xf32>
      %add3A_604 = arith.addf %mul3A_602, %mul3A_603 : vector<16xf32>
      %mul3A_605 = arith.mulf %add3A_433, %gather3A_362 : vector<16xf32>
      %add3A_606 = arith.addf %add3A_604, %mul3A_605 : vector<16xf32>
      %mul3A_607 = arith.mulf %add3A_442, %gather3A_366 : vector<16xf32>
      %add3A_608 = arith.addf %add3A_606, %mul3A_607 : vector<16xf32>
      %mul3A_609 = arith.mulf %add3A_451, %gather3A_370 : vector<16xf32>
      %add3A_610 = arith.addf %add3A_608, %mul3A_609 : vector<16xf32>
      %mul3A_611 = arith.mulf %add3A_460, %gather3A_374 : vector<16xf32>
      %add3A_612 = arith.addf %add3A_610, %mul3A_611 : vector<16xf32>
      %mul3A_613 = arith.mulf %add3A_469, %gather3A_378 : vector<16xf32>
      %add3A_614 = arith.addf %add3A_612, %mul3A_613 : vector<16xf32>
      %mul3A_615 = arith.mulf %add3A_478, %gather3A_382 : vector<16xf32>
      %add3A_616 = arith.addf %add3A_614, %mul3A_615 : vector<16xf32>
      %mul3A_617 = arith.mulf %add3A_487, %gather3A_386 : vector<16xf32>
      %add3A_618 = arith.addf %add3A_616, %mul3A_617 : vector<16xf32>
      %add3A_619 = arith.constant 1 : i32
      %add3A_620 = vector.broadcast %add3A_619 : i32 to vector<16xi32>
      %add3A_621 = arith.addi %add3A_581, %add3A_620 : vector<16xi32>
      tpu.vector_store_idx %arg8[%add3A_621], %add3A_618 : memref<52224xf32, #tpu.memory_space<vmem>>[vector<16xi32>], vector<16xf32>,
      %mul3A_622 = arith.mulf %add3A_424, %gather3A_354 : vector<16xf32>
      %mul3A_623 = arith.mulf %add3A_433, %gather3A_358 : vector<16xf32>
      %add3A_624 = arith.addf %mul3A_622, %mul3A_623 : vector<16xf32>
      %mul3A_625 = arith.mulf %add3A_442, %gather3A_362 : vector<16xf32>
      %add3A_626 = arith.addf %add3A_624, %mul3A_625 : vector<16xf32>
      %mul3A_627 = arith.mulf %add3A_451, %gather3A_366 : vector<16xf32>
      %add3A_628 = arith.addf %add3A_626, %mul3A_627 : vector<16xf32>
      %mul3A_629 = arith.mulf %add3A_460, %gather3A_370 : vector<16xf32>
      %add3A_630 = arith.addf %add3A_628, %mul3A_629 : vector<16xf32>
      %mul3A_631 = arith.mulf %add3A_469, %gather3A_374 : vector<16xf32>
      %add3A_632 = arith.addf %add3A_630, %mul3A_631 : vector<16xf32>
      %mul3A_633 = arith.mulf %add3A_478, %gather3A_378 : vector<16xf32>
      %add3A_634 = arith.addf %add3A_632, %mul3A_633 : vector<16xf32>
      %mul3A_635 = arith.mulf %add3A_487, %gather3A_382 : vector<16xf32>
      %add3A_636 = arith.addf %add3A_634, %mul3A_635 : vector<16xf32>
      %mul3A_637 = arith.mulf %add3A_496, %gather3A_386 : vector<16xf32>
      %add3A_638 = arith.addf %add3A_636, %mul3A_637 : vector<16xf32>
      %add3A_639 = arith.constant 2 : i32
      %add3A_640 = vector.broadcast %add3A_639 : i32 to vector<16xi32>
      %add3A_641 = arith.addi %add3A_581, %add3A_640 : vector<16xi32>
      tpu.vector_store_idx %arg8[%add3A_641], %add3A_638 : memref<52224xf32, #tpu.memory_space<vmem>>[vector<16xi32>], vector<16xf32>,
      %mul3A_642 = arith.mulf %add3A_433, %gather3A_354 : vector<16xf32>
      %mul3A_643 = arith.mulf %add3A_442, %gather3A_358 : vector<16xf32>
      %add3A_644 = arith.addf %mul3A_642, %mul3A_643 : vector<16xf32>
      %mul3A_645 = arith.mulf %add3A_451, %gather3A_362 : vector<16xf32>
      %add3A_646 = arith.addf %add3A_644, %mul3A_645 : vector<16xf32>
      %mul3A_647 = arith.mulf %add3A_460, %gather3A_366 : vector<16xf32>
      %add3A_648 = arith.addf %add3A_646, %mul3A_647 : vector<16xf32>
      %mul3A_649 = arith.mulf %add3A_469, %gather3A_370 : vector<16xf32>
      %add3A_650 = arith.addf %add3A_648, %mul3A_649 : vector<16xf32>
      %mul3A_651 = arith.mulf %add3A_478, %gather3A_374 : vector<16xf32>
      %add3A_652 = arith.addf %add3A_650, %mul3A_651 : vector<16xf32>
      %mul3A_653 = arith.mulf %add3A_487, %gather3A_378 : vector<16xf32>
      %add3A_654 = arith.addf %add3A_652, %mul3A_653 : vector<16xf32>
      %mul3A_655 = arith.mulf %add3A_496, %gather3A_382 : vector<16xf32>
      %add3A_656 = arith.addf %add3A_654, %mul3A_655 : vector<16xf32>
      %mul3A_657 = arith.mulf %add3A_505, %gather3A_386 : vector<16xf32>
      %add3A_658 = arith.addf %add3A_656, %mul3A_657 : vector<16xf32>
      %add3A_659 = arith.constant 3 : i32
      %add3A_660 = vector.broadcast %add3A_659 : i32 to vector<16xi32>
      %add3A_661 = arith.addi %add3A_581, %add3A_660 : vector<16xi32>
      tpu.vector_store_idx %arg8[%add3A_661], %add3A_658 : memref<52224xf32, #tpu.memory_space<vmem>>[vector<16xi32>], vector<16xf32>,
      %mul3A_662 = arith.mulf %add3A_442, %gather3A_354 : vector<16xf32>
      %mul3A_663 = arith.mulf %add3A_451, %gather3A_358 : vector<16xf32>
      %add3A_664 = arith.addf %mul3A_662, %mul3A_663 : vector<16xf32>
      %mul3A_665 = arith.mulf %add3A_460, %gather3A_362 : vector<16xf32>
      %add3A_666 = arith.addf %add3A_664, %mul3A_665 : vector<16xf32>
      %mul3A_667 = arith.mulf %add3A_469, %gather3A_366 : vector<16xf32>
      %add3A_668 = arith.addf %add3A_666, %mul3A_667 : vector<16xf32>
      %mul3A_669 = arith.mulf %add3A_478, %gather3A_370 : vector<16xf32>
      %add3A_670 = arith.addf %add3A_668, %mul3A_669 : vector<16xf32>
      %mul3A_671 = arith.mulf %add3A_487, %gather3A_374 : vector<16xf32>
      %add3A_672 = arith.addf %add3A_670, %mul3A_671 : vector<16xf32>
      %mul3A_673 = arith.mulf %add3A_496, %gather3A_378 : vector<16xf32>
      %add3A_674 = arith.addf %add3A_672, %mul3A_673 : vector<16xf32>
      %mul3A_675 = arith.mulf %add3A_505, %gather3A_382 : vector<16xf32>
      %add3A_676 = arith.addf %add3A_674, %mul3A_675 : vector<16xf32>
      %mul3A_677 = arith.mulf %add3A_514, %gather3A_386 : vector<16xf32>
      %add3A_678 = arith.addf %add3A_676, %mul3A_677 : vector<16xf32>
      %add3A_679 = arith.constant 4 : i32
      %add3A_680 = vector.broadcast %add3A_679 : i32 to vector<16xi32>
      %add3A_681 = arith.addi %add3A_581, %add3A_680 : vector<16xi32>
      tpu.vector_store_idx %arg8[%add3A_681], %add3A_678 : memref<52224xf32, #tpu.memory_space<vmem>>[vector<16xi32>], vector<16xf32>,
      %mul3A_682 = arith.mulf %add3A_451, %gather3A_354 : vector<16xf32>
      %mul3A_683 = arith.mulf %add3A_460, %gather3A_358 : vector<16xf32>
      %add3A_684 = arith.addf %mul3A_682, %mul3A_683 : vector<16xf32>
      %mul3A_685 = arith.mulf %add3A_469, %gather3A_362 : vector<16xf32>
      %add3A_686 = arith.addf %add3A_684, %mul3A_685 : vector<16xf32>
      %mul3A_687 = arith.mulf %add3A_478, %gather3A_366 : vector<16xf32>
      %add3A_688 = arith.addf %add3A_686, %mul3A_687 : vector<16xf32>
      %mul3A_689 = arith.mulf %add3A_487, %gather3A_370 : vector<16xf32>
      %add3A_690 = arith.addf %add3A_688, %mul3A_689 : vector<16xf32>
      %mul3A_691 = arith.mulf %add3A_496, %gather3A_374 : vector<16xf32>
      %add3A_692 = arith.addf %add3A_690, %mul3A_691 : vector<16xf32>
      %mul3A_693 = arith.mulf %add3A_505, %gather3A_378 : vector<16xf32>
      %add3A_694 = arith.addf %add3A_692, %mul3A_693 : vector<16xf32>
      %mul3A_695 = arith.mulf %add3A_514, %gather3A_382 : vector<16xf32>
      %add3A_696 = arith.addf %add3A_694, %mul3A_695 : vector<16xf32>
      %mul3A_697 = arith.mulf %add3A_523, %gather3A_386 : vector<16xf32>
      %add3A_698 = arith.addf %add3A_696, %mul3A_697 : vector<16xf32>
      %add3A_699 = arith.constant 5 : i32
      %add3A_700 = vector.broadcast %add3A_699 : i32 to vector<16xi32>
      %add3A_701 = arith.addi %add3A_581, %add3A_700 : vector<16xi32>
      tpu.vector_store_idx %arg8[%add3A_701], %add3A_698 : memref<52224xf32, #tpu.memory_space<vmem>>[vector<16xi32>], vector<16xf32>,
      %mul3A_702 = arith.mulf %add3A_460, %gather3A_354 : vector<16xf32>
      %mul3A_703 = arith.mulf %add3A_469, %gather3A_358 : vector<16xf32>
      %add3A_704 = arith.addf %mul3A_702, %mul3A_703 : vector<16xf32>
      %mul3A_705 = arith.mulf %add3A_478, %gather3A_362 : vector<16xf32>
      %add3A_706 = arith.addf %add3A_704, %mul3A_705 : vector<16xf32>
      %mul3A_707 = arith.mulf %add3A_487, %gather3A_366 : vector<16xf32>
      %add3A_708 = arith.addf %add3A_706, %mul3A_707 : vector<16xf32>
      %mul3A_709 = arith.mulf %add3A_496, %gather3A_370 : vector<16xf32>
      %add3A_710 = arith.addf %add3A_708, %mul3A_709 : vector<16xf32>
      %mul3A_711 = arith.mulf %add3A_505, %gather3A_374 : vector<16xf32>
      %add3A_712 = arith.addf %add3A_710, %mul3A_711 : vector<16xf32>
      %mul3A_713 = arith.mulf %add3A_514, %gather3A_378 : vector<16xf32>
      %add3A_714 = arith.addf %add3A_712, %mul3A_713 : vector<16xf32>
      %mul3A_715 = arith.mulf %add3A_523, %gather3A_382 : vector<16xf32>
      %add3A_716 = arith.addf %add3A_714, %mul3A_715 : vector<16xf32>
      %mul3A_717 = arith.mulf %add3A_532, %gather3A_386 : vector<16xf32>
      %add3A_718 = arith.addf %add3A_716, %mul3A_717 : vector<16xf32>
      %add3A_719 = arith.constant 6 : i32
      %add3A_720 = vector.broadcast %add3A_719 : i32 to vector<16xi32>
      %add3A_721 = arith.addi %add3A_581, %add3A_720 : vector<16xi32>
      tpu.vector_store_idx %arg8[%add3A_721], %add3A_718 : memref<52224xf32, #tpu.memory_space<vmem>>[vector<16xi32>], vector<16xf32>,
      %mul3A_722 = arith.mulf %add3A_469, %gather3A_354 : vector<16xf32>
      %mul3A_723 = arith.mulf %add3A_478, %gather3A_358 : vector<16xf32>
      %add3A_724 = arith.addf %mul3A_722, %mul3A_723 : vector<16xf32>
      %mul3A_725 = arith.mulf %add3A_487, %gather3A_362 : vector<16xf32>
      %add3A_726 = arith.addf %add3A_724, %mul3A_725 : vector<16xf32>
      %mul3A_727 = arith.mulf %add3A_496, %gather3A_366 : vector<16xf32>
      %add3A_728 = arith.addf %add3A_726, %mul3A_727 : vector<16xf32>
      %mul3A_729 = arith.mulf %add3A_505, %gather3A_370 : vector<16xf32>
      %add3A_730 = arith.addf %add3A_728, %mul3A_729 : vector<16xf32>
      %mul3A_731 = arith.mulf %add3A_514, %gather3A_374 : vector<16xf32>
      %add3A_732 = arith.addf %add3A_730, %mul3A_731 : vector<16xf32>
      %mul3A_733 = arith.mulf %add3A_523, %gather3A_378 : vector<16xf32>
      %add3A_734 = arith.addf %add3A_732, %mul3A_733 : vector<16xf32>
      %mul3A_735 = arith.mulf %add3A_532, %gather3A_382 : vector<16xf32>
      %add3A_736 = arith.addf %add3A_734, %mul3A_735 : vector<16xf32>
      %mul3A_737 = arith.mulf %add3A_541, %gather3A_386 : vector<16xf32>
      %add3A_738 = arith.addf %add3A_736, %mul3A_737 : vector<16xf32>
      %add3A_739 = arith.constant 7 : i32
      %add3A_740 = vector.broadcast %add3A_739 : i32 to vector<16xi32>
      %add3A_741 = arith.addi %add3A_581, %add3A_740 : vector<16xi32>
      tpu.vector_store_idx %arg8[%add3A_741], %add3A_738 : memref<52224xf32, #tpu.memory_space<vmem>>[vector<16xi32>], vector<16xf32>,
      %mul3A_742 = arith.mulf %add3A_478, %gather3A_354 : vector<16xf32>
      %mul3A_743 = arith.mulf %add3A_487, %gather3A_358 : vector<16xf32>
      %add3A_744 = arith.addf %mul3A_742, %mul3A_743 : vector<16xf32>
      %mul3A_745 = arith.mulf %add3A_496, %gather3A_362 : vector<16xf32>
      %add3A_746 = arith.addf %add3A_744, %mul3A_745 : vector<16xf32>
      %mul3A_747 = arith.mulf %add3A_505, %gather3A_366 : vector<16xf32>
      %add3A_748 = arith.addf %add3A_746, %mul3A_747 : vector<16xf32>
      %mul3A_749 = arith.mulf %add3A_514, %gather3A_370 : vector<16xf32>
      %add3A_750 = arith.addf %add3A_748, %mul3A_749 : vector<16xf32>
      %mul3A_751 = arith.mulf %add3A_523, %gather3A_374 : vector<16xf32>
      %add3A_752 = arith.addf %add3A_750, %mul3A_751 : vector<16xf32>
      %mul3A_753 = arith.mulf %add3A_532, %gather3A_378 : vector<16xf32>
      %add3A_754 = arith.addf %add3A_752, %mul3A_753 : vector<16xf32>
      %mul3A_755 = arith.mulf %add3A_541, %gather3A_382 : vector<16xf32>
      %add3A_756 = arith.addf %add3A_754, %mul3A_755 : vector<16xf32>
      %mul3A_757 = arith.mulf %add3A_550, %gather3A_386 : vector<16xf32>
      %add3A_758 = arith.addf %add3A_756, %mul3A_757 : vector<16xf32>
      %add3A_759 = arith.constant 8 : i32
      %add3A_760 = vector.broadcast %add3A_759 : i32 to vector<16xi32>
      %add3A_761 = arith.addi %add3A_581, %add3A_760 : vector<16xi32>
      tpu.vector_store_idx %arg8[%add3A_761], %add3A_758 : memref<52224xf32, #tpu.memory_space<vmem>>[vector<16xi32>], vector<16xf32>,
      %mul3A_762 = arith.mulf %add3A_487, %gather3A_354 : vector<16xf32>
      %mul3A_763 = arith.mulf %add3A_496, %gather3A_358 : vector<16xf32>
      %add3A_764 = arith.addf %mul3A_762, %mul3A_763 : vector<16xf32>
      %mul3A_765 = arith.mulf %add3A_505, %gather3A_362 : vector<16xf32>
      %add3A_766 = arith.addf %add3A_764, %mul3A_765 : vector<16xf32>
      %mul3A_767 = arith.mulf %add3A_514, %gather3A_366 : vector<16xf32>
      %add3A_768 = arith.addf %add3A_766, %mul3A_767 : vector<16xf32>
      %mul3A_769 = arith.mulf %add3A_523, %gather3A_370 : vector<16xf32>
      %add3A_770 = arith.addf %add3A_768, %mul3A_769 : vector<16xf32>
      %mul3A_771 = arith.mulf %add3A_532, %gather3A_374 : vector<16xf32>
      %add3A_772 = arith.addf %add3A_770, %mul3A_771 : vector<16xf32>
      %mul3A_773 = arith.mulf %add3A_541, %gather3A_378 : vector<16xf32>
      %add3A_774 = arith.addf %add3A_772, %mul3A_773 : vector<16xf32>
      %mul3A_775 = arith.mulf %add3A_550, %gather3A_382 : vector<16xf32>
      %add3A_776 = arith.addf %add3A_774, %mul3A_775 : vector<16xf32>
      %mul3A_777 = arith.mulf %add3A_559, %gather3A_386 : vector<16xf32>
      %add3A_778 = arith.addf %add3A_776, %mul3A_777 : vector<16xf32>
      %add3A_779 = arith.constant 9 : i32
      %add3A_780 = vector.broadcast %add3A_779 : i32 to vector<16xi32>
      %add3A_781 = arith.addi %add3A_581, %add3A_780 : vector<16xi32>
      tpu.vector_store_idx %arg8[%add3A_781], %add3A_778 : memref<52224xf32, #tpu.memory_space<vmem>>[vector<16xi32>], vector<16xf32>,
      %mul3A_782 = arith.mulf %add3A_496, %gather3A_354 : vector<16xf32>
      %mul3A_783 = arith.mulf %add3A_505, %gather3A_358 : vector<16xf32>
      %add3A_784 = arith.addf %mul3A_782, %mul3A_783 : vector<16xf32>
      %mul3A_785 = arith.mulf %add3A_514, %gather3A_362 : vector<16xf32>
      %add3A_786 = arith.addf %add3A_784, %mul3A_785 : vector<16xf32>
      %mul3A_787 = arith.mulf %add3A_523, %gather3A_366 : vector<16xf32>
      %add3A_788 = arith.addf %add3A_786, %mul3A_787 : vector<16xf32>
      %mul3A_789 = arith.mulf %add3A_532, %gather3A_370 : vector<16xf32>
      %add3A_790 = arith.addf %add3A_788, %mul3A_789 : vector<16xf32>
      %mul3A_791 = arith.mulf %add3A_541, %gather3A_374 : vector<16xf32>
      %add3A_792 = arith.addf %add3A_790, %mul3A_791 : vector<16xf32>
      %mul3A_793 = arith.mulf %add3A_550, %gather3A_378 : vector<16xf32>
      %add3A_794 = arith.addf %add3A_792, %mul3A_793 : vector<16xf32>
      %mul3A_795 = arith.mulf %add3A_559, %gather3A_382 : vector<16xf32>
      %add3A_796 = arith.addf %add3A_794, %mul3A_795 : vector<16xf32>
      %mul3A_797 = arith.mulf %add3A_568, %gather3A_386 : vector<16xf32>
      %add3A_798 = arith.addf %add3A_796, %mul3A_797 : vector<16xf32>
      %add3A_799 = arith.constant 10 : i32
      %add3A_800 = vector.broadcast %add3A_799 : i32 to vector<16xi32>
      %add3A_801 = arith.addi %add3A_581, %add3A_800 : vector<16xi32>
      tpu.vector_store_idx %arg8[%add3A_801], %add3A_798 : memref<52224xf32, #tpu.memory_space<vmem>>[vector<16xi32>], vector<16xf32>,
      %mul3A_802 = arith.mulf %add3A_505, %gather3A_354 : vector<16xf32>
      %mul3A_803 = arith.mulf %add3A_514, %gather3A_358 : vector<16xf32>
      %add3A_804 = arith.addf %mul3A_802, %mul3A_803 : vector<16xf32>
      %mul3A_805 = arith.mulf %add3A_523, %gather3A_362 : vector<16xf32>
      %add3A_806 = arith.addf %add3A_804, %mul3A_805 : vector<16xf32>
      %mul3A_807 = arith.mulf %add3A_532, %gather3A_366 : vector<16xf32>
      %add3A_808 = arith.addf %add3A_806, %mul3A_807 : vector<16xf32>
      %mul3A_809 = arith.mulf %add3A_541, %gather3A_370 : vector<16xf32>
      %add3A_810 = arith.addf %add3A_808, %mul3A_809 : vector<16xf32>
      %mul3A_811 = arith.mulf %add3A_550, %gather3A_374 : vector<16xf32>
      %add3A_812 = arith.addf %add3A_810, %mul3A_811 : vector<16xf32>
      %mul3A_813 = arith.mulf %add3A_559, %gather3A_378 : vector<16xf32>
      %add3A_814 = arith.addf %add3A_812, %mul3A_813 : vector<16xf32>
      %mul3A_815 = arith.mulf %add3A_568, %gather3A_382 : vector<16xf32>
      %add3A_816 = arith.addf %add3A_814, %mul3A_815 : vector<16xf32>
      %mul3A_817 = arith.mulf %add3A_577, %gather3A_386 : vector<16xf32>
      %add3A_818 = arith.addf %add3A_816, %mul3A_817 : vector<16xf32>
      %add3A_819 = arith.constant 11 : i32
      %add3A_820 = vector.broadcast %add3A_819 : i32 to vector<16xi32>
      %add3A_821 = arith.addi %add3A_581, %add3A_820 : vector<16xi32>
      tpu.vector_store_idx %arg8[%add3A_821], %add3A_818 : memref<52224xf32, #tpu.memory_space<vmem>>[vector<16xi32>], vector<16xf32>,
      %scan3A_822 = arith.constant 0 : i32
      scf.yield %scan3A_822 : i32
    }
    %scan3A_176 = arith.constant 34 : i32
    %add3A_177 = arith.constant 64 : i32
    %add3A_178 = arith.addi %mul3A_2, %add3A_177 : i32
    %mul3A_179 = arith.constant 408 : i32
    %mul3A_180 = arith.muli %add3A_178, %mul3A_179 : i32
    %dma_start3A_181 = arith.constant 26112 : i32
    %dma_start3A_182 = tpu.memref_slice %arg8[%dma_start3A_181] : memref<52224xf32, #tpu.memory_space<vmem>> -> memref<6528xf32, #tpu.memory_space<vmem>>
    %dma_start3A_183 = tpu.memref_slice %arg5[%mul3A_180] : memref<1671168xf32, #tpu.memory_space<hbm>> -> memref<6528xf32, #tpu.memory_space<hbm>>
    %dma_start3A_184 = tpu.memref_slice %arg5[%mul3A_180] : memref<1671168xf32, #tpu.memory_space<hbm>> -> memref<6528xf32, #tpu.memory_space<hbm>>
    %dma_start3A_185 = arith.constant 26112 : i32
    %dma_start3A_186 = tpu.memref_slice %arg8[%dma_start3A_185] : memref<52224xf32, #tpu.memory_space<vmem>> -> memref<6528xf32, #tpu.memory_space<vmem>>
    tpu.enqueue_dma source(%dma_start3A_186 : memref<6528xf32, #tpu.memory_space<vmem>>) target(%dma_start3A_184 : memref<6528xf32, #tpu.memory_space<hbm>>) target_semaphore(%arg13 : memref<!tpu.dma_semaphore, #tpu.memory_space<semaphore_mem>>)
    %dma_wait3A_187 = tpu.memref_slice %arg2[%mul3A_156] : memref<1372160xf32, #tpu.memory_space<hbm>> -> memref<5360xf32, #tpu.memory_space<hbm>>
    %dma_wait3A_188 = tpu.memref_slice %arg2[%mul3A_156] : memref<1372160xf32, #tpu.memory_space<hbm>> -> memref<5360xf32, #tpu.memory_space<hbm>>
    tpu.wait_dma2 semaphore(%arg12 : memref<!tpu.dma_semaphore, #tpu.memory_space<semaphore_mem>>) src(%dma_wait3A_188 : memref<5360xf32, #tpu.memory_space<hbm>>) dst(%arg7 : memref<5360xf32, #tpu.memory_space<vmem>>)
    %add3A_189 = arith.constant 96 : i32
    %add3A_190 = arith.addi %mul3A_2, %add3A_189 : i32
    %mul3A_191 = arith.constant 335 : i32
    %mul3A_192 = arith.muli %add3A_190, %mul3A_191 : i32
    %dma_start3A_193 = tpu.memref_slice %arg2[%mul3A_192] : memref<1372160xf32, #tpu.memory_space<hbm>> -> memref<5360xf32, #tpu.memory_space<hbm>>
    %dma_start3A_194 = tpu.memref_slice %arg2[%mul3A_192] : memref<1372160xf32, #tpu.memory_space<hbm>> -> memref<5360xf32, #tpu.memory_space<hbm>>
    tpu.enqueue_dma source(%dma_start3A_194 : memref<5360xf32, #tpu.memory_space<hbm>>) target(%arg6 : memref<5360xf32, #tpu.memory_space<vmem>>) target_semaphore(%arg11 : memref<!tpu.dma_semaphore, #tpu.memory_space<semaphore_mem>>)
    %add3A_195 = arith.constant 80 : i32
    %add3A_196 = vector.broadcast %add3A_195 : i32 to vector<16xi32>
    %add3A_197 = arith.addi %iota3A, %add3A_196 : vector<16xi32>
    %mul3A_198 = arith.constant 408 : i32
    %mul3A_199 = vector.broadcast %mul3A_198 : i32 to vector<16xi32>
    %mul3A_200 = arith.muli %add3A_197, %mul3A_199 : vector<16xi32>
    %gather3A_201 = tpu.vector_load_idx %arg7[%mul3A_10] : memref<5360xf32, #tpu.memory_space<vmem>>[vector<16xi32>], vector<16xf32>,
    %convert_element_type3A_202 = arith.fptosi %gather3A_201 : vector<16xf32> to vector<16xi32>
    %mul3A_203 = arith.constant 34 : i32
    %mul3A_204 = vector.broadcast %mul3A_203 : i32 to vector<16xi32>
    %mul3A_205 = arith.muli %convert_element_type3A_202, %mul3A_204 : vector<16xi32>
    %scan3A_206 = arith.constant 0 : i32
    %scan3A_207 = arith.constant 0 : i32
    %scan3A_208 = arith.constant 34 : i32
    %scan3A_209 = arith.addi %scan3A_207, %scan3A_208 : i32
    %scan3A_210 = arith.constant 1 : i32
    %scan3A_211 = scf.for %scan3A_337 = %scan3A_207 to %scan3A_209 step %scan3A_210 iter_args(%scan3A_338 = %scan3A_206) -> (i32)  : i32 {
      %add3A_339 = vector.broadcast %scan3A_337 : i32 to vector<16xi32>
      %add3A_340 = arith.addi %mul3A_205, %add3A_339 : vector<16xi32>
      %gather3A_341 = tpu.vector_load_idx %arg9[%add3A_340] : memref<544xi32, #tpu.memory_space<vmem>>[vector<16xi32>], vector<16xi32>,
      %add3A_342 = arith.constant 301 : i32
      %add3A_343 = arith.addi %add3A_342, %scan3A_337 : i32
      %add3A_344 = vector.broadcast %add3A_343 : i32 to vector<16xi32>
      %add3A_345 = arith.addi %mul3A_10, %add3A_344 : vector<16xi32>
      %gather3A_346 = tpu.vector_load_idx %arg7[%add3A_345] : memref<5360xf32, #tpu.memory_space<vmem>>[vector<16xi32>], vector<16xf32>,
      %convert_element_type3A_347 = arith.fptosi %gather3A_346 : vector<16xf32> to vector<16xi32>
      %mul3A_348 = arith.constant 9 : i32
      %mul3A_349 = vector.broadcast %mul3A_348 : i32 to vector<16xi32>
      %mul3A_350 = arith.muli %convert_element_type3A_347, %mul3A_349 : vector<16xi32>
      %add3A_351 = arith.constant 0 : i32
      %add3A_352 = vector.broadcast %add3A_351 : i32 to vector<16xi32>
      %add3A_353 = arith.addi %mul3A_350, %add3A_352 : vector<16xi32>
      %gather3A_354 = tpu.vector_load_idx %arg10[%add3A_353] : memref<180xf32, #tpu.memory_space<vmem>>[vector<16xi32>], vector<16xf32>,
      %add3A_355 = arith.constant 1 : i32
      %add3A_356 = vector.broadcast %add3A_355 : i32 to vector<16xi32>
      %add3A_357 = arith.addi %mul3A_350, %add3A_356 : vector<16xi32>
      %gather3A_358 = tpu.vector_load_idx %arg10[%add3A_357] : memref<180xf32, #tpu.memory_space<vmem>>[vector<16xi32>], vector<16xf32>,
      %add3A_359 = arith.constant 2 : i32
      %add3A_360 = vector.broadcast %add3A_359 : i32 to vector<16xi32>
      %add3A_361 = arith.addi %mul3A_350, %add3A_360 : vector<16xi32>
      %gather3A_362 = tpu.vector_load_idx %arg10[%add3A_361] : memref<180xf32, #tpu.memory_space<vmem>>[vector<16xi32>], vector<16xf32>,
      %add3A_363 = arith.constant 3 : i32
      %add3A_364 = vector.broadcast %add3A_363 : i32 to vector<16xi32>
      %add3A_365 = arith.addi %mul3A_350, %add3A_364 : vector<16xi32>
      %gather3A_366 = tpu.vector_load_idx %arg10[%add3A_365] : memref<180xf32, #tpu.memory_space<vmem>>[vector<16xi32>], vector<16xf32>,
      %add3A_367 = arith.constant 4 : i32
      %add3A_368 = vector.broadcast %add3A_367 : i32 to vector<16xi32>
      %add3A_369 = arith.addi %mul3A_350, %add3A_368 : vector<16xi32>
      %gather3A_370 = tpu.vector_load_idx %arg10[%add3A_369] : memref<180xf32, #tpu.memory_space<vmem>>[vector<16xi32>], vector<16xf32>,
      %add3A_371 = arith.constant 5 : i32
      %add3A_372 = vector.broadcast %add3A_371 : i32 to vector<16xi32>
      %add3A_373 = arith.addi %mul3A_350, %add3A_372 : vector<16xi32>
      %gather3A_374 = tpu.vector_load_idx %arg10[%add3A_373] : memref<180xf32, #tpu.memory_space<vmem>>[vector<16xi32>], vector<16xf32>,
      %add3A_375 = arith.constant 6 : i32
      %add3A_376 = vector.broadcast %add3A_375 : i32 to vector<16xi32>
      %add3A_377 = arith.addi %mul3A_350, %add3A_376 : vector<16xi32>
      %gather3A_378 = tpu.vector_load_idx %arg10[%add3A_377] : memref<180xf32, #tpu.memory_space<vmem>>[vector<16xi32>], vector<16xf32>,
      %add3A_379 = arith.constant 7 : i32
      %add3A_380 = vector.broadcast %add3A_379 : i32 to vector<16xi32>
      %add3A_381 = arith.addi %mul3A_350, %add3A_380 : vector<16xi32>
      %gather3A_382 = tpu.vector_load_idx %arg10[%add3A_381] : memref<180xf32, #tpu.memory_space<vmem>>[vector<16xi32>], vector<16xf32>,
      %add3A_383 = arith.constant 8 : i32
      %add3A_384 = vector.broadcast %add3A_383 : i32 to vector<16xi32>
      %add3A_385 = arith.addi %mul3A_350, %add3A_384 : vector<16xi32>
      %gather3A_386 = tpu.vector_load_idx %arg10[%add3A_385] : memref<180xf32, #tpu.memory_space<vmem>>[vector<16xi32>], vector<16xf32>,
      %shift_right_logical3A = arith.constant 10 : i32
      %shift_right_logical3A_387 = vector.broadcast %shift_right_logical3A : i32 to vector<16xi32>
      %shift_right_logical3A_388 = arith.shrui %gather3A_341, %shift_right_logical3A_387 : vector<16xi32>
      %add3A_389 = arith.addi %mul3A_10, %shift_right_logical3A_388 : vector<16xi32>
      %sub3A = arith.constant 19 : i32
      %sub3A_390 = vector.broadcast %sub3A : i32 to vector<16xi32>
      %sub3A_391 = arith.subi %add3A_389, %sub3A_390 : vector<16xi32>
      %and3A = arith.constant 1023 : i32
      %and3A_392 = vector.broadcast %and3A : i32 to vector<16xi32>
      %and3A_393 = arith.andi %gather3A_341, %and3A_392 : vector<16xi32>
      %add3A_394 = arith.addi %mul3A_10, %and3A_393 : vector<16xi32>
      %sub3A_395 = arith.constant 19 : i32
      %sub3A_396 = vector.broadcast %sub3A_395 : i32 to vector<16xi32>
      %sub3A_397 = arith.subi %add3A_394, %sub3A_396 : vector<16xi32>
      %add3A_398 = arith.constant 0 : i32
      %add3A_399 = vector.broadcast %add3A_398 : i32 to vector<16xi32>
      %add3A_400 = arith.addi %sub3A_391, %add3A_399 : vector<16xi32>
      %gather3A_401 = tpu.vector_load_idx %arg7[%add3A_400] : memref<5360xf32, #tpu.memory_space<vmem>>[vector<16xi32>], vector<16xf32>,
      %add3A_402 = arith.constant 0 : i32
      %add3A_403 = vector.broadcast %add3A_402 : i32 to vector<16xi32>
      %add3A_404 = arith.addi %sub3A_397, %add3A_403 : vector<16xi32>
      %gather3A_405 = tpu.vector_load_idx %arg7[%add3A_404] : memref<5360xf32, #tpu.memory_space<vmem>>[vector<16xi32>], vector<16xf32>,
      %add3A_406 = arith.addf %gather3A_401, %gather3A_405 : vector<16xf32>
      %add3A_407 = arith.constant 1 : i32
      %add3A_408 = vector.broadcast %add3A_407 : i32 to vector<16xi32>
      %add3A_409 = arith.addi %sub3A_391, %add3A_408 : vector<16xi32>
      %gather3A_410 = tpu.vector_load_idx %arg7[%add3A_409] : memref<5360xf32, #tpu.memory_space<vmem>>[vector<16xi32>], vector<16xf32>,
      %add3A_411 = arith.constant 1 : i32
      %add3A_412 = vector.broadcast %add3A_411 : i32 to vector<16xi32>
      %add3A_413 = arith.addi %sub3A_397, %add3A_412 : vector<16xi32>
      %gather3A_414 = tpu.vector_load_idx %arg7[%add3A_413] : memref<5360xf32, #tpu.memory_space<vmem>>[vector<16xi32>], vector<16xf32>,
      %add3A_415 = arith.addf %gather3A_410, %gather3A_414 : vector<16xf32>
      %add3A_416 = arith.constant 2 : i32
      %add3A_417 = vector.broadcast %add3A_416 : i32 to vector<16xi32>
      %add3A_418 = arith.addi %sub3A_391, %add3A_417 : vector<16xi32>
      %gather3A_419 = tpu.vector_load_idx %arg7[%add3A_418] : memref<5360xf32, #tpu.memory_space<vmem>>[vector<16xi32>], vector<16xf32>,
      %add3A_420 = arith.constant 2 : i32
      %add3A_421 = vector.broadcast %add3A_420 : i32 to vector<16xi32>
      %add3A_422 = arith.addi %sub3A_397, %add3A_421 : vector<16xi32>
      %gather3A_423 = tpu.vector_load_idx %arg7[%add3A_422] : memref<5360xf32, #tpu.memory_space<vmem>>[vector<16xi32>], vector<16xf32>,
      %add3A_424 = arith.addf %gather3A_419, %gather3A_423 : vector<16xf32>
      %add3A_425 = arith.constant 3 : i32
      %add3A_426 = vector.broadcast %add3A_425 : i32 to vector<16xi32>
      %add3A_427 = arith.addi %sub3A_391, %add3A_426 : vector<16xi32>
      %gather3A_428 = tpu.vector_load_idx %arg7[%add3A_427] : memref<5360xf32, #tpu.memory_space<vmem>>[vector<16xi32>], vector<16xf32>,
      %add3A_429 = arith.constant 3 : i32
      %add3A_430 = vector.broadcast %add3A_429 : i32 to vector<16xi32>
      %add3A_431 = arith.addi %sub3A_397, %add3A_430 : vector<16xi32>
      %gather3A_432 = tpu.vector_load_idx %arg7[%add3A_431] : memref<5360xf32, #tpu.memory_space<vmem>>[vector<16xi32>], vector<16xf32>,
      %add3A_433 = arith.addf %gather3A_428, %gather3A_432 : vector<16xf32>
      %add3A_434 = arith.constant 4 : i32
      %add3A_435 = vector.broadcast %add3A_434 : i32 to vector<16xi32>
      %add3A_436 = arith.addi %sub3A_391, %add3A_435 : vector<16xi32>
      %gather3A_437 = tpu.vector_load_idx %arg7[%add3A_436] : memref<5360xf32, #tpu.memory_space<vmem>>[vector<16xi32>], vector<16xf32>,
      %add3A_438 = arith.constant 4 : i32
      %add3A_439 = vector.broadcast %add3A_438 : i32 to vector<16xi32>
      %add3A_440 = arith.addi %sub3A_397, %add3A_439 : vector<16xi32>
      %gather3A_441 = tpu.vector_load_idx %arg7[%add3A_440] : memref<5360xf32, #tpu.memory_space<vmem>>[vector<16xi32>], vector<16xf32>,
      %add3A_442 = arith.addf %gather3A_437, %gather3A_441 : vector<16xf32>
      %add3A_443 = arith.constant 5 : i32
      %add3A_444 = vector.broadcast %add3A_443 : i32 to vector<16xi32>
      %add3A_445 = arith.addi %sub3A_391, %add3A_444 : vector<16xi32>
      %gather3A_446 = tpu.vector_load_idx %arg7[%add3A_445] : memref<5360xf32, #tpu.memory_space<vmem>>[vector<16xi32>], vector<16xf32>,
      %add3A_447 = arith.constant 5 : i32
      %add3A_448 = vector.broadcast %add3A_447 : i32 to vector<16xi32>
      %add3A_449 = arith.addi %sub3A_397, %add3A_448 : vector<16xi32>
      %gather3A_450 = tpu.vector_load_idx %arg7[%add3A_449] : memref<5360xf32, #tpu.memory_space<vmem>>[vector<16xi32>], vector<16xf32>,
      %add3A_451 = arith.addf %gather3A_446, %gather3A_450 : vector<16xf32>
      %add3A_452 = arith.constant 6 : i32
      %add3A_453 = vector.broadcast %add3A_452 : i32 to vector<16xi32>
      %add3A_454 = arith.addi %sub3A_391, %add3A_453 : vector<16xi32>
      %gather3A_455 = tpu.vector_load_idx %arg7[%add3A_454] : memref<5360xf32, #tpu.memory_space<vmem>>[vector<16xi32>], vector<16xf32>,
      %add3A_456 = arith.constant 6 : i32
      %add3A_457 = vector.broadcast %add3A_456 : i32 to vector<16xi32>
      %add3A_458 = arith.addi %sub3A_397, %add3A_457 : vector<16xi32>
      %gather3A_459 = tpu.vector_load_idx %arg7[%add3A_458] : memref<5360xf32, #tpu.memory_space<vmem>>[vector<16xi32>], vector<16xf32>,
      %add3A_460 = arith.addf %gather3A_455, %gather3A_459 : vector<16xf32>
      %add3A_461 = arith.constant 7 : i32
      %add3A_462 = vector.broadcast %add3A_461 : i32 to vector<16xi32>
      %add3A_463 = arith.addi %sub3A_391, %add3A_462 : vector<16xi32>
      %gather3A_464 = tpu.vector_load_idx %arg7[%add3A_463] : memref<5360xf32, #tpu.memory_space<vmem>>[vector<16xi32>], vector<16xf32>,
      %add3A_465 = arith.constant 7 : i32
      %add3A_466 = vector.broadcast %add3A_465 : i32 to vector<16xi32>
      %add3A_467 = arith.addi %sub3A_397, %add3A_466 : vector<16xi32>
      %gather3A_468 = tpu.vector_load_idx %arg7[%add3A_467] : memref<5360xf32, #tpu.memory_space<vmem>>[vector<16xi32>], vector<16xf32>,
      %add3A_469 = arith.addf %gather3A_464, %gather3A_468 : vector<16xf32>
      %add3A_470 = arith.constant 8 : i32
      %add3A_471 = vector.broadcast %add3A_470 : i32 to vector<16xi32>
      %add3A_472 = arith.addi %sub3A_391, %add3A_471 : vector<16xi32>
      %gather3A_473 = tpu.vector_load_idx %arg7[%add3A_472] : memref<5360xf32, #tpu.memory_space<vmem>>[vector<16xi32>], vector<16xf32>,
      %add3A_474 = arith.constant 8 : i32
      %add3A_475 = vector.broadcast %add3A_474 : i32 to vector<16xi32>
      %add3A_476 = arith.addi %sub3A_397, %add3A_475 : vector<16xi32>
      %gather3A_477 = tpu.vector_load_idx %arg7[%add3A_476] : memref<5360xf32, #tpu.memory_space<vmem>>[vector<16xi32>], vector<16xf32>,
      %add3A_478 = arith.addf %gather3A_473, %gather3A_477 : vector<16xf32>
      %add3A_479 = arith.constant 9 : i32
      %add3A_480 = vector.broadcast %add3A_479 : i32 to vector<16xi32>
      %add3A_481 = arith.addi %sub3A_391, %add3A_480 : vector<16xi32>
      %gather3A_482 = tpu.vector_load_idx %arg7[%add3A_481] : memref<5360xf32, #tpu.memory_space<vmem>>[vector<16xi32>], vector<16xf32>,
      %add3A_483 = arith.constant 9 : i32
      %add3A_484 = vector.broadcast %add3A_483 : i32 to vector<16xi32>
      %add3A_485 = arith.addi %sub3A_397, %add3A_484 : vector<16xi32>
      %gather3A_486 = tpu.vector_load_idx %arg7[%add3A_485] : memref<5360xf32, #tpu.memory_space<vmem>>[vector<16xi32>], vector<16xf32>,
      %add3A_487 = arith.addf %gather3A_482, %gather3A_486 : vector<16xf32>
      %add3A_488 = arith.constant 10 : i32
      %add3A_489 = vector.broadcast %add3A_488 : i32 to vector<16xi32>
      %add3A_490 = arith.addi %sub3A_391, %add3A_489 : vector<16xi32>
      %gather3A_491 = tpu.vector_load_idx %arg7[%add3A_490] : memref<5360xf32, #tpu.memory_space<vmem>>[vector<16xi32>], vector<16xf32>,
      %add3A_492 = arith.constant 10 : i32
      %add3A_493 = vector.broadcast %add3A_492 : i32 to vector<16xi32>
      %add3A_494 = arith.addi %sub3A_397, %add3A_493 : vector<16xi32>
      %gather3A_495 = tpu.vector_load_idx %arg7[%add3A_494] : memref<5360xf32, #tpu.memory_space<vmem>>[vector<16xi32>], vector<16xf32>,
      %add3A_496 = arith.addf %gather3A_491, %gather3A_495 : vector<16xf32>
      %add3A_497 = arith.constant 11 : i32
      %add3A_498 = vector.broadcast %add3A_497 : i32 to vector<16xi32>
      %add3A_499 = arith.addi %sub3A_391, %add3A_498 : vector<16xi32>
      %gather3A_500 = tpu.vector_load_idx %arg7[%add3A_499] : memref<5360xf32, #tpu.memory_space<vmem>>[vector<16xi32>], vector<16xf32>,
      %add3A_501 = arith.constant 11 : i32
      %add3A_502 = vector.broadcast %add3A_501 : i32 to vector<16xi32>
      %add3A_503 = arith.addi %sub3A_397, %add3A_502 : vector<16xi32>
      %gather3A_504 = tpu.vector_load_idx %arg7[%add3A_503] : memref<5360xf32, #tpu.memory_space<vmem>>[vector<16xi32>], vector<16xf32>,
      %add3A_505 = arith.addf %gather3A_500, %gather3A_504 : vector<16xf32>
      %add3A_506 = arith.constant 12 : i32
      %add3A_507 = vector.broadcast %add3A_506 : i32 to vector<16xi32>
      %add3A_508 = arith.addi %sub3A_391, %add3A_507 : vector<16xi32>
      %gather3A_509 = tpu.vector_load_idx %arg7[%add3A_508] : memref<5360xf32, #tpu.memory_space<vmem>>[vector<16xi32>], vector<16xf32>,
      %add3A_510 = arith.constant 12 : i32
      %add3A_511 = vector.broadcast %add3A_510 : i32 to vector<16xi32>
      %add3A_512 = arith.addi %sub3A_397, %add3A_511 : vector<16xi32>
      %gather3A_513 = tpu.vector_load_idx %arg7[%add3A_512] : memref<5360xf32, #tpu.memory_space<vmem>>[vector<16xi32>], vector<16xf32>,
      %add3A_514 = arith.addf %gather3A_509, %gather3A_513 : vector<16xf32>
      %add3A_515 = arith.constant 13 : i32
      %add3A_516 = vector.broadcast %add3A_515 : i32 to vector<16xi32>
      %add3A_517 = arith.addi %sub3A_391, %add3A_516 : vector<16xi32>
      %gather3A_518 = tpu.vector_load_idx %arg7[%add3A_517] : memref<5360xf32, #tpu.memory_space<vmem>>[vector<16xi32>], vector<16xf32>,
      %add3A_519 = arith.constant 13 : i32
      %add3A_520 = vector.broadcast %add3A_519 : i32 to vector<16xi32>
      %add3A_521 = arith.addi %sub3A_397, %add3A_520 : vector<16xi32>
      %gather3A_522 = tpu.vector_load_idx %arg7[%add3A_521] : memref<5360xf32, #tpu.memory_space<vmem>>[vector<16xi32>], vector<16xf32>,
      %add3A_523 = arith.addf %gather3A_518, %gather3A_522 : vector<16xf32>
      %add3A_524 = arith.constant 14 : i32
      %add3A_525 = vector.broadcast %add3A_524 : i32 to vector<16xi32>
      %add3A_526 = arith.addi %sub3A_391, %add3A_525 : vector<16xi32>
      %gather3A_527 = tpu.vector_load_idx %arg7[%add3A_526] : memref<5360xf32, #tpu.memory_space<vmem>>[vector<16xi32>], vector<16xf32>,
      %add3A_528 = arith.constant 14 : i32
      %add3A_529 = vector.broadcast %add3A_528 : i32 to vector<16xi32>
      %add3A_530 = arith.addi %sub3A_397, %add3A_529 : vector<16xi32>
      %gather3A_531 = tpu.vector_load_idx %arg7[%add3A_530] : memref<5360xf32, #tpu.memory_space<vmem>>[vector<16xi32>], vector<16xf32>,
      %add3A_532 = arith.addf %gather3A_527, %gather3A_531 : vector<16xf32>
      %add3A_533 = arith.constant 15 : i32
      %add3A_534 = vector.broadcast %add3A_533 : i32 to vector<16xi32>
      %add3A_535 = arith.addi %sub3A_391, %add3A_534 : vector<16xi32>
      %gather3A_536 = tpu.vector_load_idx %arg7[%add3A_535] : memref<5360xf32, #tpu.memory_space<vmem>>[vector<16xi32>], vector<16xf32>,
      %add3A_537 = arith.constant 15 : i32
      %add3A_538 = vector.broadcast %add3A_537 : i32 to vector<16xi32>
      %add3A_539 = arith.addi %sub3A_397, %add3A_538 : vector<16xi32>
      %gather3A_540 = tpu.vector_load_idx %arg7[%add3A_539] : memref<5360xf32, #tpu.memory_space<vmem>>[vector<16xi32>], vector<16xf32>,
      %add3A_541 = arith.addf %gather3A_536, %gather3A_540 : vector<16xf32>
      %add3A_542 = arith.constant 16 : i32
      %add3A_543 = vector.broadcast %add3A_542 : i32 to vector<16xi32>
      %add3A_544 = arith.addi %sub3A_391, %add3A_543 : vector<16xi32>
      %gather3A_545 = tpu.vector_load_idx %arg7[%add3A_544] : memref<5360xf32, #tpu.memory_space<vmem>>[vector<16xi32>], vector<16xf32>,
      %add3A_546 = arith.constant 16 : i32
      %add3A_547 = vector.broadcast %add3A_546 : i32 to vector<16xi32>
      %add3A_548 = arith.addi %sub3A_397, %add3A_547 : vector<16xi32>
      %gather3A_549 = tpu.vector_load_idx %arg7[%add3A_548] : memref<5360xf32, #tpu.memory_space<vmem>>[vector<16xi32>], vector<16xf32>,
      %add3A_550 = arith.addf %gather3A_545, %gather3A_549 : vector<16xf32>
      %add3A_551 = arith.constant 17 : i32
      %add3A_552 = vector.broadcast %add3A_551 : i32 to vector<16xi32>
      %add3A_553 = arith.addi %sub3A_391, %add3A_552 : vector<16xi32>
      %gather3A_554 = tpu.vector_load_idx %arg7[%add3A_553] : memref<5360xf32, #tpu.memory_space<vmem>>[vector<16xi32>], vector<16xf32>,
      %add3A_555 = arith.constant 17 : i32
      %add3A_556 = vector.broadcast %add3A_555 : i32 to vector<16xi32>
      %add3A_557 = arith.addi %sub3A_397, %add3A_556 : vector<16xi32>
      %gather3A_558 = tpu.vector_load_idx %arg7[%add3A_557] : memref<5360xf32, #tpu.memory_space<vmem>>[vector<16xi32>], vector<16xf32>,
      %add3A_559 = arith.addf %gather3A_554, %gather3A_558 : vector<16xf32>
      %add3A_560 = arith.constant 18 : i32
      %add3A_561 = vector.broadcast %add3A_560 : i32 to vector<16xi32>
      %add3A_562 = arith.addi %sub3A_391, %add3A_561 : vector<16xi32>
      %gather3A_563 = tpu.vector_load_idx %arg7[%add3A_562] : memref<5360xf32, #tpu.memory_space<vmem>>[vector<16xi32>], vector<16xf32>,
      %add3A_564 = arith.constant 18 : i32
      %add3A_565 = vector.broadcast %add3A_564 : i32 to vector<16xi32>
      %add3A_566 = arith.addi %sub3A_397, %add3A_565 : vector<16xi32>
      %gather3A_567 = tpu.vector_load_idx %arg7[%add3A_566] : memref<5360xf32, #tpu.memory_space<vmem>>[vector<16xi32>], vector<16xf32>,
      %add3A_568 = arith.addf %gather3A_563, %gather3A_567 : vector<16xf32>
      %add3A_569 = arith.constant 19 : i32
      %add3A_570 = vector.broadcast %add3A_569 : i32 to vector<16xi32>
      %add3A_571 = arith.addi %sub3A_391, %add3A_570 : vector<16xi32>
      %gather3A_572 = tpu.vector_load_idx %arg7[%add3A_571] : memref<5360xf32, #tpu.memory_space<vmem>>[vector<16xi32>], vector<16xf32>,
      %add3A_573 = arith.constant 19 : i32
      %add3A_574 = vector.broadcast %add3A_573 : i32 to vector<16xi32>
      %add3A_575 = arith.addi %sub3A_397, %add3A_574 : vector<16xi32>
      %gather3A_576 = tpu.vector_load_idx %arg7[%add3A_575] : memref<5360xf32, #tpu.memory_space<vmem>>[vector<16xi32>], vector<16xf32>,
      %add3A_577 = arith.addf %gather3A_572, %gather3A_576 : vector<16xf32>
      %mul3A_578 = arith.constant 12 : i32
      %mul3A_579 = arith.muli %scan3A_337, %mul3A_578 : i32
      %add3A_580 = vector.broadcast %mul3A_579 : i32 to vector<16xi32>
      %add3A_581 = arith.addi %mul3A_200, %add3A_580 : vector<16xi32>
      %mul3A_582 = arith.mulf %add3A_406, %gather3A_354 : vector<16xf32>
      %mul3A_583 = arith.mulf %add3A_415, %gather3A_358 : vector<16xf32>
      %add3A_584 = arith.addf %mul3A_582, %mul3A_583 : vector<16xf32>
      %mul3A_585 = arith.mulf %add3A_424, %gather3A_362 : vector<16xf32>
      %add3A_586 = arith.addf %add3A_584, %mul3A_585 : vector<16xf32>
      %mul3A_587 = arith.mulf %add3A_433, %gather3A_366 : vector<16xf32>
      %add3A_588 = arith.addf %add3A_586, %mul3A_587 : vector<16xf32>
      %mul3A_589 = arith.mulf %add3A_442, %gather3A_370 : vector<16xf32>
      %add3A_590 = arith.addf %add3A_588, %mul3A_589 : vector<16xf32>
      %mul3A_591 = arith.mulf %add3A_451, %gather3A_374 : vector<16xf32>
      %add3A_592 = arith.addf %add3A_590, %mul3A_591 : vector<16xf32>
      %mul3A_593 = arith.mulf %add3A_460, %gather3A_378 : vector<16xf32>
      %add3A_594 = arith.addf %add3A_592, %mul3A_593 : vector<16xf32>
      %mul3A_595 = arith.mulf %add3A_469, %gather3A_382 : vector<16xf32>
      %add3A_596 = arith.addf %add3A_594, %mul3A_595 : vector<16xf32>
      %mul3A_597 = arith.mulf %add3A_478, %gather3A_386 : vector<16xf32>
      %add3A_598 = arith.addf %add3A_596, %mul3A_597 : vector<16xf32>
      %add3A_599 = arith.constant 0 : i32
      %add3A_600 = vector.broadcast %add3A_599 : i32 to vector<16xi32>
      %add3A_601 = arith.addi %add3A_581, %add3A_600 : vector<16xi32>
      tpu.vector_store_idx %arg8[%add3A_601], %add3A_598 : memref<52224xf32, #tpu.memory_space<vmem>>[vector<16xi32>], vector<16xf32>,
      %mul3A_602 = arith.mulf %add3A_415, %gather3A_354 : vector<16xf32>
      %mul3A_603 = arith.mulf %add3A_424, %gather3A_358 : vector<16xf32>
      %add3A_604 = arith.addf %mul3A_602, %mul3A_603 : vector<16xf32>
      %mul3A_605 = arith.mulf %add3A_433, %gather3A_362 : vector<16xf32>
      %add3A_606 = arith.addf %add3A_604, %mul3A_605 : vector<16xf32>
      %mul3A_607 = arith.mulf %add3A_442, %gather3A_366 : vector<16xf32>
      %add3A_608 = arith.addf %add3A_606, %mul3A_607 : vector<16xf32>
      %mul3A_609 = arith.mulf %add3A_451, %gather3A_370 : vector<16xf32>
      %add3A_610 = arith.addf %add3A_608, %mul3A_609 : vector<16xf32>
      %mul3A_611 = arith.mulf %add3A_460, %gather3A_374 : vector<16xf32>
      %add3A_612 = arith.addf %add3A_610, %mul3A_611 : vector<16xf32>
      %mul3A_613 = arith.mulf %add3A_469, %gather3A_378 : vector<16xf32>
      %add3A_614 = arith.addf %add3A_612, %mul3A_613 : vector<16xf32>
      %mul3A_615 = arith.mulf %add3A_478, %gather3A_382 : vector<16xf32>
      %add3A_616 = arith.addf %add3A_614, %mul3A_615 : vector<16xf32>
      %mul3A_617 = arith.mulf %add3A_487, %gather3A_386 : vector<16xf32>
      %add3A_618 = arith.addf %add3A_616, %mul3A_617 : vector<16xf32>
      %add3A_619 = arith.constant 1 : i32
      %add3A_620 = vector.broadcast %add3A_619 : i32 to vector<16xi32>
      %add3A_621 = arith.addi %add3A_581, %add3A_620 : vector<16xi32>
      tpu.vector_store_idx %arg8[%add3A_621], %add3A_618 : memref<52224xf32, #tpu.memory_space<vmem>>[vector<16xi32>], vector<16xf32>,
      %mul3A_622 = arith.mulf %add3A_424, %gather3A_354 : vector<16xf32>
      %mul3A_623 = arith.mulf %add3A_433, %gather3A_358 : vector<16xf32>
      %add3A_624 = arith.addf %mul3A_622, %mul3A_623 : vector<16xf32>
      %mul3A_625 = arith.mulf %add3A_442, %gather3A_362 : vector<16xf32>
      %add3A_626 = arith.addf %add3A_624, %mul3A_625 : vector<16xf32>
      %mul3A_627 = arith.mulf %add3A_451, %gather3A_366 : vector<16xf32>
      %add3A_628 = arith.addf %add3A_626, %mul3A_627 : vector<16xf32>
      %mul3A_629 = arith.mulf %add3A_460, %gather3A_370 : vector<16xf32>
      %add3A_630 = arith.addf %add3A_628, %mul3A_629 : vector<16xf32>
      %mul3A_631 = arith.mulf %add3A_469, %gather3A_374 : vector<16xf32>
      %add3A_632 = arith.addf %add3A_630, %mul3A_631 : vector<16xf32>
      %mul3A_633 = arith.mulf %add3A_478, %gather3A_378 : vector<16xf32>
      %add3A_634 = arith.addf %add3A_632, %mul3A_633 : vector<16xf32>
      %mul3A_635 = arith.mulf %add3A_487, %gather3A_382 : vector<16xf32>
      %add3A_636 = arith.addf %add3A_634, %mul3A_635 : vector<16xf32>
      %mul3A_637 = arith.mulf %add3A_496, %gather3A_386 : vector<16xf32>
      %add3A_638 = arith.addf %add3A_636, %mul3A_637 : vector<16xf32>
      %add3A_639 = arith.constant 2 : i32
      %add3A_640 = vector.broadcast %add3A_639 : i32 to vector<16xi32>
      %add3A_641 = arith.addi %add3A_581, %add3A_640 : vector<16xi32>
      tpu.vector_store_idx %arg8[%add3A_641], %add3A_638 : memref<52224xf32, #tpu.memory_space<vmem>>[vector<16xi32>], vector<16xf32>,
      %mul3A_642 = arith.mulf %add3A_433, %gather3A_354 : vector<16xf32>
      %mul3A_643 = arith.mulf %add3A_442, %gather3A_358 : vector<16xf32>
      %add3A_644 = arith.addf %mul3A_642, %mul3A_643 : vector<16xf32>
      %mul3A_645 = arith.mulf %add3A_451, %gather3A_362 : vector<16xf32>
      %add3A_646 = arith.addf %add3A_644, %mul3A_645 : vector<16xf32>
      %mul3A_647 = arith.mulf %add3A_460, %gather3A_366 : vector<16xf32>
      %add3A_648 = arith.addf %add3A_646, %mul3A_647 : vector<16xf32>
      %mul3A_649 = arith.mulf %add3A_469, %gather3A_370 : vector<16xf32>
      %add3A_650 = arith.addf %add3A_648, %mul3A_649 : vector<16xf32>
      %mul3A_651 = arith.mulf %add3A_478, %gather3A_374 : vector<16xf32>
      %add3A_652 = arith.addf %add3A_650, %mul3A_651 : vector<16xf32>
      %mul3A_653 = arith.mulf %add3A_487, %gather3A_378 : vector<16xf32>
      %add3A_654 = arith.addf %add3A_652, %mul3A_653 : vector<16xf32>
      %mul3A_655 = arith.mulf %add3A_496, %gather3A_382 : vector<16xf32>
      %add3A_656 = arith.addf %add3A_654, %mul3A_655 : vector<16xf32>
      %mul3A_657 = arith.mulf %add3A_505, %gather3A_386 : vector<16xf32>
      %add3A_658 = arith.addf %add3A_656, %mul3A_657 : vector<16xf32>
      %add3A_659 = arith.constant 3 : i32
      %add3A_660 = vector.broadcast %add3A_659 : i32 to vector<16xi32>
      %add3A_661 = arith.addi %add3A_581, %add3A_660 : vector<16xi32>
      tpu.vector_store_idx %arg8[%add3A_661], %add3A_658 : memref<52224xf32, #tpu.memory_space<vmem>>[vector<16xi32>], vector<16xf32>,
      %mul3A_662 = arith.mulf %add3A_442, %gather3A_354 : vector<16xf32>
      %mul3A_663 = arith.mulf %add3A_451, %gather3A_358 : vector<16xf32>
      %add3A_664 = arith.addf %mul3A_662, %mul3A_663 : vector<16xf32>
      %mul3A_665 = arith.mulf %add3A_460, %gather3A_362 : vector<16xf32>
      %add3A_666 = arith.addf %add3A_664, %mul3A_665 : vector<16xf32>
      %mul3A_667 = arith.mulf %add3A_469, %gather3A_366 : vector<16xf32>
      %add3A_668 = arith.addf %add3A_666, %mul3A_667 : vector<16xf32>
      %mul3A_669 = arith.mulf %add3A_478, %gather3A_370 : vector<16xf32>
      %add3A_670 = arith.addf %add3A_668, %mul3A_669 : vector<16xf32>
      %mul3A_671 = arith.mulf %add3A_487, %gather3A_374 : vector<16xf32>
      %add3A_672 = arith.addf %add3A_670, %mul3A_671 : vector<16xf32>
      %mul3A_673 = arith.mulf %add3A_496, %gather3A_378 : vector<16xf32>
      %add3A_674 = arith.addf %add3A_672, %mul3A_673 : vector<16xf32>
      %mul3A_675 = arith.mulf %add3A_505, %gather3A_382 : vector<16xf32>
      %add3A_676 = arith.addf %add3A_674, %mul3A_675 : vector<16xf32>
      %mul3A_677 = arith.mulf %add3A_514, %gather3A_386 : vector<16xf32>
      %add3A_678 = arith.addf %add3A_676, %mul3A_677 : vector<16xf32>
      %add3A_679 = arith.constant 4 : i32
      %add3A_680 = vector.broadcast %add3A_679 : i32 to vector<16xi32>
      %add3A_681 = arith.addi %add3A_581, %add3A_680 : vector<16xi32>
      tpu.vector_store_idx %arg8[%add3A_681], %add3A_678 : memref<52224xf32, #tpu.memory_space<vmem>>[vector<16xi32>], vector<16xf32>,
      %mul3A_682 = arith.mulf %add3A_451, %gather3A_354 : vector<16xf32>
      %mul3A_683 = arith.mulf %add3A_460, %gather3A_358 : vector<16xf32>
      %add3A_684 = arith.addf %mul3A_682, %mul3A_683 : vector<16xf32>
      %mul3A_685 = arith.mulf %add3A_469, %gather3A_362 : vector<16xf32>
      %add3A_686 = arith.addf %add3A_684, %mul3A_685 : vector<16xf32>
      %mul3A_687 = arith.mulf %add3A_478, %gather3A_366 : vector<16xf32>
      %add3A_688 = arith.addf %add3A_686, %mul3A_687 : vector<16xf32>
      %mul3A_689 = arith.mulf %add3A_487, %gather3A_370 : vector<16xf32>
      %add3A_690 = arith.addf %add3A_688, %mul3A_689 : vector<16xf32>
      %mul3A_691 = arith.mulf %add3A_496, %gather3A_374 : vector<16xf32>
      %add3A_692 = arith.addf %add3A_690, %mul3A_691 : vector<16xf32>
      %mul3A_693 = arith.mulf %add3A_505, %gather3A_378 : vector<16xf32>
      %add3A_694 = arith.addf %add3A_692, %mul3A_693 : vector<16xf32>
      %mul3A_695 = arith.mulf %add3A_514, %gather3A_382 : vector<16xf32>
      %add3A_696 = arith.addf %add3A_694, %mul3A_695 : vector<16xf32>
      %mul3A_697 = arith.mulf %add3A_523, %gather3A_386 : vector<16xf32>
      %add3A_698 = arith.addf %add3A_696, %mul3A_697 : vector<16xf32>
      %add3A_699 = arith.constant 5 : i32
      %add3A_700 = vector.broadcast %add3A_699 : i32 to vector<16xi32>
      %add3A_701 = arith.addi %add3A_581, %add3A_700 : vector<16xi32>
      tpu.vector_store_idx %arg8[%add3A_701], %add3A_698 : memref<52224xf32, #tpu.memory_space<vmem>>[vector<16xi32>], vector<16xf32>,
      %mul3A_702 = arith.mulf %add3A_460, %gather3A_354 : vector<16xf32>
      %mul3A_703 = arith.mulf %add3A_469, %gather3A_358 : vector<16xf32>
      %add3A_704 = arith.addf %mul3A_702, %mul3A_703 : vector<16xf32>
      %mul3A_705 = arith.mulf %add3A_478, %gather3A_362 : vector<16xf32>
      %add3A_706 = arith.addf %add3A_704, %mul3A_705 : vector<16xf32>
      %mul3A_707 = arith.mulf %add3A_487, %gather3A_366 : vector<16xf32>
      %add3A_708 = arith.addf %add3A_706, %mul3A_707 : vector<16xf32>
      %mul3A_709 = arith.mulf %add3A_496, %gather3A_370 : vector<16xf32>
      %add3A_710 = arith.addf %add3A_708, %mul3A_709 : vector<16xf32>
      %mul3A_711 = arith.mulf %add3A_505, %gather3A_374 : vector<16xf32>
      %add3A_712 = arith.addf %add3A_710, %mul3A_711 : vector<16xf32>
      %mul3A_713 = arith.mulf %add3A_514, %gather3A_378 : vector<16xf32>
      %add3A_714 = arith.addf %add3A_712, %mul3A_713 : vector<16xf32>
      %mul3A_715 = arith.mulf %add3A_523, %gather3A_382 : vector<16xf32>
      %add3A_716 = arith.addf %add3A_714, %mul3A_715 : vector<16xf32>
      %mul3A_717 = arith.mulf %add3A_532, %gather3A_386 : vector<16xf32>
      %add3A_718 = arith.addf %add3A_716, %mul3A_717 : vector<16xf32>
      %add3A_719 = arith.constant 6 : i32
      %add3A_720 = vector.broadcast %add3A_719 : i32 to vector<16xi32>
      %add3A_721 = arith.addi %add3A_581, %add3A_720 : vector<16xi32>
      tpu.vector_store_idx %arg8[%add3A_721], %add3A_718 : memref<52224xf32, #tpu.memory_space<vmem>>[vector<16xi32>], vector<16xf32>,
      %mul3A_722 = arith.mulf %add3A_469, %gather3A_354 : vector<16xf32>
      %mul3A_723 = arith.mulf %add3A_478, %gather3A_358 : vector<16xf32>
      %add3A_724 = arith.addf %mul3A_722, %mul3A_723 : vector<16xf32>
      %mul3A_725 = arith.mulf %add3A_487, %gather3A_362 : vector<16xf32>
      %add3A_726 = arith.addf %add3A_724, %mul3A_725 : vector<16xf32>
      %mul3A_727 = arith.mulf %add3A_496, %gather3A_366 : vector<16xf32>
      %add3A_728 = arith.addf %add3A_726, %mul3A_727 : vector<16xf32>
      %mul3A_729 = arith.mulf %add3A_505, %gather3A_370 : vector<16xf32>
      %add3A_730 = arith.addf %add3A_728, %mul3A_729 : vector<16xf32>
      %mul3A_731 = arith.mulf %add3A_514, %gather3A_374 : vector<16xf32>
      %add3A_732 = arith.addf %add3A_730, %mul3A_731 : vector<16xf32>
      %mul3A_733 = arith.mulf %add3A_523, %gather3A_378 : vector<16xf32>
      %add3A_734 = arith.addf %add3A_732, %mul3A_733 : vector<16xf32>
      %mul3A_735 = arith.mulf %add3A_532, %gather3A_382 : vector<16xf32>
      %add3A_736 = arith.addf %add3A_734, %mul3A_735 : vector<16xf32>
      %mul3A_737 = arith.mulf %add3A_541, %gather3A_386 : vector<16xf32>
      %add3A_738 = arith.addf %add3A_736, %mul3A_737 : vector<16xf32>
      %add3A_739 = arith.constant 7 : i32
      %add3A_740 = vector.broadcast %add3A_739 : i32 to vector<16xi32>
      %add3A_741 = arith.addi %add3A_581, %add3A_740 : vector<16xi32>
      tpu.vector_store_idx %arg8[%add3A_741], %add3A_738 : memref<52224xf32, #tpu.memory_space<vmem>>[vector<16xi32>], vector<16xf32>,
      %mul3A_742 = arith.mulf %add3A_478, %gather3A_354 : vector<16xf32>
      %mul3A_743 = arith.mulf %add3A_487, %gather3A_358 : vector<16xf32>
      %add3A_744 = arith.addf %mul3A_742, %mul3A_743 : vector<16xf32>
      %mul3A_745 = arith.mulf %add3A_496, %gather3A_362 : vector<16xf32>
      %add3A_746 = arith.addf %add3A_744, %mul3A_745 : vector<16xf32>
      %mul3A_747 = arith.mulf %add3A_505, %gather3A_366 : vector<16xf32>
      %add3A_748 = arith.addf %add3A_746, %mul3A_747 : vector<16xf32>
      %mul3A_749 = arith.mulf %add3A_514, %gather3A_370 : vector<16xf32>
      %add3A_750 = arith.addf %add3A_748, %mul3A_749 : vector<16xf32>
      %mul3A_751 = arith.mulf %add3A_523, %gather3A_374 : vector<16xf32>
      %add3A_752 = arith.addf %add3A_750, %mul3A_751 : vector<16xf32>
      %mul3A_753 = arith.mulf %add3A_532, %gather3A_378 : vector<16xf32>
      %add3A_754 = arith.addf %add3A_752, %mul3A_753 : vector<16xf32>
      %mul3A_755 = arith.mulf %add3A_541, %gather3A_382 : vector<16xf32>
      %add3A_756 = arith.addf %add3A_754, %mul3A_755 : vector<16xf32>
      %mul3A_757 = arith.mulf %add3A_550, %gather3A_386 : vector<16xf32>
      %add3A_758 = arith.addf %add3A_756, %mul3A_757 : vector<16xf32>
      %add3A_759 = arith.constant 8 : i32
      %add3A_760 = vector.broadcast %add3A_759 : i32 to vector<16xi32>
      %add3A_761 = arith.addi %add3A_581, %add3A_760 : vector<16xi32>
      tpu.vector_store_idx %arg8[%add3A_761], %add3A_758 : memref<52224xf32, #tpu.memory_space<vmem>>[vector<16xi32>], vector<16xf32>,
      %mul3A_762 = arith.mulf %add3A_487, %gather3A_354 : vector<16xf32>
      %mul3A_763 = arith.mulf %add3A_496, %gather3A_358 : vector<16xf32>
      %add3A_764 = arith.addf %mul3A_762, %mul3A_763 : vector<16xf32>
      %mul3A_765 = arith.mulf %add3A_505, %gather3A_362 : vector<16xf32>
      %add3A_766 = arith.addf %add3A_764, %mul3A_765 : vector<16xf32>
      %mul3A_767 = arith.mulf %add3A_514, %gather3A_366 : vector<16xf32>
      %add3A_768 = arith.addf %add3A_766, %mul3A_767 : vector<16xf32>
      %mul3A_769 = arith.mulf %add3A_523, %gather3A_370 : vector<16xf32>
      %add3A_770 = arith.addf %add3A_768, %mul3A_769 : vector<16xf32>
      %mul3A_771 = arith.mulf %add3A_532, %gather3A_374 : vector<16xf32>
      %add3A_772 = arith.addf %add3A_770, %mul3A_771 : vector<16xf32>
      %mul3A_773 = arith.mulf %add3A_541, %gather3A_378 : vector<16xf32>
      %add3A_774 = arith.addf %add3A_772, %mul3A_773 : vector<16xf32>
      %mul3A_775 = arith.mulf %add3A_550, %gather3A_382 : vector<16xf32>
      %add3A_776 = arith.addf %add3A_774, %mul3A_775 : vector<16xf32>
      %mul3A_777 = arith.mulf %add3A_559, %gather3A_386 : vector<16xf32>
      %add3A_778 = arith.addf %add3A_776, %mul3A_777 : vector<16xf32>
      %add3A_779 = arith.constant 9 : i32
      %add3A_780 = vector.broadcast %add3A_779 : i32 to vector<16xi32>
      %add3A_781 = arith.addi %add3A_581, %add3A_780 : vector<16xi32>
      tpu.vector_store_idx %arg8[%add3A_781], %add3A_778 : memref<52224xf32, #tpu.memory_space<vmem>>[vector<16xi32>], vector<16xf32>,
      %mul3A_782 = arith.mulf %add3A_496, %gather3A_354 : vector<16xf32>
      %mul3A_783 = arith.mulf %add3A_505, %gather3A_358 : vector<16xf32>
      %add3A_784 = arith.addf %mul3A_782, %mul3A_783 : vector<16xf32>
      %mul3A_785 = arith.mulf %add3A_514, %gather3A_362 : vector<16xf32>
      %add3A_786 = arith.addf %add3A_784, %mul3A_785 : vector<16xf32>
      %mul3A_787 = arith.mulf %add3A_523, %gather3A_366 : vector<16xf32>
      %add3A_788 = arith.addf %add3A_786, %mul3A_787 : vector<16xf32>
      %mul3A_789 = arith.mulf %add3A_532, %gather3A_370 : vector<16xf32>
      %add3A_790 = arith.addf %add3A_788, %mul3A_789 : vector<16xf32>
      %mul3A_791 = arith.mulf %add3A_541, %gather3A_374 : vector<16xf32>
      %add3A_792 = arith.addf %add3A_790, %mul3A_791 : vector<16xf32>
      %mul3A_793 = arith.mulf %add3A_550, %gather3A_378 : vector<16xf32>
      %add3A_794 = arith.addf %add3A_792, %mul3A_793 : vector<16xf32>
      %mul3A_795 = arith.mulf %add3A_559, %gather3A_382 : vector<16xf32>
      %add3A_796 = arith.addf %add3A_794, %mul3A_795 : vector<16xf32>
      %mul3A_797 = arith.mulf %add3A_568, %gather3A_386 : vector<16xf32>
      %add3A_798 = arith.addf %add3A_796, %mul3A_797 : vector<16xf32>
      %add3A_799 = arith.constant 10 : i32
      %add3A_800 = vector.broadcast %add3A_799 : i32 to vector<16xi32>
      %add3A_801 = arith.addi %add3A_581, %add3A_800 : vector<16xi32>
      tpu.vector_store_idx %arg8[%add3A_801], %add3A_798 : memref<52224xf32, #tpu.memory_space<vmem>>[vector<16xi32>], vector<16xf32>,
      %mul3A_802 = arith.mulf %add3A_505, %gather3A_354 : vector<16xf32>
      %mul3A_803 = arith.mulf %add3A_514, %gather3A_358 : vector<16xf32>
      %add3A_804 = arith.addf %mul3A_802, %mul3A_803 : vector<16xf32>
      %mul3A_805 = arith.mulf %add3A_523, %gather3A_362 : vector<16xf32>
      %add3A_806 = arith.addf %add3A_804, %mul3A_805 : vector<16xf32>
      %mul3A_807 = arith.mulf %add3A_532, %gather3A_366 : vector<16xf32>
      %add3A_808 = arith.addf %add3A_806, %mul3A_807 : vector<16xf32>
      %mul3A_809 = arith.mulf %add3A_541, %gather3A_370 : vector<16xf32>
      %add3A_810 = arith.addf %add3A_808, %mul3A_809 : vector<16xf32>
      %mul3A_811 = arith.mulf %add3A_550, %gather3A_374 : vector<16xf32>
      %add3A_812 = arith.addf %add3A_810, %mul3A_811 : vector<16xf32>
      %mul3A_813 = arith.mulf %add3A_559, %gather3A_378 : vector<16xf32>
      %add3A_814 = arith.addf %add3A_812, %mul3A_813 : vector<16xf32>
      %mul3A_815 = arith.mulf %add3A_568, %gather3A_382 : vector<16xf32>
      %add3A_816 = arith.addf %add3A_814, %mul3A_815 : vector<16xf32>
      %mul3A_817 = arith.mulf %add3A_577, %gather3A_386 : vector<16xf32>
      %add3A_818 = arith.addf %add3A_816, %mul3A_817 : vector<16xf32>
      %add3A_819 = arith.constant 11 : i32
      %add3A_820 = vector.broadcast %add3A_819 : i32 to vector<16xi32>
      %add3A_821 = arith.addi %add3A_581, %add3A_820 : vector<16xi32>
      tpu.vector_store_idx %arg8[%add3A_821], %add3A_818 : memref<52224xf32, #tpu.memory_space<vmem>>[vector<16xi32>], vector<16xf32>,
      %scan3A_822 = arith.constant 0 : i32
      scf.yield %scan3A_822 : i32
    }
    %scan3A_212 = arith.constant 34 : i32
    %add3A_213 = arith.constant 80 : i32
    %add3A_214 = arith.addi %mul3A_2, %add3A_213 : i32
    %mul3A_215 = arith.constant 408 : i32
    %mul3A_216 = arith.muli %add3A_214, %mul3A_215 : i32
    %dma_start3A_217 = arith.constant 32640 : i32
    %dma_start3A_218 = tpu.memref_slice %arg8[%dma_start3A_217] : memref<52224xf32, #tpu.memory_space<vmem>> -> memref<6528xf32, #tpu.memory_space<vmem>>
    %dma_start3A_219 = tpu.memref_slice %arg5[%mul3A_216] : memref<1671168xf32, #tpu.memory_space<hbm>> -> memref<6528xf32, #tpu.memory_space<hbm>>
    %dma_start3A_220 = tpu.memref_slice %arg5[%mul3A_216] : memref<1671168xf32, #tpu.memory_space<hbm>> -> memref<6528xf32, #tpu.memory_space<hbm>>
    %dma_start3A_221 = arith.constant 32640 : i32
    %dma_start3A_222 = tpu.memref_slice %arg8[%dma_start3A_221] : memref<52224xf32, #tpu.memory_space<vmem>> -> memref<6528xf32, #tpu.memory_space<vmem>>
    tpu.enqueue_dma source(%dma_start3A_222 : memref<6528xf32, #tpu.memory_space<vmem>>) target(%dma_start3A_220 : memref<6528xf32, #tpu.memory_space<hbm>>) target_semaphore(%arg13 : memref<!tpu.dma_semaphore, #tpu.memory_space<semaphore_mem>>)
    %dma_wait3A_223 = tpu.memref_slice %arg2[%mul3A_192] : memref<1372160xf32, #tpu.memory_space<hbm>> -> memref<5360xf32, #tpu.memory_space<hbm>>
    %dma_wait3A_224 = tpu.memref_slice %arg2[%mul3A_192] : memref<1372160xf32, #tpu.memory_space<hbm>> -> memref<5360xf32, #tpu.memory_space<hbm>>
    tpu.wait_dma2 semaphore(%arg11 : memref<!tpu.dma_semaphore, #tpu.memory_space<semaphore_mem>>) src(%dma_wait3A_224 : memref<5360xf32, #tpu.memory_space<hbm>>) dst(%arg6 : memref<5360xf32, #tpu.memory_space<vmem>>)
    %add3A_225 = arith.constant 112 : i32
    %add3A_226 = arith.addi %mul3A_2, %add3A_225 : i32
    %mul3A_227 = arith.constant 335 : i32
    %mul3A_228 = arith.muli %add3A_226, %mul3A_227 : i32
    %dma_start3A_229 = tpu.memref_slice %arg2[%mul3A_228] : memref<1372160xf32, #tpu.memory_space<hbm>> -> memref<5360xf32, #tpu.memory_space<hbm>>
    %dma_start3A_230 = tpu.memref_slice %arg2[%mul3A_228] : memref<1372160xf32, #tpu.memory_space<hbm>> -> memref<5360xf32, #tpu.memory_space<hbm>>
    tpu.enqueue_dma source(%dma_start3A_230 : memref<5360xf32, #tpu.memory_space<hbm>>) target(%arg7 : memref<5360xf32, #tpu.memory_space<vmem>>) target_semaphore(%arg12 : memref<!tpu.dma_semaphore, #tpu.memory_space<semaphore_mem>>)
    %add3A_231 = arith.constant 96 : i32
    %add3A_232 = vector.broadcast %add3A_231 : i32 to vector<16xi32>
    %add3A_233 = arith.addi %iota3A, %add3A_232 : vector<16xi32>
    %mul3A_234 = arith.constant 408 : i32
    %mul3A_235 = vector.broadcast %mul3A_234 : i32 to vector<16xi32>
    %mul3A_236 = arith.muli %add3A_233, %mul3A_235 : vector<16xi32>
    %gather3A_237 = tpu.vector_load_idx %arg6[%mul3A_10] : memref<5360xf32, #tpu.memory_space<vmem>>[vector<16xi32>], vector<16xf32>,
    %convert_element_type3A_238 = arith.fptosi %gather3A_237 : vector<16xf32> to vector<16xi32>
    %mul3A_239 = arith.constant 34 : i32
    %mul3A_240 = vector.broadcast %mul3A_239 : i32 to vector<16xi32>
    %mul3A_241 = arith.muli %convert_element_type3A_238, %mul3A_240 : vector<16xi32>
    %scan3A_242 = arith.constant 0 : i32
    %scan3A_243 = arith.constant 0 : i32
    %scan3A_244 = arith.constant 34 : i32
    %scan3A_245 = arith.addi %scan3A_243, %scan3A_244 : i32
    %scan3A_246 = arith.constant 1 : i32
    %scan3A_247 = scf.for %scan3A_337 = %scan3A_243 to %scan3A_245 step %scan3A_246 iter_args(%scan3A_338 = %scan3A_242) -> (i32)  : i32 {
      %add3A_339 = vector.broadcast %scan3A_337 : i32 to vector<16xi32>
      %add3A_340 = arith.addi %mul3A_241, %add3A_339 : vector<16xi32>
      %gather3A_341 = tpu.vector_load_idx %arg9[%add3A_340] : memref<544xi32, #tpu.memory_space<vmem>>[vector<16xi32>], vector<16xi32>,
      %add3A_342 = arith.constant 301 : i32
      %add3A_343 = arith.addi %add3A_342, %scan3A_337 : i32
      %add3A_344 = vector.broadcast %add3A_343 : i32 to vector<16xi32>
      %add3A_345 = arith.addi %mul3A_10, %add3A_344 : vector<16xi32>
      %gather3A_346 = tpu.vector_load_idx %arg6[%add3A_345] : memref<5360xf32, #tpu.memory_space<vmem>>[vector<16xi32>], vector<16xf32>,
      %convert_element_type3A_347 = arith.fptosi %gather3A_346 : vector<16xf32> to vector<16xi32>
      %mul3A_348 = arith.constant 9 : i32
      %mul3A_349 = vector.broadcast %mul3A_348 : i32 to vector<16xi32>
      %mul3A_350 = arith.muli %convert_element_type3A_347, %mul3A_349 : vector<16xi32>
      %add3A_351 = arith.constant 0 : i32
      %add3A_352 = vector.broadcast %add3A_351 : i32 to vector<16xi32>
      %add3A_353 = arith.addi %mul3A_350, %add3A_352 : vector<16xi32>
      %gather3A_354 = tpu.vector_load_idx %arg10[%add3A_353] : memref<180xf32, #tpu.memory_space<vmem>>[vector<16xi32>], vector<16xf32>,
      %add3A_355 = arith.constant 1 : i32
      %add3A_356 = vector.broadcast %add3A_355 : i32 to vector<16xi32>
      %add3A_357 = arith.addi %mul3A_350, %add3A_356 : vector<16xi32>
      %gather3A_358 = tpu.vector_load_idx %arg10[%add3A_357] : memref<180xf32, #tpu.memory_space<vmem>>[vector<16xi32>], vector<16xf32>,
      %add3A_359 = arith.constant 2 : i32
      %add3A_360 = vector.broadcast %add3A_359 : i32 to vector<16xi32>
      %add3A_361 = arith.addi %mul3A_350, %add3A_360 : vector<16xi32>
      %gather3A_362 = tpu.vector_load_idx %arg10[%add3A_361] : memref<180xf32, #tpu.memory_space<vmem>>[vector<16xi32>], vector<16xf32>,
      %add3A_363 = arith.constant 3 : i32
      %add3A_364 = vector.broadcast %add3A_363 : i32 to vector<16xi32>
      %add3A_365 = arith.addi %mul3A_350, %add3A_364 : vector<16xi32>
      %gather3A_366 = tpu.vector_load_idx %arg10[%add3A_365] : memref<180xf32, #tpu.memory_space<vmem>>[vector<16xi32>], vector<16xf32>,
      %add3A_367 = arith.constant 4 : i32
      %add3A_368 = vector.broadcast %add3A_367 : i32 to vector<16xi32>
      %add3A_369 = arith.addi %mul3A_350, %add3A_368 : vector<16xi32>
      %gather3A_370 = tpu.vector_load_idx %arg10[%add3A_369] : memref<180xf32, #tpu.memory_space<vmem>>[vector<16xi32>], vector<16xf32>,
      %add3A_371 = arith.constant 5 : i32
      %add3A_372 = vector.broadcast %add3A_371 : i32 to vector<16xi32>
      %add3A_373 = arith.addi %mul3A_350, %add3A_372 : vector<16xi32>
      %gather3A_374 = tpu.vector_load_idx %arg10[%add3A_373] : memref<180xf32, #tpu.memory_space<vmem>>[vector<16xi32>], vector<16xf32>,
      %add3A_375 = arith.constant 6 : i32
      %add3A_376 = vector.broadcast %add3A_375 : i32 to vector<16xi32>
      %add3A_377 = arith.addi %mul3A_350, %add3A_376 : vector<16xi32>
      %gather3A_378 = tpu.vector_load_idx %arg10[%add3A_377] : memref<180xf32, #tpu.memory_space<vmem>>[vector<16xi32>], vector<16xf32>,
      %add3A_379 = arith.constant 7 : i32
      %add3A_380 = vector.broadcast %add3A_379 : i32 to vector<16xi32>
      %add3A_381 = arith.addi %mul3A_350, %add3A_380 : vector<16xi32>
      %gather3A_382 = tpu.vector_load_idx %arg10[%add3A_381] : memref<180xf32, #tpu.memory_space<vmem>>[vector<16xi32>], vector<16xf32>,
      %add3A_383 = arith.constant 8 : i32
      %add3A_384 = vector.broadcast %add3A_383 : i32 to vector<16xi32>
      %add3A_385 = arith.addi %mul3A_350, %add3A_384 : vector<16xi32>
      %gather3A_386 = tpu.vector_load_idx %arg10[%add3A_385] : memref<180xf32, #tpu.memory_space<vmem>>[vector<16xi32>], vector<16xf32>,
      %shift_right_logical3A = arith.constant 10 : i32
      %shift_right_logical3A_387 = vector.broadcast %shift_right_logical3A : i32 to vector<16xi32>
      %shift_right_logical3A_388 = arith.shrui %gather3A_341, %shift_right_logical3A_387 : vector<16xi32>
      %add3A_389 = arith.addi %mul3A_10, %shift_right_logical3A_388 : vector<16xi32>
      %sub3A = arith.constant 19 : i32
      %sub3A_390 = vector.broadcast %sub3A : i32 to vector<16xi32>
      %sub3A_391 = arith.subi %add3A_389, %sub3A_390 : vector<16xi32>
      %and3A = arith.constant 1023 : i32
      %and3A_392 = vector.broadcast %and3A : i32 to vector<16xi32>
      %and3A_393 = arith.andi %gather3A_341, %and3A_392 : vector<16xi32>
      %add3A_394 = arith.addi %mul3A_10, %and3A_393 : vector<16xi32>
      %sub3A_395 = arith.constant 19 : i32
      %sub3A_396 = vector.broadcast %sub3A_395 : i32 to vector<16xi32>
      %sub3A_397 = arith.subi %add3A_394, %sub3A_396 : vector<16xi32>
      %add3A_398 = arith.constant 0 : i32
      %add3A_399 = vector.broadcast %add3A_398 : i32 to vector<16xi32>
      %add3A_400 = arith.addi %sub3A_391, %add3A_399 : vector<16xi32>
      %gather3A_401 = tpu.vector_load_idx %arg6[%add3A_400] : memref<5360xf32, #tpu.memory_space<vmem>>[vector<16xi32>], vector<16xf32>,
      %add3A_402 = arith.constant 0 : i32
      %add3A_403 = vector.broadcast %add3A_402 : i32 to vector<16xi32>
      %add3A_404 = arith.addi %sub3A_397, %add3A_403 : vector<16xi32>
      %gather3A_405 = tpu.vector_load_idx %arg6[%add3A_404] : memref<5360xf32, #tpu.memory_space<vmem>>[vector<16xi32>], vector<16xf32>,
      %add3A_406 = arith.addf %gather3A_401, %gather3A_405 : vector<16xf32>
      %add3A_407 = arith.constant 1 : i32
      %add3A_408 = vector.broadcast %add3A_407 : i32 to vector<16xi32>
      %add3A_409 = arith.addi %sub3A_391, %add3A_408 : vector<16xi32>
      %gather3A_410 = tpu.vector_load_idx %arg6[%add3A_409] : memref<5360xf32, #tpu.memory_space<vmem>>[vector<16xi32>], vector<16xf32>,
      %add3A_411 = arith.constant 1 : i32
      %add3A_412 = vector.broadcast %add3A_411 : i32 to vector<16xi32>
      %add3A_413 = arith.addi %sub3A_397, %add3A_412 : vector<16xi32>
      %gather3A_414 = tpu.vector_load_idx %arg6[%add3A_413] : memref<5360xf32, #tpu.memory_space<vmem>>[vector<16xi32>], vector<16xf32>,
      %add3A_415 = arith.addf %gather3A_410, %gather3A_414 : vector<16xf32>
      %add3A_416 = arith.constant 2 : i32
      %add3A_417 = vector.broadcast %add3A_416 : i32 to vector<16xi32>
      %add3A_418 = arith.addi %sub3A_391, %add3A_417 : vector<16xi32>
      %gather3A_419 = tpu.vector_load_idx %arg6[%add3A_418] : memref<5360xf32, #tpu.memory_space<vmem>>[vector<16xi32>], vector<16xf32>,
      %add3A_420 = arith.constant 2 : i32
      %add3A_421 = vector.broadcast %add3A_420 : i32 to vector<16xi32>
      %add3A_422 = arith.addi %sub3A_397, %add3A_421 : vector<16xi32>
      %gather3A_423 = tpu.vector_load_idx %arg6[%add3A_422] : memref<5360xf32, #tpu.memory_space<vmem>>[vector<16xi32>], vector<16xf32>,
      %add3A_424 = arith.addf %gather3A_419, %gather3A_423 : vector<16xf32>
      %add3A_425 = arith.constant 3 : i32
      %add3A_426 = vector.broadcast %add3A_425 : i32 to vector<16xi32>
      %add3A_427 = arith.addi %sub3A_391, %add3A_426 : vector<16xi32>
      %gather3A_428 = tpu.vector_load_idx %arg6[%add3A_427] : memref<5360xf32, #tpu.memory_space<vmem>>[vector<16xi32>], vector<16xf32>,
      %add3A_429 = arith.constant 3 : i32
      %add3A_430 = vector.broadcast %add3A_429 : i32 to vector<16xi32>
      %add3A_431 = arith.addi %sub3A_397, %add3A_430 : vector<16xi32>
      %gather3A_432 = tpu.vector_load_idx %arg6[%add3A_431] : memref<5360xf32, #tpu.memory_space<vmem>>[vector<16xi32>], vector<16xf32>,
      %add3A_433 = arith.addf %gather3A_428, %gather3A_432 : vector<16xf32>
      %add3A_434 = arith.constant 4 : i32
      %add3A_435 = vector.broadcast %add3A_434 : i32 to vector<16xi32>
      %add3A_436 = arith.addi %sub3A_391, %add3A_435 : vector<16xi32>
      %gather3A_437 = tpu.vector_load_idx %arg6[%add3A_436] : memref<5360xf32, #tpu.memory_space<vmem>>[vector<16xi32>], vector<16xf32>,
      %add3A_438 = arith.constant 4 : i32
      %add3A_439 = vector.broadcast %add3A_438 : i32 to vector<16xi32>
      %add3A_440 = arith.addi %sub3A_397, %add3A_439 : vector<16xi32>
      %gather3A_441 = tpu.vector_load_idx %arg6[%add3A_440] : memref<5360xf32, #tpu.memory_space<vmem>>[vector<16xi32>], vector<16xf32>,
      %add3A_442 = arith.addf %gather3A_437, %gather3A_441 : vector<16xf32>
      %add3A_443 = arith.constant 5 : i32
      %add3A_444 = vector.broadcast %add3A_443 : i32 to vector<16xi32>
      %add3A_445 = arith.addi %sub3A_391, %add3A_444 : vector<16xi32>
      %gather3A_446 = tpu.vector_load_idx %arg6[%add3A_445] : memref<5360xf32, #tpu.memory_space<vmem>>[vector<16xi32>], vector<16xf32>,
      %add3A_447 = arith.constant 5 : i32
      %add3A_448 = vector.broadcast %add3A_447 : i32 to vector<16xi32>
      %add3A_449 = arith.addi %sub3A_397, %add3A_448 : vector<16xi32>
      %gather3A_450 = tpu.vector_load_idx %arg6[%add3A_449] : memref<5360xf32, #tpu.memory_space<vmem>>[vector<16xi32>], vector<16xf32>,
      %add3A_451 = arith.addf %gather3A_446, %gather3A_450 : vector<16xf32>
      %add3A_452 = arith.constant 6 : i32
      %add3A_453 = vector.broadcast %add3A_452 : i32 to vector<16xi32>
      %add3A_454 = arith.addi %sub3A_391, %add3A_453 : vector<16xi32>
      %gather3A_455 = tpu.vector_load_idx %arg6[%add3A_454] : memref<5360xf32, #tpu.memory_space<vmem>>[vector<16xi32>], vector<16xf32>,
      %add3A_456 = arith.constant 6 : i32
      %add3A_457 = vector.broadcast %add3A_456 : i32 to vector<16xi32>
      %add3A_458 = arith.addi %sub3A_397, %add3A_457 : vector<16xi32>
      %gather3A_459 = tpu.vector_load_idx %arg6[%add3A_458] : memref<5360xf32, #tpu.memory_space<vmem>>[vector<16xi32>], vector<16xf32>,
      %add3A_460 = arith.addf %gather3A_455, %gather3A_459 : vector<16xf32>
      %add3A_461 = arith.constant 7 : i32
      %add3A_462 = vector.broadcast %add3A_461 : i32 to vector<16xi32>
      %add3A_463 = arith.addi %sub3A_391, %add3A_462 : vector<16xi32>
      %gather3A_464 = tpu.vector_load_idx %arg6[%add3A_463] : memref<5360xf32, #tpu.memory_space<vmem>>[vector<16xi32>], vector<16xf32>,
      %add3A_465 = arith.constant 7 : i32
      %add3A_466 = vector.broadcast %add3A_465 : i32 to vector<16xi32>
      %add3A_467 = arith.addi %sub3A_397, %add3A_466 : vector<16xi32>
      %gather3A_468 = tpu.vector_load_idx %arg6[%add3A_467] : memref<5360xf32, #tpu.memory_space<vmem>>[vector<16xi32>], vector<16xf32>,
      %add3A_469 = arith.addf %gather3A_464, %gather3A_468 : vector<16xf32>
      %add3A_470 = arith.constant 8 : i32
      %add3A_471 = vector.broadcast %add3A_470 : i32 to vector<16xi32>
      %add3A_472 = arith.addi %sub3A_391, %add3A_471 : vector<16xi32>
      %gather3A_473 = tpu.vector_load_idx %arg6[%add3A_472] : memref<5360xf32, #tpu.memory_space<vmem>>[vector<16xi32>], vector<16xf32>,
      %add3A_474 = arith.constant 8 : i32
      %add3A_475 = vector.broadcast %add3A_474 : i32 to vector<16xi32>
      %add3A_476 = arith.addi %sub3A_397, %add3A_475 : vector<16xi32>
      %gather3A_477 = tpu.vector_load_idx %arg6[%add3A_476] : memref<5360xf32, #tpu.memory_space<vmem>>[vector<16xi32>], vector<16xf32>,
      %add3A_478 = arith.addf %gather3A_473, %gather3A_477 : vector<16xf32>
      %add3A_479 = arith.constant 9 : i32
      %add3A_480 = vector.broadcast %add3A_479 : i32 to vector<16xi32>
      %add3A_481 = arith.addi %sub3A_391, %add3A_480 : vector<16xi32>
      %gather3A_482 = tpu.vector_load_idx %arg6[%add3A_481] : memref<5360xf32, #tpu.memory_space<vmem>>[vector<16xi32>], vector<16xf32>,
      %add3A_483 = arith.constant 9 : i32
      %add3A_484 = vector.broadcast %add3A_483 : i32 to vector<16xi32>
      %add3A_485 = arith.addi %sub3A_397, %add3A_484 : vector<16xi32>
      %gather3A_486 = tpu.vector_load_idx %arg6[%add3A_485] : memref<5360xf32, #tpu.memory_space<vmem>>[vector<16xi32>], vector<16xf32>,
      %add3A_487 = arith.addf %gather3A_482, %gather3A_486 : vector<16xf32>
      %add3A_488 = arith.constant 10 : i32
      %add3A_489 = vector.broadcast %add3A_488 : i32 to vector<16xi32>
      %add3A_490 = arith.addi %sub3A_391, %add3A_489 : vector<16xi32>
      %gather3A_491 = tpu.vector_load_idx %arg6[%add3A_490] : memref<5360xf32, #tpu.memory_space<vmem>>[vector<16xi32>], vector<16xf32>,
      %add3A_492 = arith.constant 10 : i32
      %add3A_493 = vector.broadcast %add3A_492 : i32 to vector<16xi32>
      %add3A_494 = arith.addi %sub3A_397, %add3A_493 : vector<16xi32>
      %gather3A_495 = tpu.vector_load_idx %arg6[%add3A_494] : memref<5360xf32, #tpu.memory_space<vmem>>[vector<16xi32>], vector<16xf32>,
      %add3A_496 = arith.addf %gather3A_491, %gather3A_495 : vector<16xf32>
      %add3A_497 = arith.constant 11 : i32
      %add3A_498 = vector.broadcast %add3A_497 : i32 to vector<16xi32>
      %add3A_499 = arith.addi %sub3A_391, %add3A_498 : vector<16xi32>
      %gather3A_500 = tpu.vector_load_idx %arg6[%add3A_499] : memref<5360xf32, #tpu.memory_space<vmem>>[vector<16xi32>], vector<16xf32>,
      %add3A_501 = arith.constant 11 : i32
      %add3A_502 = vector.broadcast %add3A_501 : i32 to vector<16xi32>
      %add3A_503 = arith.addi %sub3A_397, %add3A_502 : vector<16xi32>
      %gather3A_504 = tpu.vector_load_idx %arg6[%add3A_503] : memref<5360xf32, #tpu.memory_space<vmem>>[vector<16xi32>], vector<16xf32>,
      %add3A_505 = arith.addf %gather3A_500, %gather3A_504 : vector<16xf32>
      %add3A_506 = arith.constant 12 : i32
      %add3A_507 = vector.broadcast %add3A_506 : i32 to vector<16xi32>
      %add3A_508 = arith.addi %sub3A_391, %add3A_507 : vector<16xi32>
      %gather3A_509 = tpu.vector_load_idx %arg6[%add3A_508] : memref<5360xf32, #tpu.memory_space<vmem>>[vector<16xi32>], vector<16xf32>,
      %add3A_510 = arith.constant 12 : i32
      %add3A_511 = vector.broadcast %add3A_510 : i32 to vector<16xi32>
      %add3A_512 = arith.addi %sub3A_397, %add3A_511 : vector<16xi32>
      %gather3A_513 = tpu.vector_load_idx %arg6[%add3A_512] : memref<5360xf32, #tpu.memory_space<vmem>>[vector<16xi32>], vector<16xf32>,
      %add3A_514 = arith.addf %gather3A_509, %gather3A_513 : vector<16xf32>
      %add3A_515 = arith.constant 13 : i32
      %add3A_516 = vector.broadcast %add3A_515 : i32 to vector<16xi32>
      %add3A_517 = arith.addi %sub3A_391, %add3A_516 : vector<16xi32>
      %gather3A_518 = tpu.vector_load_idx %arg6[%add3A_517] : memref<5360xf32, #tpu.memory_space<vmem>>[vector<16xi32>], vector<16xf32>,
      %add3A_519 = arith.constant 13 : i32
      %add3A_520 = vector.broadcast %add3A_519 : i32 to vector<16xi32>
      %add3A_521 = arith.addi %sub3A_397, %add3A_520 : vector<16xi32>
      %gather3A_522 = tpu.vector_load_idx %arg6[%add3A_521] : memref<5360xf32, #tpu.memory_space<vmem>>[vector<16xi32>], vector<16xf32>,
      %add3A_523 = arith.addf %gather3A_518, %gather3A_522 : vector<16xf32>
      %add3A_524 = arith.constant 14 : i32
      %add3A_525 = vector.broadcast %add3A_524 : i32 to vector<16xi32>
      %add3A_526 = arith.addi %sub3A_391, %add3A_525 : vector<16xi32>
      %gather3A_527 = tpu.vector_load_idx %arg6[%add3A_526] : memref<5360xf32, #tpu.memory_space<vmem>>[vector<16xi32>], vector<16xf32>,
      %add3A_528 = arith.constant 14 : i32
      %add3A_529 = vector.broadcast %add3A_528 : i32 to vector<16xi32>
      %add3A_530 = arith.addi %sub3A_397, %add3A_529 : vector<16xi32>
      %gather3A_531 = tpu.vector_load_idx %arg6[%add3A_530] : memref<5360xf32, #tpu.memory_space<vmem>>[vector<16xi32>], vector<16xf32>,
      %add3A_532 = arith.addf %gather3A_527, %gather3A_531 : vector<16xf32>
      %add3A_533 = arith.constant 15 : i32
      %add3A_534 = vector.broadcast %add3A_533 : i32 to vector<16xi32>
      %add3A_535 = arith.addi %sub3A_391, %add3A_534 : vector<16xi32>
      %gather3A_536 = tpu.vector_load_idx %arg6[%add3A_535] : memref<5360xf32, #tpu.memory_space<vmem>>[vector<16xi32>], vector<16xf32>,
      %add3A_537 = arith.constant 15 : i32
      %add3A_538 = vector.broadcast %add3A_537 : i32 to vector<16xi32>
      %add3A_539 = arith.addi %sub3A_397, %add3A_538 : vector<16xi32>
      %gather3A_540 = tpu.vector_load_idx %arg6[%add3A_539] : memref<5360xf32, #tpu.memory_space<vmem>>[vector<16xi32>], vector<16xf32>,
      %add3A_541 = arith.addf %gather3A_536, %gather3A_540 : vector<16xf32>
      %add3A_542 = arith.constant 16 : i32
      %add3A_543 = vector.broadcast %add3A_542 : i32 to vector<16xi32>
      %add3A_544 = arith.addi %sub3A_391, %add3A_543 : vector<16xi32>
      %gather3A_545 = tpu.vector_load_idx %arg6[%add3A_544] : memref<5360xf32, #tpu.memory_space<vmem>>[vector<16xi32>], vector<16xf32>,
      %add3A_546 = arith.constant 16 : i32
      %add3A_547 = vector.broadcast %add3A_546 : i32 to vector<16xi32>
      %add3A_548 = arith.addi %sub3A_397, %add3A_547 : vector<16xi32>
      %gather3A_549 = tpu.vector_load_idx %arg6[%add3A_548] : memref<5360xf32, #tpu.memory_space<vmem>>[vector<16xi32>], vector<16xf32>,
      %add3A_550 = arith.addf %gather3A_545, %gather3A_549 : vector<16xf32>
      %add3A_551 = arith.constant 17 : i32
      %add3A_552 = vector.broadcast %add3A_551 : i32 to vector<16xi32>
      %add3A_553 = arith.addi %sub3A_391, %add3A_552 : vector<16xi32>
      %gather3A_554 = tpu.vector_load_idx %arg6[%add3A_553] : memref<5360xf32, #tpu.memory_space<vmem>>[vector<16xi32>], vector<16xf32>,
      %add3A_555 = arith.constant 17 : i32
      %add3A_556 = vector.broadcast %add3A_555 : i32 to vector<16xi32>
      %add3A_557 = arith.addi %sub3A_397, %add3A_556 : vector<16xi32>
      %gather3A_558 = tpu.vector_load_idx %arg6[%add3A_557] : memref<5360xf32, #tpu.memory_space<vmem>>[vector<16xi32>], vector<16xf32>,
      %add3A_559 = arith.addf %gather3A_554, %gather3A_558 : vector<16xf32>
      %add3A_560 = arith.constant 18 : i32
      %add3A_561 = vector.broadcast %add3A_560 : i32 to vector<16xi32>
      %add3A_562 = arith.addi %sub3A_391, %add3A_561 : vector<16xi32>
      %gather3A_563 = tpu.vector_load_idx %arg6[%add3A_562] : memref<5360xf32, #tpu.memory_space<vmem>>[vector<16xi32>], vector<16xf32>,
      %add3A_564 = arith.constant 18 : i32
      %add3A_565 = vector.broadcast %add3A_564 : i32 to vector<16xi32>
      %add3A_566 = arith.addi %sub3A_397, %add3A_565 : vector<16xi32>
      %gather3A_567 = tpu.vector_load_idx %arg6[%add3A_566] : memref<5360xf32, #tpu.memory_space<vmem>>[vector<16xi32>], vector<16xf32>,
      %add3A_568 = arith.addf %gather3A_563, %gather3A_567 : vector<16xf32>
      %add3A_569 = arith.constant 19 : i32
      %add3A_570 = vector.broadcast %add3A_569 : i32 to vector<16xi32>
      %add3A_571 = arith.addi %sub3A_391, %add3A_570 : vector<16xi32>
      %gather3A_572 = tpu.vector_load_idx %arg6[%add3A_571] : memref<5360xf32, #tpu.memory_space<vmem>>[vector<16xi32>], vector<16xf32>,
      %add3A_573 = arith.constant 19 : i32
      %add3A_574 = vector.broadcast %add3A_573 : i32 to vector<16xi32>
      %add3A_575 = arith.addi %sub3A_397, %add3A_574 : vector<16xi32>
      %gather3A_576 = tpu.vector_load_idx %arg6[%add3A_575] : memref<5360xf32, #tpu.memory_space<vmem>>[vector<16xi32>], vector<16xf32>,
      %add3A_577 = arith.addf %gather3A_572, %gather3A_576 : vector<16xf32>
      %mul3A_578 = arith.constant 12 : i32
      %mul3A_579 = arith.muli %scan3A_337, %mul3A_578 : i32
      %add3A_580 = vector.broadcast %mul3A_579 : i32 to vector<16xi32>
      %add3A_581 = arith.addi %mul3A_236, %add3A_580 : vector<16xi32>
      %mul3A_582 = arith.mulf %add3A_406, %gather3A_354 : vector<16xf32>
      %mul3A_583 = arith.mulf %add3A_415, %gather3A_358 : vector<16xf32>
      %add3A_584 = arith.addf %mul3A_582, %mul3A_583 : vector<16xf32>
      %mul3A_585 = arith.mulf %add3A_424, %gather3A_362 : vector<16xf32>
      %add3A_586 = arith.addf %add3A_584, %mul3A_585 : vector<16xf32>
      %mul3A_587 = arith.mulf %add3A_433, %gather3A_366 : vector<16xf32>
      %add3A_588 = arith.addf %add3A_586, %mul3A_587 : vector<16xf32>
      %mul3A_589 = arith.mulf %add3A_442, %gather3A_370 : vector<16xf32>
      %add3A_590 = arith.addf %add3A_588, %mul3A_589 : vector<16xf32>
      %mul3A_591 = arith.mulf %add3A_451, %gather3A_374 : vector<16xf32>
      %add3A_592 = arith.addf %add3A_590, %mul3A_591 : vector<16xf32>
      %mul3A_593 = arith.mulf %add3A_460, %gather3A_378 : vector<16xf32>
      %add3A_594 = arith.addf %add3A_592, %mul3A_593 : vector<16xf32>
      %mul3A_595 = arith.mulf %add3A_469, %gather3A_382 : vector<16xf32>
      %add3A_596 = arith.addf %add3A_594, %mul3A_595 : vector<16xf32>
      %mul3A_597 = arith.mulf %add3A_478, %gather3A_386 : vector<16xf32>
      %add3A_598 = arith.addf %add3A_596, %mul3A_597 : vector<16xf32>
      %add3A_599 = arith.constant 0 : i32
      %add3A_600 = vector.broadcast %add3A_599 : i32 to vector<16xi32>
      %add3A_601 = arith.addi %add3A_581, %add3A_600 : vector<16xi32>
      tpu.vector_store_idx %arg8[%add3A_601], %add3A_598 : memref<52224xf32, #tpu.memory_space<vmem>>[vector<16xi32>], vector<16xf32>,
      %mul3A_602 = arith.mulf %add3A_415, %gather3A_354 : vector<16xf32>
      %mul3A_603 = arith.mulf %add3A_424, %gather3A_358 : vector<16xf32>
      %add3A_604 = arith.addf %mul3A_602, %mul3A_603 : vector<16xf32>
      %mul3A_605 = arith.mulf %add3A_433, %gather3A_362 : vector<16xf32>
      %add3A_606 = arith.addf %add3A_604, %mul3A_605 : vector<16xf32>
      %mul3A_607 = arith.mulf %add3A_442, %gather3A_366 : vector<16xf32>
      %add3A_608 = arith.addf %add3A_606, %mul3A_607 : vector<16xf32>
      %mul3A_609 = arith.mulf %add3A_451, %gather3A_370 : vector<16xf32>
      %add3A_610 = arith.addf %add3A_608, %mul3A_609 : vector<16xf32>
      %mul3A_611 = arith.mulf %add3A_460, %gather3A_374 : vector<16xf32>
      %add3A_612 = arith.addf %add3A_610, %mul3A_611 : vector<16xf32>
      %mul3A_613 = arith.mulf %add3A_469, %gather3A_378 : vector<16xf32>
      %add3A_614 = arith.addf %add3A_612, %mul3A_613 : vector<16xf32>
      %mul3A_615 = arith.mulf %add3A_478, %gather3A_382 : vector<16xf32>
      %add3A_616 = arith.addf %add3A_614, %mul3A_615 : vector<16xf32>
      %mul3A_617 = arith.mulf %add3A_487, %gather3A_386 : vector<16xf32>
      %add3A_618 = arith.addf %add3A_616, %mul3A_617 : vector<16xf32>
      %add3A_619 = arith.constant 1 : i32
      %add3A_620 = vector.broadcast %add3A_619 : i32 to vector<16xi32>
      %add3A_621 = arith.addi %add3A_581, %add3A_620 : vector<16xi32>
      tpu.vector_store_idx %arg8[%add3A_621], %add3A_618 : memref<52224xf32, #tpu.memory_space<vmem>>[vector<16xi32>], vector<16xf32>,
      %mul3A_622 = arith.mulf %add3A_424, %gather3A_354 : vector<16xf32>
      %mul3A_623 = arith.mulf %add3A_433, %gather3A_358 : vector<16xf32>
      %add3A_624 = arith.addf %mul3A_622, %mul3A_623 : vector<16xf32>
      %mul3A_625 = arith.mulf %add3A_442, %gather3A_362 : vector<16xf32>
      %add3A_626 = arith.addf %add3A_624, %mul3A_625 : vector<16xf32>
      %mul3A_627 = arith.mulf %add3A_451, %gather3A_366 : vector<16xf32>
      %add3A_628 = arith.addf %add3A_626, %mul3A_627 : vector<16xf32>
      %mul3A_629 = arith.mulf %add3A_460, %gather3A_370 : vector<16xf32>
      %add3A_630 = arith.addf %add3A_628, %mul3A_629 : vector<16xf32>
      %mul3A_631 = arith.mulf %add3A_469, %gather3A_374 : vector<16xf32>
      %add3A_632 = arith.addf %add3A_630, %mul3A_631 : vector<16xf32>
      %mul3A_633 = arith.mulf %add3A_478, %gather3A_378 : vector<16xf32>
      %add3A_634 = arith.addf %add3A_632, %mul3A_633 : vector<16xf32>
      %mul3A_635 = arith.mulf %add3A_487, %gather3A_382 : vector<16xf32>
      %add3A_636 = arith.addf %add3A_634, %mul3A_635 : vector<16xf32>
      %mul3A_637 = arith.mulf %add3A_496, %gather3A_386 : vector<16xf32>
      %add3A_638 = arith.addf %add3A_636, %mul3A_637 : vector<16xf32>
      %add3A_639 = arith.constant 2 : i32
      %add3A_640 = vector.broadcast %add3A_639 : i32 to vector<16xi32>
      %add3A_641 = arith.addi %add3A_581, %add3A_640 : vector<16xi32>
      tpu.vector_store_idx %arg8[%add3A_641], %add3A_638 : memref<52224xf32, #tpu.memory_space<vmem>>[vector<16xi32>], vector<16xf32>,
      %mul3A_642 = arith.mulf %add3A_433, %gather3A_354 : vector<16xf32>
      %mul3A_643 = arith.mulf %add3A_442, %gather3A_358 : vector<16xf32>
      %add3A_644 = arith.addf %mul3A_642, %mul3A_643 : vector<16xf32>
      %mul3A_645 = arith.mulf %add3A_451, %gather3A_362 : vector<16xf32>
      %add3A_646 = arith.addf %add3A_644, %mul3A_645 : vector<16xf32>
      %mul3A_647 = arith.mulf %add3A_460, %gather3A_366 : vector<16xf32>
      %add3A_648 = arith.addf %add3A_646, %mul3A_647 : vector<16xf32>
      %mul3A_649 = arith.mulf %add3A_469, %gather3A_370 : vector<16xf32>
      %add3A_650 = arith.addf %add3A_648, %mul3A_649 : vector<16xf32>
      %mul3A_651 = arith.mulf %add3A_478, %gather3A_374 : vector<16xf32>
      %add3A_652 = arith.addf %add3A_650, %mul3A_651 : vector<16xf32>
      %mul3A_653 = arith.mulf %add3A_487, %gather3A_378 : vector<16xf32>
      %add3A_654 = arith.addf %add3A_652, %mul3A_653 : vector<16xf32>
      %mul3A_655 = arith.mulf %add3A_496, %gather3A_382 : vector<16xf32>
      %add3A_656 = arith.addf %add3A_654, %mul3A_655 : vector<16xf32>
      %mul3A_657 = arith.mulf %add3A_505, %gather3A_386 : vector<16xf32>
      %add3A_658 = arith.addf %add3A_656, %mul3A_657 : vector<16xf32>
      %add3A_659 = arith.constant 3 : i32
      %add3A_660 = vector.broadcast %add3A_659 : i32 to vector<16xi32>
      %add3A_661 = arith.addi %add3A_581, %add3A_660 : vector<16xi32>
      tpu.vector_store_idx %arg8[%add3A_661], %add3A_658 : memref<52224xf32, #tpu.memory_space<vmem>>[vector<16xi32>], vector<16xf32>,
      %mul3A_662 = arith.mulf %add3A_442, %gather3A_354 : vector<16xf32>
      %mul3A_663 = arith.mulf %add3A_451, %gather3A_358 : vector<16xf32>
      %add3A_664 = arith.addf %mul3A_662, %mul3A_663 : vector<16xf32>
      %mul3A_665 = arith.mulf %add3A_460, %gather3A_362 : vector<16xf32>
      %add3A_666 = arith.addf %add3A_664, %mul3A_665 : vector<16xf32>
      %mul3A_667 = arith.mulf %add3A_469, %gather3A_366 : vector<16xf32>
      %add3A_668 = arith.addf %add3A_666, %mul3A_667 : vector<16xf32>
      %mul3A_669 = arith.mulf %add3A_478, %gather3A_370 : vector<16xf32>
      %add3A_670 = arith.addf %add3A_668, %mul3A_669 : vector<16xf32>
      %mul3A_671 = arith.mulf %add3A_487, %gather3A_374 : vector<16xf32>
      %add3A_672 = arith.addf %add3A_670, %mul3A_671 : vector<16xf32>
      %mul3A_673 = arith.mulf %add3A_496, %gather3A_378 : vector<16xf32>
      %add3A_674 = arith.addf %add3A_672, %mul3A_673 : vector<16xf32>
      %mul3A_675 = arith.mulf %add3A_505, %gather3A_382 : vector<16xf32>
      %add3A_676 = arith.addf %add3A_674, %mul3A_675 : vector<16xf32>
      %mul3A_677 = arith.mulf %add3A_514, %gather3A_386 : vector<16xf32>
      %add3A_678 = arith.addf %add3A_676, %mul3A_677 : vector<16xf32>
      %add3A_679 = arith.constant 4 : i32
      %add3A_680 = vector.broadcast %add3A_679 : i32 to vector<16xi32>
      %add3A_681 = arith.addi %add3A_581, %add3A_680 : vector<16xi32>
      tpu.vector_store_idx %arg8[%add3A_681], %add3A_678 : memref<52224xf32, #tpu.memory_space<vmem>>[vector<16xi32>], vector<16xf32>,
      %mul3A_682 = arith.mulf %add3A_451, %gather3A_354 : vector<16xf32>
      %mul3A_683 = arith.mulf %add3A_460, %gather3A_358 : vector<16xf32>
      %add3A_684 = arith.addf %mul3A_682, %mul3A_683 : vector<16xf32>
      %mul3A_685 = arith.mulf %add3A_469, %gather3A_362 : vector<16xf32>
      %add3A_686 = arith.addf %add3A_684, %mul3A_685 : vector<16xf32>
      %mul3A_687 = arith.mulf %add3A_478, %gather3A_366 : vector<16xf32>
      %add3A_688 = arith.addf %add3A_686, %mul3A_687 : vector<16xf32>
      %mul3A_689 = arith.mulf %add3A_487, %gather3A_370 : vector<16xf32>
      %add3A_690 = arith.addf %add3A_688, %mul3A_689 : vector<16xf32>
      %mul3A_691 = arith.mulf %add3A_496, %gather3A_374 : vector<16xf32>
      %add3A_692 = arith.addf %add3A_690, %mul3A_691 : vector<16xf32>
      %mul3A_693 = arith.mulf %add3A_505, %gather3A_378 : vector<16xf32>
      %add3A_694 = arith.addf %add3A_692, %mul3A_693 : vector<16xf32>
      %mul3A_695 = arith.mulf %add3A_514, %gather3A_382 : vector<16xf32>
      %add3A_696 = arith.addf %add3A_694, %mul3A_695 : vector<16xf32>
      %mul3A_697 = arith.mulf %add3A_523, %gather3A_386 : vector<16xf32>
      %add3A_698 = arith.addf %add3A_696, %mul3A_697 : vector<16xf32>
      %add3A_699 = arith.constant 5 : i32
      %add3A_700 = vector.broadcast %add3A_699 : i32 to vector<16xi32>
      %add3A_701 = arith.addi %add3A_581, %add3A_700 : vector<16xi32>
      tpu.vector_store_idx %arg8[%add3A_701], %add3A_698 : memref<52224xf32, #tpu.memory_space<vmem>>[vector<16xi32>], vector<16xf32>,
      %mul3A_702 = arith.mulf %add3A_460, %gather3A_354 : vector<16xf32>
      %mul3A_703 = arith.mulf %add3A_469, %gather3A_358 : vector<16xf32>
      %add3A_704 = arith.addf %mul3A_702, %mul3A_703 : vector<16xf32>
      %mul3A_705 = arith.mulf %add3A_478, %gather3A_362 : vector<16xf32>
      %add3A_706 = arith.addf %add3A_704, %mul3A_705 : vector<16xf32>
      %mul3A_707 = arith.mulf %add3A_487, %gather3A_366 : vector<16xf32>
      %add3A_708 = arith.addf %add3A_706, %mul3A_707 : vector<16xf32>
      %mul3A_709 = arith.mulf %add3A_496, %gather3A_370 : vector<16xf32>
      %add3A_710 = arith.addf %add3A_708, %mul3A_709 : vector<16xf32>
      %mul3A_711 = arith.mulf %add3A_505, %gather3A_374 : vector<16xf32>
      %add3A_712 = arith.addf %add3A_710, %mul3A_711 : vector<16xf32>
      %mul3A_713 = arith.mulf %add3A_514, %gather3A_378 : vector<16xf32>
      %add3A_714 = arith.addf %add3A_712, %mul3A_713 : vector<16xf32>
      %mul3A_715 = arith.mulf %add3A_523, %gather3A_382 : vector<16xf32>
      %add3A_716 = arith.addf %add3A_714, %mul3A_715 : vector<16xf32>
      %mul3A_717 = arith.mulf %add3A_532, %gather3A_386 : vector<16xf32>
      %add3A_718 = arith.addf %add3A_716, %mul3A_717 : vector<16xf32>
      %add3A_719 = arith.constant 6 : i32
      %add3A_720 = vector.broadcast %add3A_719 : i32 to vector<16xi32>
      %add3A_721 = arith.addi %add3A_581, %add3A_720 : vector<16xi32>
      tpu.vector_store_idx %arg8[%add3A_721], %add3A_718 : memref<52224xf32, #tpu.memory_space<vmem>>[vector<16xi32>], vector<16xf32>,
      %mul3A_722 = arith.mulf %add3A_469, %gather3A_354 : vector<16xf32>
      %mul3A_723 = arith.mulf %add3A_478, %gather3A_358 : vector<16xf32>
      %add3A_724 = arith.addf %mul3A_722, %mul3A_723 : vector<16xf32>
      %mul3A_725 = arith.mulf %add3A_487, %gather3A_362 : vector<16xf32>
      %add3A_726 = arith.addf %add3A_724, %mul3A_725 : vector<16xf32>
      %mul3A_727 = arith.mulf %add3A_496, %gather3A_366 : vector<16xf32>
      %add3A_728 = arith.addf %add3A_726, %mul3A_727 : vector<16xf32>
      %mul3A_729 = arith.mulf %add3A_505, %gather3A_370 : vector<16xf32>
      %add3A_730 = arith.addf %add3A_728, %mul3A_729 : vector<16xf32>
      %mul3A_731 = arith.mulf %add3A_514, %gather3A_374 : vector<16xf32>
      %add3A_732 = arith.addf %add3A_730, %mul3A_731 : vector<16xf32>
      %mul3A_733 = arith.mulf %add3A_523, %gather3A_378 : vector<16xf32>
      %add3A_734 = arith.addf %add3A_732, %mul3A_733 : vector<16xf32>
      %mul3A_735 = arith.mulf %add3A_532, %gather3A_382 : vector<16xf32>
      %add3A_736 = arith.addf %add3A_734, %mul3A_735 : vector<16xf32>
      %mul3A_737 = arith.mulf %add3A_541, %gather3A_386 : vector<16xf32>
      %add3A_738 = arith.addf %add3A_736, %mul3A_737 : vector<16xf32>
      %add3A_739 = arith.constant 7 : i32
      %add3A_740 = vector.broadcast %add3A_739 : i32 to vector<16xi32>
      %add3A_741 = arith.addi %add3A_581, %add3A_740 : vector<16xi32>
      tpu.vector_store_idx %arg8[%add3A_741], %add3A_738 : memref<52224xf32, #tpu.memory_space<vmem>>[vector<16xi32>], vector<16xf32>,
      %mul3A_742 = arith.mulf %add3A_478, %gather3A_354 : vector<16xf32>
      %mul3A_743 = arith.mulf %add3A_487, %gather3A_358 : vector<16xf32>
      %add3A_744 = arith.addf %mul3A_742, %mul3A_743 : vector<16xf32>
      %mul3A_745 = arith.mulf %add3A_496, %gather3A_362 : vector<16xf32>
      %add3A_746 = arith.addf %add3A_744, %mul3A_745 : vector<16xf32>
      %mul3A_747 = arith.mulf %add3A_505, %gather3A_366 : vector<16xf32>
      %add3A_748 = arith.addf %add3A_746, %mul3A_747 : vector<16xf32>
      %mul3A_749 = arith.mulf %add3A_514, %gather3A_370 : vector<16xf32>
      %add3A_750 = arith.addf %add3A_748, %mul3A_749 : vector<16xf32>
      %mul3A_751 = arith.mulf %add3A_523, %gather3A_374 : vector<16xf32>
      %add3A_752 = arith.addf %add3A_750, %mul3A_751 : vector<16xf32>
      %mul3A_753 = arith.mulf %add3A_532, %gather3A_378 : vector<16xf32>
      %add3A_754 = arith.addf %add3A_752, %mul3A_753 : vector<16xf32>
      %mul3A_755 = arith.mulf %add3A_541, %gather3A_382 : vector<16xf32>
      %add3A_756 = arith.addf %add3A_754, %mul3A_755 : vector<16xf32>
      %mul3A_757 = arith.mulf %add3A_550, %gather3A_386 : vector<16xf32>
      %add3A_758 = arith.addf %add3A_756, %mul3A_757 : vector<16xf32>
      %add3A_759 = arith.constant 8 : i32
      %add3A_760 = vector.broadcast %add3A_759 : i32 to vector<16xi32>
      %add3A_761 = arith.addi %add3A_581, %add3A_760 : vector<16xi32>
      tpu.vector_store_idx %arg8[%add3A_761], %add3A_758 : memref<52224xf32, #tpu.memory_space<vmem>>[vector<16xi32>], vector<16xf32>,
      %mul3A_762 = arith.mulf %add3A_487, %gather3A_354 : vector<16xf32>
      %mul3A_763 = arith.mulf %add3A_496, %gather3A_358 : vector<16xf32>
      %add3A_764 = arith.addf %mul3A_762, %mul3A_763 : vector<16xf32>
      %mul3A_765 = arith.mulf %add3A_505, %gather3A_362 : vector<16xf32>
      %add3A_766 = arith.addf %add3A_764, %mul3A_765 : vector<16xf32>
      %mul3A_767 = arith.mulf %add3A_514, %gather3A_366 : vector<16xf32>
      %add3A_768 = arith.addf %add3A_766, %mul3A_767 : vector<16xf32>
      %mul3A_769 = arith.mulf %add3A_523, %gather3A_370 : vector<16xf32>
      %add3A_770 = arith.addf %add3A_768, %mul3A_769 : vector<16xf32>
      %mul3A_771 = arith.mulf %add3A_532, %gather3A_374 : vector<16xf32>
      %add3A_772 = arith.addf %add3A_770, %mul3A_771 : vector<16xf32>
      %mul3A_773 = arith.mulf %add3A_541, %gather3A_378 : vector<16xf32>
      %add3A_774 = arith.addf %add3A_772, %mul3A_773 : vector<16xf32>
      %mul3A_775 = arith.mulf %add3A_550, %gather3A_382 : vector<16xf32>
      %add3A_776 = arith.addf %add3A_774, %mul3A_775 : vector<16xf32>
      %mul3A_777 = arith.mulf %add3A_559, %gather3A_386 : vector<16xf32>
      %add3A_778 = arith.addf %add3A_776, %mul3A_777 : vector<16xf32>
      %add3A_779 = arith.constant 9 : i32
      %add3A_780 = vector.broadcast %add3A_779 : i32 to vector<16xi32>
      %add3A_781 = arith.addi %add3A_581, %add3A_780 : vector<16xi32>
      tpu.vector_store_idx %arg8[%add3A_781], %add3A_778 : memref<52224xf32, #tpu.memory_space<vmem>>[vector<16xi32>], vector<16xf32>,
      %mul3A_782 = arith.mulf %add3A_496, %gather3A_354 : vector<16xf32>
      %mul3A_783 = arith.mulf %add3A_505, %gather3A_358 : vector<16xf32>
      %add3A_784 = arith.addf %mul3A_782, %mul3A_783 : vector<16xf32>
      %mul3A_785 = arith.mulf %add3A_514, %gather3A_362 : vector<16xf32>
      %add3A_786 = arith.addf %add3A_784, %mul3A_785 : vector<16xf32>
      %mul3A_787 = arith.mulf %add3A_523, %gather3A_366 : vector<16xf32>
      %add3A_788 = arith.addf %add3A_786, %mul3A_787 : vector<16xf32>
      %mul3A_789 = arith.mulf %add3A_532, %gather3A_370 : vector<16xf32>
      %add3A_790 = arith.addf %add3A_788, %mul3A_789 : vector<16xf32>
      %mul3A_791 = arith.mulf %add3A_541, %gather3A_374 : vector<16xf32>
      %add3A_792 = arith.addf %add3A_790, %mul3A_791 : vector<16xf32>
      %mul3A_793 = arith.mulf %add3A_550, %gather3A_378 : vector<16xf32>
      %add3A_794 = arith.addf %add3A_792, %mul3A_793 : vector<16xf32>
      %mul3A_795 = arith.mulf %add3A_559, %gather3A_382 : vector<16xf32>
      %add3A_796 = arith.addf %add3A_794, %mul3A_795 : vector<16xf32>
      %mul3A_797 = arith.mulf %add3A_568, %gather3A_386 : vector<16xf32>
      %add3A_798 = arith.addf %add3A_796, %mul3A_797 : vector<16xf32>
      %add3A_799 = arith.constant 10 : i32
      %add3A_800 = vector.broadcast %add3A_799 : i32 to vector<16xi32>
      %add3A_801 = arith.addi %add3A_581, %add3A_800 : vector<16xi32>
      tpu.vector_store_idx %arg8[%add3A_801], %add3A_798 : memref<52224xf32, #tpu.memory_space<vmem>>[vector<16xi32>], vector<16xf32>,
      %mul3A_802 = arith.mulf %add3A_505, %gather3A_354 : vector<16xf32>
      %mul3A_803 = arith.mulf %add3A_514, %gather3A_358 : vector<16xf32>
      %add3A_804 = arith.addf %mul3A_802, %mul3A_803 : vector<16xf32>
      %mul3A_805 = arith.mulf %add3A_523, %gather3A_362 : vector<16xf32>
      %add3A_806 = arith.addf %add3A_804, %mul3A_805 : vector<16xf32>
      %mul3A_807 = arith.mulf %add3A_532, %gather3A_366 : vector<16xf32>
      %add3A_808 = arith.addf %add3A_806, %mul3A_807 : vector<16xf32>
      %mul3A_809 = arith.mulf %add3A_541, %gather3A_370 : vector<16xf32>
      %add3A_810 = arith.addf %add3A_808, %mul3A_809 : vector<16xf32>
      %mul3A_811 = arith.mulf %add3A_550, %gather3A_374 : vector<16xf32>
      %add3A_812 = arith.addf %add3A_810, %mul3A_811 : vector<16xf32>
      %mul3A_813 = arith.mulf %add3A_559, %gather3A_378 : vector<16xf32>
      %add3A_814 = arith.addf %add3A_812, %mul3A_813 : vector<16xf32>
      %mul3A_815 = arith.mulf %add3A_568, %gather3A_382 : vector<16xf32>
      %add3A_816 = arith.addf %add3A_814, %mul3A_815 : vector<16xf32>
      %mul3A_817 = arith.mulf %add3A_577, %gather3A_386 : vector<16xf32>
      %add3A_818 = arith.addf %add3A_816, %mul3A_817 : vector<16xf32>
      %add3A_819 = arith.constant 11 : i32
      %add3A_820 = vector.broadcast %add3A_819 : i32 to vector<16xi32>
      %add3A_821 = arith.addi %add3A_581, %add3A_820 : vector<16xi32>
      tpu.vector_store_idx %arg8[%add3A_821], %add3A_818 : memref<52224xf32, #tpu.memory_space<vmem>>[vector<16xi32>], vector<16xf32>,
      %scan3A_822 = arith.constant 0 : i32
      scf.yield %scan3A_822 : i32
    }
    %scan3A_248 = arith.constant 34 : i32
    %add3A_249 = arith.constant 96 : i32
    %add3A_250 = arith.addi %mul3A_2, %add3A_249 : i32
    %mul3A_251 = arith.constant 408 : i32
    %mul3A_252 = arith.muli %add3A_250, %mul3A_251 : i32
    %dma_start3A_253 = arith.constant 39168 : i32
    %dma_start3A_254 = tpu.memref_slice %arg8[%dma_start3A_253] : memref<52224xf32, #tpu.memory_space<vmem>> -> memref<6528xf32, #tpu.memory_space<vmem>>
    %dma_start3A_255 = tpu.memref_slice %arg5[%mul3A_252] : memref<1671168xf32, #tpu.memory_space<hbm>> -> memref<6528xf32, #tpu.memory_space<hbm>>
    %dma_start3A_256 = tpu.memref_slice %arg5[%mul3A_252] : memref<1671168xf32, #tpu.memory_space<hbm>> -> memref<6528xf32, #tpu.memory_space<hbm>>
    %dma_start3A_257 = arith.constant 39168 : i32
    %dma_start3A_258 = tpu.memref_slice %arg8[%dma_start3A_257] : memref<52224xf32, #tpu.memory_space<vmem>> -> memref<6528xf32, #tpu.memory_space<vmem>>
    tpu.enqueue_dma source(%dma_start3A_258 : memref<6528xf32, #tpu.memory_space<vmem>>) target(%dma_start3A_256 : memref<6528xf32, #tpu.memory_space<hbm>>) target_semaphore(%arg13 : memref<!tpu.dma_semaphore, #tpu.memory_space<semaphore_mem>>)
    %dma_wait3A_259 = tpu.memref_slice %arg2[%mul3A_228] : memref<1372160xf32, #tpu.memory_space<hbm>> -> memref<5360xf32, #tpu.memory_space<hbm>>
    %dma_wait3A_260 = tpu.memref_slice %arg2[%mul3A_228] : memref<1372160xf32, #tpu.memory_space<hbm>> -> memref<5360xf32, #tpu.memory_space<hbm>>
    tpu.wait_dma2 semaphore(%arg12 : memref<!tpu.dma_semaphore, #tpu.memory_space<semaphore_mem>>) src(%dma_wait3A_260 : memref<5360xf32, #tpu.memory_space<hbm>>) dst(%arg7 : memref<5360xf32, #tpu.memory_space<vmem>>)
    %add3A_261 = arith.constant 112 : i32
    %add3A_262 = vector.broadcast %add3A_261 : i32 to vector<16xi32>
    %add3A_263 = arith.addi %iota3A, %add3A_262 : vector<16xi32>
    %mul3A_264 = arith.constant 408 : i32
    %mul3A_265 = vector.broadcast %mul3A_264 : i32 to vector<16xi32>
    %mul3A_266 = arith.muli %add3A_263, %mul3A_265 : vector<16xi32>
    %gather3A_267 = tpu.vector_load_idx %arg7[%mul3A_10] : memref<5360xf32, #tpu.memory_space<vmem>>[vector<16xi32>], vector<16xf32>,
    %convert_element_type3A_268 = arith.fptosi %gather3A_267 : vector<16xf32> to vector<16xi32>
    %mul3A_269 = arith.constant 34 : i32
    %mul3A_270 = vector.broadcast %mul3A_269 : i32 to vector<16xi32>
    %mul3A_271 = arith.muli %convert_element_type3A_268, %mul3A_270 : vector<16xi32>
    %scan3A_272 = arith.constant 0 : i32
    %scan3A_273 = arith.constant 0 : i32
    %scan3A_274 = arith.constant 34 : i32
    %scan3A_275 = arith.addi %scan3A_273, %scan3A_274 : i32
    %scan3A_276 = arith.constant 1 : i32
    %scan3A_277 = scf.for %scan3A_337 = %scan3A_273 to %scan3A_275 step %scan3A_276 iter_args(%scan3A_338 = %scan3A_272) -> (i32)  : i32 {
      %add3A_339 = vector.broadcast %scan3A_337 : i32 to vector<16xi32>
      %add3A_340 = arith.addi %mul3A_271, %add3A_339 : vector<16xi32>
      %gather3A_341 = tpu.vector_load_idx %arg9[%add3A_340] : memref<544xi32, #tpu.memory_space<vmem>>[vector<16xi32>], vector<16xi32>,
      %add3A_342 = arith.constant 301 : i32
      %add3A_343 = arith.addi %add3A_342, %scan3A_337 : i32
      %add3A_344 = vector.broadcast %add3A_343 : i32 to vector<16xi32>
      %add3A_345 = arith.addi %mul3A_10, %add3A_344 : vector<16xi32>
      %gather3A_346 = tpu.vector_load_idx %arg7[%add3A_345] : memref<5360xf32, #tpu.memory_space<vmem>>[vector<16xi32>], vector<16xf32>,
      %convert_element_type3A_347 = arith.fptosi %gather3A_346 : vector<16xf32> to vector<16xi32>
      %mul3A_348 = arith.constant 9 : i32
      %mul3A_349 = vector.broadcast %mul3A_348 : i32 to vector<16xi32>
      %mul3A_350 = arith.muli %convert_element_type3A_347, %mul3A_349 : vector<16xi32>
      %add3A_351 = arith.constant 0 : i32
      %add3A_352 = vector.broadcast %add3A_351 : i32 to vector<16xi32>
      %add3A_353 = arith.addi %mul3A_350, %add3A_352 : vector<16xi32>
      %gather3A_354 = tpu.vector_load_idx %arg10[%add3A_353] : memref<180xf32, #tpu.memory_space<vmem>>[vector<16xi32>], vector<16xf32>,
      %add3A_355 = arith.constant 1 : i32
      %add3A_356 = vector.broadcast %add3A_355 : i32 to vector<16xi32>
      %add3A_357 = arith.addi %mul3A_350, %add3A_356 : vector<16xi32>
      %gather3A_358 = tpu.vector_load_idx %arg10[%add3A_357] : memref<180xf32, #tpu.memory_space<vmem>>[vector<16xi32>], vector<16xf32>,
      %add3A_359 = arith.constant 2 : i32
      %add3A_360 = vector.broadcast %add3A_359 : i32 to vector<16xi32>
      %add3A_361 = arith.addi %mul3A_350, %add3A_360 : vector<16xi32>
      %gather3A_362 = tpu.vector_load_idx %arg10[%add3A_361] : memref<180xf32, #tpu.memory_space<vmem>>[vector<16xi32>], vector<16xf32>,
      %add3A_363 = arith.constant 3 : i32
      %add3A_364 = vector.broadcast %add3A_363 : i32 to vector<16xi32>
      %add3A_365 = arith.addi %mul3A_350, %add3A_364 : vector<16xi32>
      %gather3A_366 = tpu.vector_load_idx %arg10[%add3A_365] : memref<180xf32, #tpu.memory_space<vmem>>[vector<16xi32>], vector<16xf32>,
      %add3A_367 = arith.constant 4 : i32
      %add3A_368 = vector.broadcast %add3A_367 : i32 to vector<16xi32>
      %add3A_369 = arith.addi %mul3A_350, %add3A_368 : vector<16xi32>
      %gather3A_370 = tpu.vector_load_idx %arg10[%add3A_369] : memref<180xf32, #tpu.memory_space<vmem>>[vector<16xi32>], vector<16xf32>,
      %add3A_371 = arith.constant 5 : i32
      %add3A_372 = vector.broadcast %add3A_371 : i32 to vector<16xi32>
      %add3A_373 = arith.addi %mul3A_350, %add3A_372 : vector<16xi32>
      %gather3A_374 = tpu.vector_load_idx %arg10[%add3A_373] : memref<180xf32, #tpu.memory_space<vmem>>[vector<16xi32>], vector<16xf32>,
      %add3A_375 = arith.constant 6 : i32
      %add3A_376 = vector.broadcast %add3A_375 : i32 to vector<16xi32>
      %add3A_377 = arith.addi %mul3A_350, %add3A_376 : vector<16xi32>
      %gather3A_378 = tpu.vector_load_idx %arg10[%add3A_377] : memref<180xf32, #tpu.memory_space<vmem>>[vector<16xi32>], vector<16xf32>,
      %add3A_379 = arith.constant 7 : i32
      %add3A_380 = vector.broadcast %add3A_379 : i32 to vector<16xi32>
      %add3A_381 = arith.addi %mul3A_350, %add3A_380 : vector<16xi32>
      %gather3A_382 = tpu.vector_load_idx %arg10[%add3A_381] : memref<180xf32, #tpu.memory_space<vmem>>[vector<16xi32>], vector<16xf32>,
      %add3A_383 = arith.constant 8 : i32
      %add3A_384 = vector.broadcast %add3A_383 : i32 to vector<16xi32>
      %add3A_385 = arith.addi %mul3A_350, %add3A_384 : vector<16xi32>
      %gather3A_386 = tpu.vector_load_idx %arg10[%add3A_385] : memref<180xf32, #tpu.memory_space<vmem>>[vector<16xi32>], vector<16xf32>,
      %shift_right_logical3A = arith.constant 10 : i32
      %shift_right_logical3A_387 = vector.broadcast %shift_right_logical3A : i32 to vector<16xi32>
      %shift_right_logical3A_388 = arith.shrui %gather3A_341, %shift_right_logical3A_387 : vector<16xi32>
      %add3A_389 = arith.addi %mul3A_10, %shift_right_logical3A_388 : vector<16xi32>
      %sub3A = arith.constant 19 : i32
      %sub3A_390 = vector.broadcast %sub3A : i32 to vector<16xi32>
      %sub3A_391 = arith.subi %add3A_389, %sub3A_390 : vector<16xi32>
      %and3A = arith.constant 1023 : i32
      %and3A_392 = vector.broadcast %and3A : i32 to vector<16xi32>
      %and3A_393 = arith.andi %gather3A_341, %and3A_392 : vector<16xi32>
      %add3A_394 = arith.addi %mul3A_10, %and3A_393 : vector<16xi32>
      %sub3A_395 = arith.constant 19 : i32
      %sub3A_396 = vector.broadcast %sub3A_395 : i32 to vector<16xi32>
      %sub3A_397 = arith.subi %add3A_394, %sub3A_396 : vector<16xi32>
      %add3A_398 = arith.constant 0 : i32
      %add3A_399 = vector.broadcast %add3A_398 : i32 to vector<16xi32>
      %add3A_400 = arith.addi %sub3A_391, %add3A_399 : vector<16xi32>
      %gather3A_401 = tpu.vector_load_idx %arg7[%add3A_400] : memref<5360xf32, #tpu.memory_space<vmem>>[vector<16xi32>], vector<16xf32>,
      %add3A_402 = arith.constant 0 : i32
      %add3A_403 = vector.broadcast %add3A_402 : i32 to vector<16xi32>
      %add3A_404 = arith.addi %sub3A_397, %add3A_403 : vector<16xi32>
      %gather3A_405 = tpu.vector_load_idx %arg7[%add3A_404] : memref<5360xf32, #tpu.memory_space<vmem>>[vector<16xi32>], vector<16xf32>,
      %add3A_406 = arith.addf %gather3A_401, %gather3A_405 : vector<16xf32>
      %add3A_407 = arith.constant 1 : i32
      %add3A_408 = vector.broadcast %add3A_407 : i32 to vector<16xi32>
      %add3A_409 = arith.addi %sub3A_391, %add3A_408 : vector<16xi32>
      %gather3A_410 = tpu.vector_load_idx %arg7[%add3A_409] : memref<5360xf32, #tpu.memory_space<vmem>>[vector<16xi32>], vector<16xf32>,
      %add3A_411 = arith.constant 1 : i32
      %add3A_412 = vector.broadcast %add3A_411 : i32 to vector<16xi32>
      %add3A_413 = arith.addi %sub3A_397, %add3A_412 : vector<16xi32>
      %gather3A_414 = tpu.vector_load_idx %arg7[%add3A_413] : memref<5360xf32, #tpu.memory_space<vmem>>[vector<16xi32>], vector<16xf32>,
      %add3A_415 = arith.addf %gather3A_410, %gather3A_414 : vector<16xf32>
      %add3A_416 = arith.constant 2 : i32
      %add3A_417 = vector.broadcast %add3A_416 : i32 to vector<16xi32>
      %add3A_418 = arith.addi %sub3A_391, %add3A_417 : vector<16xi32>
      %gather3A_419 = tpu.vector_load_idx %arg7[%add3A_418] : memref<5360xf32, #tpu.memory_space<vmem>>[vector<16xi32>], vector<16xf32>,
      %add3A_420 = arith.constant 2 : i32
      %add3A_421 = vector.broadcast %add3A_420 : i32 to vector<16xi32>
      %add3A_422 = arith.addi %sub3A_397, %add3A_421 : vector<16xi32>
      %gather3A_423 = tpu.vector_load_idx %arg7[%add3A_422] : memref<5360xf32, #tpu.memory_space<vmem>>[vector<16xi32>], vector<16xf32>,
      %add3A_424 = arith.addf %gather3A_419, %gather3A_423 : vector<16xf32>
      %add3A_425 = arith.constant 3 : i32
      %add3A_426 = vector.broadcast %add3A_425 : i32 to vector<16xi32>
      %add3A_427 = arith.addi %sub3A_391, %add3A_426 : vector<16xi32>
      %gather3A_428 = tpu.vector_load_idx %arg7[%add3A_427] : memref<5360xf32, #tpu.memory_space<vmem>>[vector<16xi32>], vector<16xf32>,
      %add3A_429 = arith.constant 3 : i32
      %add3A_430 = vector.broadcast %add3A_429 : i32 to vector<16xi32>
      %add3A_431 = arith.addi %sub3A_397, %add3A_430 : vector<16xi32>
      %gather3A_432 = tpu.vector_load_idx %arg7[%add3A_431] : memref<5360xf32, #tpu.memory_space<vmem>>[vector<16xi32>], vector<16xf32>,
      %add3A_433 = arith.addf %gather3A_428, %gather3A_432 : vector<16xf32>
      %add3A_434 = arith.constant 4 : i32
      %add3A_435 = vector.broadcast %add3A_434 : i32 to vector<16xi32>
      %add3A_436 = arith.addi %sub3A_391, %add3A_435 : vector<16xi32>
      %gather3A_437 = tpu.vector_load_idx %arg7[%add3A_436] : memref<5360xf32, #tpu.memory_space<vmem>>[vector<16xi32>], vector<16xf32>,
      %add3A_438 = arith.constant 4 : i32
      %add3A_439 = vector.broadcast %add3A_438 : i32 to vector<16xi32>
      %add3A_440 = arith.addi %sub3A_397, %add3A_439 : vector<16xi32>
      %gather3A_441 = tpu.vector_load_idx %arg7[%add3A_440] : memref<5360xf32, #tpu.memory_space<vmem>>[vector<16xi32>], vector<16xf32>,
      %add3A_442 = arith.addf %gather3A_437, %gather3A_441 : vector<16xf32>
      %add3A_443 = arith.constant 5 : i32
      %add3A_444 = vector.broadcast %add3A_443 : i32 to vector<16xi32>
      %add3A_445 = arith.addi %sub3A_391, %add3A_444 : vector<16xi32>
      %gather3A_446 = tpu.vector_load_idx %arg7[%add3A_445] : memref<5360xf32, #tpu.memory_space<vmem>>[vector<16xi32>], vector<16xf32>,
      %add3A_447 = arith.constant 5 : i32
      %add3A_448 = vector.broadcast %add3A_447 : i32 to vector<16xi32>
      %add3A_449 = arith.addi %sub3A_397, %add3A_448 : vector<16xi32>
      %gather3A_450 = tpu.vector_load_idx %arg7[%add3A_449] : memref<5360xf32, #tpu.memory_space<vmem>>[vector<16xi32>], vector<16xf32>,
      %add3A_451 = arith.addf %gather3A_446, %gather3A_450 : vector<16xf32>
      %add3A_452 = arith.constant 6 : i32
      %add3A_453 = vector.broadcast %add3A_452 : i32 to vector<16xi32>
      %add3A_454 = arith.addi %sub3A_391, %add3A_453 : vector<16xi32>
      %gather3A_455 = tpu.vector_load_idx %arg7[%add3A_454] : memref<5360xf32, #tpu.memory_space<vmem>>[vector<16xi32>], vector<16xf32>,
      %add3A_456 = arith.constant 6 : i32
      %add3A_457 = vector.broadcast %add3A_456 : i32 to vector<16xi32>
      %add3A_458 = arith.addi %sub3A_397, %add3A_457 : vector<16xi32>
      %gather3A_459 = tpu.vector_load_idx %arg7[%add3A_458] : memref<5360xf32, #tpu.memory_space<vmem>>[vector<16xi32>], vector<16xf32>,
      %add3A_460 = arith.addf %gather3A_455, %gather3A_459 : vector<16xf32>
      %add3A_461 = arith.constant 7 : i32
      %add3A_462 = vector.broadcast %add3A_461 : i32 to vector<16xi32>
      %add3A_463 = arith.addi %sub3A_391, %add3A_462 : vector<16xi32>
      %gather3A_464 = tpu.vector_load_idx %arg7[%add3A_463] : memref<5360xf32, #tpu.memory_space<vmem>>[vector<16xi32>], vector<16xf32>,
      %add3A_465 = arith.constant 7 : i32
      %add3A_466 = vector.broadcast %add3A_465 : i32 to vector<16xi32>
      %add3A_467 = arith.addi %sub3A_397, %add3A_466 : vector<16xi32>
      %gather3A_468 = tpu.vector_load_idx %arg7[%add3A_467] : memref<5360xf32, #tpu.memory_space<vmem>>[vector<16xi32>], vector<16xf32>,
      %add3A_469 = arith.addf %gather3A_464, %gather3A_468 : vector<16xf32>
      %add3A_470 = arith.constant 8 : i32
      %add3A_471 = vector.broadcast %add3A_470 : i32 to vector<16xi32>
      %add3A_472 = arith.addi %sub3A_391, %add3A_471 : vector<16xi32>
      %gather3A_473 = tpu.vector_load_idx %arg7[%add3A_472] : memref<5360xf32, #tpu.memory_space<vmem>>[vector<16xi32>], vector<16xf32>,
      %add3A_474 = arith.constant 8 : i32
      %add3A_475 = vector.broadcast %add3A_474 : i32 to vector<16xi32>
      %add3A_476 = arith.addi %sub3A_397, %add3A_475 : vector<16xi32>
      %gather3A_477 = tpu.vector_load_idx %arg7[%add3A_476] : memref<5360xf32, #tpu.memory_space<vmem>>[vector<16xi32>], vector<16xf32>,
      %add3A_478 = arith.addf %gather3A_473, %gather3A_477 : vector<16xf32>
      %add3A_479 = arith.constant 9 : i32
      %add3A_480 = vector.broadcast %add3A_479 : i32 to vector<16xi32>
      %add3A_481 = arith.addi %sub3A_391, %add3A_480 : vector<16xi32>
      %gather3A_482 = tpu.vector_load_idx %arg7[%add3A_481] : memref<5360xf32, #tpu.memory_space<vmem>>[vector<16xi32>], vector<16xf32>,
      %add3A_483 = arith.constant 9 : i32
      %add3A_484 = vector.broadcast %add3A_483 : i32 to vector<16xi32>
      %add3A_485 = arith.addi %sub3A_397, %add3A_484 : vector<16xi32>
      %gather3A_486 = tpu.vector_load_idx %arg7[%add3A_485] : memref<5360xf32, #tpu.memory_space<vmem>>[vector<16xi32>], vector<16xf32>,
      %add3A_487 = arith.addf %gather3A_482, %gather3A_486 : vector<16xf32>
      %add3A_488 = arith.constant 10 : i32
      %add3A_489 = vector.broadcast %add3A_488 : i32 to vector<16xi32>
      %add3A_490 = arith.addi %sub3A_391, %add3A_489 : vector<16xi32>
      %gather3A_491 = tpu.vector_load_idx %arg7[%add3A_490] : memref<5360xf32, #tpu.memory_space<vmem>>[vector<16xi32>], vector<16xf32>,
      %add3A_492 = arith.constant 10 : i32
      %add3A_493 = vector.broadcast %add3A_492 : i32 to vector<16xi32>
      %add3A_494 = arith.addi %sub3A_397, %add3A_493 : vector<16xi32>
      %gather3A_495 = tpu.vector_load_idx %arg7[%add3A_494] : memref<5360xf32, #tpu.memory_space<vmem>>[vector<16xi32>], vector<16xf32>,
      %add3A_496 = arith.addf %gather3A_491, %gather3A_495 : vector<16xf32>
      %add3A_497 = arith.constant 11 : i32
      %add3A_498 = vector.broadcast %add3A_497 : i32 to vector<16xi32>
      %add3A_499 = arith.addi %sub3A_391, %add3A_498 : vector<16xi32>
      %gather3A_500 = tpu.vector_load_idx %arg7[%add3A_499] : memref<5360xf32, #tpu.memory_space<vmem>>[vector<16xi32>], vector<16xf32>,
      %add3A_501 = arith.constant 11 : i32
      %add3A_502 = vector.broadcast %add3A_501 : i32 to vector<16xi32>
      %add3A_503 = arith.addi %sub3A_397, %add3A_502 : vector<16xi32>
      %gather3A_504 = tpu.vector_load_idx %arg7[%add3A_503] : memref<5360xf32, #tpu.memory_space<vmem>>[vector<16xi32>], vector<16xf32>,
      %add3A_505 = arith.addf %gather3A_500, %gather3A_504 : vector<16xf32>
      %add3A_506 = arith.constant 12 : i32
      %add3A_507 = vector.broadcast %add3A_506 : i32 to vector<16xi32>
      %add3A_508 = arith.addi %sub3A_391, %add3A_507 : vector<16xi32>
      %gather3A_509 = tpu.vector_load_idx %arg7[%add3A_508] : memref<5360xf32, #tpu.memory_space<vmem>>[vector<16xi32>], vector<16xf32>,
      %add3A_510 = arith.constant 12 : i32
      %add3A_511 = vector.broadcast %add3A_510 : i32 to vector<16xi32>
      %add3A_512 = arith.addi %sub3A_397, %add3A_511 : vector<16xi32>
      %gather3A_513 = tpu.vector_load_idx %arg7[%add3A_512] : memref<5360xf32, #tpu.memory_space<vmem>>[vector<16xi32>], vector<16xf32>,
      %add3A_514 = arith.addf %gather3A_509, %gather3A_513 : vector<16xf32>
      %add3A_515 = arith.constant 13 : i32
      %add3A_516 = vector.broadcast %add3A_515 : i32 to vector<16xi32>
      %add3A_517 = arith.addi %sub3A_391, %add3A_516 : vector<16xi32>
      %gather3A_518 = tpu.vector_load_idx %arg7[%add3A_517] : memref<5360xf32, #tpu.memory_space<vmem>>[vector<16xi32>], vector<16xf32>,
      %add3A_519 = arith.constant 13 : i32
      %add3A_520 = vector.broadcast %add3A_519 : i32 to vector<16xi32>
      %add3A_521 = arith.addi %sub3A_397, %add3A_520 : vector<16xi32>
      %gather3A_522 = tpu.vector_load_idx %arg7[%add3A_521] : memref<5360xf32, #tpu.memory_space<vmem>>[vector<16xi32>], vector<16xf32>,
      %add3A_523 = arith.addf %gather3A_518, %gather3A_522 : vector<16xf32>
      %add3A_524 = arith.constant 14 : i32
      %add3A_525 = vector.broadcast %add3A_524 : i32 to vector<16xi32>
      %add3A_526 = arith.addi %sub3A_391, %add3A_525 : vector<16xi32>
      %gather3A_527 = tpu.vector_load_idx %arg7[%add3A_526] : memref<5360xf32, #tpu.memory_space<vmem>>[vector<16xi32>], vector<16xf32>,
      %add3A_528 = arith.constant 14 : i32
      %add3A_529 = vector.broadcast %add3A_528 : i32 to vector<16xi32>
      %add3A_530 = arith.addi %sub3A_397, %add3A_529 : vector<16xi32>
      %gather3A_531 = tpu.vector_load_idx %arg7[%add3A_530] : memref<5360xf32, #tpu.memory_space<vmem>>[vector<16xi32>], vector<16xf32>,
      %add3A_532 = arith.addf %gather3A_527, %gather3A_531 : vector<16xf32>
      %add3A_533 = arith.constant 15 : i32
      %add3A_534 = vector.broadcast %add3A_533 : i32 to vector<16xi32>
      %add3A_535 = arith.addi %sub3A_391, %add3A_534 : vector<16xi32>
      %gather3A_536 = tpu.vector_load_idx %arg7[%add3A_535] : memref<5360xf32, #tpu.memory_space<vmem>>[vector<16xi32>], vector<16xf32>,
      %add3A_537 = arith.constant 15 : i32
      %add3A_538 = vector.broadcast %add3A_537 : i32 to vector<16xi32>
      %add3A_539 = arith.addi %sub3A_397, %add3A_538 : vector<16xi32>
      %gather3A_540 = tpu.vector_load_idx %arg7[%add3A_539] : memref<5360xf32, #tpu.memory_space<vmem>>[vector<16xi32>], vector<16xf32>,
      %add3A_541 = arith.addf %gather3A_536, %gather3A_540 : vector<16xf32>
      %add3A_542 = arith.constant 16 : i32
      %add3A_543 = vector.broadcast %add3A_542 : i32 to vector<16xi32>
      %add3A_544 = arith.addi %sub3A_391, %add3A_543 : vector<16xi32>
      %gather3A_545 = tpu.vector_load_idx %arg7[%add3A_544] : memref<5360xf32, #tpu.memory_space<vmem>>[vector<16xi32>], vector<16xf32>,
      %add3A_546 = arith.constant 16 : i32
      %add3A_547 = vector.broadcast %add3A_546 : i32 to vector<16xi32>
      %add3A_548 = arith.addi %sub3A_397, %add3A_547 : vector<16xi32>
      %gather3A_549 = tpu.vector_load_idx %arg7[%add3A_548] : memref<5360xf32, #tpu.memory_space<vmem>>[vector<16xi32>], vector<16xf32>,
      %add3A_550 = arith.addf %gather3A_545, %gather3A_549 : vector<16xf32>
      %add3A_551 = arith.constant 17 : i32
      %add3A_552 = vector.broadcast %add3A_551 : i32 to vector<16xi32>
      %add3A_553 = arith.addi %sub3A_391, %add3A_552 : vector<16xi32>
      %gather3A_554 = tpu.vector_load_idx %arg7[%add3A_553] : memref<5360xf32, #tpu.memory_space<vmem>>[vector<16xi32>], vector<16xf32>,
      %add3A_555 = arith.constant 17 : i32
      %add3A_556 = vector.broadcast %add3A_555 : i32 to vector<16xi32>
      %add3A_557 = arith.addi %sub3A_397, %add3A_556 : vector<16xi32>
      %gather3A_558 = tpu.vector_load_idx %arg7[%add3A_557] : memref<5360xf32, #tpu.memory_space<vmem>>[vector<16xi32>], vector<16xf32>,
      %add3A_559 = arith.addf %gather3A_554, %gather3A_558 : vector<16xf32>
      %add3A_560 = arith.constant 18 : i32
      %add3A_561 = vector.broadcast %add3A_560 : i32 to vector<16xi32>
      %add3A_562 = arith.addi %sub3A_391, %add3A_561 : vector<16xi32>
      %gather3A_563 = tpu.vector_load_idx %arg7[%add3A_562] : memref<5360xf32, #tpu.memory_space<vmem>>[vector<16xi32>], vector<16xf32>,
      %add3A_564 = arith.constant 18 : i32
      %add3A_565 = vector.broadcast %add3A_564 : i32 to vector<16xi32>
      %add3A_566 = arith.addi %sub3A_397, %add3A_565 : vector<16xi32>
      %gather3A_567 = tpu.vector_load_idx %arg7[%add3A_566] : memref<5360xf32, #tpu.memory_space<vmem>>[vector<16xi32>], vector<16xf32>,
      %add3A_568 = arith.addf %gather3A_563, %gather3A_567 : vector<16xf32>
      %add3A_569 = arith.constant 19 : i32
      %add3A_570 = vector.broadcast %add3A_569 : i32 to vector<16xi32>
      %add3A_571 = arith.addi %sub3A_391, %add3A_570 : vector<16xi32>
      %gather3A_572 = tpu.vector_load_idx %arg7[%add3A_571] : memref<5360xf32, #tpu.memory_space<vmem>>[vector<16xi32>], vector<16xf32>,
      %add3A_573 = arith.constant 19 : i32
      %add3A_574 = vector.broadcast %add3A_573 : i32 to vector<16xi32>
      %add3A_575 = arith.addi %sub3A_397, %add3A_574 : vector<16xi32>
      %gather3A_576 = tpu.vector_load_idx %arg7[%add3A_575] : memref<5360xf32, #tpu.memory_space<vmem>>[vector<16xi32>], vector<16xf32>,
      %add3A_577 = arith.addf %gather3A_572, %gather3A_576 : vector<16xf32>
      %mul3A_578 = arith.constant 12 : i32
      %mul3A_579 = arith.muli %scan3A_337, %mul3A_578 : i32
      %add3A_580 = vector.broadcast %mul3A_579 : i32 to vector<16xi32>
      %add3A_581 = arith.addi %mul3A_266, %add3A_580 : vector<16xi32>
      %mul3A_582 = arith.mulf %add3A_406, %gather3A_354 : vector<16xf32>
      %mul3A_583 = arith.mulf %add3A_415, %gather3A_358 : vector<16xf32>
      %add3A_584 = arith.addf %mul3A_582, %mul3A_583 : vector<16xf32>
      %mul3A_585 = arith.mulf %add3A_424, %gather3A_362 : vector<16xf32>
      %add3A_586 = arith.addf %add3A_584, %mul3A_585 : vector<16xf32>
      %mul3A_587 = arith.mulf %add3A_433, %gather3A_366 : vector<16xf32>
      %add3A_588 = arith.addf %add3A_586, %mul3A_587 : vector<16xf32>
      %mul3A_589 = arith.mulf %add3A_442, %gather3A_370 : vector<16xf32>
      %add3A_590 = arith.addf %add3A_588, %mul3A_589 : vector<16xf32>
      %mul3A_591 = arith.mulf %add3A_451, %gather3A_374 : vector<16xf32>
      %add3A_592 = arith.addf %add3A_590, %mul3A_591 : vector<16xf32>
      %mul3A_593 = arith.mulf %add3A_460, %gather3A_378 : vector<16xf32>
      %add3A_594 = arith.addf %add3A_592, %mul3A_593 : vector<16xf32>
      %mul3A_595 = arith.mulf %add3A_469, %gather3A_382 : vector<16xf32>
      %add3A_596 = arith.addf %add3A_594, %mul3A_595 : vector<16xf32>
      %mul3A_597 = arith.mulf %add3A_478, %gather3A_386 : vector<16xf32>
      %add3A_598 = arith.addf %add3A_596, %mul3A_597 : vector<16xf32>
      %add3A_599 = arith.constant 0 : i32
      %add3A_600 = vector.broadcast %add3A_599 : i32 to vector<16xi32>
      %add3A_601 = arith.addi %add3A_581, %add3A_600 : vector<16xi32>
      tpu.vector_store_idx %arg8[%add3A_601], %add3A_598 : memref<52224xf32, #tpu.memory_space<vmem>>[vector<16xi32>], vector<16xf32>,
      %mul3A_602 = arith.mulf %add3A_415, %gather3A_354 : vector<16xf32>
      %mul3A_603 = arith.mulf %add3A_424, %gather3A_358 : vector<16xf32>
      %add3A_604 = arith.addf %mul3A_602, %mul3A_603 : vector<16xf32>
      %mul3A_605 = arith.mulf %add3A_433, %gather3A_362 : vector<16xf32>
      %add3A_606 = arith.addf %add3A_604, %mul3A_605 : vector<16xf32>
      %mul3A_607 = arith.mulf %add3A_442, %gather3A_366 : vector<16xf32>
      %add3A_608 = arith.addf %add3A_606, %mul3A_607 : vector<16xf32>
      %mul3A_609 = arith.mulf %add3A_451, %gather3A_370 : vector<16xf32>
      %add3A_610 = arith.addf %add3A_608, %mul3A_609 : vector<16xf32>
      %mul3A_611 = arith.mulf %add3A_460, %gather3A_374 : vector<16xf32>
      %add3A_612 = arith.addf %add3A_610, %mul3A_611 : vector<16xf32>
      %mul3A_613 = arith.mulf %add3A_469, %gather3A_378 : vector<16xf32>
      %add3A_614 = arith.addf %add3A_612, %mul3A_613 : vector<16xf32>
      %mul3A_615 = arith.mulf %add3A_478, %gather3A_382 : vector<16xf32>
      %add3A_616 = arith.addf %add3A_614, %mul3A_615 : vector<16xf32>
      %mul3A_617 = arith.mulf %add3A_487, %gather3A_386 : vector<16xf32>
      %add3A_618 = arith.addf %add3A_616, %mul3A_617 : vector<16xf32>
      %add3A_619 = arith.constant 1 : i32
      %add3A_620 = vector.broadcast %add3A_619 : i32 to vector<16xi32>
      %add3A_621 = arith.addi %add3A_581, %add3A_620 : vector<16xi32>
      tpu.vector_store_idx %arg8[%add3A_621], %add3A_618 : memref<52224xf32, #tpu.memory_space<vmem>>[vector<16xi32>], vector<16xf32>,
      %mul3A_622 = arith.mulf %add3A_424, %gather3A_354 : vector<16xf32>
      %mul3A_623 = arith.mulf %add3A_433, %gather3A_358 : vector<16xf32>
      %add3A_624 = arith.addf %mul3A_622, %mul3A_623 : vector<16xf32>
      %mul3A_625 = arith.mulf %add3A_442, %gather3A_362 : vector<16xf32>
      %add3A_626 = arith.addf %add3A_624, %mul3A_625 : vector<16xf32>
      %mul3A_627 = arith.mulf %add3A_451, %gather3A_366 : vector<16xf32>
      %add3A_628 = arith.addf %add3A_626, %mul3A_627 : vector<16xf32>
      %mul3A_629 = arith.mulf %add3A_460, %gather3A_370 : vector<16xf32>
      %add3A_630 = arith.addf %add3A_628, %mul3A_629 : vector<16xf32>
      %mul3A_631 = arith.mulf %add3A_469, %gather3A_374 : vector<16xf32>
      %add3A_632 = arith.addf %add3A_630, %mul3A_631 : vector<16xf32>
      %mul3A_633 = arith.mulf %add3A_478, %gather3A_378 : vector<16xf32>
      %add3A_634 = arith.addf %add3A_632, %mul3A_633 : vector<16xf32>
      %mul3A_635 = arith.mulf %add3A_487, %gather3A_382 : vector<16xf32>
      %add3A_636 = arith.addf %add3A_634, %mul3A_635 : vector<16xf32>
      %mul3A_637 = arith.mulf %add3A_496, %gather3A_386 : vector<16xf32>
      %add3A_638 = arith.addf %add3A_636, %mul3A_637 : vector<16xf32>
      %add3A_639 = arith.constant 2 : i32
      %add3A_640 = vector.broadcast %add3A_639 : i32 to vector<16xi32>
      %add3A_641 = arith.addi %add3A_581, %add3A_640 : vector<16xi32>
      tpu.vector_store_idx %arg8[%add3A_641], %add3A_638 : memref<52224xf32, #tpu.memory_space<vmem>>[vector<16xi32>], vector<16xf32>,
      %mul3A_642 = arith.mulf %add3A_433, %gather3A_354 : vector<16xf32>
      %mul3A_643 = arith.mulf %add3A_442, %gather3A_358 : vector<16xf32>
      %add3A_644 = arith.addf %mul3A_642, %mul3A_643 : vector<16xf32>
      %mul3A_645 = arith.mulf %add3A_451, %gather3A_362 : vector<16xf32>
      %add3A_646 = arith.addf %add3A_644, %mul3A_645 : vector<16xf32>
      %mul3A_647 = arith.mulf %add3A_460, %gather3A_366 : vector<16xf32>
      %add3A_648 = arith.addf %add3A_646, %mul3A_647 : vector<16xf32>
      %mul3A_649 = arith.mulf %add3A_469, %gather3A_370 : vector<16xf32>
      %add3A_650 = arith.addf %add3A_648, %mul3A_649 : vector<16xf32>
      %mul3A_651 = arith.mulf %add3A_478, %gather3A_374 : vector<16xf32>
      %add3A_652 = arith.addf %add3A_650, %mul3A_651 : vector<16xf32>
      %mul3A_653 = arith.mulf %add3A_487, %gather3A_378 : vector<16xf32>
      %add3A_654 = arith.addf %add3A_652, %mul3A_653 : vector<16xf32>
      %mul3A_655 = arith.mulf %add3A_496, %gather3A_382 : vector<16xf32>
      %add3A_656 = arith.addf %add3A_654, %mul3A_655 : vector<16xf32>
      %mul3A_657 = arith.mulf %add3A_505, %gather3A_386 : vector<16xf32>
      %add3A_658 = arith.addf %add3A_656, %mul3A_657 : vector<16xf32>
      %add3A_659 = arith.constant 3 : i32
      %add3A_660 = vector.broadcast %add3A_659 : i32 to vector<16xi32>
      %add3A_661 = arith.addi %add3A_581, %add3A_660 : vector<16xi32>
      tpu.vector_store_idx %arg8[%add3A_661], %add3A_658 : memref<52224xf32, #tpu.memory_space<vmem>>[vector<16xi32>], vector<16xf32>,
      %mul3A_662 = arith.mulf %add3A_442, %gather3A_354 : vector<16xf32>
      %mul3A_663 = arith.mulf %add3A_451, %gather3A_358 : vector<16xf32>
      %add3A_664 = arith.addf %mul3A_662, %mul3A_663 : vector<16xf32>
      %mul3A_665 = arith.mulf %add3A_460, %gather3A_362 : vector<16xf32>
      %add3A_666 = arith.addf %add3A_664, %mul3A_665 : vector<16xf32>
      %mul3A_667 = arith.mulf %add3A_469, %gather3A_366 : vector<16xf32>
      %add3A_668 = arith.addf %add3A_666, %mul3A_667 : vector<16xf32>
      %mul3A_669 = arith.mulf %add3A_478, %gather3A_370 : vector<16xf32>
      %add3A_670 = arith.addf %add3A_668, %mul3A_669 : vector<16xf32>
      %mul3A_671 = arith.mulf %add3A_487, %gather3A_374 : vector<16xf32>
      %add3A_672 = arith.addf %add3A_670, %mul3A_671 : vector<16xf32>
      %mul3A_673 = arith.mulf %add3A_496, %gather3A_378 : vector<16xf32>
      %add3A_674 = arith.addf %add3A_672, %mul3A_673 : vector<16xf32>
      %mul3A_675 = arith.mulf %add3A_505, %gather3A_382 : vector<16xf32>
      %add3A_676 = arith.addf %add3A_674, %mul3A_675 : vector<16xf32>
      %mul3A_677 = arith.mulf %add3A_514, %gather3A_386 : vector<16xf32>
      %add3A_678 = arith.addf %add3A_676, %mul3A_677 : vector<16xf32>
      %add3A_679 = arith.constant 4 : i32
      %add3A_680 = vector.broadcast %add3A_679 : i32 to vector<16xi32>
      %add3A_681 = arith.addi %add3A_581, %add3A_680 : vector<16xi32>
      tpu.vector_store_idx %arg8[%add3A_681], %add3A_678 : memref<52224xf32, #tpu.memory_space<vmem>>[vector<16xi32>], vector<16xf32>,
      %mul3A_682 = arith.mulf %add3A_451, %gather3A_354 : vector<16xf32>
      %mul3A_683 = arith.mulf %add3A_460, %gather3A_358 : vector<16xf32>
      %add3A_684 = arith.addf %mul3A_682, %mul3A_683 : vector<16xf32>
      %mul3A_685 = arith.mulf %add3A_469, %gather3A_362 : vector<16xf32>
      %add3A_686 = arith.addf %add3A_684, %mul3A_685 : vector<16xf32>
      %mul3A_687 = arith.mulf %add3A_478, %gather3A_366 : vector<16xf32>
      %add3A_688 = arith.addf %add3A_686, %mul3A_687 : vector<16xf32>
      %mul3A_689 = arith.mulf %add3A_487, %gather3A_370 : vector<16xf32>
      %add3A_690 = arith.addf %add3A_688, %mul3A_689 : vector<16xf32>
      %mul3A_691 = arith.mulf %add3A_496, %gather3A_374 : vector<16xf32>
      %add3A_692 = arith.addf %add3A_690, %mul3A_691 : vector<16xf32>
      %mul3A_693 = arith.mulf %add3A_505, %gather3A_378 : vector<16xf32>
      %add3A_694 = arith.addf %add3A_692, %mul3A_693 : vector<16xf32>
      %mul3A_695 = arith.mulf %add3A_514, %gather3A_382 : vector<16xf32>
      %add3A_696 = arith.addf %add3A_694, %mul3A_695 : vector<16xf32>
      %mul3A_697 = arith.mulf %add3A_523, %gather3A_386 : vector<16xf32>
      %add3A_698 = arith.addf %add3A_696, %mul3A_697 : vector<16xf32>
      %add3A_699 = arith.constant 5 : i32
      %add3A_700 = vector.broadcast %add3A_699 : i32 to vector<16xi32>
      %add3A_701 = arith.addi %add3A_581, %add3A_700 : vector<16xi32>
      tpu.vector_store_idx %arg8[%add3A_701], %add3A_698 : memref<52224xf32, #tpu.memory_space<vmem>>[vector<16xi32>], vector<16xf32>,
      %mul3A_702 = arith.mulf %add3A_460, %gather3A_354 : vector<16xf32>
      %mul3A_703 = arith.mulf %add3A_469, %gather3A_358 : vector<16xf32>
      %add3A_704 = arith.addf %mul3A_702, %mul3A_703 : vector<16xf32>
      %mul3A_705 = arith.mulf %add3A_478, %gather3A_362 : vector<16xf32>
      %add3A_706 = arith.addf %add3A_704, %mul3A_705 : vector<16xf32>
      %mul3A_707 = arith.mulf %add3A_487, %gather3A_366 : vector<16xf32>
      %add3A_708 = arith.addf %add3A_706, %mul3A_707 : vector<16xf32>
      %mul3A_709 = arith.mulf %add3A_496, %gather3A_370 : vector<16xf32>
      %add3A_710 = arith.addf %add3A_708, %mul3A_709 : vector<16xf32>
      %mul3A_711 = arith.mulf %add3A_505, %gather3A_374 : vector<16xf32>
      %add3A_712 = arith.addf %add3A_710, %mul3A_711 : vector<16xf32>
      %mul3A_713 = arith.mulf %add3A_514, %gather3A_378 : vector<16xf32>
      %add3A_714 = arith.addf %add3A_712, %mul3A_713 : vector<16xf32>
      %mul3A_715 = arith.mulf %add3A_523, %gather3A_382 : vector<16xf32>
      %add3A_716 = arith.addf %add3A_714, %mul3A_715 : vector<16xf32>
      %mul3A_717 = arith.mulf %add3A_532, %gather3A_386 : vector<16xf32>
      %add3A_718 = arith.addf %add3A_716, %mul3A_717 : vector<16xf32>
      %add3A_719 = arith.constant 6 : i32
      %add3A_720 = vector.broadcast %add3A_719 : i32 to vector<16xi32>
      %add3A_721 = arith.addi %add3A_581, %add3A_720 : vector<16xi32>
      tpu.vector_store_idx %arg8[%add3A_721], %add3A_718 : memref<52224xf32, #tpu.memory_space<vmem>>[vector<16xi32>], vector<16xf32>,
      %mul3A_722 = arith.mulf %add3A_469, %gather3A_354 : vector<16xf32>
      %mul3A_723 = arith.mulf %add3A_478, %gather3A_358 : vector<16xf32>
      %add3A_724 = arith.addf %mul3A_722, %mul3A_723 : vector<16xf32>
      %mul3A_725 = arith.mulf %add3A_487, %gather3A_362 : vector<16xf32>
      %add3A_726 = arith.addf %add3A_724, %mul3A_725 : vector<16xf32>
      %mul3A_727 = arith.mulf %add3A_496, %gather3A_366 : vector<16xf32>
      %add3A_728 = arith.addf %add3A_726, %mul3A_727 : vector<16xf32>
      %mul3A_729 = arith.mulf %add3A_505, %gather3A_370 : vector<16xf32>
      %add3A_730 = arith.addf %add3A_728, %mul3A_729 : vector<16xf32>
      %mul3A_731 = arith.mulf %add3A_514, %gather3A_374 : vector<16xf32>
      %add3A_732 = arith.addf %add3A_730, %mul3A_731 : vector<16xf32>
      %mul3A_733 = arith.mulf %add3A_523, %gather3A_378 : vector<16xf32>
      %add3A_734 = arith.addf %add3A_732, %mul3A_733 : vector<16xf32>
      %mul3A_735 = arith.mulf %add3A_532, %gather3A_382 : vector<16xf32>
      %add3A_736 = arith.addf %add3A_734, %mul3A_735 : vector<16xf32>
      %mul3A_737 = arith.mulf %add3A_541, %gather3A_386 : vector<16xf32>
      %add3A_738 = arith.addf %add3A_736, %mul3A_737 : vector<16xf32>
      %add3A_739 = arith.constant 7 : i32
      %add3A_740 = vector.broadcast %add3A_739 : i32 to vector<16xi32>
      %add3A_741 = arith.addi %add3A_581, %add3A_740 : vector<16xi32>
      tpu.vector_store_idx %arg8[%add3A_741], %add3A_738 : memref<52224xf32, #tpu.memory_space<vmem>>[vector<16xi32>], vector<16xf32>,
      %mul3A_742 = arith.mulf %add3A_478, %gather3A_354 : vector<16xf32>
      %mul3A_743 = arith.mulf %add3A_487, %gather3A_358 : vector<16xf32>
      %add3A_744 = arith.addf %mul3A_742, %mul3A_743 : vector<16xf32>
      %mul3A_745 = arith.mulf %add3A_496, %gather3A_362 : vector<16xf32>
      %add3A_746 = arith.addf %add3A_744, %mul3A_745 : vector<16xf32>
      %mul3A_747 = arith.mulf %add3A_505, %gather3A_366 : vector<16xf32>
      %add3A_748 = arith.addf %add3A_746, %mul3A_747 : vector<16xf32>
      %mul3A_749 = arith.mulf %add3A_514, %gather3A_370 : vector<16xf32>
      %add3A_750 = arith.addf %add3A_748, %mul3A_749 : vector<16xf32>
      %mul3A_751 = arith.mulf %add3A_523, %gather3A_374 : vector<16xf32>
      %add3A_752 = arith.addf %add3A_750, %mul3A_751 : vector<16xf32>
      %mul3A_753 = arith.mulf %add3A_532, %gather3A_378 : vector<16xf32>
      %add3A_754 = arith.addf %add3A_752, %mul3A_753 : vector<16xf32>
      %mul3A_755 = arith.mulf %add3A_541, %gather3A_382 : vector<16xf32>
      %add3A_756 = arith.addf %add3A_754, %mul3A_755 : vector<16xf32>
      %mul3A_757 = arith.mulf %add3A_550, %gather3A_386 : vector<16xf32>
      %add3A_758 = arith.addf %add3A_756, %mul3A_757 : vector<16xf32>
      %add3A_759 = arith.constant 8 : i32
      %add3A_760 = vector.broadcast %add3A_759 : i32 to vector<16xi32>
      %add3A_761 = arith.addi %add3A_581, %add3A_760 : vector<16xi32>
      tpu.vector_store_idx %arg8[%add3A_761], %add3A_758 : memref<52224xf32, #tpu.memory_space<vmem>>[vector<16xi32>], vector<16xf32>,
      %mul3A_762 = arith.mulf %add3A_487, %gather3A_354 : vector<16xf32>
      %mul3A_763 = arith.mulf %add3A_496, %gather3A_358 : vector<16xf32>
      %add3A_764 = arith.addf %mul3A_762, %mul3A_763 : vector<16xf32>
      %mul3A_765 = arith.mulf %add3A_505, %gather3A_362 : vector<16xf32>
      %add3A_766 = arith.addf %add3A_764, %mul3A_765 : vector<16xf32>
      %mul3A_767 = arith.mulf %add3A_514, %gather3A_366 : vector<16xf32>
      %add3A_768 = arith.addf %add3A_766, %mul3A_767 : vector<16xf32>
      %mul3A_769 = arith.mulf %add3A_523, %gather3A_370 : vector<16xf32>
      %add3A_770 = arith.addf %add3A_768, %mul3A_769 : vector<16xf32>
      %mul3A_771 = arith.mulf %add3A_532, %gather3A_374 : vector<16xf32>
      %add3A_772 = arith.addf %add3A_770, %mul3A_771 : vector<16xf32>
      %mul3A_773 = arith.mulf %add3A_541, %gather3A_378 : vector<16xf32>
      %add3A_774 = arith.addf %add3A_772, %mul3A_773 : vector<16xf32>
      %mul3A_775 = arith.mulf %add3A_550, %gather3A_382 : vector<16xf32>
      %add3A_776 = arith.addf %add3A_774, %mul3A_775 : vector<16xf32>
      %mul3A_777 = arith.mulf %add3A_559, %gather3A_386 : vector<16xf32>
      %add3A_778 = arith.addf %add3A_776, %mul3A_777 : vector<16xf32>
      %add3A_779 = arith.constant 9 : i32
      %add3A_780 = vector.broadcast %add3A_779 : i32 to vector<16xi32>
      %add3A_781 = arith.addi %add3A_581, %add3A_780 : vector<16xi32>
      tpu.vector_store_idx %arg8[%add3A_781], %add3A_778 : memref<52224xf32, #tpu.memory_space<vmem>>[vector<16xi32>], vector<16xf32>,
      %mul3A_782 = arith.mulf %add3A_496, %gather3A_354 : vector<16xf32>
      %mul3A_783 = arith.mulf %add3A_505, %gather3A_358 : vector<16xf32>
      %add3A_784 = arith.addf %mul3A_782, %mul3A_783 : vector<16xf32>
      %mul3A_785 = arith.mulf %add3A_514, %gather3A_362 : vector<16xf32>
      %add3A_786 = arith.addf %add3A_784, %mul3A_785 : vector<16xf32>
      %mul3A_787 = arith.mulf %add3A_523, %gather3A_366 : vector<16xf32>
      %add3A_788 = arith.addf %add3A_786, %mul3A_787 : vector<16xf32>
      %mul3A_789 = arith.mulf %add3A_532, %gather3A_370 : vector<16xf32>
      %add3A_790 = arith.addf %add3A_788, %mul3A_789 : vector<16xf32>
      %mul3A_791 = arith.mulf %add3A_541, %gather3A_374 : vector<16xf32>
      %add3A_792 = arith.addf %add3A_790, %mul3A_791 : vector<16xf32>
      %mul3A_793 = arith.mulf %add3A_550, %gather3A_378 : vector<16xf32>
      %add3A_794 = arith.addf %add3A_792, %mul3A_793 : vector<16xf32>
      %mul3A_795 = arith.mulf %add3A_559, %gather3A_382 : vector<16xf32>
      %add3A_796 = arith.addf %add3A_794, %mul3A_795 : vector<16xf32>
      %mul3A_797 = arith.mulf %add3A_568, %gather3A_386 : vector<16xf32>
      %add3A_798 = arith.addf %add3A_796, %mul3A_797 : vector<16xf32>
      %add3A_799 = arith.constant 10 : i32
      %add3A_800 = vector.broadcast %add3A_799 : i32 to vector<16xi32>
      %add3A_801 = arith.addi %add3A_581, %add3A_800 : vector<16xi32>
      tpu.vector_store_idx %arg8[%add3A_801], %add3A_798 : memref<52224xf32, #tpu.memory_space<vmem>>[vector<16xi32>], vector<16xf32>,
      %mul3A_802 = arith.mulf %add3A_505, %gather3A_354 : vector<16xf32>
      %mul3A_803 = arith.mulf %add3A_514, %gather3A_358 : vector<16xf32>
      %add3A_804 = arith.addf %mul3A_802, %mul3A_803 : vector<16xf32>
      %mul3A_805 = arith.mulf %add3A_523, %gather3A_362 : vector<16xf32>
      %add3A_806 = arith.addf %add3A_804, %mul3A_805 : vector<16xf32>
      %mul3A_807 = arith.mulf %add3A_532, %gather3A_366 : vector<16xf32>
      %add3A_808 = arith.addf %add3A_806, %mul3A_807 : vector<16xf32>
      %mul3A_809 = arith.mulf %add3A_541, %gather3A_370 : vector<16xf32>
      %add3A_810 = arith.addf %add3A_808, %mul3A_809 : vector<16xf32>
      %mul3A_811 = arith.mulf %add3A_550, %gather3A_374 : vector<16xf32>
      %add3A_812 = arith.addf %add3A_810, %mul3A_811 : vector<16xf32>
      %mul3A_813 = arith.mulf %add3A_559, %gather3A_378 : vector<16xf32>
      %add3A_814 = arith.addf %add3A_812, %mul3A_813 : vector<16xf32>
      %mul3A_815 = arith.mulf %add3A_568, %gather3A_382 : vector<16xf32>
      %add3A_816 = arith.addf %add3A_814, %mul3A_815 : vector<16xf32>
      %mul3A_817 = arith.mulf %add3A_577, %gather3A_386 : vector<16xf32>
      %add3A_818 = arith.addf %add3A_816, %mul3A_817 : vector<16xf32>
      %add3A_819 = arith.constant 11 : i32
      %add3A_820 = vector.broadcast %add3A_819 : i32 to vector<16xi32>
      %add3A_821 = arith.addi %add3A_581, %add3A_820 : vector<16xi32>
      tpu.vector_store_idx %arg8[%add3A_821], %add3A_818 : memref<52224xf32, #tpu.memory_space<vmem>>[vector<16xi32>], vector<16xf32>,
      %scan3A_822 = arith.constant 0 : i32
      scf.yield %scan3A_822 : i32
    }
    %scan3A_278 = arith.constant 34 : i32
    %add3A_279 = arith.constant 112 : i32
    %add3A_280 = arith.addi %mul3A_2, %add3A_279 : i32
    %mul3A_281 = arith.constant 408 : i32
    %mul3A_282 = arith.muli %add3A_280, %mul3A_281 : i32
    %dma_start3A_283 = arith.constant 45696 : i32
    %dma_start3A_284 = tpu.memref_slice %arg8[%dma_start3A_283] : memref<52224xf32, #tpu.memory_space<vmem>> -> memref<6528xf32, #tpu.memory_space<vmem>>
    %dma_start3A_285 = tpu.memref_slice %arg5[%mul3A_282] : memref<1671168xf32, #tpu.memory_space<hbm>> -> memref<6528xf32, #tpu.memory_space<hbm>>
    %dma_start3A_286 = tpu.memref_slice %arg5[%mul3A_282] : memref<1671168xf32, #tpu.memory_space<hbm>> -> memref<6528xf32, #tpu.memory_space<hbm>>
    %dma_start3A_287 = arith.constant 45696 : i32
    %dma_start3A_288 = tpu.memref_slice %arg8[%dma_start3A_287] : memref<52224xf32, #tpu.memory_space<vmem>> -> memref<6528xf32, #tpu.memory_space<vmem>>
    tpu.enqueue_dma source(%dma_start3A_288 : memref<6528xf32, #tpu.memory_space<vmem>>) target(%dma_start3A_286 : memref<6528xf32, #tpu.memory_space<hbm>>) target_semaphore(%arg13 : memref<!tpu.dma_semaphore, #tpu.memory_space<semaphore_mem>>)
    %dma_wait3A_289 = arith.constant 0 : i32
    %dma_wait3A_290 = tpu.memref_slice %arg8[%dma_wait3A_289] : memref<52224xf32, #tpu.memory_space<vmem>> -> memref<6528xf32, #tpu.memory_space<vmem>>
    %dma_wait3A_291 = tpu.memref_slice %arg5[%mul3A_36] : memref<1671168xf32, #tpu.memory_space<hbm>> -> memref<6528xf32, #tpu.memory_space<hbm>>
    %dma_wait3A_292 = tpu.memref_slice %arg5[%mul3A_36] : memref<1671168xf32, #tpu.memory_space<hbm>> -> memref<6528xf32, #tpu.memory_space<hbm>>
    %dma_wait3A_293 = arith.constant 0 : i32
    %dma_wait3A_294 = tpu.memref_slice %arg8[%dma_wait3A_293] : memref<52224xf32, #tpu.memory_space<vmem>> -> memref<6528xf32, #tpu.memory_space<vmem>>
    tpu.wait_dma2 semaphore(%arg13 : memref<!tpu.dma_semaphore, #tpu.memory_space<semaphore_mem>>) src(%dma_wait3A_294 : memref<6528xf32, #tpu.memory_space<vmem>>) dst(%dma_wait3A_292 : memref<6528xf32, #tpu.memory_space<hbm>>)
    %dma_wait3A_295 = arith.constant 6528 : i32
    %dma_wait3A_296 = tpu.memref_slice %arg8[%dma_wait3A_295] : memref<52224xf32, #tpu.memory_space<vmem>> -> memref<6528xf32, #tpu.memory_space<vmem>>
    %dma_wait3A_297 = tpu.memref_slice %arg5[%mul3A_72] : memref<1671168xf32, #tpu.memory_space<hbm>> -> memref<6528xf32, #tpu.memory_space<hbm>>
    %dma_wait3A_298 = tpu.memref_slice %arg5[%mul3A_72] : memref<1671168xf32, #tpu.memory_space<hbm>> -> memref<6528xf32, #tpu.memory_space<hbm>>
    %dma_wait3A_299 = arith.constant 6528 : i32
    %dma_wait3A_300 = tpu.memref_slice %arg8[%dma_wait3A_299] : memref<52224xf32, #tpu.memory_space<vmem>> -> memref<6528xf32, #tpu.memory_space<vmem>>
    tpu.wait_dma2 semaphore(%arg13 : memref<!tpu.dma_semaphore, #tpu.memory_space<semaphore_mem>>) src(%dma_wait3A_300 : memref<6528xf32, #tpu.memory_space<vmem>>) dst(%dma_wait3A_298 : memref<6528xf32, #tpu.memory_space<hbm>>)
    %dma_wait3A_301 = arith.constant 13056 : i32
    %dma_wait3A_302 = tpu.memref_slice %arg8[%dma_wait3A_301] : memref<52224xf32, #tpu.memory_space<vmem>> -> memref<6528xf32, #tpu.memory_space<vmem>>
    %dma_wait3A_303 = tpu.memref_slice %arg5[%mul3A_108] : memref<1671168xf32, #tpu.memory_space<hbm>> -> memref<6528xf32, #tpu.memory_space<hbm>>
    %dma_wait3A_304 = tpu.memref_slice %arg5[%mul3A_108] : memref<1671168xf32, #tpu.memory_space<hbm>> -> memref<6528xf32, #tpu.memory_space<hbm>>
    %dma_wait3A_305 = arith.constant 13056 : i32
    %dma_wait3A_306 = tpu.memref_slice %arg8[%dma_wait3A_305] : memref<52224xf32, #tpu.memory_space<vmem>> -> memref<6528xf32, #tpu.memory_space<vmem>>
    tpu.wait_dma2 semaphore(%arg13 : memref<!tpu.dma_semaphore, #tpu.memory_space<semaphore_mem>>) src(%dma_wait3A_306 : memref<6528xf32, #tpu.memory_space<vmem>>) dst(%dma_wait3A_304 : memref<6528xf32, #tpu.memory_space<hbm>>)
    %dma_wait3A_307 = arith.constant 19584 : i32
    %dma_wait3A_308 = tpu.memref_slice %arg8[%dma_wait3A_307] : memref<52224xf32, #tpu.memory_space<vmem>> -> memref<6528xf32, #tpu.memory_space<vmem>>
    %dma_wait3A_309 = tpu.memref_slice %arg5[%mul3A_144] : memref<1671168xf32, #tpu.memory_space<hbm>> -> memref<6528xf32, #tpu.memory_space<hbm>>
    %dma_wait3A_310 = tpu.memref_slice %arg5[%mul3A_144] : memref<1671168xf32, #tpu.memory_space<hbm>> -> memref<6528xf32, #tpu.memory_space<hbm>>
    %dma_wait3A_311 = arith.constant 19584 : i32
    %dma_wait3A_312 = tpu.memref_slice %arg8[%dma_wait3A_311] : memref<52224xf32, #tpu.memory_space<vmem>> -> memref<6528xf32, #tpu.memory_space<vmem>>
    tpu.wait_dma2 semaphore(%arg13 : memref<!tpu.dma_semaphore, #tpu.memory_space<semaphore_mem>>) src(%dma_wait3A_312 : memref<6528xf32, #tpu.memory_space<vmem>>) dst(%dma_wait3A_310 : memref<6528xf32, #tpu.memory_space<hbm>>)
    %dma_wait3A_313 = arith.constant 26112 : i32
    %dma_wait3A_314 = tpu.memref_slice %arg8[%dma_wait3A_313] : memref<52224xf32, #tpu.memory_space<vmem>> -> memref<6528xf32, #tpu.memory_space<vmem>>
    %dma_wait3A_315 = tpu.memref_slice %arg5[%mul3A_180] : memref<1671168xf32, #tpu.memory_space<hbm>> -> memref<6528xf32, #tpu.memory_space<hbm>>
    %dma_wait3A_316 = tpu.memref_slice %arg5[%mul3A_180] : memref<1671168xf32, #tpu.memory_space<hbm>> -> memref<6528xf32, #tpu.memory_space<hbm>>
    %dma_wait3A_317 = arith.constant 26112 : i32
    %dma_wait3A_318 = tpu.memref_slice %arg8[%dma_wait3A_317] : memref<52224xf32, #tpu.memory_space<vmem>> -> memref<6528xf32, #tpu.memory_space<vmem>>
    tpu.wait_dma2 semaphore(%arg13 : memref<!tpu.dma_semaphore, #tpu.memory_space<semaphore_mem>>) src(%dma_wait3A_318 : memref<6528xf32, #tpu.memory_space<vmem>>) dst(%dma_wait3A_316 : memref<6528xf32, #tpu.memory_space<hbm>>)
    %dma_wait3A_319 = arith.constant 32640 : i32
    %dma_wait3A_320 = tpu.memref_slice %arg8[%dma_wait3A_319] : memref<52224xf32, #tpu.memory_space<vmem>> -> memref<6528xf32, #tpu.memory_space<vmem>>
    %dma_wait3A_321 = tpu.memref_slice %arg5[%mul3A_216] : memref<1671168xf32, #tpu.memory_space<hbm>> -> memref<6528xf32, #tpu.memory_space<hbm>>
    %dma_wait3A_322 = tpu.memref_slice %arg5[%mul3A_216] : memref<1671168xf32, #tpu.memory_space<hbm>> -> memref<6528xf32, #tpu.memory_space<hbm>>
    %dma_wait3A_323 = arith.constant 32640 : i32
    %dma_wait3A_324 = tpu.memref_slice %arg8[%dma_wait3A_323] : memref<52224xf32, #tpu.memory_space<vmem>> -> memref<6528xf32, #tpu.memory_space<vmem>>
    tpu.wait_dma2 semaphore(%arg13 : memref<!tpu.dma_semaphore, #tpu.memory_space<semaphore_mem>>) src(%dma_wait3A_324 : memref<6528xf32, #tpu.memory_space<vmem>>) dst(%dma_wait3A_322 : memref<6528xf32, #tpu.memory_space<hbm>>)
    %dma_wait3A_325 = arith.constant 39168 : i32
    %dma_wait3A_326 = tpu.memref_slice %arg8[%dma_wait3A_325] : memref<52224xf32, #tpu.memory_space<vmem>> -> memref<6528xf32, #tpu.memory_space<vmem>>
    %dma_wait3A_327 = tpu.memref_slice %arg5[%mul3A_252] : memref<1671168xf32, #tpu.memory_space<hbm>> -> memref<6528xf32, #tpu.memory_space<hbm>>
    %dma_wait3A_328 = tpu.memref_slice %arg5[%mul3A_252] : memref<1671168xf32, #tpu.memory_space<hbm>> -> memref<6528xf32, #tpu.memory_space<hbm>>
    %dma_wait3A_329 = arith.constant 39168 : i32
    %dma_wait3A_330 = tpu.memref_slice %arg8[%dma_wait3A_329] : memref<52224xf32, #tpu.memory_space<vmem>> -> memref<6528xf32, #tpu.memory_space<vmem>>
    tpu.wait_dma2 semaphore(%arg13 : memref<!tpu.dma_semaphore, #tpu.memory_space<semaphore_mem>>) src(%dma_wait3A_330 : memref<6528xf32, #tpu.memory_space<vmem>>) dst(%dma_wait3A_328 : memref<6528xf32, #tpu.memory_space<hbm>>)
    %dma_wait3A_331 = arith.constant 45696 : i32
    %dma_wait3A_332 = tpu.memref_slice %arg8[%dma_wait3A_331] : memref<52224xf32, #tpu.memory_space<vmem>> -> memref<6528xf32, #tpu.memory_space<vmem>>
    %dma_wait3A_333 = tpu.memref_slice %arg5[%mul3A_282] : memref<1671168xf32, #tpu.memory_space<hbm>> -> memref<6528xf32, #tpu.memory_space<hbm>>
    %dma_wait3A_334 = tpu.memref_slice %arg5[%mul3A_282] : memref<1671168xf32, #tpu.memory_space<hbm>> -> memref<6528xf32, #tpu.memory_space<hbm>>
    %dma_wait3A_335 = arith.constant 45696 : i32
    %dma_wait3A_336 = tpu.memref_slice %arg8[%dma_wait3A_335] : memref<52224xf32, #tpu.memory_space<vmem>> -> memref<6528xf32, #tpu.memory_space<vmem>>
    tpu.wait_dma2 semaphore(%arg13 : memref<!tpu.dma_semaphore, #tpu.memory_space<semaphore_mem>>) src(%dma_wait3A_336 : memref<6528xf32, #tpu.memory_space<vmem>>) dst(%dma_wait3A_334 : memref<6528xf32, #tpu.memory_space<hbm>>)
    return
  }
}

</mosaic_0001>

<sc_bundles>
// kernel: kernel.4.cloned.1.call-start
scs
__scs_entry_jumppad:
0x0: {  	(pc) =	sbr.rel $0x88, $3  }
0x1: {  	(tag) =	ssettag $0x0;
	lr =	simm.s32 $0x1  }
0x2: {  	[smem:$0x3F9E] =	sst lr;
	_ =	strace $0xD0000000  }
0x3: {  	_ = 	snop  }
0x4: {  	_ = 	snop  }
0x5: {  	_ = 	snop  }
0x6: {  	_ = 	snop  }
0x7: {  	_ = 	snop  }
__scs_overlays_trampoline_lowered:
0x8: {  	[smem:$0x3FAD] =	sst s0  }
0x9: {  	[smem:$0x3FAE] =	sst s1  }
0xa: {  	[smem:$0x3FAF] =	sst s2  }
0xb: {  	[smem:$0x3FB0] =	sst s3  }
0xc: {  	[smem:$0x3FB1] =	sst s4  }
0xd: {  	[smem:$0x3FB2] =	sst s5  }
0xe: {  	[smem:$0x3FB3] =	sst s6  }
0xf: {  	[smem:$0x3FB4] =	sst s7  }
0x10: {  	[smem:$0x3FB5] =	sst s8  }
0x11: {  	[smem:$0x3FB6] =	sst s9;
	s0 =	simm.s32 @!p0 $0x0  }
0x12: {  	s1 =	sld [smem:$0x3F9C];
	s0 =	simm.s32 @p0 $0x1  }
0x13: {  	[smem:$0x3FB7] =	sst s0;
	s0 =	simm.s32 @!p1 $0x0  }
0x14: {  	s2 =	sld [smem:$0x3F9B];
	s0 =	simm.s32 @p1 $0x1  }
0x15: {  	[smem:$0x3FB8] =	sst s0;
	s0 =	simm.s32 @!p2 $0x0  }
0x16: {  	s3 =	sld [smem:$0x3FDB];
	s0 =	simm.s32 @p2 $0x1  }
0x17: {  	s4 =	simm.s32 $0x1BF5;
	[smem:$0x3FBA] =	sst s0  }
0x18: {  	s0 =	sld [smem:$0x3F9D];
	_ =	swait.ge [sflag:s4], $0x0  }
0x19: {  	s7 =	sld [smem:$0x3F9E]  }
0x1a: {  	s8 =	sadd.s32 $0xFFFFE003, lr  }
0x1b: {  	s9 =	sadd.s32 $0xFFFFFEF7, lr;
	s5 =	simm.s32 $0xFFFFFFFF;
	p2 =	slt.u32 s8, $0xFFFFF086  }
0x1c: {  	p1 =	slt.u32 s9, $0xF7A;
	s5 =	simm.s32 @!p2 $0x0  }
0x1d: {  	s5 =	simm.s32 @p1 $0x1;
	p0 =	seq.s32 s7, s2  }
0x1e: {  	s7 =	smul.u32 @!p0 $0xF7A, s2;
	p2 =	seq.s32 @!p0 s5, $0x0  }
0x1f: {  	s9 =	smul.u32 $0xF7A, s1;
	s8 =	simm.s32 @!p0 $0x1BF5;
	p2 =	por !p2, p0  }
0x20: {  	[sflag:s8] =	ssyncset.s32 @!p0 $0xFFFFF086;
	s6 =	sadd.s32 @!p0 s3, s7;
	s7 =	simm.s32 @!p0 $0x108  }
0x21: {  	s3 =	sadd.s32 s3, s9;
	s6 =	sadd.s32 @!p0 $0x88, s6;
	s7 =	simm.s32 @p2 $0x1082  }
0x22: {  	[simem:s7], [sflag:s8] =	dma.local @!p0 [hbm:s6], $0xF7A  }
0x23: {  	s9 =	sor.u32 $0xD0000000, s2;
	s6 =	simm.s32 $0x108;
	_ =	swait.ge @!p0 [sflag:s8], $0x0  }
0x24: {  	s3 =	sadd.s32 $0x88, s3;
	s6 =	simm.s32 @!p1 $0x1082;
	[sflag:s4] =	ssyncset.s32 $0xFFFFF086  }
0x25: {  	[simem:s6], [sflag:s4] =	dma.local [hbm:s3], $0xF7A  }
0x26: {  	[smem:$0x3F9E] =	sst s1;
	(tag) =	ssettag s2;
	_ =	strace s9  }
0x27: {  	s1 =	sld [smem:$0x3FAE]  }
0x28: {  	s2 =	sld [smem:$0x3FAF]  }
0x29: {  	s4 =	sld [smem:$0x3FB1]  }
0x2a: {  	p0 =	seq.s32 s5, $0x0;
	s5 =	sld [smem:$0x3FB2]  }
0x2b: {  	s6 =	sld [smem:$0x3FB3]  }
0x2c: {  	s7 =	sld [smem:$0x3FB4]  }
0x2d: {  	s3 =	simm.s32 $0x108;
	s8 =	sld [smem:$0x3FB5]  }
0x2e: {  	s3 =	simm.s32 @!p0 $0x1082;
	s9 =	sld [smem:$0x3FB6]  }
0x2f: {  	lr =	sadd.s32 s0, s3;
	s0 =	sld [smem:$0x3FAD]  }
0x30: {  	s3 =	sld [smem:$0x3FB0]  }
0x31: {  	[smem:$0x3FB9] =	sst s10  }
0x32: {  	s10 =	sld [smem:$0x3FB7];
	_ =	sdelay $0x3  }
0x33: {  	p0 =	seq.s32 s10, $0x1;
	s10 =	sld [smem:$0x3FB9];
	_ =	sdelay $0x3  }
0x34: {  	[smem:$0x3FB9] =	sst s10  }
0x35: {  	s10 =	sld [smem:$0x3FB8];
	_ =	sdelay $0x3  }
0x36: {  	p1 =	seq.s32 s10, $0x1;
	s10 =	sld [smem:$0x3FB9];
	_ =	sdelay $0x3  }
0x37: {  	[smem:$0x3FB9] =	sst s10  }
0x38: {  	s10 =	sld [smem:$0x3FBA]  }
0x39: {  	_ = 	snop;
	(pc) =	sbr.ind lr, $3  }
0x3a: {  	_ = 	snop  }
0x3b: {  	_ = 	snop  }
0x3c: {  	p2 =	seq.s32 s10, $0x1;
	s10 =	sld [smem:$0x3FB9]  }
0x3d: {  	_ =	shalt  }
0x3e: {  	_ =	shalt  }
0x3f: {  	_ =	shalt  }
0x40: {  	_ =	shalt  }
0x41: {  	_ =	shalt  }
0x42: {  	_ =	shalt  }
0x43: {  	_ =	shalt  }
0x44: {  	_ =	shalt  }
0x45: {  	_ =	shalt  }
0x46: {  	_ =	shalt  }
0x47: {  	_ =	shalt  }
0x48: {  	_ =	shalt  }
0x49: {  	_ =	shalt  }
0x4a: {  	_ =	shalt  }
0x4b: {  	_ =	shalt  }
0x4c: {  	_ =	shalt  }
0x4d: {  	_ =	shalt  }
0x4e: {  	_ =	shalt  }
0x4f: {  	_ =	shalt  }
0x50: {  	_ =	shalt  }
0x51: {  	_ =	shalt  }
0x52: {  	_ =	shalt  }
0x53: {  	_ =	shalt  }
0x54: {  	_ =	shalt  }
0x55: {  	_ =	shalt  }
0x56: {  	_ =	shalt  }
0x57: {  	_ =	shalt  }
0x58: {  	_ =	shalt  }
0x59: {  	_ =	shalt  }
0x5a: {  	_ =	shalt  }
0x5b: {  	_ =	shalt  }
0x5c: {  	_ =	shalt  }
0x5d: {  	_ =	shalt  }
0x5e: {  	_ =	shalt  }
0x5f: {  	_ =	shalt  }
0x60: {  	_ =	shalt  }
0x61: {  	_ =	shalt  }
0x62: {  	_ =	shalt  }
0x63: {  	_ =	shalt  }
0x64: {  	_ =	shalt  }
0x65: {  	_ =	shalt  }
0x66: {  	_ =	shalt  }
0x67: {  	_ =	shalt  }
0x68: {  	_ =	shalt  }
0x69: {  	_ =	shalt  }
0x6a: {  	_ =	shalt  }
0x6b: {  	_ =	shalt  }
0x6c: {  	_ =	shalt  }
0x6d: {  	_ =	shalt  }
0x6e: {  	_ =	shalt  }
0x6f: {  	_ =	shalt  }
0x70: {  	_ =	shalt  }
0x71: {  	_ =	shalt  }
0x72: {  	_ =	shalt  }
0x73: {  	_ =	shalt  }
0x74: {  	_ =	shalt  }
0x75: {  	_ =	shalt  }
0x76: {  	_ =	shalt  }
0x77: {  	_ =	shalt  }
0x78: {  	_ =	shalt  }
0x79: {  	_ =	shalt  }
0x7a: {  	_ =	shalt  }
0x7b: {  	_ =	shalt  }
0x7c: {  	_ =	shalt  }
0x7d: {  	_ =	shalt  }
0x7e: {  	_ =	shalt  }
0x7f: {  	_ =	shalt  }
0x80: {  	_ =	shalt  }
0x81: {  	_ =	shalt  }
0x82: {  	_ =	shalt  }
0x83: {  	_ =	shalt  }
0x84: {  	_ =	shalt  }
0x85: {  	_ =	shalt  }
0x86: {  	_ =	shalt  }
0x87: {  	_ =	shalt  }
.Lfunc_end0:
.L_simem_size_0:
called_computation_lowered:
.L_overlay_start_0:
0x88: {  	s2 =	sld [smem:$0x3FD9]  }
0x89: {  	s3 =	sld [smem:$0x3FFE];
	_ =	sdelay $0x1  }
0x8a: {  	s1 =	srdreg.scid  }
0x8b: {  	s0 =	sand.u32 $0x1, s1  }
0x8c: {  	s17 =	sshll.u32 s0, $0xA;
	s2 =	sadd.s32 s3, s2  }
0x8d: {  	s2 =	sadd.s32 s2, s17  }
0x8e: {  	[smem:$0x3FC5] =	sst s2  }
0x8f: {  	_ = 	snop  }
0x90: {  	s2 =	sld [smem:$0x3FD0];
	(tm) =	ssettm $0x1  }
0x91: {  	s18 =	sld [smem:$0x3FFB];
	_ =	sdelay $0x3  }
0x92: {  	_ =	strace s18  }
0x93: {  	s3 =	sld [smem:$0x3FFC];
	_ =	sdelay $0x3  }
0x94: {  	_ =	strace s3  }
0x95: {  	s3 =	sld [smem:$0x3FFD];
	_ =	sdelay $0x3  }
0x96: {  	_ =	strace s3  }
0x97: {  	_ =	strace $0x8FFFFFFF  }
0x98: {  	s19 =	sld [smem:$0x3FDB];
	_ =	sdelay $0x1  }
0x99: {  	s4 =	simm.s32 $_scs_section_size  }
0x9a: {  	s5 =	simm.s32 $_size__tile_overlayer_lowered;
	s6 =	simm.s32 $_tile_overlayer_lowered  }
0x9b: {  	s22 =	simm.s32 $0x1BFF;
	s21 =	sshll.u32 s6, $0x1;
	s3 =	sadd.s32 s4, s19  }
0x9c: {  	s7 =	simm.s32 $0x0;
	s20 =	sshll.u32 s5, $0x1;
	s5 =	sadd.s32 s21, s3  }
0x9d: {  	[timem:s7], [sflag:s22] =	dma.local [hbm:s5], s20  }
0x9e: {  	_ =	swait.ge [sflag:s22], s20  }
0x9f: {  	s4 =	ssub.s32 $0x0, s20;
	[sflag:s22] =	ssyncset.done $0x0  }
0xa0: {  	[sflag:s22] =	ssyncadd.s32 s4;
	_ =	sdelay $0x1  }
0xa1: {  	s23 =	simm.s32 $0x1B8B  }
0xa2: {  	_ =	swait.ge [sflag:s23], $0x1  }
0xa3: {  	[sflag:s23] =	ssyncset.done $0x0  }
0xa4: {  	s25 =	simm.s32 $0x1B8E;
	s24 =	sld [smem:$0x3FFE];
	[sflag:s23] =	ssyncadd.s32 $0xFFFFFFFF  }
0xa5: {  	s26 =	simm.s32 $execute0_lowered;
	[smem:$0x3FD2] =	sst s25  }
0xa6: {  	s5 =	sshll.u32 s26, $0x1;
	_ =	strace $0x80000046;
	[dreg:$0x1] =	wrdreg $0xFFFFFFFF  }
0xa7: {  	s28 =	simm.s32 $_size_execute0_lowered;
	s3 =	sadd.s32 s3, s5;
	[dreg:$0x0] =	wrdreg $0x0  }
0xa8: {  	s5 =	sshll.u32 s28, $0x1;
	[dreg:$0x2] =	wrdreg s3  }
0xa9: {  	[dreg:$0x3] =	wrdreg s5  }
0xaa: {  	[dreg:$0x4] =	wrdreg $0xC0  }
0xab: {  	_ =	task [dreg:s7], $0x5FFFF  }
0xac: {  	[dreg:$0x1] =	wrdreg $0xFFFFFFFF  }
0xad: {  	[dreg:$0x0] =	wrdreg $0x60  }
0xae: {  	[dreg:$0x2] =	wrdreg s24  }
0xaf: {  	[dreg:$0x3] =	wrdreg s2  }
0xb0: {  	[dreg:$0x4] =	wrdreg $0x9  }
0xb1: {  	_ =	task.clear_ibuf [dreg:s7], $0x5FFFF;
	_ =	strace $0x90000046  }
0xb2: {  	s29 =	simm.s32 $0x9;
	_ =	strace $0x80000048  }
0xb3: {  	_ =	swait.ge [sflag:s29], $0x1  }
0xb4: {  	[sflag:s29] =	ssyncadd.s32 $0xFFFFFFFF  }
0xb5: {  	_ =	strace $0x90000048  }
0xb6: {  	_ =	sfence  }
0xb7: {  	s30 =	sld [smem:$0x0];
	_ =	sdelay $0x2  }
0xb8: {  	s31 =	sshll.u32 s1, $0xD;
	s1 =	sshrl.u32 s1, $0x2  }
0xb9: {  	s3 =	sand.u32 $0x4000, s31;
	s1 =	sadd.s32 s1, s30  }
0xba: {  	s0 =	sor.u32 s3, s0;
	s1 =	sshll.u32 s1, $0x11  }
0xbb: {  	s0 =	sor.u32 s1, s0  }
0xbc: {  	s0 =	sadd.s32 $0x8F2B, s0  }
0xbd: {  	[sflag:s0] =	ssyncadd.remote.s32 $0x1  }
0xbe: {  	_ =	sfence.sel $0xFFFF  }
0xbf: {  	[dreg:$0x0] =	wrdreg $0xFFFFFFFF;
	(pc) =	sbr.abs _section_cstart, $3  }
0xc0: {  	[dreg:$0x1] =	wrdreg $0xFFFFFFFF  }
0xc1: {  	_ =	task.clear_ibuf [dreg:s7], $0x2FFFF;
	_ =	strace $0x9FFFFFFF  }
0xc2: {  	(tm) =	ssettm $0x7FFFFFFF  }
0xc3: {  	_ =	shalt  }
tec
execute0_lowered:
.L_overlay_start_1:
0x0: {  	(tag) =	ssettag $0x1  }
0x1: {  	v16 =	vlaneseq.u32  }
0x2: {  	v0 =	vmul.u32 $0x14F, v16;
	v16 =	vmul.u32 $0x198, v16  }
0x3: {  	s4 =	rddreg [dreg:$0x0];
	s2 =	simm.s32 $0x0  }
0x4: {  	[smem:$0x7FF] =	sst s2;
	v1 =	vor.u32 $0x1, v16  }
0x5: {  	s0 =	rddreg [dreg:$0x1];
	_ =	strace $0x80000047;
	v29 =	vadd.s32 $0xFFFFFFED, v0;
	[tilespmem:$0x1FE60] =	vst v1  }
0x6: {  	v30 =	vadd.s32 $0xFFFFFFEE, v0;
	[tilespmem:$0x1FFD0] =	vst v29  }
0x7: {  	s1 =	srdreg.scid;
	s3 =	stileid.u32;
	v31 =	vadd.s32 $0xFFFFFFEF, v0;
	[tilespmem:$0x1FFE0] =	vst v30  }
0x8: {  	s5 =	sand.u32 $0x1, s1;
	s14 =	sshll.u32 s3, $0x1;
	v1 =	vor.u32 $0x2, v16;
	[tilespmem:$0x1FFF0] =	vst v31  }
0x9: {  	s28 =	simm.s32 $0x2A00;
	s6 =	sor.u32 s5, s14;
	[tilespmem:$0x1FE70] =	vst v1;
	v1 =	vor.u32 $0x3, v16  }
0xa: {  	s29 =	simm.s32 $0x2;
	s13 =	sshll.u32 s6, $0x7;
	s7 =	smul.u32 $0x14F0, s6;
	[tilespmem:$0x1FE80] =	vst v1;
	v1 =	vor.u32 $0x4, v16  }
0xb: {  	s30 =	simm.s32 $0x0;
	s11 =	smul.u32 $0x1980, s6;
	s8 =	sor.u32 $0x10, s13;
	[tilespmem:$0x1FE90] =	vst v1;
	v1 =	vor.u32 $0x5, v16  }
0xc: {  	s1 =	sadd.s32 $0x800, s4;
	s12 =	sor.u32 $0x20, s13;
	s9 =	smul.u32 $0x14F, s8;
	[tilespmem:$0x1FEA0] =	vst v1;
	v1 =	vor.u32 $0x6, v16  }
0xd: {  	s15 =	sadd.s32 $0x400, s4;
	s4 =	sadd.s32 $0x600, s4;
	s16 =	smul.u32 $0x14F, s12;
	[tilespmem:$0x1FEB0] =	vst v1;
	v1 =	vor.u32 $0x7, v16  }
0xe: {  	s5 =	ssub.s32 $0x2, s5;
	s14 =	sor.u32 $0x30, s13;
	s18 =	smul.u32 $0x33, s8;
	[tilespmem:$0x1FEC0] =	vst v1;
	v1 =	vadd.s32 $0x8, v16  }
0xf: {  	[dreg:$0x3] =	wrdreg s15;
	s10 =	sshrl.u32 s5, $0x1;
	s15 =	smul.u32 $0x14F, s14;
	[tilespmem:$0x1FED0] =	vst v1;
	v1 =	vadd.s32 $0x9, v16  }
0x10: {  	s21 =	ssub.s32 s5, s10;
	s23 =	sor.u32 $0x50, s13;
	s12 =	smul.u32 $0x33, s12;
	[tilespmem:$0x1FEE0] =	vst v1;
	v1 =	vadd.s32 $0xA, v16  }
0x11: {  	s14 =	smul.u32 $0x33, s14;
	s19 =	sshrl.u32 s16, $0x3;
	s16 =	sor.u32 $0x40, s13;
	[tilespmem:$0x1FEF0] =	vst v1;
	v1 =	vadd.s32 $0xB, v16  }
0x12: {  	s5 =	sadd.s32 s1, s7;
	s17 =	sshrl.u32 s9, $0x3;
	s20 =	smul.u32 $0x14F, s16;
	[tilespmem:$0x1FF00] =	vst v1;
	v1 =	vadd.s32 $0x1980, v16  }
0x13: {  	s22 =	sshrl.u32 s15, $0x3;
	s6 =	sadd.s32 s1, s17;
	s17 =	smul.u32 $0x14F, s23;
	[tilespmem:$0x1FF10] =	vst v1;
	v1 =	vadd.s32 $0x1981, v16  }
0x14: {  	s8 =	sadd.s32 s1, s19;
	s16 =	smul.u32 $0x33, s16;
	s19 =	sor.u32 $0x60, s13;
	[tilespmem:$0x1FF20] =	vst v1;
	v1 =	vadd.s32 $0x1982, v16  }
0x15: {  	s10 =	sadd.s32 s1, s22;
	s22 =	sor.u32 $0x70, s13;
	s24 =	smul.u32 $0x14F, s19;
	[tilespmem:$0x1FF30] =	vst v1;
	v1 =	vadd.s32 $0x1983, v16  }
0x16: {  	s7 =	sadd.s32 s0, s11;
	s21 =	smax.u32 s21, $0x1;
	s25 =	smul.u32 $0x14F, s22;
	[tilespmem:$0x1FF40] =	vst v1;
	v1 =	vadd.s32 $0x1984, v16  }
0x17: {  	v4 =	vadd.s32 $0xFFFFFFF0, v0;
	s9 =	sadd.s32 s0, s18;
	s11 =	sadd.s32 s0, s12;
	s19 =	smul.u32 $0x33, s19;
	[tilespmem:$0x1FF50] =	vst v1;
	v1 =	vadd.s32 $0x1985, v16  }
0x18: {  	v5 =	vadd.s32 $0xFFFFFFF1, v0;
	v6 =	vadd.s32 $0xFFFFFFF2, v0;
	s13 =	sadd.s32 s0, s14;
	s22 =	smul.u32 $0x33, s22;
	s18 =	sshrl.u32 s20, $0x3;
	[tilespmem:$0x1FF60] =	vst v1;
	v1 =	vadd.s32 $0x1986, v16  }
0x19: {  	v7 =	vadd.s32 $0xFFFFFFF3, v0;
	v8 =	vadd.s32 $0xFFFFFFF4, v0;
	s17 =	sshrl.u32 s17, $0x3;
	s20 =	smul.u32 $0x33, s23;
	s15 =	sadd.s32 s0, s16;
	[tilespmem:$0x1FF70] =	vst v1;
	v1 =	vadd.s32 $0x1987, v16  }
0x1a: {  	v9 =	vadd.s32 $0xFFFFFFF5, v0;
	v10 =	vadd.s32 $0xFFFFFFF6, v0;
	s23 =	simm.s32 $0x4;
	s12 =	sadd.s32 s1, s18;
	s14 =	sadd.s32 s1, s17;
	[tilespmem:$0x1FF80] =	vst v1;
	v1 =	vadd.s32 $0x1988, v16  }
0x1b: {  	v11 =	vadd.s32 $0xFFFFFFF7, v0;
	v12 =	vadd.s32 $0xFFFFFFF8, v0;
	s26 =	sshrl.u32 s24, $0x3;
	s31 =	sshrl.u32 s25, $0x3;
	s19 =	sadd.s32 s0, s19;
	[tilespmem:$0x1FF90] =	vst v1;
	v1 =	vadd.s32 $0x1989, v16  }
0x1c: {  	v13 =	vadd.s32 $0xFFFFFFF9, v0;
	v14 =	vadd.s32 $0xFFFFFFFA, v0;
	s24 =	simm.s32 $0xF880;
	s25 =	simm.s32 $0x1;
	s16 =	sadd.s32 s1, s26;
	[tilespmem:$0x1FFA0] =	vst v1;
	v1 =	vadd.s32 $0x198A, v16  }
0x1d: {  	v15 =	vadd.s32 $0xFFFFFFFB, v0;
	v17 =	vadd.s32 $0xFFFFFFFC, v0;
	s17 =	sadd.s32 s0, s20;
	s18 =	sadd.s32 s1, s31;
	s20 =	sadd.s32 s0, s22;
	[tilespmem:$0x1FFB0] =	vst v1;
	v1 =	vadd.s32 $0x198B, v16  }
0x1e: {  	v18 =	vadd.s32 $0xFFFFFFFD, v0;
	v19 =	vadd.s32 $0xFFFFFFFE, v0;
	v20 =	vadd.s32 $0xFFFFFFFF, v0;
	s22 =	simm.s32 $0xF600;
	s26 =	simm.s32 $0x1500;
	s1 =	simm.s32 $0x3;
	[tilespmem:$0x1FFC0] =	vst v1  }
.LBB2_1:
0x1f: {  	[tilespmem:s2], [sflag:$0x1] =	stream.linear.gather [hbm4b:s5+s2], $0x14F0, $0x38;
	[tilespmem:$0xF980] =	vst v63  }
0x20: {  	s0 =	rddreg [dreg:$0x3]  }
0x21: {  	[tilespmem:s22], [sflag:$0x4] =	stream.linear.gather [hbm4b:s0+s2], $0x280, $0x38;
	[tilespmem:$0xF980] =	vst v63  }
0x22: {  	_ =	swait.ge [sflag:s23], $0x280  }
0x23: {  	[sflag:s23] =	ssyncset.done $0x0  }
0x24: {  	[sflag:s23] =	ssyncadd.s32 $0xFFFFFD80  }
0x25: {  	[tilespmem:s24], [sflag:$0x4] =	stream.linear.gather [hbm4b:s4+s2], $0x100, $0x38;
	[tilespmem:$0xF980] =	vst v63  }
0x26: {  	_ =	swait.ge [sflag:s23], $0x100  }
0x27: {  	[sflag:s23] =	ssyncset.done $0x0  }
0x28: {  	[sflag:s23] =	ssyncadd.s32 $0xFFFFFF00  }
0x29: {  	_ =	swait.ge [sflag:s25], $0x14F0  }
0x2a: {  	[sflag:s25] =	ssyncset.done $0x0  }
0x2b: {  	[sflag:s25] =	ssyncadd.s32 $0xFFFFEB10  }
0x2c: {  	[tilespmem:s26], [sflag:$0x2] =	stream.linear.gather [hbm4b:s6+s2], $0x14F0, $0x38;
	[tilespmem:$0xF980] =	vst v63  }
0x2d: {  	v21 =	vld.idx.msk [tilespmem:v0+s2+$0x0], $0xffff;
	_ =	sdelay $0x4  }
0x2e: {  	v21 =	vtrunc.f32 v21  }
0x2f: {  	v21 =	vcvt.f32.s32 v21;
	_ =	sdelay $0x1  }
0x30: {  	v1 =	vmul.u32 $0x22, v21;
	_ =	sdelay $0x1  }
0x31: {  	s31 =	simm.s32 $0x0;
	s0 =	simm.s32 $0x0;
	[tilespmem:$0x1FE50] =	vst v1  }
.LBB2_2:
0x32: {  	s3 =	sadd.s32 $0x12D, s31  }
0x33: {  	v21 =	vadd.s32 s3, v0;
	_ =	sdelay $0x3  }
0x34: {  	v1 =	vld [tilespmem:$0x1FE50]  }
0x35: {  	v21 =	vld.idx.msk [tilespmem:v21+s2+$0x0], $0xffff;
	_ =	sdelay $0x3  }
0x36: {  	v22 =	vadd.s32 s31, v1  }
0x37: {  	v21 =	vtrunc.f32 v21  }
0x38: {  	v21 =	vcvt.f32.s32 v21;
	_ =	sdelay $0x1  }
0x39: {  	v24 =	vmul.u32 $0x9, v21  }
0x3a: {  	v21 =	vld.idx.msk [tilespmem:v22+s22+$0x0], $0xffff  }
0x3b: {  	v22 =	vadd.s32 $0x1, v24  }
0x3c: {  	v23 =	vadd.s32 $0x2, v24  }
0x3d: {  	v25 =	vadd.s32 $0x3, v24  }
0x3e: {  	v26 =	vadd.s32 $0x4, v24  }
0x3f: {  	v27 =	vadd.s32 $0x5, v24;
	v52 =	vand.u32 $0x3FF, v21;
	v49 =	vld.idx.msk [tilespmem:v24+s24+$0x0], $0xffff  }
0x40: {  	v28 =	vshrl.u32 v21, $0xA;
	v21 =	vadd.s32 v29, v52;
	v50 =	vld.idx.msk [tilespmem:v22+s24+$0x0], $0xffff  }
0x41: {  	v43 =	vadd.s32 v30, v52;
	v48 =	vld.idx.msk [tilespmem:v23+s24+$0x0], $0xffff  }
0x42: {  	v44 =	vadd.s32 v31, v28;
	v47 =	vld.idx.msk [tilespmem:v25+s24+$0x0], $0xffff  }
0x43: {  	v51 =	vadd.s32 v4, v28;
	v46 =	vld.idx.msk [tilespmem:v26+s24+$0x0], $0xffff  }
0x44: {  	v53 =	vadd.s32 v4, v52;
	v45 =	vld.idx.msk [tilespmem:v27+s24+$0x0], $0xffff  }
0x45: {  	v54 =	vadd.s32 v5, v28;
	v21 =	vld.idx.msk [tilespmem:v21+s2+$0x0], $0xffff  }
0x46: {  	v55 =	vadd.s32 v5, v52;
	v25 =	vld.idx.msk [tilespmem:v43+s2+$0x0], $0xffff  }
0x47: {  	v56 =	vadd.s32 v6, v28;
	v26 =	vld.idx.msk [tilespmem:v44+s2+$0x0], $0xffff  }
0x48: {  	v57 =	vadd.s32 v6, v52;
	v51 =	vld.idx.msk [tilespmem:v51+s2+$0x0], $0xffff  }
0x49: {  	v58 =	vadd.s32 v7, v28;
	v53 =	vld.idx.msk [tilespmem:v53+s2+$0x0], $0xffff  }
0x4a: {  	v59 =	vadd.s32 v7, v52;
	v54 =	vld.idx.msk [tilespmem:v54+s2+$0x0], $0xffff  }
0x4b: {  	v60 =	vadd.s32 v8, v28;
	v55 =	vld.idx.msk [tilespmem:v55+s2+$0x0], $0xffff  }
0x4c: {  	v61 =	vadd.s32 v8, v52;
	v56 =	vld.idx.msk [tilespmem:v56+s2+$0x0], $0xffff  }
0x4d: {  	v62 =	vadd.s32 v9, v28;
	v57 =	vld.idx.msk [tilespmem:v57+s2+$0x0], $0xffff  }
0x4e: {  	v63 =	vadd.s32 v9, v52;
	v58 =	vld.idx.msk [tilespmem:v58+s2+$0x0], $0xffff  }
0x4f: {  	v32 =	vadd.s32 v11, v52;
	v59 =	vld.idx.msk [tilespmem:v59+s2+$0x0], $0xffff  }
0x50: {  	v33 =	vadd.s32 v12, v28;
	v60 =	vld.idx.msk [tilespmem:v60+s2+$0x0], $0xffff  }
0x51: {  	v34 =	vadd.s32 v12, v52;
	v61 =	vld.idx.msk [tilespmem:v61+s2+$0x0], $0xffff  }
0x52: {  	v35 =	vadd.s32 v13, v28;
	v62 =	vld.idx.msk [tilespmem:v62+s2+$0x0], $0xffff  }
0x53: {  	v22 =	vadd.s32 v29, v28;
	v63 =	vld.idx.msk [tilespmem:v63+s2+$0x0], $0xffff  }
0x54: {  	v23 =	vadd.s32 v30, v28;
	v32 =	vld.idx.msk [tilespmem:v32+s2+$0x0], $0xffff  }
0x55: {  	v27 =	vadd.s32 v31, v52;
	v33 =	vld.idx.msk [tilespmem:v33+s2+$0x0], $0xffff  }
0x56: {  	v29 =	vadd.s32 v10, v28;
	v34 =	vld.idx.msk [tilespmem:v34+s2+$0x0], $0xffff  }
0x57: {  	v30 =	vadd.s32 v10, v52;
	v35 =	vld.idx.msk [tilespmem:v35+s2+$0x0], $0xffff  }
0x58: {  	v36 =	vadd.s32 v13, v52;
	v22 =	vld.idx.msk [tilespmem:v22+s2+$0x0], $0xffff  }
0x59: {  	v31 =	vadd.s32 v11, v28;
	v23 =	vld.idx.msk [tilespmem:v23+s2+$0x0], $0xffff  }
0x5a: {  	v37 =	vadd.s32 v14, v28;
	v27 =	vld.idx.msk [tilespmem:v27+s2+$0x0], $0xffff  }
0x5b: {  	v38 =	vadd.s32 v14, v52;
	v29 =	vld.idx.msk [tilespmem:v29+s2+$0x0], $0xffff  }
0x5c: {  	v39 =	vadd.s32 v15, v28;
	v40 =	vadd.s32 v15, v52;
	v41 =	vadd.s32 v17, v28;
	v30 =	vld.idx.msk [tilespmem:v30+s2+$0x0], $0xffff  }
0x5d: {  	v42 =	vadd.s32 v17, v52;
	v36 =	vld.idx.msk [tilespmem:v36+s2+$0x0], $0xffff;
	v44 =	vadd.s32 v18, v28;
	v1 =	vadd.f32 v55, v54  }
0x5e: {  	v31 =	vld.idx.msk [tilespmem:v31+s2+$0x0], $0xffff;
	v2 =	vadd.f32 v57, v56;
	v57 =	vadd.s32 v19, v28;
	v3 =	vadd.f32 v59, v58  }
0x5f: {  	v37 =	vld.idx.msk [tilespmem:v37+s2+$0x0], $0xffff;
	v26 =	vadd.f32 v27, v26;
	v27 =	vadd.f32 v53, v51;
	v51 =	vadd.s32 v18, v52  }
0x60: {  	v38 =	vld.idx.msk [tilespmem:v38+s2+$0x0], $0xffff;
	v54 =	vadd.s32 v19, v52;
	v43 =	vadd.f32 v21, v22;
	v25 =	vadd.f32 v25, v23  }
0x61: {  	v41 =	vld.idx.msk [tilespmem:v41+s2+$0x0], $0xffff;
	v55 =	vadd.s32 $0x6, v24;
	v23 =	vadd.f32 v61, v60;
	v21 =	vadd.f32 v30, v29  }
0x62: {  	v29 =	vld.idx.msk [tilespmem:v42+s2+$0x0], $0xffff;
	v42 =	vadd.s32 v20, v28;
	v43 =	vmul.f32 v43, v49;
	v59 =	vmul.f32 v25, v50  }
0x63: {  	v22 =	vadd.f32 v63, v62;
	v30 =	vld.idx.msk [tilespmem:v44+s2+$0x0], $0xffff;
	v62 =	vadd.f32 v32, v31;
	v32 =	vadd.s32 v20, v52  }
0x64: {  	v28 =	vadd.s32 v0, v28;
	v44 =	vmul.f32 v26, v48;
	v43 =	vadd.f32 v59, v43;
	v31 =	vld.idx.msk [tilespmem:v51+s2+$0x0], $0xffff  }
0x65: {  	v61 =	vadd.f32 v34, v33;
	v33 =	vadd.s32 $0x7, v24;
	v63 =	vadd.f32 v36, v35;
	v35 =	vld.idx.msk [tilespmem:v54+s2+$0x0], $0xffff  }
0x66: {  	v36 =	vadd.s32 v0, v52;
	v53 =	vmul.f32 v27, v47;
	v51 =	vld.idx.msk [tilespmem:v55+s24+$0x0], $0xffff;
	v52 =	vadd.f32 v44, v43  }
0x67: {  	v56 =	vadd.f32 v29, v41;
	v29 =	vld.idx.msk [tilespmem:v42+s2+$0x0], $0xffff  }
0x68: {  	v59 =	vadd.f32 v38, v37;
	v32 =	vld.idx.msk [tilespmem:v32+s2+$0x0], $0xffff;
	v42 =	vmul.f32 v1, v46;
	v37 =	vadd.f32 v53, v52  }
0x69: {  	v25 =	vmul.f32 v25, v49;
	v28 =	vld.idx.msk [tilespmem:v28+s2+$0x0], $0xffff;
	v54 =	vadd.f32 v31, v30;
	v30 =	vmul.f32 v26, v50  }
0x6a: {  	v24 =	vadd.s32 $0x8, v24;
	v43 =	vmul.f32 v2, v45;
	v52 =	vld.idx.msk [tilespmem:v33+s24+$0x0], $0xffff;
	v31 =	vadd.f32 v42, v37  }
0x6b: {  	v44 =	vld.idx.msk [tilespmem:v36+s2+$0x0], $0xffff;
	v36 =	vmul.f32 v27, v50;
	v25 =	vadd.f32 v30, v25;
	v30 =	vmul.f32 v27, v48  }
0x6c: {  	v58 =	vmul.f32 v3, v51;
	v26 =	vmul.f32 v26, v49;
	v31 =	vadd.f32 v43, v31  }
0x6d: {  	v55 =	vadd.f32 v32, v29;
	v29 =	vmul.f32 v1, v47;
	v25 =	vadd.f32 v30, v25  }
0x6e: {  	v26 =	vadd.f32 v36, v26;
	v30 =	vadd.f32 v58, v31;
	v31 =	vmul.f32 v1, v48  }
0x6f: {  	v37 =	vmul.f32 v23, v52;
	v25 =	vadd.f32 v29, v25;
	v29 =	vmul.f32 v2, v46  }
0x70: {  	v58 =	vadd.f32 v44, v28;
	v28 =	vmul.f32 v2, v47;
	v26 =	vadd.f32 v31, v26  }
0x71: {  	v34 =	vld.idx.msk [tilespmem:v57+s2+$0x0], $0xffff;
	v27 =	vmul.f32 v27, v49;
	v25 =	vadd.f32 v29, v25;
	v29 =	vmul.f32 v3, v45  }
0x72: {  	v57 =	vld.idx.msk [tilespmem:v24+s24+$0x0], $0xffff;
	v24 =	vadd.f32 v37, v30;
	v26 =	vadd.f32 v28, v26;
	v28 =	vmul.f32 v3, v46  }
0x73: {  	v30 =	vmul.f32 v23, v51;
	v25 =	vadd.f32 v29, v25;
	v29 =	vmul.f32 v1, v50  }
0x74: {  	v26 =	vadd.f32 v28, v26;
	v28 =	vmul.f32 v23, v45  }
0x75: {  	v25 =	vadd.f32 v30, v25;
	v27 =	vadd.f32 v29, v27;
	v29 =	vmul.f32 v2, v48  }
0x76: {  	v30 =	vmul.f32 v22, v52;
	v26 =	vadd.f32 v28, v26;
	v28 =	vmul.f32 v22, v51  }
0x77: {  	v27 =	vadd.f32 v29, v27;
	v29 =	vmul.f32 v3, v47  }
0x78: {  	v25 =	vadd.f32 v30, v25;
	v30 =	vmul.f32 v21, v57;
	v26 =	vadd.f32 v28, v26  }
0x79: {  	v28 =	vmul.f32 v21, v52;
	v27 =	vadd.f32 v29, v27;
	v29 =	vmul.f32 v23, v46  }
0x7a: {  	v1 =	vmul.f32 v1, v49;
	v25 =	vadd.f32 v30, v25;
	v30 =	vmul.f32 v2, v50  }
0x7b: {  	v26 =	vadd.f32 v28, v26;
	v28 =	vmul.f32 v22, v45;
	v27 =	vadd.f32 v29, v27  }
0x7c: {  	v2 =	vmul.f32 v2, v49;
	v1 =	vadd.f32 v30, v1;
	v30 =	vmul.f32 v3, v48  }
0x7d: {  	v29 =	vmul.f32 v21, v51;
	v27 =	vadd.f32 v28, v27;
	v28 =	vmul.f32 v3, v50  }
0x7e: {  	v1 =	vadd.f32 v30, v1;
	v30 =	vmul.f32 v23, v47  }
0x7f: {  	v27 =	vadd.f32 v29, v27;
	v2 =	vadd.f32 v28, v2;
	v28 =	vmul.f32 v23, v48  }
0x80: {  	v29 =	vmul.f32 v62, v52;
	v1 =	vadd.f32 v30, v1;
	v30 =	vmul.f32 v22, v46  }
0x81: {  	v2 =	vadd.f32 v28, v2;
	v28 =	vmul.f32 v22, v47  }
0x82: {  	v27 =	vadd.f32 v29, v27;
	v1 =	vadd.f32 v30, v1;
	v29 =	vmul.f32 v21, v45  }
0x83: {  	v3 =	vmul.f32 v3, v49;
	v2 =	vadd.f32 v28, v2;
	v28 =	vmul.f32 v21, v46  }
0x84: {  	v30 =	vmul.f32 v62, v51;
	v1 =	vadd.f32 v29, v1;
	v29 =	vmul.f32 v23, v50  }
0x85: {  	v2 =	vadd.f32 v28, v2;
	v28 =	vmul.f32 v62, v45  }
0x86: {  	v1 =	vadd.f32 v30, v1;
	v3 =	vadd.f32 v29, v3;
	v29 =	vmul.f32 v22, v48  }
0x87: {  	v30 =	vmul.f32 v61, v52;
	v2 =	vadd.f32 v28, v2;
	v28 =	vmul.f32 v61, v51  }
0x88: {  	v3 =	vadd.f32 v29, v3;
	v29 =	vmul.f32 v21, v47  }
0x89: {  	v1 =	vadd.f32 v30, v1;
	v30 =	vmul.f32 v63, v57;
	v2 =	vadd.f32 v28, v2  }
0x8a: {  	v28 =	vmul.f32 v63, v52;
	v3 =	vadd.f32 v29, v3;
	v29 =	vmul.f32 v62, v46  }
0x8b: {  	v23 =	vmul.f32 v23, v49;
	v1 =	vadd.f32 v30, v1;
	v30 =	vmul.f32 v22, v50  }
0x8c: {  	v2 =	vadd.f32 v28, v2;
	v3 =	vadd.f32 v29, v3;
	v28 =	vmul.f32 v61, v45  }
0x8d: {  	v31 =	vmul.f32 v22, v57;
	v23 =	vadd.f32 v30, v23;
	v30 =	vmul.f32 v21, v48  }
0x8e: {  	v39 =	vld.idx.msk [tilespmem:v39+s2+$0x0], $0xffff;
	v22 =	vmul.f32 v22, v49;
	v3 =	vadd.f32 v28, v3;
	v28 =	vmul.f32 v21, v50  }
0x8f: {  	v40 =	vld.idx.msk [tilespmem:v40+s2+$0x0], $0xffff;
	v29 =	vmul.f32 v59, v57;
	v23 =	vadd.f32 v30, v23;
	v30 =	vmul.f32 v62, v47  }
0x90: {  	v22 =	vadd.f32 v28, v22;
	v28 =	vmul.f32 v62, v48  }
0x91: {  	v2 =	vadd.f32 v29, v2;
	v29 =	vmul.f32 v61, v46;
	v23 =	vadd.f32 v30, v23  }
0x92: {  	v21 =	vmul.f32 v21, v49;
	v22 =	vadd.f32 v28, v22;
	v28 =	vmul.f32 v61, v47  }
0x93: {  	v30 =	vmul.f32 v63, v45;
	v23 =	vadd.f32 v29, v23;
	v29 =	vmul.f32 v62, v50  }
0x94: {  	v60 =	vadd.f32 v40, v39;
	v22 =	vadd.f32 v28, v22;
	v28 =	vmul.f32 v63, v46  }
0x95: {  	v23 =	vadd.f32 v30, v23;
	v21 =	vadd.f32 v29, v21;
	v29 =	vmul.f32 v61, v48  }
0x96: {  	v30 =	vmul.f32 v59, v51;
	v22 =	vadd.f32 v28, v22;
	v28 =	vmul.f32 v59, v45  }
0x97: {  	v21 =	vadd.f32 v29, v21;
	v29 =	vmul.f32 v63, v47  }
0x98: {  	v23 =	vadd.f32 v30, v23;
	v22 =	vadd.f32 v28, v22;
	v28 =	vmul.f32 v60, v51  }
0x99: {  	v30 =	vmul.f32 v60, v52;
	v21 =	vadd.f32 v29, v21;
	v29 =	vmul.f32 v59, v46  }
0x9a: {  	v24 =	vadd.f32 v31, v24;
	v22 =	vadd.f32 v28, v22;
	v28 =	vmul.f32 v56, v52  }
0x9b: {  	v23 =	vadd.f32 v30, v23;
	v21 =	vadd.f32 v29, v21;
	v29 =	vmul.f32 v60, v45  }
0x9c: {  	v30 =	vmul.f32 v56, v57;
	v22 =	vadd.f32 v28, v22;
	v28 =	vmul.f32 v54, v57  }
0x9d: {  	v31 =	vmul.f32 v62, v57;
	v21 =	vadd.f32 v29, v21;
	v29 =	vmul.f32 v56, v51  }
0x9e: {  	v23 =	vadd.f32 v30, v23;
	v30 =	vmul.f32 v61, v50;
	v22 =	vadd.f32 v28, v22  }
0x9f: {  	v28 =	vadd.s32 s0, v16;
	v21 =	vadd.f32 v29, v21;
	v29 =	vmul.f32 v62, v49  }
0xa0: {  	v38 =	vld [tilespmem:$0x1FE60];
	v26 =	vadd.f32 v31, v26;
	v31 =	vmul.f32 v61, v57  }
0xa1: {  	v29 =	vadd.f32 v30, v29;
	v30 =	vld [tilespmem:$0x1FE70]  }
0xa2: {  	v41 =	vld [tilespmem:$0x1FE80];
	v27 =	vadd.f32 v31, v27;
	v31 =	vmul.f32 v63, v51;
	_ =	sdelay $0x1  }
0xa3: {  	v3 =	vadd.f32 v31, v3;
	v31 =	vmul.f32 v59, v52;
	[tilespmem:v28+s28+$0x0] =	vst.idx.msk $0xffff, v24;
	v28 =	vld [tilespmem:$0x1FE90]  }
0xa4: {  	v39 =	vmul.f32 v63, v50;
	v40 =	vmul.f32 v63, v48;
	v32 =	vadd.s32 s0, v38;
	v50 =	vld [tilespmem:$0x1FEA0]  }
0xa5: {  	v3 =	vadd.f32 v31, v3;
	v31 =	vmul.f32 v60, v57;
	v30 =	vadd.s32 s0, v30  }
0xa6: {  	v33 =	vadd.s32 s0, v41;
	v44 =	vmul.f32 v59, v47;
	v29 =	vadd.f32 v40, v29  }
0xa7: {  	v3 =	vadd.f32 v31, v3;
	v31 =	vmul.f32 v61, v49  }
0xa8: {  	v49 =	vmul.f32 v60, v46;
	v29 =	vadd.f32 v44, v29;
	v28 =	vadd.s32 s0, v28  }
0xa9: {  	v42 =	vmul.f32 v59, v48;
	[tilespmem:v32+s28+$0x0] =	vst.idx.msk $0xffff, v25;
	v25 =	vadd.s32 s0, v50  }
0xaa: {  	v31 =	vadd.f32 v39, v31;
	v59 =	vadd.f32 v49, v29;
	v29 =	vld [tilespmem:$0x1FEB0];
	[tilespmem:v30+s28+$0x0] =	vst.idx.msk $0xffff, v26  }
0xab: {  	[tilespmem:v33+s28+$0x0] =	vst.idx.msk $0xffff, v27;
	v27 =	vld [tilespmem:$0x1FEC0]  }
0xac: {  	v48 =	vadd.f32 v42, v31;
	v31 =	vmul.f32 v60, v47  }
0xad: {  	v53 =	vadd.f32 v35, v34;
	v43 =	vmul.f32 v54, v52;
	v60 =	vld [tilespmem:$0x1FED0];
	[tilespmem:v28+s28+$0x0] =	vst.idx.msk $0xffff, v1  }
0xae: {  	v24 =	vadd.f32 v31, v48;
	v31 =	vmul.f32 v56, v46;
	[tilespmem:v25+s28+$0x0] =	vst.idx.msk $0xffff, v2;
	v2 =	vld [tilespmem:$0x1FEE0]  }
0xaf: {  	v61 =	vmul.f32 v53, v52;
	v62 =	vld [tilespmem:$0x1FEF0];
	v30 =	vmul.f32 v56, v45;
	v29 =	vadd.s32 s0, v29  }
0xb0: {  	v63 =	vld [tilespmem:$0x1FF00];
	v24 =	vadd.f32 v31, v24;
	v31 =	vmul.f32 v54, v45;
	v27 =	vadd.s32 s0, v27  }
0xb1: {  	v21 =	vadd.f32 v43, v21;
	v1 =	vadd.f32 v30, v59;
	v28 =	vmul.f32 v54, v51  }
0xb2: {  	v24 =	vadd.f32 v31, v24;
	v31 =	vmul.f32 v53, v51;
	v26 =	vadd.s32 s0, v60  }
0xb3: {  	v30 =	vmul.f32 v53, v57;
	v1 =	vadd.f32 v28, v1;
	v2 =	vadd.s32 s0, v2  }
0xb4: {  	v28 =	vmul.f32 v55, v52;
	[tilespmem:v29+s28+$0x0] =	vst.idx.msk $0xffff, v3;
	v3 =	vadd.f32 v31, v24;
	v24 =	vadd.s32 s0, v62  }
0xb5: {  	p0 =	sne.s32 s31, $0x21;
	v25 =	vadd.s32 s0, v63;
	v1 =	vadd.f32 v61, v1;
	[tilespmem:v27+s28+$0x0] =	vst.idx.msk $0xffff, v23;
	v23 =	vmul.f32 v55, v57  }
.Ltmp0:
0xb6: {  	v21 =	vadd.f32 v30, v21;
	v3 =	vadd.f32 v28, v3;
	v27 =	vmul.f32 v58, v57;
	(pc) =	sbr.rel @p0 .LBB2_2-.Ltmp0, $4  }
0xb7: {  	[tilespmem:v26+s28+$0x0] =	vst.idx.msk $0xffff, v22;
	v1 =	vadd.f32 v23, v1  }
0xb8: {  	v30 =	vld [tilespmem:$0x1FFE0];
	[tilespmem:v2+s28+$0x0] =	vst.idx.msk $0xffff, v21;
	v2 =	vadd.f32 v27, v3  }
0xb9: {  	v29 =	vld [tilespmem:$0x1FFD0];
	[tilespmem:v24+s28+$0x0] =	vst.idx.msk $0xffff, v1  }
0xba: {  	s31 =	sadd.s32 $0x1, s31;
	v31 =	vld [tilespmem:$0x1FFF0];
	s0 =	sadd.s32 $0xC, s0;
	[tilespmem:v25+s28+$0x0] =	vst.idx.msk $0xffff, v2  }
0xbb: {  	s0 =	simm.s32 $0x0  }
0xbc: {  	[hbm4b:s7+s0] =	stream.linear.scatter [tilespmem:s28], [sflag:$0x3], $0x1980, $0x38;
	[tilespmem:$0xF980] =	vst v63  }
0xbd: {  	_ =	swait.ge [sflag:s29], $0x14F0  }
0xbe: {  	[sflag:s29] =	ssyncset.done $0x0  }
0xbf: {  	[sflag:s29] =	ssyncadd.s32 $0xFFFFEB10  }
0xc0: {  	[tilespmem:s0], [sflag:$0x1] =	stream.linear.gather [hbm4b:s8+s0], $0x14F0, $0x38;
	[tilespmem:$0xF980] =	vst v63  }
0xc1: {  	v1 =	vld.idx.msk [tilespmem:v0+s26+$0x0], $0xffff;
	_ =	sdelay $0x4  }
0xc2: {  	v1 =	vtrunc.f32 v1  }
0xc3: {  	v1 =	vcvt.f32.s32 v1;
	_ =	sdelay $0x1  }
0xc4: {  	v1 =	vmul.u32 $0x22, v1;
	_ =	sdelay $0x1  }
0xc5: {  	s31 =	simm.s32 $0x0;
	[tilespmem:$0x1FE40] =	vst v1  }
.LBB2_4:
0xc6: {  	s3 =	sadd.s32 $0x12D, s31  }
0xc7: {  	v1 =	vadd.s32 s3, v0;
	_ =	sdelay $0x3  }
0xc8: {  	v2 =	vld [tilespmem:$0x1FE40]  }
0xc9: {  	v1 =	vld.idx.msk [tilespmem:v1+s26+$0x0], $0xffff;
	_ =	sdelay $0x3  }
0xca: {  	v2 =	vadd.s32 s31, v2  }
0xcb: {  	v1 =	vtrunc.f32 v1  }
0xcc: {  	v1 =	vcvt.f32.s32 v1;
	_ =	sdelay $0x1  }
0xcd: {  	v1 =	vmul.u32 $0x9, v1  }
0xce: {  	v2 =	vld.idx.msk [tilespmem:v2+s22+$0x0], $0xffff  }
0xcf: {  	v3 =	vadd.s32 $0x1, v1  }
0xd0: {  	v21 =	vadd.s32 $0x2, v1  }
0xd1: {  	v22 =	vadd.s32 $0x3, v1  }
0xd2: {  	v23 =	vadd.s32 $0x4, v1  }
0xd3: {  	v25 =	vshrl.u32 v2, $0xA;
	v24 =	vadd.s32 $0x5, v1;
	v49 =	vld.idx.msk [tilespmem:v1+s24+$0x0], $0xffff  }
0xd4: {  	v2 =	vand.u32 $0x3FF, v2;
	v56 =	vadd.s32 v31, v25;
	v50 =	vld.idx.msk [tilespmem:v3+s24+$0x0], $0xffff  }
0xd5: {  	v26 =	vadd.s32 v31, v2;
	v48 =	vld.idx.msk [tilespmem:v21+s24+$0x0], $0xffff  }
0xd6: {  	v27 =	vadd.s32 v4, v25;
	v47 =	vld.idx.msk [tilespmem:v22+s24+$0x0], $0xffff  }
0xd7: {  	v28 =	vadd.s32 v4, v2;
	v46 =	vld.idx.msk [tilespmem:v23+s24+$0x0], $0xffff  }
0xd8: {  	v31 =	vadd.s32 v6, v25;
	v45 =	vld.idx.msk [tilespmem:v24+s24+$0x0], $0xffff  }
0xd9: {  	v32 =	vadd.s32 v6, v2;
	v24 =	vld.idx.msk [tilespmem:v56+s26+$0x0], $0xffff  }
0xda: {  	v33 =	vadd.s32 v7, v25;
	v26 =	vld.idx.msk [tilespmem:v26+s26+$0x0], $0xffff  }
0xdb: {  	v34 =	vadd.s32 v7, v2;
	v27 =	vld.idx.msk [tilespmem:v27+s26+$0x0], $0xffff  }
0xdc: {  	v35 =	vadd.s32 v8, v25;
	v28 =	vld.idx.msk [tilespmem:v28+s26+$0x0], $0xffff  }
0xdd: {  	v36 =	vadd.s32 v8, v2;
	v31 =	vld.idx.msk [tilespmem:v31+s26+$0x0], $0xffff  }
0xde: {  	v37 =	vadd.s32 v9, v25;
	v32 =	vld.idx.msk [tilespmem:v32+s26+$0x0], $0xffff  }
0xdf: {  	v38 =	vadd.s32 v9, v2;
	v33 =	vld.idx.msk [tilespmem:v33+s26+$0x0], $0xffff  }
0xe0: {  	v39 =	vadd.s32 v10, v25;
	v34 =	vld.idx.msk [tilespmem:v34+s26+$0x0], $0xffff  }
0xe1: {  	v40 =	vadd.s32 v10, v2;
	v35 =	vld.idx.msk [tilespmem:v35+s26+$0x0], $0xffff  }
0xe2: {  	v41 =	vadd.s32 v11, v25;
	v36 =	vld.idx.msk [tilespmem:v36+s26+$0x0], $0xffff  }
0xe3: {  	v42 =	vadd.s32 v11, v2;
	v37 =	vld.idx.msk [tilespmem:v37+s26+$0x0], $0xffff  }
0xe4: {  	v43 =	vadd.s32 v12, v25;
	v38 =	vld.idx.msk [tilespmem:v38+s26+$0x0], $0xffff  }
0xe5: {  	v51 =	vadd.s32 v12, v2;
	v39 =	vld.idx.msk [tilespmem:v39+s26+$0x0], $0xffff  }
0xe6: {  	v52 =	vadd.s32 v13, v25;
	v40 =	vld.idx.msk [tilespmem:v40+s26+$0x0], $0xffff  }
0xe7: {  	v3 =	vadd.s32 v29, v25;
	v41 =	vld.idx.msk [tilespmem:v41+s26+$0x0], $0xffff  }
0xe8: {  	v21 =	vadd.s32 v29, v2;
	v42 =	vld.idx.msk [tilespmem:v42+s26+$0x0], $0xffff  }
0xe9: {  	v22 =	vadd.s32 v30, v25;
	v43 =	vld.idx.msk [tilespmem:v43+s26+$0x0], $0xffff  }
0xea: {  	v23 =	vadd.s32 v30, v2;
	v51 =	vld.idx.msk [tilespmem:v51+s26+$0x0], $0xffff  }
0xeb: {  	v29 =	vadd.s32 v5, v25;
	v52 =	vld.idx.msk [tilespmem:v52+s26+$0x0], $0xffff  }
0xec: {  	v30 =	vadd.s32 v5, v2;
	v3 =	vld.idx.msk [tilespmem:v3+s26+$0x0], $0xffff  }
0xed: {  	v53 =	vadd.s32 v13, v2;
	v21 =	vld.idx.msk [tilespmem:v21+s26+$0x0], $0xffff  }
0xee: {  	v54 =	vadd.s32 v14, v25;
	v22 =	vld.idx.msk [tilespmem:v22+s26+$0x0], $0xffff  }
0xef: {  	v55 =	vadd.s32 v14, v2;
	v23 =	vld.idx.msk [tilespmem:v23+s26+$0x0], $0xffff  }
0xf0: {  	v56 =	vadd.s32 v15, v25;
	v29 =	vld.idx.msk [tilespmem:v29+s26+$0x0], $0xffff  }
0xf1: {  	v58 =	vadd.s32 v17, v25;
	v30 =	vld.idx.msk [tilespmem:v30+s26+$0x0], $0xffff  }
0xf2: {  	v57 =	vadd.s32 v15, v2;
	v53 =	vld.idx.msk [tilespmem:v53+s26+$0x0], $0xffff  }
0xf3: {  	v59 =	vadd.s32 v17, v2;
	v54 =	vld.idx.msk [tilespmem:v54+s26+$0x0], $0xffff;
	v24 =	vadd.f32 v26, v24;
	v26 =	vadd.f32 v28, v27  }
0xf4: {  	v60 =	vadd.s32 v18, v25;
	v55 =	vld.idx.msk [tilespmem:v55+s26+$0x0], $0xffff;
	v33 =	vadd.f32 v34, v33;
	v62 =	vadd.f32 v42, v41  }
0xf5: {  	v27 =	vld.idx.msk [tilespmem:v56+s26+$0x0], $0xffff;
	v28 =	vadd.s32 v18, v2;
	v61 =	vadd.f32 v51, v43;
	v3 =	vadd.f32 v21, v3  }
0xf6: {  	v34 =	vld.idx.msk [tilespmem:v58+s26+$0x0], $0xffff;
	v42 =	vadd.s32 $0x7, v1;
	v44 =	vadd.f32 v23, v22;
	v29 =	vadd.f32 v30, v29  }
0xf7: {  	v30 =	vadd.f32 v32, v31;
	v31 =	vld.idx.msk [tilespmem:v57+s26+$0x0], $0xffff;
	v23 =	vadd.f32 v36, v35;
	v36 =	vadd.s32 $0x6, v1  }
0xf8: {  	v22 =	vadd.f32 v38, v37;
	v21 =	vadd.f32 v40, v39;
	v37 =	vld.idx.msk [tilespmem:v59+s26+$0x0], $0xffff;
	v39 =	vadd.s32 v20, v25  }
0xf9: {  	v41 =	vadd.s32 v20, v2;
	v63 =	vadd.f32 v53, v52;
	v57 =	vadd.s32 v19, v25;
	v38 =	vld.idx.msk [tilespmem:v60+s26+$0x0], $0xffff  }
0xfa: {  	v28 =	vld.idx.msk [tilespmem:v28+s26+$0x0], $0xffff;
	v25 =	vadd.s32 v0, v25;
	v3 =	vmul.f32 v3, v49;
	v59 =	vmul.f32 v44, v50  }
0xfb: {  	v58 =	vmul.f32 v26, v50;
	v35 =	vadd.s32 v19, v2;
	v2 =	vadd.s32 v0, v2;
	v52 =	vld.idx.msk [tilespmem:v42+s24+$0x0], $0xffff  }
0xfc: {  	v40 =	vmul.f32 v24, v48;
	v1 =	vadd.s32 $0x8, v1;
	v3 =	vadd.f32 v59, v3;
	v51 =	vld.idx.msk [tilespmem:v36+s24+$0x0], $0xffff  }
0xfd: {  	v42 =	vmul.f32 v24, v50;
	v24 =	vmul.f32 v24, v49;
	v60 =	vadd.f32 v31, v27;
	v27 =	vld.idx.msk [tilespmem:v39+s26+$0x0], $0xffff  }
0xfe: {  	v43 =	vmul.f32 v30, v45;
	v31 =	vld.idx.msk [tilespmem:v41+s26+$0x0], $0xffff;
	v3 =	vadd.f32 v40, v3;
	v40 =	vmul.f32 v26, v47  }
0xff: {  	v24 =	vadd.f32 v58, v24;
	v59 =	vadd.f32 v55, v54;
	v41 =	vmul.f32 v29, v46;
	v25 =	vld.idx.msk [tilespmem:v25+s26+$0x0], $0xffff  }
0x100: {  	v54 =	vadd.f32 v28, v38;
	v28 =	vmul.f32 v44, v49;
	v2 =	vld.idx.msk [tilespmem:v2+s26+$0x0], $0xffff;
	v3 =	vadd.f32 v40, v3  }
0x101: {  	v32 =	vld.idx.msk [tilespmem:v57+s26+$0x0], $0xffff;
	v56 =	vadd.f32 v37, v34;
	v57 =	vmul.f32 v26, v48;
	v36 =	vmul.f32 v30, v47  }
0x102: {  	v37 =	vmul.f32 v33, v45;
	v28 =	vadd.f32 v42, v28;
	v3 =	vadd.f32 v41, v3  }
0x103: {  	v44 =	vmul.f32 v33, v51;
	v55 =	vadd.f32 v31, v27;
	v31 =	vmul.f32 v29, v48  }
0x104: {  	v35 =	vld.idx.msk [tilespmem:v35+s26+$0x0], $0xffff;
	v27 =	vadd.f32 v57, v28;
	v28 =	vmul.f32 v29, v47;
	v3 =	vadd.f32 v43, v3  }
0x105: {  	v57 =	vld.idx.msk [tilespmem:v1+s24+$0x0], $0xffff;
	v1 =	vmul.f32 v23, v52;
	v58 =	vadd.f32 v2, v25;
	v2 =	vadd.f32 v31, v24  }
0x106: {  	v27 =	vadd.f32 v28, v27;
	v28 =	vmul.f32 v30, v46;
	v3 =	vadd.f32 v44, v3  }
0x107: {  	v38 =	vmul.f32 v33, v46;
	v39 =	vmul.f32 v26, v49;
	v2 =	vadd.f32 v36, v2  }
0x108: {  	v42 =	vmul.f32 v30, v48;
	v1 =	vadd.f32 v1, v3;
	v3 =	vadd.f32 v28, v27  }
0x109: {  	v40 =	vmul.f32 v29, v50;
	v53 =	vadd.f32 v35, v32;
	v41 =	vmul.f32 v23, v45  }
0x10a: {  	v27 =	vmul.f32 v23, v51;
	v2 =	vadd.f32 v38, v2;
	v3 =	vadd.f32 v37, v3  }
0x10b: {  	v25 =	vadd.f32 v40, v39;
	v31 =	vmul.f32 v22, v51;
	v28 =	vmul.f32 v22, v57  }
0x10c: {  	v2 =	vadd.f32 v41, v2;
	v3 =	vadd.f32 v27, v3;
	v27 =	vmul.f32 v22, v52  }
0x10d: {  	v43 =	vmul.f32 v33, v47;
	v24 =	vadd.f32 v28, v1;
	v1 =	vadd.f32 v42, v25  }
0x10e: {  	v44 =	vmul.f32 v21, v57;
	v28 =	vmul.f32 v23, v46;
	v3 =	vadd.f32 v27, v3  }
0x10f: {  	v2 =	vadd.f32 v31, v2;
	v1 =	vadd.f32 v43, v1;
	v27 =	vmul.f32 v21, v52  }
0x110: {  	v32 =	vmul.f32 v30, v50;
	v25 =	vadd.f32 v44, v3;
	v3 =	vmul.f32 v29, v49  }
0x111: {  	v1 =	vadd.f32 v28, v1;
	v2 =	vadd.f32 v27, v2;
	v27 =	vmul.f32 v22, v45  }
0x112: {  	v34 =	vmul.f32 v33, v48;
	v28 =	vmul.f32 v21, v51;
	v3 =	vadd.f32 v32, v3  }
0x113: {  	v29 =	vmul.f32 v33, v50;
	v1 =	vadd.f32 v27, v1;
	v27 =	vmul.f32 v30, v49  }
0x114: {  	v35 =	vmul.f32 v23, v47;
	v36 =	vmul.f32 v22, v46;
	v3 =	vadd.f32 v34, v3  }
0x115: {  	v1 =	vadd.f32 v28, v1;
	v27 =	vadd.f32 v29, v27;
	v28 =	vmul.f32 v23, v48  }
0x116: {  	v38 =	vmul.f32 v33, v49;
	v30 =	vmul.f32 v62, v57;
	v3 =	vadd.f32 v35, v3  }
0x117: {  	v37 =	vmul.f32 v21, v45;
	v27 =	vadd.f32 v28, v27;
	v28 =	vmul.f32 v22, v47  }
0x118: {  	v29 =	vmul.f32 v62, v52;
	v2 =	vadd.f32 v30, v2;
	v3 =	vadd.f32 v36, v3  }
0x119: {  	v30 =	vmul.f32 v23, v50;
	v27 =	vadd.f32 v28, v27;
	v28 =	vmul.f32 v21, v46  }
0x11a: {  	v1 =	vadd.f32 v29, v1;
	v29 =	vmul.f32 v62, v51;
	v3 =	vadd.f32 v37, v3  }
0x11b: {  	v27 =	vadd.f32 v28, v27;
	v28 =	vmul.f32 v62, v45  }
0x11c: {  	v26 =	vadd.f32 v30, v38;
	v3 =	vadd.f32 v29, v3;
	v29 =	vmul.f32 v22, v48  }
0x11d: {  	v27 =	vadd.f32 v28, v27;
	v28 =	vmul.f32 v61, v51  }
0x11e: {  	v26 =	vadd.f32 v29, v26;
	v29 =	vmul.f32 v21, v47  }
0x11f: {  	v30 =	vmul.f32 v61, v52;
	v27 =	vadd.f32 v28, v27  }
0x120: {  	v28 =	vmul.f32 v63, v52;
	v26 =	vadd.f32 v29, v26;
	v29 =	vmul.f32 v62, v46  }
0x121: {  	v3 =	vadd.f32 v30, v3;
	v30 =	vmul.f32 v63, v57  }
0x122: {  	v27 =	vadd.f32 v28, v27;
	v28 =	vmul.f32 v61, v45;
	v26 =	vadd.f32 v29, v26  }
0x123: {  	v3 =	vadd.f32 v30, v3;
	v30 =	vmul.f32 v22, v50  }
0x124: {  	v22 =	vmul.f32 v22, v49;
	v26 =	vadd.f32 v28, v26;
	v28 =	vmul.f32 v21, v50  }
0x125: {  	v23 =	vmul.f32 v23, v49  }
0x126: {  	v22 =	vadd.f32 v28, v22;
	v28 =	vmul.f32 v62, v48  }
0x127: {  	v23 =	vadd.f32 v30, v23;
	v30 =	vmul.f32 v21, v48  }
0x128: {  	v22 =	vadd.f32 v28, v22;
	v28 =	vmul.f32 v61, v47  }
0x129: {  	v29 =	vmul.f32 v59, v57;
	v23 =	vadd.f32 v30, v23;
	v30 =	vmul.f32 v62, v47  }
0x12a: {  	v22 =	vadd.f32 v28, v22;
	v28 =	vmul.f32 v63, v46  }
0x12b: {  	v27 =	vadd.f32 v29, v27;
	v29 =	vmul.f32 v61, v46;
	v23 =	vadd.f32 v30, v23  }
0x12c: {  	v22 =	vadd.f32 v28, v22;
	v28 =	vmul.f32 v59, v45  }
0x12d: {  	v21 =	vmul.f32 v21, v49;
	v23 =	vadd.f32 v29, v23;
	v29 =	vmul.f32 v62, v50  }
0x12e: {  	v22 =	vadd.f32 v28, v22;
	v28 =	vmul.f32 v60, v51  }
0x12f: {  	v30 =	vmul.f32 v63, v45;
	v21 =	vadd.f32 v29, v21;
	v29 =	vmul.f32 v61, v48  }
0x130: {  	v22 =	vadd.f32 v28, v22;
	v28 =	vmul.f32 v56, v52  }
0x131: {  	v23 =	vadd.f32 v30, v23;
	v21 =	vadd.f32 v29, v21;
	v29 =	vmul.f32 v63, v47  }
0x132: {  	v30 =	vmul.f32 v59, v51;
	v22 =	vadd.f32 v28, v22;
	v28 =	vmul.f32 v54, v57  }
0x133: {  	v21 =	vadd.f32 v29, v21;
	v29 =	vmul.f32 v59, v46  }
0x134: {  	v23 =	vadd.f32 v30, v23;
	v30 =	vmul.f32 v60, v52;
	v22 =	vadd.f32 v28, v22;
	v28 =	vld [tilespmem:$0x1FF10]  }
0x135: {  	v21 =	vadd.f32 v29, v21;
	v29 =	vmul.f32 v60, v45  }
0x136: {  	v23 =	vadd.f32 v30, v23;
	v30 =	vmul.f32 v56, v57  }
0x137: {  	v21 =	vadd.f32 v29, v21;
	v29 =	vmul.f32 v56, v51  }
0x138: {  	v23 =	vadd.f32 v30, v23;
	v30 =	vmul.f32 v61, v50  }
0x139: {  	v21 =	vadd.f32 v29, v21;
	v29 =	vmul.f32 v62, v49;
	v28 =	vadd.s32 s0, v28  }
0x13a: {  	v39 =	vld [tilespmem:$0x1FF20];
	v31 =	vmul.f32 v61, v57  }
0x13b: {  	v29 =	vadd.f32 v30, v29;
	v30 =	vld [tilespmem:$0x1FF30]  }
0x13c: {  	v1 =	vadd.f32 v31, v1;
	v31 =	vmul.f32 v63, v51  }
0x13d: {  	v42 =	vld [tilespmem:$0x1FF40]  }
0x13e: {  	v26 =	vadd.f32 v31, v26;
	v31 =	vmul.f32 v59, v52;
	[tilespmem:v28+s28+$0x0] =	vst.idx.msk $0xffff, v24;
	v28 =	vld [tilespmem:$0x1FF50]  }
0x13f: {  	v40 =	vmul.f32 v63, v50;
	v41 =	vmul.f32 v63, v48;
	v32 =	vadd.s32 s0, v39  }
0x140: {  	v26 =	vadd.f32 v31, v26;
	v31 =	vmul.f32 v60, v57;
	v30 =	vadd.s32 s0, v30  }
0x141: {  	v43 =	vmul.f32 v59, v48;
	v48 =	vmul.f32 v59, v47;
	v29 =	vadd.f32 v41, v29  }
0x142: {  	v33 =	vadd.s32 s0, v42;
	v26 =	vadd.f32 v31, v26;
	v31 =	vmul.f32 v61, v49  }
0x143: {  	v50 =	vmul.f32 v60, v46;
	v29 =	vadd.f32 v48, v29;
	v28 =	vadd.s32 s0, v28  }
0x144: {  	v31 =	vadd.f32 v40, v31;
	v59 =	vld [tilespmem:$0x1FF60];
	[tilespmem:v32+s28+$0x0] =	vst.idx.msk $0xffff, v25  }
0x145: {  	[tilespmem:v30+s28+$0x0] =	vst.idx.msk $0xffff, v2;
	v2 =	vadd.f32 v50, v29;
	v29 =	vld [tilespmem:$0x1FF70]  }
0x146: {  	v49 =	vadd.f32 v43, v31;
	v31 =	vmul.f32 v60, v47;
	v60 =	vld [tilespmem:$0x1FF80]  }
0x147: {  	[tilespmem:v33+s28+$0x0] =	vst.idx.msk $0xffff, v1  }
0x148: {  	v44 =	vmul.f32 v54, v52;
	[tilespmem:v28+s28+$0x0] =	vst.idx.msk $0xffff, v3;
	v3 =	vld [tilespmem:$0x1FF90]  }
0x149: {  	v61 =	vld [tilespmem:$0x1FFA0];
	v24 =	vadd.f32 v31, v49;
	v31 =	vmul.f32 v56, v46;
	v25 =	vadd.s32 s0, v59  }
0x14a: {  	v62 =	vld [tilespmem:$0x1FFB0];
	v21 =	vadd.f32 v44, v21;
	v30 =	vmul.f32 v56, v45;
	v29 =	vadd.s32 s0, v29  }
0x14b: {  	v63 =	vld [tilespmem:$0x1FFC0];
	v1 =	vadd.f32 v31, v24;
	v24 =	vadd.s32 s0, v60;
	v31 =	vmul.f32 v54, v45  }
0x14c: {  	v2 =	vadd.f32 v30, v2;
	v30 =	vmul.f32 v53, v57;
	v28 =	vmul.f32 v54, v51  }
0x14d: {  	v1 =	vadd.f32 v31, v1;
	v31 =	vmul.f32 v53, v51;
	v3 =	vadd.s32 s0, v3  }
0x14e: {  	[tilespmem:v25+s28+$0x0] =	vst.idx.msk $0xffff, v27;
	v25 =	vadd.s32 s0, v61;
	v27 =	vmul.f32 v53, v52;
	v2 =	vadd.f32 v28, v2  }
0x14f: {  	v1 =	vadd.f32 v31, v1;
	[tilespmem:v29+s28+$0x0] =	vst.idx.msk $0xffff, v26;
	v26 =	vadd.s32 s0, v62;
	v28 =	vmul.f32 v55, v52  }
0x150: {  	p0 =	sne.s32 s31, $0x21;
	[tilespmem:v24+s28+$0x0] =	vst.idx.msk $0xffff, v23;
	v23 =	vmul.f32 v55, v57;
	v24 =	vadd.s32 s0, v63;
	v2 =	vadd.f32 v27, v2  }
.Ltmp1:
0x151: {  	v21 =	vadd.f32 v30, v21;
	v1 =	vadd.f32 v28, v1;
	v27 =	vmul.f32 v58, v57;
	(pc) =	sbr.rel @p0 .LBB2_4-.Ltmp1, $4  }
0x152: {  	v2 =	vadd.f32 v23, v2;
	[tilespmem:v3+s28+$0x0] =	vst.idx.msk $0xffff, v22  }
0x153: {  	v30 =	vld [tilespmem:$0x1FFE0];
	v1 =	vadd.f32 v27, v1;
	[tilespmem:v25+s28+$0x0] =	vst.idx.msk $0xffff, v21  }
0x154: {  	v31 =	vld [tilespmem:$0x1FFF0];
	[tilespmem:v26+s28+$0x0] =	vst.idx.msk $0xffff, v2  }
0x155: {  	s31 =	sadd.s32 $0x1, s31;
	v29 =	vld [tilespmem:$0x1FFD0];
	s0 =	sadd.s32 $0xC, s0;
	[tilespmem:v24+s28+$0x0] =	vst.idx.msk $0xffff, v1  }
0x156: {  	s31 =	simm.s32 $0x0;
	s0 =	simm.s32 $0x4380  }
0x157: {  	[hbm4b:s9+s31] =	stream.linear.scatter [tilespmem:s0], [sflag:$0x3], $0x1980, $0x38;
	[tilespmem:$0xF980] =	vst v63  }
0x158: {  	_ =	swait.ge [sflag:s25], $0x14F0  }
0x159: {  	[sflag:s25] =	ssyncset.done $0x0  }
0x15a: {  	[sflag:s25] =	ssyncadd.s32 $0xFFFFEB10  }
0x15b: {  	[tilespmem:s26], [sflag:$0x2] =	stream.linear.gather [hbm4b:s10+s31], $0x14F0, $0x38;
	[tilespmem:$0xF980] =	vst v63  }
0x15c: {  	v1 =	vld.idx.msk [tilespmem:v0+s31+$0x0], $0xffff;
	_ =	sdelay $0x4  }
0x15d: {  	v1 =	vtrunc.f32 v1  }
0x15e: {  	v1 =	vcvt.f32.s32 v1;
	_ =	sdelay $0x1  }
0x15f: {  	v44 =	vmul.u32 $0x22, v1  }
0x160: {  	s0 =	simm.s32 $0x0  }
.LBB2_6:
0x161: {  	v2 =	vadd.s32 s0, v44;
	_ =	sdelay $0x4  }
0x162: {  	v2 =	vld.idx.msk [tilespmem:v2+s22+$0x0], $0xffff;
	_ =	sdelay $0x3  }
0x163: {  	s3 =	sadd.s32 $0x12D, s0  }
0x164: {  	v1 =	vadd.s32 s3, v0;
	v26 =	vshrl.u32 v2, $0xA;
	v2 =	vand.u32 $0x3FF, v2  }
0x165: {  	v25 =	vadd.s32 v31, v2  }
0x166: {  	v27 =	vadd.s32 v4, v26  }
0x167: {  	v28 =	vadd.s32 v4, v2  }
0x168: {  	v56 =	vadd.s32 v31, v26;
	v31 =	vadd.s32 v6, v26  }
0x169: {  	v1 =	vld.idx.msk [tilespmem:v1+s2+$0x0], $0xffff;
	v32 =	vadd.s32 v6, v2  }
0x16a: {  	v33 =	vadd.s32 v7, v26;
	v25 =	vld.idx.msk [tilespmem:v25+s2+$0x0], $0xffff  }
0x16b: {  	v34 =	vadd.s32 v7, v2;
	v27 =	vld.idx.msk [tilespmem:v27+s2+$0x0], $0xffff  }
0x16c: {  	v35 =	vadd.s32 v8, v26;
	v28 =	vld.idx.msk [tilespmem:v28+s2+$0x0], $0xffff  }
0x16d: {  	v36 =	vadd.s32 v8, v2;
	v31 =	vld.idx.msk [tilespmem:v31+s2+$0x0], $0xffff  }
0x16e: {  	v37 =	vadd.s32 v9, v26;
	v32 =	vld.idx.msk [tilespmem:v32+s2+$0x0], $0xffff  }
0x16f: {  	v38 =	vadd.s32 v9, v2;
	v33 =	vld.idx.msk [tilespmem:v33+s2+$0x0], $0xffff  }
0x170: {  	v39 =	vadd.s32 v10, v26;
	v34 =	vld.idx.msk [tilespmem:v34+s2+$0x0], $0xffff  }
0x171: {  	v40 =	vadd.s32 v10, v2;
	v35 =	vld.idx.msk [tilespmem:v35+s2+$0x0], $0xffff  }
0x172: {  	v41 =	vadd.s32 v11, v26;
	v36 =	vld.idx.msk [tilespmem:v36+s2+$0x0], $0xffff  }
0x173: {  	v42 =	vadd.s32 v11, v2;
	v37 =	vld.idx.msk [tilespmem:v37+s2+$0x0], $0xffff  }
0x174: {  	v43 =	vadd.s32 v12, v26;
	v38 =	vld.idx.msk [tilespmem:v38+s2+$0x0], $0xffff  }
0x175: {  	v1 =	vtrunc.f32 v1;
	v51 =	vadd.s32 v12, v2;
	v39 =	vld.idx.msk [tilespmem:v39+s2+$0x0], $0xffff  }
0x176: {  	v52 =	vadd.s32 v13, v26;
	v1 =	vcvt.f32.s32 v1;
	v40 =	vld.idx.msk [tilespmem:v40+s2+$0x0], $0xffff  }
0x177: {  	v53 =	vadd.s32 v13, v2;
	v41 =	vld.idx.msk [tilespmem:v41+s2+$0x0], $0xffff  }
0x178: {  	v54 =	vadd.s32 v14, v26;
	v1 =	vmul.u32 $0x9, v1;
	v42 =	vld.idx.msk [tilespmem:v42+s2+$0x0], $0xffff  }
0x179: {  	v43 =	vld.idx.msk [tilespmem:v43+s2+$0x0], $0xffff  }
0x17a: {  	v3 =	vadd.s32 $0x1, v1;
	v51 =	vld.idx.msk [tilespmem:v51+s2+$0x0], $0xffff  }
0x17b: {  	v21 =	vadd.s32 $0x2, v1;
	v52 =	vld.idx.msk [tilespmem:v52+s2+$0x0], $0xffff  }
0x17c: {  	v22 =	vadd.s32 $0x3, v1;
	v53 =	vld.idx.msk [tilespmem:v53+s2+$0x0], $0xffff  }
0x17d: {  	v23 =	vadd.s32 $0x4, v1;
	v59 =	vld.idx.msk [tilespmem:v54+s2+$0x0], $0xffff  }
0x17e: {  	v24 =	vadd.s32 $0x5, v1;
	v49 =	vld.idx.msk [tilespmem:v1+s24+$0x0], $0xffff  }
0x17f: {  	v50 =	vld.idx.msk [tilespmem:v3+s24+$0x0], $0xffff  }
0x180: {  	v3 =	vadd.s32 v29, v26;
	v48 =	vld.idx.msk [tilespmem:v21+s24+$0x0], $0xffff  }
0x181: {  	v47 =	vld.idx.msk [tilespmem:v22+s24+$0x0], $0xffff;
	v22 =	vadd.s32 v30, v26  }
0x182: {  	v21 =	vadd.s32 v29, v2;
	v46 =	vld.idx.msk [tilespmem:v23+s24+$0x0], $0xffff;
	v29 =	vadd.s32 v5, v26  }
0x183: {  	v23 =	vadd.s32 v30, v2;
	v45 =	vld.idx.msk [tilespmem:v24+s24+$0x0], $0xffff;
	v30 =	vadd.s32 v5, v2  }
0x184: {  	v24 =	vld.idx.msk [tilespmem:v56+s2+$0x0], $0xffff  }
0x185: {  	v3 =	vld.idx.msk [tilespmem:v3+s2+$0x0], $0xffff  }
0x186: {  	v60 =	vadd.s32 v17, v2;
	v22 =	vld.idx.msk [tilespmem:v22+s2+$0x0], $0xffff  }
0x187: {  	v57 =	vadd.s32 v15, v2;
	v29 =	vld.idx.msk [tilespmem:v29+s2+$0x0], $0xffff  }
0x188: {  	v55 =	vadd.s32 v14, v2;
	v30 =	vld.idx.msk [tilespmem:v30+s2+$0x0], $0xffff  }
0x189: {  	v56 =	vadd.s32 v15, v26;
	v27 =	vadd.f32 v28, v27;
	v31 =	vadd.f32 v32, v31;
	v23 =	vld.idx.msk [tilespmem:v23+s2+$0x0], $0xffff  }
0x18a: {  	v58 =	vadd.s32 v17, v26;
	v32 =	vadd.f32 v34, v33;
	v62 =	vadd.f32 v42, v41;
	v21 =	vld.idx.msk [tilespmem:v21+s2+$0x0], $0xffff  }
0x18b: {  	v34 =	vadd.s32 v18, v2;
	v63 =	vadd.f32 v51, v43;
	v51 =	vld.idx.msk [tilespmem:v60+s2+$0x0], $0xffff;
	v24 =	vadd.f32 v25, v24  }
0x18c: {  	v54 =	vadd.f32 v53, v52;
	v25 =	vadd.f32 v36, v35;
	v35 =	vld.idx.msk [tilespmem:v57+s2+$0x0], $0xffff;
	v57 =	vadd.s32 v19, v26  }
0x18d: {  	v61 =	vmul.f32 v24, v48;
	v28 =	vadd.f32 v30, v29;
	v29 =	vld.idx.msk [tilespmem:v55+s2+$0x0], $0xffff;
	v30 =	vadd.s32 v18, v26  }
0x18e: {  	v33 =	vld.idx.msk [tilespmem:v56+s2+$0x0], $0xffff;
	v23 =	vadd.f32 v23, v22;
	v22 =	vadd.f32 v38, v37;
	v38 =	vadd.s32 v19, v2  }
0x18f: {  	v3 =	vadd.f32 v21, v3;
	v21 =	vadd.f32 v40, v39;
	v37 =	vld.idx.msk [tilespmem:v58+s2+$0x0], $0xffff;
	v40 =	vadd.s32 v20, v26  }
0x190: {  	v41 =	vadd.s32 v20, v2;
	v34 =	vld.idx.msk [tilespmem:v34+s2+$0x0], $0xffff;
	v56 =	vmul.f32 v24, v50;
	v24 =	vmul.f32 v24, v49  }
0x191: {  	v26 =	vadd.s32 v0, v26;
	v36 =	vld.idx.msk [tilespmem:v57+s2+$0x0], $0xffff;
	v3 =	vmul.f32 v3, v49;
	v60 =	vmul.f32 v23, v50  }
0x192: {  	v43 =	vmul.f32 v25, v50;
	v30 =	vld.idx.msk [tilespmem:v30+s2+$0x0], $0xffff;
	v55 =	vadd.f32 v29, v59;
	v29 =	vadd.s32 $0x6, v1  }
0x193: {  	v2 =	vadd.s32 v0, v2;
	v58 =	vadd.f32 v35, v33;
	v3 =	vadd.f32 v60, v3;
	v33 =	vld.idx.msk [tilespmem:v38+s2+$0x0], $0xffff  }
0x194: {  	v39 =	vadd.s32 $0x7, v1;
	v23 =	vmul.f32 v23, v49;
	v52 =	vadd.f32 v51, v37;
	v37 =	vld.idx.msk [tilespmem:v40+s2+$0x0], $0xffff  }
0x195: {  	v57 =	vmul.f32 v27, v47;
	v35 =	vmul.f32 v31, v47;
	v40 =	vld.idx.msk [tilespmem:v41+s2+$0x0], $0xffff;
	v3 =	vadd.f32 v61, v3  }
0x196: {  	v23 =	vadd.f32 v56, v23;
	v59 =	vmul.f32 v27, v48;
	v1 =	vadd.s32 $0x8, v1;
	v26 =	vld.idx.msk [tilespmem:v26+s2+$0x0], $0xffff  }
0x197: {  	v61 =	vmul.f32 v27, v50;
	v3 =	vadd.f32 v57, v3;
	v51 =	vld.idx.msk [tilespmem:v29+s24+$0x0], $0xffff;
	v29 =	vmul.f32 v28, v46  }
0x198: {  	v2 =	vld.idx.msk [tilespmem:v2+s2+$0x0], $0xffff;
	v23 =	vadd.f32 v59, v23;
	v60 =	vadd.f32 v34, v30;
	v30 =	vmul.f32 v28, v47  }
0x199: {  	v41 =	vmul.f32 v22, v46;
	v59 =	vld.idx.msk [tilespmem:v39+s24+$0x0], $0xffff;
	v24 =	vadd.f32 v61, v24;
	v3 =	vadd.f32 v29, v3  }
0x19a: {  	v29 =	vmul.f32 v31, v45;
	v23 =	vadd.f32 v30, v23;
	v30 =	vmul.f32 v31, v46  }
0x19b: {  	v56 =	vadd.f32 v33, v36;
	v53 =	vadd.f32 v40, v37;
	v57 =	vld.idx.msk [tilespmem:v1+s24+$0x0], $0xffff;
	v37 =	vmul.f32 v32, v46  }
0x19c: {  	v3 =	vadd.f32 v29, v3;
	v23 =	vadd.f32 v30, v23;
	v29 =	vmul.f32 v32, v45  }
0x19d: {  	v61 =	vadd.f32 v2, v26;
	v30 =	vmul.f32 v28, v48;
	v1 =	vmul.f32 v32, v51  }
0x19e: {  	v36 =	vmul.f32 v25, v59;
	v39 =	vmul.f32 v21, v59;
	v2 =	vadd.f32 v29, v23  }
0x19f: {  	v23 =	vmul.f32 v25, v51;
	v1 =	vadd.f32 v1, v3;
	v3 =	vadd.f32 v30, v24  }
0x1a0: {  	v38 =	vmul.f32 v22, v57;
	v40 =	vmul.f32 v21, v51  }
0x1a1: {  	v2 =	vadd.f32 v23, v2;
	v23 =	vmul.f32 v22, v59;
	v3 =	vadd.f32 v35, v3  }
0x1a2: {  	v42 =	vmul.f32 v63, v57;
	v30 =	vmul.f32 v25, v45;
	v1 =	vadd.f32 v36, v1  }
0x1a3: {  	v2 =	vadd.f32 v23, v2;
	v23 =	vmul.f32 v21, v57;
	v3 =	vadd.f32 v37, v3  }
0x1a4: {  	v24 =	vadd.f32 v38, v1;
	v1 =	vmul.f32 v27, v49;
	v27 =	vmul.f32 v28, v50  }
0x1a5: {  	v29 =	vadd.s32 $0x3300, v16;
	v23 =	vadd.f32 v23, v2;
	v2 =	vadd.f32 v30, v3  }
0x1a6: {  	v3 =	vmul.f32 v22, v51;
	v1 =	vadd.f32 v27, v1;
	v27 =	vmul.f32 v31, v48  }
0x1a7: {  	v26 =	vadd.s32 s31, v29;
	v28 =	vmul.f32 v28, v49;
	v30 =	vmul.f32 v31, v50  }
0x1a8: {  	v2 =	vadd.f32 v3, v2;
	v1 =	vadd.f32 v27, v1;
	v3 =	vmul.f32 v32, v47  }
0x1a9: {  	v29 =	vadd.s32 $0x3301, v16;
	v28 =	vadd.f32 v30, v28;
	v30 =	vmul.f32 v32, v48  }
0x1aa: {  	v36 =	vmul.f32 v22, v48;
	v1 =	vadd.f32 v3, v1;
	v3 =	vmul.f32 v25, v46  }
0x1ab: {  	v27 =	vadd.s32 s31, v29;
	v29 =	vmul.f32 v25, v47;
	v28 =	vadd.f32 v30, v28  }
0x1ac: {  	v37 =	vmul.f32 v54, v57;
	v1 =	vadd.f32 v3, v1;
	v3 =	vmul.f32 v22, v45  }
0x1ad: {  	v2 =	vadd.f32 v39, v2;
	v30 =	vmul.f32 v62, v57;
	v29 =	vadd.f32 v29, v28  }
0x1ae: {  	v1 =	vadd.f32 v3, v1;
	v3 =	vmul.f32 v31, v49;
	v31 =	vmul.f32 v32, v50  }
0x1af: {  	v28 =	vadd.f32 v30, v2;
	v2 =	vadd.f32 v41, v29;
	v29 =	vmul.f32 v21, v45  }
0x1b0: {  	v38 =	vmul.f32 v54, v59;
	v30 =	vmul.f32 v25, v48;
	v3 =	vadd.f32 v31, v3  }
0x1b1: {  	v39 =	vmul.f32 v54, v51;
	v25 =	vmul.f32 v25, v49;
	v2 =	vadd.f32 v29, v2  }
0x1b2: {  	v29 =	vmul.f32 v62, v51;
	v3 =	vadd.f32 v30, v3;
	v30 =	vmul.f32 v22, v47  }
0x1b3: {  	v41 =	vmul.f32 v55, v59;
	v1 =	vadd.f32 v40, v1;
	v31 =	vmul.f32 v62, v59  }
0x1b4: {  	v2 =	vadd.f32 v29, v2;
	v29 =	vmul.f32 v21, v46;
	v3 =	vadd.f32 v30, v3  }
0x1b5: {  	v40 =	vmul.f32 v55, v57;
	v1 =	vadd.f32 v31, v1;
	v31 =	vmul.f32 v32, v49  }
0x1b6: {  	v30 =	vmul.f32 v63, v59;
	v3 =	vadd.f32 v29, v3;
	v29 =	vmul.f32 v62, v45  }
0x1b7: {  	v31 =	vadd.f32 v43, v31;
	v1 =	vadd.f32 v42, v1;
	v42 =	vmul.f32 v55, v51  }
0x1b8: {  	v43 =	vmul.f32 v58, v57;
	v3 =	vadd.f32 v29, v3;
	v29 =	vmul.f32 v63, v51  }
0x1b9: {  	v2 =	vadd.f32 v30, v2;
	v30 =	vadd.f32 v36, v31;
	v31 =	vmul.f32 v21, v47  }
0x1ba: {  	v36 =	vmul.f32 v58, v59;
	v3 =	vadd.f32 v29, v3;
	v29 =	vmul.f32 v22, v50  }
0x1bb: {  	v30 =	vadd.f32 v31, v30;
	v31 =	vmul.f32 v62, v46;
	v2 =	vadd.f32 v37, v2  }
0x1bc: {  	v37 =	vmul.f32 v52, v57;
	v25 =	vadd.f32 v29, v25;
	v29 =	vmul.f32 v21, v48  }
0x1bd: {  	v30 =	vadd.f32 v31, v30;
	v31 =	vmul.f32 v63, v45;
	v22 =	vmul.f32 v22, v49  }
0x1be: {  	v3 =	vadd.f32 v38, v3;
	v25 =	vadd.f32 v29, v25;
	v29 =	vmul.f32 v62, v47  }
0x1bf: {  	v30 =	vadd.f32 v31, v30;
	v31 =	vmul.f32 v21, v50;
	v21 =	vmul.f32 v21, v49  }
0x1c0: {  	v38 =	vadd.s32 $0x3302, v16;
	v25 =	vadd.f32 v29, v25;
	v29 =	vmul.f32 v63, v46  }
0x1c1: {  	v33 =	vadd.s32 s31, v38;
	v22 =	vadd.f32 v31, v22;
	v31 =	vmul.f32 v62, v48  }
0x1c2: {  	v30 =	vadd.f32 v39, v30;
	v25 =	vadd.f32 v29, v25;
	v29 =	vmul.f32 v54, v45  }
0x1c3: {  	[tilespmem:v26+s28+$0x0] =	vst.idx.msk $0xffff, v24;
	v3 =	vadd.f32 v40, v3;
	v39 =	vadd.s32 $0x3303, v16;
	v40 =	vmul.f32 v63, v50  }
0x1c4: {  	[tilespmem:v27+s28+$0x0] =	vst.idx.msk $0xffff, v23;
	v32 =	vadd.s32 s31, v39;
	v25 =	vadd.f32 v29, v25;
	v29 =	vmul.f32 v62, v50  }
0x1c5: {  	v22 =	vadd.f32 v31, v22;
	v31 =	vmul.f32 v63, v47;
	v30 =	vadd.f32 v41, v30  }
0x1c6: {  	v41 =	vmul.f32 v63, v49;
	v21 =	vadd.f32 v29, v21;
	v29 =	vmul.f32 v63, v48  }
0x1c7: {  	v22 =	vadd.f32 v31, v22;
	v31 =	vmul.f32 v54, v46;
	v30 =	vadd.f32 v43, v30  }
0x1c8: {  	v43 =	vmul.f32 v54, v50;
	v21 =	vadd.f32 v29, v21;
	v29 =	vmul.f32 v54, v47  }
0x1c9: {  	[tilespmem:v33+s28+$0x0] =	vst.idx.msk $0xffff, v28;
	v28 =	vadd.s32 $0x3309, v16;
	v22 =	vadd.f32 v31, v22;
	v31 =	vmul.f32 v55, v45  }
0x1ca: {  	v35 =	vadd.f32 v43, v41;
	v21 =	vadd.f32 v29, v21;
	v29 =	vmul.f32 v55, v46  }
0x1cb: {  	v50 =	vadd.s32 $0x3307, v16;
	v43 =	vmul.f32 v60, v59;
	[tilespmem:v32+s28+$0x0] =	vst.idx.msk $0xffff, v1;
	v1 =	vadd.s32 s31, v28  }
0x1cc: {  	v28 =	vmul.f32 v56, v51;
	v21 =	vadd.f32 v29, v21;
	v29 =	vmul.f32 v58, v45  }
0x1cd: {  	v25 =	vadd.f32 v42, v25;
	v22 =	vadd.f32 v31, v22;
	v31 =	vmul.f32 v58, v51  }
0x1ce: {  	v42 =	vadd.s32 $0x3305, v16;
	v21 =	vadd.f32 v29, v21;
	v29 =	vmul.f32 v52, v51  }
0x1cf: {  	v22 =	vadd.f32 v31, v22;
	v31 =	vmul.f32 v52, v59;
	v25 =	vadd.f32 v36, v25  }
0x1d0: {  	v36 =	vadd.s32 s31, v42;
	v21 =	vadd.f32 v29, v21;
	v29 =	vmul.f32 v62, v49  }
0x1d1: {  	v42 =	vadd.s32 $0x3308, v16;
	v22 =	vadd.f32 v31, v22;
	v31 =	vmul.f32 v60, v57  }
0x1d2: {  	v54 =	vmul.f32 v54, v48;
	v23 =	vadd.s32 s31, v42;
	v29 =	vadd.f32 v40, v29  }
0x1d3: {  	v22 =	vadd.f32 v31, v22;
	v31 =	vadd.s32 $0x3304, v16;
	v62 =	vmul.f32 v55, v48  }
0x1d4: {  	v31 =	vadd.s32 s31, v31;
	v63 =	vadd.f32 v54, v29;
	v29 =	vmul.f32 v55, v47  }
0x1d5: {  	v49 =	vadd.s32 $0x3306, v16;
	v48 =	vmul.f32 v58, v47;
	v35 =	vadd.f32 v62, v35  }
0x1d6: {  	v34 =	vadd.s32 s31, v49;
	v49 =	vmul.f32 v58, v46;
	v24 =	vadd.f32 v29, v63  }
0x1d7: {  	v25 =	vadd.f32 v37, v25;
	v27 =	vadd.f32 v48, v35;
	v29 =	vmul.f32 v52, v46  }
0x1d8: {  	v37 =	vadd.s32 s31, v50;
	v54 =	vmul.f32 v52, v45;
	v24 =	vadd.f32 v49, v24  }
0x1d9: {  	v50 =	vmul.f32 v56, v57;
	v27 =	vadd.f32 v29, v27;
	v29 =	vmul.f32 v60, v45  }
0x1da: {  	v58 =	vmul.f32 v56, v59;
	v55 =	vmul.f32 v60, v51;
	v24 =	vadd.f32 v54, v24  }
0x1db: {  	v21 =	vadd.f32 v43, v21;
	[tilespmem:v31+s28+$0x0] =	vst.idx.msk $0xffff, v2;
	v2 =	vadd.s32 $0x330A, v16;
	v27 =	vadd.f32 v29, v27  }
0x1dc: {  	v62 =	vmul.f32 v53, v57;
	[tilespmem:v36+s28+$0x0] =	vst.idx.msk $0xffff, v3;
	v2 =	vadd.s32 s31, v2;
	v3 =	vadd.f32 v55, v24  }
0x1dd: {  	v60 =	vadd.f32 v28, v27;
	v27 =	vmul.f32 v53, v59;
	v28 =	vadd.s32 $0x330B, v16  }
0x1de: {  	p0 =	sne.s32 s0, $0x21;
	v21 =	vadd.f32 v50, v21;
	[tilespmem:v34+s28+$0x0] =	vst.idx.msk $0xffff, v30;
	v63 =	vadd.s32 s31, v28;
	v3 =	vadd.f32 v58, v3  }
.Ltmp2:
0x1df: {  	[tilespmem:v37+s28+$0x0] =	vst.idx.msk $0xffff, v25;
	v26 =	vadd.f32 v27, v60;
	v27 =	vmul.f32 v61, v57;
	(pc) =	sbr.rel @p0 .LBB2_6-.Ltmp2, $4  }
0x1e0: {  	[tilespmem:v23+s28+$0x0] =	vst.idx.msk $0xffff, v22;
	v3 =	vadd.f32 v62, v3  }
0x1e1: {  	v31 =	vld [tilespmem:$0x1FFF0];
	[tilespmem:v1+s28+$0x0] =	vst.idx.msk $0xffff, v21;
	v1 =	vadd.f32 v27, v26  }
0x1e2: {  	v30 =	vld [tilespmem:$0x1FFE0];
	[tilespmem:v2+s28+$0x0] =	vst.idx.msk $0xffff, v3  }
0x1e3: {  	s0 =	sadd.s32 $0x1, s0;
	v29 =	vld [tilespmem:$0x1FFD0];
	s31 =	sadd.s32 $0xC, s31;
	[tilespmem:v63+s28+$0x0] =	vst.idx.msk $0xffff, v1  }
0x1e4: {  	s31 =	simm.s32 $0x0;
	s0 =	simm.s32 $0x5D00  }
0x1e5: {  	[hbm4b:s11+s31] =	stream.linear.scatter [tilespmem:s0], [sflag:$0x3], $0x1980, $0x38;
	[tilespmem:$0xF980] =	vst v63  }
0x1e6: {  	_ =	swait.ge [sflag:s29], $0x14F0  }
0x1e7: {  	[sflag:s29] =	ssyncset.done $0x0  }
0x1e8: {  	[sflag:s29] =	ssyncadd.s32 $0xFFFFEB10  }
0x1e9: {  	[tilespmem:s31], [sflag:$0x1] =	stream.linear.gather [hbm4b:s12+s31], $0x14F0, $0x38;
	[tilespmem:$0xF980] =	vst v63  }
0x1ea: {  	v1 =	vld.idx.msk [tilespmem:v0+s26+$0x0], $0xffff;
	_ =	sdelay $0x4  }
0x1eb: {  	v1 =	vtrunc.f32 v1  }
0x1ec: {  	v1 =	vcvt.f32.s32 v1;
	_ =	sdelay $0x1  }
0x1ed: {  	v44 =	vmul.u32 $0x22, v1  }
0x1ee: {  	s0 =	simm.s32 $0x0  }
.LBB2_8:
0x1ef: {  	v2 =	vadd.s32 s0, v44;
	_ =	sdelay $0x4  }
0x1f0: {  	v2 =	vld.idx.msk [tilespmem:v2+s22+$0x0], $0xffff;
	_ =	sdelay $0x3  }
0x1f1: {  	s3 =	sadd.s32 $0x12D, s0  }
0x1f2: {  	v1 =	vadd.s32 s3, v0;
	v26 =	vshrl.u32 v2, $0xA;
	v2 =	vand.u32 $0x3FF, v2  }
0x1f3: {  	v25 =	vadd.s32 v31, v2  }
0x1f4: {  	v27 =	vadd.s32 v4, v26  }
0x1f5: {  	v28 =	vadd.s32 v4, v2  }
0x1f6: {  	v56 =	vadd.s32 v31, v26;
	v31 =	vadd.s32 v6, v26  }
0x1f7: {  	v1 =	vld.idx.msk [tilespmem:v1+s26+$0x0], $0xffff;
	v32 =	vadd.s32 v6, v2  }
0x1f8: {  	v33 =	vadd.s32 v7, v26;
	v25 =	vld.idx.msk [tilespmem:v25+s26+$0x0], $0xffff  }
0x1f9: {  	v34 =	vadd.s32 v7, v2;
	v27 =	vld.idx.msk [tilespmem:v27+s26+$0x0], $0xffff  }
0x1fa: {  	v35 =	vadd.s32 v8, v26;
	v28 =	vld.idx.msk [tilespmem:v28+s26+$0x0], $0xffff  }
0x1fb: {  	v36 =	vadd.s32 v8, v2;
	v31 =	vld.idx.msk [tilespmem:v31+s26+$0x0], $0xffff  }
0x1fc: {  	v37 =	vadd.s32 v9, v26;
	v32 =	vld.idx.msk [tilespmem:v32+s26+$0x0], $0xffff  }
0x1fd: {  	v38 =	vadd.s32 v9, v2;
	v33 =	vld.idx.msk [tilespmem:v33+s26+$0x0], $0xffff  }
0x1fe: {  	v39 =	vadd.s32 v10, v26;
	v34 =	vld.idx.msk [tilespmem:v34+s26+$0x0], $0xffff  }
0x1ff: {  	v40 =	vadd.s32 v10, v2;
	v35 =	vld.idx.msk [tilespmem:v35+s26+$0x0], $0xffff  }
0x200: {  	v41 =	vadd.s32 v11, v26;
	v36 =	vld.idx.msk [tilespmem:v36+s26+$0x0], $0xffff  }
0x201: {  	v42 =	vadd.s32 v11, v2;
	v37 =	vld.idx.msk [tilespmem:v37+s26+$0x0], $0xffff  }
0x202: {  	v43 =	vadd.s32 v12, v26;
	v38 =	vld.idx.msk [tilespmem:v38+s26+$0x0], $0xffff  }
0x203: {  	v1 =	vtrunc.f32 v1;
	v51 =	vadd.s32 v12, v2;
	v39 =	vld.idx.msk [tilespmem:v39+s26+$0x0], $0xffff  }
0x204: {  	v52 =	vadd.s32 v13, v26;
	v1 =	vcvt.f32.s32 v1;
	v40 =	vld.idx.msk [tilespmem:v40+s26+$0x0], $0xffff  }
0x205: {  	v53 =	vadd.s32 v13, v2;
	v41 =	vld.idx.msk [tilespmem:v41+s26+$0x0], $0xffff  }
0x206: {  	v54 =	vadd.s32 v14, v26;
	v1 =	vmul.u32 $0x9, v1;
	v42 =	vld.idx.msk [tilespmem:v42+s26+$0x0], $0xffff  }
0x207: {  	v43 =	vld.idx.msk [tilespmem:v43+s26+$0x0], $0xffff  }
0x208: {  	v3 =	vadd.s32 $0x1, v1;
	v51 =	vld.idx.msk [tilespmem:v51+s26+$0x0], $0xffff  }
0x209: {  	v21 =	vadd.s32 $0x2, v1;
	v52 =	vld.idx.msk [tilespmem:v52+s26+$0x0], $0xffff  }
0x20a: {  	v22 =	vadd.s32 $0x3, v1;
	v53 =	vld.idx.msk [tilespmem:v53+s26+$0x0], $0xffff  }
0x20b: {  	v23 =	vadd.s32 $0x4, v1;
	v59 =	vld.idx.msk [tilespmem:v54+s26+$0x0], $0xffff  }
0x20c: {  	v24 =	vadd.s32 $0x5, v1;
	v49 =	vld.idx.msk [tilespmem:v1+s24+$0x0], $0xffff  }
0x20d: {  	v50 =	vld.idx.msk [tilespmem:v3+s24+$0x0], $0xffff  }
0x20e: {  	v3 =	vadd.s32 v29, v26;
	v48 =	vld.idx.msk [tilespmem:v21+s24+$0x0], $0xffff  }
0x20f: {  	v47 =	vld.idx.msk [tilespmem:v22+s24+$0x0], $0xffff;
	v22 =	vadd.s32 v30, v26  }
0x210: {  	v21 =	vadd.s32 v29, v2;
	v46 =	vld.idx.msk [tilespmem:v23+s24+$0x0], $0xffff;
	v29 =	vadd.s32 v5, v26  }
0x211: {  	v23 =	vadd.s32 v30, v2;
	v45 =	vld.idx.msk [tilespmem:v24+s24+$0x0], $0xffff;
	v30 =	vadd.s32 v5, v2  }
0x212: {  	v24 =	vld.idx.msk [tilespmem:v56+s26+$0x0], $0xffff  }
0x213: {  	v3 =	vld.idx.msk [tilespmem:v3+s26+$0x0], $0xffff  }
0x214: {  	v60 =	vadd.s32 v17, v2;
	v22 =	vld.idx.msk [tilespmem:v22+s26+$0x0], $0xffff  }
0x215: {  	v57 =	vadd.s32 v15, v2;
	v29 =	vld.idx.msk [tilespmem:v29+s26+$0x0], $0xffff  }
0x216: {  	v55 =	vadd.s32 v14, v2;
	v30 =	vld.idx.msk [tilespmem:v30+s26+$0x0], $0xffff  }
0x217: {  	v56 =	vadd.s32 v15, v26;
	v27 =	vadd.f32 v28, v27;
	v31 =	vadd.f32 v32, v31;
	v23 =	vld.idx.msk [tilespmem:v23+s26+$0x0], $0xffff  }
0x218: {  	v58 =	vadd.s32 v17, v26;
	v32 =	vadd.f32 v34, v33;
	v62 =	vadd.f32 v42, v41;
	v21 =	vld.idx.msk [tilespmem:v21+s26+$0x0], $0xffff  }
0x219: {  	v34 =	vadd.s32 v18, v2;
	v63 =	vadd.f32 v51, v43;
	v51 =	vld.idx.msk [tilespmem:v60+s26+$0x0], $0xffff;
	v24 =	vadd.f32 v25, v24  }
0x21a: {  	v54 =	vadd.f32 v53, v52;
	v25 =	vadd.f32 v36, v35;
	v35 =	vld.idx.msk [tilespmem:v57+s26+$0x0], $0xffff;
	v57 =	vadd.s32 v19, v26  }
0x21b: {  	v61 =	vmul.f32 v24, v48;
	v28 =	vadd.f32 v30, v29;
	v29 =	vld.idx.msk [tilespmem:v55+s26+$0x0], $0xffff;
	v30 =	vadd.s32 v18, v26  }
0x21c: {  	v33 =	vld.idx.msk [tilespmem:v56+s26+$0x0], $0xffff;
	v23 =	vadd.f32 v23, v22;
	v22 =	vadd.f32 v38, v37;
	v38 =	vadd.s32 v19, v2  }
0x21d: {  	v3 =	vadd.f32 v21, v3;
	v21 =	vadd.f32 v40, v39;
	v37 =	vld.idx.msk [tilespmem:v58+s26+$0x0], $0xffff;
	v40 =	vadd.s32 v20, v26  }
0x21e: {  	v41 =	vadd.s32 v20, v2;
	v34 =	vld.idx.msk [tilespmem:v34+s26+$0x0], $0xffff;
	v56 =	vmul.f32 v24, v50;
	v24 =	vmul.f32 v24, v49  }
0x21f: {  	v26 =	vadd.s32 v0, v26;
	v36 =	vld.idx.msk [tilespmem:v57+s26+$0x0], $0xffff;
	v3 =	vmul.f32 v3, v49;
	v60 =	vmul.f32 v23, v50  }
0x220: {  	v43 =	vmul.f32 v25, v50;
	v30 =	vld.idx.msk [tilespmem:v30+s26+$0x0], $0xffff;
	v55 =	vadd.f32 v29, v59;
	v29 =	vadd.s32 $0x6, v1  }
0x221: {  	v2 =	vadd.s32 v0, v2;
	v58 =	vadd.f32 v35, v33;
	v3 =	vadd.f32 v60, v3;
	v33 =	vld.idx.msk [tilespmem:v38+s26+$0x0], $0xffff  }
0x222: {  	v39 =	vadd.s32 $0x7, v1;
	v23 =	vmul.f32 v23, v49;
	v52 =	vadd.f32 v51, v37;
	v37 =	vld.idx.msk [tilespmem:v40+s26+$0x0], $0xffff  }
0x223: {  	v57 =	vmul.f32 v27, v47;
	v35 =	vmul.f32 v31, v47;
	v40 =	vld.idx.msk [tilespmem:v41+s26+$0x0], $0xffff;
	v3 =	vadd.f32 v61, v3  }
0x224: {  	v23 =	vadd.f32 v56, v23;
	v59 =	vmul.f32 v27, v48;
	v1 =	vadd.s32 $0x8, v1;
	v26 =	vld.idx.msk [tilespmem:v26+s26+$0x0], $0xffff  }
0x225: {  	v61 =	vmul.f32 v27, v50;
	v3 =	vadd.f32 v57, v3;
	v51 =	vld.idx.msk [tilespmem:v29+s24+$0x0], $0xffff;
	v29 =	vmul.f32 v28, v46  }
0x226: {  	v2 =	vld.idx.msk [tilespmem:v2+s26+$0x0], $0xffff;
	v23 =	vadd.f32 v59, v23;
	v60 =	vadd.f32 v34, v30;
	v30 =	vmul.f32 v28, v47  }
0x227: {  	v41 =	vmul.f32 v22, v46;
	v59 =	vld.idx.msk [tilespmem:v39+s24+$0x0], $0xffff;
	v24 =	vadd.f32 v61, v24;
	v3 =	vadd.f32 v29, v3  }
0x228: {  	v29 =	vmul.f32 v31, v45;
	v23 =	vadd.f32 v30, v23;
	v30 =	vmul.f32 v31, v46  }
0x229: {  	v56 =	vadd.f32 v33, v36;
	v53 =	vadd.f32 v40, v37;
	v57 =	vld.idx.msk [tilespmem:v1+s24+$0x0], $0xffff;
	v37 =	vmul.f32 v32, v46  }
0x22a: {  	v3 =	vadd.f32 v29, v3;
	v23 =	vadd.f32 v30, v23;
	v29 =	vmul.f32 v32, v45  }
0x22b: {  	v61 =	vadd.f32 v2, v26;
	v30 =	vmul.f32 v28, v48;
	v1 =	vmul.f32 v32, v51  }
0x22c: {  	v36 =	vmul.f32 v25, v59;
	v39 =	vmul.f32 v21, v59;
	v2 =	vadd.f32 v29, v23  }
0x22d: {  	v23 =	vmul.f32 v25, v51;
	v1 =	vadd.f32 v1, v3;
	v3 =	vadd.f32 v30, v24  }
0x22e: {  	v38 =	vmul.f32 v22, v57;
	v40 =	vmul.f32 v21, v51  }
0x22f: {  	v2 =	vadd.f32 v23, v2;
	v23 =	vmul.f32 v22, v59;
	v3 =	vadd.f32 v35, v3  }
0x230: {  	v42 =	vmul.f32 v63, v57;
	v30 =	vmul.f32 v25, v45;
	v1 =	vadd.f32 v36, v1  }
0x231: {  	v2 =	vadd.f32 v23, v2;
	v23 =	vmul.f32 v21, v57;
	v3 =	vadd.f32 v37, v3  }
0x232: {  	v24 =	vadd.f32 v38, v1;
	v1 =	vmul.f32 v27, v49;
	v27 =	vmul.f32 v28, v50  }
0x233: {  	v29 =	vadd.s32 $0x4C80, v16;
	v23 =	vadd.f32 v23, v2;
	v2 =	vadd.f32 v30, v3  }
0x234: {  	v3 =	vmul.f32 v22, v51;
	v1 =	vadd.f32 v27, v1;
	v27 =	vmul.f32 v31, v48  }
0x235: {  	v26 =	vadd.s32 s31, v29;
	v28 =	vmul.f32 v28, v49;
	v30 =	vmul.f32 v31, v50  }
0x236: {  	v2 =	vadd.f32 v3, v2;
	v1 =	vadd.f32 v27, v1;
	v3 =	vmul.f32 v32, v47  }
0x237: {  	v29 =	vadd.s32 $0x4C81, v16;
	v28 =	vadd.f32 v30, v28;
	v30 =	vmul.f32 v32, v48  }
0x238: {  	v36 =	vmul.f32 v22, v48;
	v1 =	vadd.f32 v3, v1;
	v3 =	vmul.f32 v25, v46  }
0x239: {  	v27 =	vadd.s32 s31, v29;
	v29 =	vmul.f32 v25, v47;
	v28 =	vadd.f32 v30, v28  }
0x23a: {  	v37 =	vmul.f32 v54, v57;
	v1 =	vadd.f32 v3, v1;
	v3 =	vmul.f32 v22, v45  }
0x23b: {  	v2 =	vadd.f32 v39, v2;
	v30 =	vmul.f32 v62, v57;
	v29 =	vadd.f32 v29, v28  }
0x23c: {  	v1 =	vadd.f32 v3, v1;
	v3 =	vmul.f32 v31, v49;
	v31 =	vmul.f32 v32, v50  }
0x23d: {  	v28 =	vadd.f32 v30, v2;
	v2 =	vadd.f32 v41, v29;
	v29 =	vmul.f32 v21, v45  }
0x23e: {  	v38 =	vmul.f32 v54, v59;
	v30 =	vmul.f32 v25, v48;
	v3 =	vadd.f32 v31, v3  }
0x23f: {  	v39 =	vmul.f32 v54, v51;
	v25 =	vmul.f32 v25, v49;
	v2 =	vadd.f32 v29, v2  }
0x240: {  	v29 =	vmul.f32 v62, v51;
	v3 =	vadd.f32 v30, v3;
	v30 =	vmul.f32 v22, v47  }
0x241: {  	v41 =	vmul.f32 v55, v59;
	v1 =	vadd.f32 v40, v1;
	v31 =	vmul.f32 v62, v59  }
0x242: {  	v2 =	vadd.f32 v29, v2;
	v29 =	vmul.f32 v21, v46;
	v3 =	vadd.f32 v30, v3  }
0x243: {  	v40 =	vmul.f32 v55, v57;
	v1 =	vadd.f32 v31, v1;
	v31 =	vmul.f32 v32, v49  }
0x244: {  	v30 =	vmul.f32 v63, v59;
	v3 =	vadd.f32 v29, v3;
	v29 =	vmul.f32 v62, v45  }
0x245: {  	v31 =	vadd.f32 v43, v31;
	v1 =	vadd.f32 v42, v1;
	v42 =	vmul.f32 v55, v51  }
0x246: {  	v43 =	vmul.f32 v58, v57;
	v3 =	vadd.f32 v29, v3;
	v29 =	vmul.f32 v63, v51  }
0x247: {  	v2 =	vadd.f32 v30, v2;
	v30 =	vadd.f32 v36, v31;
	v31 =	vmul.f32 v21, v47  }
0x248: {  	v36 =	vmul.f32 v58, v59;
	v3 =	vadd.f32 v29, v3;
	v29 =	vmul.f32 v22, v50  }
0x249: {  	v30 =	vadd.f32 v31, v30;
	v31 =	vmul.f32 v62, v46;
	v2 =	vadd.f32 v37, v2  }
0x24a: {  	v37 =	vmul.f32 v52, v57;
	v25 =	vadd.f32 v29, v25;
	v29 =	vmul.f32 v21, v48  }
0x24b: {  	v30 =	vadd.f32 v31, v30;
	v31 =	vmul.f32 v63, v45;
	v22 =	vmul.f32 v22, v49  }
0x24c: {  	v3 =	vadd.f32 v38, v3;
	v25 =	vadd.f32 v29, v25;
	v29 =	vmul.f32 v62, v47  }
0x24d: {  	v30 =	vadd.f32 v31, v30;
	v31 =	vmul.f32 v21, v50;
	v21 =	vmul.f32 v21, v49  }
0x24e: {  	v38 =	vadd.s32 $0x4C82, v16;
	v25 =	vadd.f32 v29, v25;
	v29 =	vmul.f32 v63, v46  }
0x24f: {  	v33 =	vadd.s32 s31, v38;
	v22 =	vadd.f32 v31, v22;
	v31 =	vmul.f32 v62, v48  }
0x250: {  	v30 =	vadd.f32 v39, v30;
	v25 =	vadd.f32 v29, v25;
	v29 =	vmul.f32 v54, v45  }
0x251: {  	[tilespmem:v26+s28+$0x0] =	vst.idx.msk $0xffff, v24;
	v3 =	vadd.f32 v40, v3;
	v39 =	vadd.s32 $0x4C83, v16;
	v40 =	vmul.f32 v63, v50  }
0x252: {  	[tilespmem:v27+s28+$0x0] =	vst.idx.msk $0xffff, v23;
	v32 =	vadd.s32 s31, v39;
	v25 =	vadd.f32 v29, v25;
	v29 =	vmul.f32 v62, v50  }
0x253: {  	v22 =	vadd.f32 v31, v22;
	v31 =	vmul.f32 v63, v47;
	v30 =	vadd.f32 v41, v30  }
0x254: {  	v41 =	vmul.f32 v63, v49;
	v21 =	vadd.f32 v29, v21;
	v29 =	vmul.f32 v63, v48  }
0x255: {  	v22 =	vadd.f32 v31, v22;
	v31 =	vmul.f32 v54, v46;
	v30 =	vadd.f32 v43, v30  }
0x256: {  	v43 =	vmul.f32 v54, v50;
	v21 =	vadd.f32 v29, v21;
	v29 =	vmul.f32 v54, v47  }
0x257: {  	[tilespmem:v33+s28+$0x0] =	vst.idx.msk $0xffff, v28;
	v28 =	vadd.s32 $0x4C89, v16;
	v22 =	vadd.f32 v31, v22;
	v31 =	vmul.f32 v55, v45  }
0x258: {  	v35 =	vadd.f32 v43, v41;
	v21 =	vadd.f32 v29, v21;
	v29 =	vmul.f32 v55, v46  }
0x259: {  	v50 =	vadd.s32 $0x4C87, v16;
	v43 =	vmul.f32 v60, v59;
	[tilespmem:v32+s28+$0x0] =	vst.idx.msk $0xffff, v1;
	v1 =	vadd.s32 s31, v28  }
0x25a: {  	v28 =	vmul.f32 v56, v51;
	v21 =	vadd.f32 v29, v21;
	v29 =	vmul.f32 v58, v45  }
0x25b: {  	v25 =	vadd.f32 v42, v25;
	v22 =	vadd.f32 v31, v22;
	v31 =	vmul.f32 v58, v51  }
0x25c: {  	v42 =	vadd.s32 $0x4C85, v16;
	v21 =	vadd.f32 v29, v21;
	v29 =	vmul.f32 v52, v51  }
0x25d: {  	v22 =	vadd.f32 v31, v22;
	v31 =	vmul.f32 v52, v59;
	v25 =	vadd.f32 v36, v25  }
0x25e: {  	v36 =	vadd.s32 s31, v42;
	v21 =	vadd.f32 v29, v21;
	v29 =	vmul.f32 v62, v49  }
0x25f: {  	v42 =	vadd.s32 $0x4C88, v16;
	v22 =	vadd.f32 v31, v22;
	v31 =	vmul.f32 v60, v57  }
0x260: {  	v54 =	vmul.f32 v54, v48;
	v23 =	vadd.s32 s31, v42;
	v29 =	vadd.f32 v40, v29  }
0x261: {  	v22 =	vadd.f32 v31, v22;
	v31 =	vadd.s32 $0x4C84, v16;
	v62 =	vmul.f32 v55, v48  }
0x262: {  	v31 =	vadd.s32 s31, v31;
	v63 =	vadd.f32 v54, v29;
	v29 =	vmul.f32 v55, v47  }
0x263: {  	v49 =	vadd.s32 $0x4C86, v16;
	v48 =	vmul.f32 v58, v47;
	v35 =	vadd.f32 v62, v35  }
0x264: {  	v34 =	vadd.s32 s31, v49;
	v49 =	vmul.f32 v58, v46;
	v24 =	vadd.f32 v29, v63  }
0x265: {  	v25 =	vadd.f32 v37, v25;
	v27 =	vadd.f32 v48, v35;
	v29 =	vmul.f32 v52, v46  }
0x266: {  	v37 =	vadd.s32 s31, v50;
	v54 =	vmul.f32 v52, v45;
	v24 =	vadd.f32 v49, v24  }
0x267: {  	v50 =	vmul.f32 v56, v57;
	v27 =	vadd.f32 v29, v27;
	v29 =	vmul.f32 v60, v45  }
0x268: {  	v58 =	vmul.f32 v56, v59;
	v55 =	vmul.f32 v60, v51;
	v24 =	vadd.f32 v54, v24  }
0x269: {  	v21 =	vadd.f32 v43, v21;
	[tilespmem:v31+s28+$0x0] =	vst.idx.msk $0xffff, v2;
	v2 =	vadd.s32 $0x4C8A, v16;
	v27 =	vadd.f32 v29, v27  }
0x26a: {  	v62 =	vmul.f32 v53, v57;
	[tilespmem:v36+s28+$0x0] =	vst.idx.msk $0xffff, v3;
	v2 =	vadd.s32 s31, v2;
	v3 =	vadd.f32 v55, v24  }
0x26b: {  	v60 =	vadd.f32 v28, v27;
	v27 =	vmul.f32 v53, v59;
	v28 =	vadd.s32 $0x4C8B, v16  }
0x26c: {  	p0 =	sne.s32 s0, $0x21;
	v21 =	vadd.f32 v50, v21;
	[tilespmem:v34+s28+$0x0] =	vst.idx.msk $0xffff, v30;
	v63 =	vadd.s32 s31, v28;
	v3 =	vadd.f32 v58, v3  }
.Ltmp3:
0x26d: {  	[tilespmem:v37+s28+$0x0] =	vst.idx.msk $0xffff, v25;
	v26 =	vadd.f32 v27, v60;
	v27 =	vmul.f32 v61, v57;
	(pc) =	sbr.rel @p0 .LBB2_8-.Ltmp3, $4  }
0x26e: {  	[tilespmem:v23+s28+$0x0] =	vst.idx.msk $0xffff, v22;
	v3 =	vadd.f32 v62, v3  }
0x26f: {  	v31 =	vld [tilespmem:$0x1FFF0];
	[tilespmem:v1+s28+$0x0] =	vst.idx.msk $0xffff, v21;
	v1 =	vadd.f32 v27, v26  }
0x270: {  	v30 =	vld [tilespmem:$0x1FFE0];
	[tilespmem:v2+s28+$0x0] =	vst.idx.msk $0xffff, v3  }
0x271: {  	s0 =	sadd.s32 $0x1, s0;
	v29 =	vld [tilespmem:$0x1FFD0];
	s31 =	sadd.s32 $0xC, s31;
	[tilespmem:v63+s28+$0x0] =	vst.idx.msk $0xffff, v1  }
0x272: {  	s31 =	simm.s32 $0x0;
	s0 =	simm.s32 $0x7680  }
0x273: {  	[hbm4b:s13+s31] =	stream.linear.scatter [tilespmem:s0], [sflag:$0x3], $0x1980, $0x38;
	[tilespmem:$0xF980] =	vst v63  }
0x274: {  	_ =	swait.ge [sflag:s25], $0x14F0  }
0x275: {  	[sflag:s25] =	ssyncset.done $0x0  }
0x276: {  	[sflag:s25] =	ssyncadd.s32 $0xFFFFEB10  }
0x277: {  	[tilespmem:s26], [sflag:$0x2] =	stream.linear.gather [hbm4b:s14+s31], $0x14F0, $0x38;
	[tilespmem:$0xF980] =	vst v63  }
0x278: {  	v1 =	vld.idx.msk [tilespmem:v0+s31+$0x0], $0xffff;
	_ =	sdelay $0x4  }
0x279: {  	v1 =	vtrunc.f32 v1  }
0x27a: {  	v1 =	vcvt.f32.s32 v1;
	_ =	sdelay $0x1  }
0x27b: {  	v44 =	vmul.u32 $0x22, v1  }
0x27c: {  	s0 =	simm.s32 $0x0  }
.LBB2_10:
0x27d: {  	v2 =	vadd.s32 s0, v44;
	_ =	sdelay $0x4  }
0x27e: {  	v2 =	vld.idx.msk [tilespmem:v2+s22+$0x0], $0xffff;
	_ =	sdelay $0x3  }
0x27f: {  	s3 =	sadd.s32 $0x12D, s0  }
0x280: {  	v1 =	vadd.s32 s3, v0;
	v26 =	vshrl.u32 v2, $0xA;
	v2 =	vand.u32 $0x3FF, v2  }
0x281: {  	v25 =	vadd.s32 v31, v2  }
0x282: {  	v27 =	vadd.s32 v4, v26  }
0x283: {  	v28 =	vadd.s32 v4, v2  }
0x284: {  	v56 =	vadd.s32 v31, v26;
	v31 =	vadd.s32 v6, v26  }
0x285: {  	v1 =	vld.idx.msk [tilespmem:v1+s2+$0x0], $0xffff;
	v32 =	vadd.s32 v6, v2  }
0x286: {  	v33 =	vadd.s32 v7, v26;
	v25 =	vld.idx.msk [tilespmem:v25+s2+$0x0], $0xffff  }
0x287: {  	v34 =	vadd.s32 v7, v2;
	v27 =	vld.idx.msk [tilespmem:v27+s2+$0x0], $0xffff  }
0x288: {  	v35 =	vadd.s32 v8, v26;
	v28 =	vld.idx.msk [tilespmem:v28+s2+$0x0], $0xffff  }
0x289: {  	v36 =	vadd.s32 v8, v2;
	v31 =	vld.idx.msk [tilespmem:v31+s2+$0x0], $0xffff  }
0x28a: {  	v37 =	vadd.s32 v9, v26;
	v32 =	vld.idx.msk [tilespmem:v32+s2+$0x0], $0xffff  }
0x28b: {  	v38 =	vadd.s32 v9, v2;
	v33 =	vld.idx.msk [tilespmem:v33+s2+$0x0], $0xffff  }
0x28c: {  	v39 =	vadd.s32 v10, v26;
	v34 =	vld.idx.msk [tilespmem:v34+s2+$0x0], $0xffff  }
0x28d: {  	v40 =	vadd.s32 v10, v2;
	v35 =	vld.idx.msk [tilespmem:v35+s2+$0x0], $0xffff  }
0x28e: {  	v41 =	vadd.s32 v11, v26;
	v36 =	vld.idx.msk [tilespmem:v36+s2+$0x0], $0xffff  }
0x28f: {  	v42 =	vadd.s32 v11, v2;
	v37 =	vld.idx.msk [tilespmem:v37+s2+$0x0], $0xffff  }
0x290: {  	v43 =	vadd.s32 v12, v26;
	v38 =	vld.idx.msk [tilespmem:v38+s2+$0x0], $0xffff  }
0x291: {  	v1 =	vtrunc.f32 v1;
	v51 =	vadd.s32 v12, v2;
	v39 =	vld.idx.msk [tilespmem:v39+s2+$0x0], $0xffff  }
0x292: {  	v52 =	vadd.s32 v13, v26;
	v1 =	vcvt.f32.s32 v1;
	v40 =	vld.idx.msk [tilespmem:v40+s2+$0x0], $0xffff  }
0x293: {  	v53 =	vadd.s32 v13, v2;
	v41 =	vld.idx.msk [tilespmem:v41+s2+$0x0], $0xffff  }
0x294: {  	v54 =	vadd.s32 v14, v26;
	v1 =	vmul.u32 $0x9, v1;
	v42 =	vld.idx.msk [tilespmem:v42+s2+$0x0], $0xffff  }
0x295: {  	v43 =	vld.idx.msk [tilespmem:v43+s2+$0x0], $0xffff  }
0x296: {  	v3 =	vadd.s32 $0x1, v1;
	v51 =	vld.idx.msk [tilespmem:v51+s2+$0x0], $0xffff  }
0x297: {  	v21 =	vadd.s32 $0x2, v1;
	v52 =	vld.idx.msk [tilespmem:v52+s2+$0x0], $0xffff  }
0x298: {  	v22 =	vadd.s32 $0x3, v1;
	v53 =	vld.idx.msk [tilespmem:v53+s2+$0x0], $0xffff  }
0x299: {  	v23 =	vadd.s32 $0x4, v1;
	v59 =	vld.idx.msk [tilespmem:v54+s2+$0x0], $0xffff  }
0x29a: {  	v24 =	vadd.s32 $0x5, v1;
	v49 =	vld.idx.msk [tilespmem:v1+s24+$0x0], $0xffff  }
0x29b: {  	v50 =	vld.idx.msk [tilespmem:v3+s24+$0x0], $0xffff  }
0x29c: {  	v3 =	vadd.s32 v29, v26;
	v48 =	vld.idx.msk [tilespmem:v21+s24+$0x0], $0xffff  }
0x29d: {  	v47 =	vld.idx.msk [tilespmem:v22+s24+$0x0], $0xffff;
	v22 =	vadd.s32 v30, v26  }
0x29e: {  	v21 =	vadd.s32 v29, v2;
	v46 =	vld.idx.msk [tilespmem:v23+s24+$0x0], $0xffff;
	v29 =	vadd.s32 v5, v26  }
0x29f: {  	v23 =	vadd.s32 v30, v2;
	v45 =	vld.idx.msk [tilespmem:v24+s24+$0x0], $0xffff;
	v30 =	vadd.s32 v5, v2  }
0x2a0: {  	v24 =	vld.idx.msk [tilespmem:v56+s2+$0x0], $0xffff  }
0x2a1: {  	v3 =	vld.idx.msk [tilespmem:v3+s2+$0x0], $0xffff  }
0x2a2: {  	v60 =	vadd.s32 v17, v2;
	v22 =	vld.idx.msk [tilespmem:v22+s2+$0x0], $0xffff  }
0x2a3: {  	v57 =	vadd.s32 v15, v2;
	v29 =	vld.idx.msk [tilespmem:v29+s2+$0x0], $0xffff  }
0x2a4: {  	v55 =	vadd.s32 v14, v2;
	v30 =	vld.idx.msk [tilespmem:v30+s2+$0x0], $0xffff  }
0x2a5: {  	v56 =	vadd.s32 v15, v26;
	v27 =	vadd.f32 v28, v27;
	v31 =	vadd.f32 v32, v31;
	v23 =	vld.idx.msk [tilespmem:v23+s2+$0x0], $0xffff  }
0x2a6: {  	v58 =	vadd.s32 v17, v26;
	v32 =	vadd.f32 v34, v33;
	v62 =	vadd.f32 v42, v41;
	v21 =	vld.idx.msk [tilespmem:v21+s2+$0x0], $0xffff  }
0x2a7: {  	v34 =	vadd.s32 v18, v2;
	v63 =	vadd.f32 v51, v43;
	v51 =	vld.idx.msk [tilespmem:v60+s2+$0x0], $0xffff;
	v24 =	vadd.f32 v25, v24  }
0x2a8: {  	v54 =	vadd.f32 v53, v52;
	v25 =	vadd.f32 v36, v35;
	v35 =	vld.idx.msk [tilespmem:v57+s2+$0x0], $0xffff;
	v57 =	vadd.s32 v19, v26  }
0x2a9: {  	v61 =	vmul.f32 v24, v48;
	v28 =	vadd.f32 v30, v29;
	v29 =	vld.idx.msk [tilespmem:v55+s2+$0x0], $0xffff;
	v30 =	vadd.s32 v18, v26  }
0x2aa: {  	v33 =	vld.idx.msk [tilespmem:v56+s2+$0x0], $0xffff;
	v23 =	vadd.f32 v23, v22;
	v22 =	vadd.f32 v38, v37;
	v38 =	vadd.s32 v19, v2  }
0x2ab: {  	v3 =	vadd.f32 v21, v3;
	v21 =	vadd.f32 v40, v39;
	v37 =	vld.idx.msk [tilespmem:v58+s2+$0x0], $0xffff;
	v40 =	vadd.s32 v20, v26  }
0x2ac: {  	v41 =	vadd.s32 v20, v2;
	v34 =	vld.idx.msk [tilespmem:v34+s2+$0x0], $0xffff;
	v56 =	vmul.f32 v24, v50;
	v24 =	vmul.f32 v24, v49  }
0x2ad: {  	v26 =	vadd.s32 v0, v26;
	v36 =	vld.idx.msk [tilespmem:v57+s2+$0x0], $0xffff;
	v3 =	vmul.f32 v3, v49;
	v60 =	vmul.f32 v23, v50  }
0x2ae: {  	v43 =	vmul.f32 v25, v50;
	v30 =	vld.idx.msk [tilespmem:v30+s2+$0x0], $0xffff;
	v55 =	vadd.f32 v29, v59;
	v29 =	vadd.s32 $0x6, v1  }
0x2af: {  	v2 =	vadd.s32 v0, v2;
	v58 =	vadd.f32 v35, v33;
	v3 =	vadd.f32 v60, v3;
	v33 =	vld.idx.msk [tilespmem:v38+s2+$0x0], $0xffff  }
0x2b0: {  	v39 =	vadd.s32 $0x7, v1;
	v23 =	vmul.f32 v23, v49;
	v52 =	vadd.f32 v51, v37;
	v37 =	vld.idx.msk [tilespmem:v40+s2+$0x0], $0xffff  }
0x2b1: {  	v57 =	vmul.f32 v27, v47;
	v35 =	vmul.f32 v31, v47;
	v40 =	vld.idx.msk [tilespmem:v41+s2+$0x0], $0xffff;
	v3 =	vadd.f32 v61, v3  }
0x2b2: {  	v23 =	vadd.f32 v56, v23;
	v59 =	vmul.f32 v27, v48;
	v1 =	vadd.s32 $0x8, v1;
	v26 =	vld.idx.msk [tilespmem:v26+s2+$0x0], $0xffff  }
0x2b3: {  	v61 =	vmul.f32 v27, v50;
	v3 =	vadd.f32 v57, v3;
	v51 =	vld.idx.msk [tilespmem:v29+s24+$0x0], $0xffff;
	v29 =	vmul.f32 v28, v46  }
0x2b4: {  	v2 =	vld.idx.msk [tilespmem:v2+s2+$0x0], $0xffff;
	v23 =	vadd.f32 v59, v23;
	v60 =	vadd.f32 v34, v30;
	v30 =	vmul.f32 v28, v47  }
0x2b5: {  	v41 =	vmul.f32 v22, v46;
	v59 =	vld.idx.msk [tilespmem:v39+s24+$0x0], $0xffff;
	v24 =	vadd.f32 v61, v24;
	v3 =	vadd.f32 v29, v3  }
0x2b6: {  	v29 =	vmul.f32 v31, v45;
	v23 =	vadd.f32 v30, v23;
	v30 =	vmul.f32 v31, v46  }
0x2b7: {  	v56 =	vadd.f32 v33, v36;
	v53 =	vadd.f32 v40, v37;
	v57 =	vld.idx.msk [tilespmem:v1+s24+$0x0], $0xffff;
	v37 =	vmul.f32 v32, v46  }
0x2b8: {  	v3 =	vadd.f32 v29, v3;
	v23 =	vadd.f32 v30, v23;
	v29 =	vmul.f32 v32, v45  }
0x2b9: {  	v61 =	vadd.f32 v2, v26;
	v30 =	vmul.f32 v28, v48;
	v1 =	vmul.f32 v32, v51  }
0x2ba: {  	v36 =	vmul.f32 v25, v59;
	v39 =	vmul.f32 v21, v59;
	v2 =	vadd.f32 v29, v23  }
0x2bb: {  	v23 =	vmul.f32 v25, v51;
	v1 =	vadd.f32 v1, v3;
	v3 =	vadd.f32 v30, v24  }
0x2bc: {  	v38 =	vmul.f32 v22, v57;
	v40 =	vmul.f32 v21, v51  }
0x2bd: {  	v2 =	vadd.f32 v23, v2;
	v23 =	vmul.f32 v22, v59;
	v3 =	vadd.f32 v35, v3  }
0x2be: {  	v42 =	vmul.f32 v63, v57;
	v30 =	vmul.f32 v25, v45;
	v1 =	vadd.f32 v36, v1  }
0x2bf: {  	v2 =	vadd.f32 v23, v2;
	v23 =	vmul.f32 v21, v57;
	v3 =	vadd.f32 v37, v3  }
0x2c0: {  	v24 =	vadd.f32 v38, v1;
	v1 =	vmul.f32 v27, v49;
	v27 =	vmul.f32 v28, v50  }
0x2c1: {  	v29 =	vadd.s32 $0x6600, v16;
	v23 =	vadd.f32 v23, v2;
	v2 =	vadd.f32 v30, v3  }
0x2c2: {  	v3 =	vmul.f32 v22, v51;
	v1 =	vadd.f32 v27, v1;
	v27 =	vmul.f32 v31, v48  }
0x2c3: {  	v26 =	vadd.s32 s31, v29;
	v28 =	vmul.f32 v28, v49;
	v30 =	vmul.f32 v31, v50  }
0x2c4: {  	v2 =	vadd.f32 v3, v2;
	v1 =	vadd.f32 v27, v1;
	v3 =	vmul.f32 v32, v47  }
0x2c5: {  	v29 =	vadd.s32 $0x6601, v16;
	v28 =	vadd.f32 v30, v28;
	v30 =	vmul.f32 v32, v48  }
0x2c6: {  	v36 =	vmul.f32 v22, v48;
	v1 =	vadd.f32 v3, v1;
	v3 =	vmul.f32 v25, v46  }
0x2c7: {  	v27 =	vadd.s32 s31, v29;
	v29 =	vmul.f32 v25, v47;
	v28 =	vadd.f32 v30, v28  }
0x2c8: {  	v37 =	vmul.f32 v54, v57;
	v1 =	vadd.f32 v3, v1;
	v3 =	vmul.f32 v22, v45  }
0x2c9: {  	v2 =	vadd.f32 v39, v2;
	v30 =	vmul.f32 v62, v57;
	v29 =	vadd.f32 v29, v28  }
0x2ca: {  	v1 =	vadd.f32 v3, v1;
	v3 =	vmul.f32 v31, v49;
	v31 =	vmul.f32 v32, v50  }
0x2cb: {  	v28 =	vadd.f32 v30, v2;
	v2 =	vadd.f32 v41, v29;
	v29 =	vmul.f32 v21, v45  }
0x2cc: {  	v38 =	vmul.f32 v54, v59;
	v30 =	vmul.f32 v25, v48;
	v3 =	vadd.f32 v31, v3  }
0x2cd: {  	v39 =	vmul.f32 v54, v51;
	v25 =	vmul.f32 v25, v49;
	v2 =	vadd.f32 v29, v2  }
0x2ce: {  	v29 =	vmul.f32 v62, v51;
	v3 =	vadd.f32 v30, v3;
	v30 =	vmul.f32 v22, v47  }
0x2cf: {  	v41 =	vmul.f32 v55, v59;
	v1 =	vadd.f32 v40, v1;
	v31 =	vmul.f32 v62, v59  }
0x2d0: {  	v2 =	vadd.f32 v29, v2;
	v29 =	vmul.f32 v21, v46;
	v3 =	vadd.f32 v30, v3  }
0x2d1: {  	v40 =	vmul.f32 v55, v57;
	v1 =	vadd.f32 v31, v1;
	v31 =	vmul.f32 v32, v49  }
0x2d2: {  	v30 =	vmul.f32 v63, v59;
	v3 =	vadd.f32 v29, v3;
	v29 =	vmul.f32 v62, v45  }
0x2d3: {  	v31 =	vadd.f32 v43, v31;
	v1 =	vadd.f32 v42, v1;
	v42 =	vmul.f32 v55, v51  }
0x2d4: {  	v43 =	vmul.f32 v58, v57;
	v3 =	vadd.f32 v29, v3;
	v29 =	vmul.f32 v63, v51  }
0x2d5: {  	v2 =	vadd.f32 v30, v2;
	v30 =	vadd.f32 v36, v31;
	v31 =	vmul.f32 v21, v47  }
0x2d6: {  	v36 =	vmul.f32 v58, v59;
	v3 =	vadd.f32 v29, v3;
	v29 =	vmul.f32 v22, v50  }
0x2d7: {  	v30 =	vadd.f32 v31, v30;
	v31 =	vmul.f32 v62, v46;
	v2 =	vadd.f32 v37, v2  }
0x2d8: {  	v37 =	vmul.f32 v52, v57;
	v25 =	vadd.f32 v29, v25;
	v29 =	vmul.f32 v21, v48  }
0x2d9: {  	v30 =	vadd.f32 v31, v30;
	v31 =	vmul.f32 v63, v45;
	v22 =	vmul.f32 v22, v49  }
0x2da: {  	v3 =	vadd.f32 v38, v3;
	v25 =	vadd.f32 v29, v25;
	v29 =	vmul.f32 v62, v47  }
0x2db: {  	v30 =	vadd.f32 v31, v30;
	v31 =	vmul.f32 v21, v50;
	v21 =	vmul.f32 v21, v49  }
0x2dc: {  	v38 =	vadd.s32 $0x6602, v16;
	v25 =	vadd.f32 v29, v25;
	v29 =	vmul.f32 v63, v46  }
0x2dd: {  	v33 =	vadd.s32 s31, v38;
	v22 =	vadd.f32 v31, v22;
	v31 =	vmul.f32 v62, v48  }
0x2de: {  	v30 =	vadd.f32 v39, v30;
	v25 =	vadd.f32 v29, v25;
	v29 =	vmul.f32 v54, v45  }
0x2df: {  	[tilespmem:v26+s28+$0x0] =	vst.idx.msk $0xffff, v24;
	v3 =	vadd.f32 v40, v3;
	v39 =	vadd.s32 $0x6603, v16;
	v40 =	vmul.f32 v63, v50  }
0x2e0: {  	[tilespmem:v27+s28+$0x0] =	vst.idx.msk $0xffff, v23;
	v32 =	vadd.s32 s31, v39;
	v25 =	vadd.f32 v29, v25;
	v29 =	vmul.f32 v62, v50  }
0x2e1: {  	v22 =	vadd.f32 v31, v22;
	v31 =	vmul.f32 v63, v47;
	v30 =	vadd.f32 v41, v30  }
0x2e2: {  	v41 =	vmul.f32 v63, v49;
	v21 =	vadd.f32 v29, v21;
	v29 =	vmul.f32 v63, v48  }
0x2e3: {  	v22 =	vadd.f32 v31, v22;
	v31 =	vmul.f32 v54, v46;
	v30 =	vadd.f32 v43, v30  }
0x2e4: {  	v43 =	vmul.f32 v54, v50;
	v21 =	vadd.f32 v29, v21;
	v29 =	vmul.f32 v54, v47  }
0x2e5: {  	[tilespmem:v33+s28+$0x0] =	vst.idx.msk $0xffff, v28;
	v28 =	vadd.s32 $0x6609, v16;
	v22 =	vadd.f32 v31, v22;
	v31 =	vmul.f32 v55, v45  }
0x2e6: {  	v35 =	vadd.f32 v43, v41;
	v21 =	vadd.f32 v29, v21;
	v29 =	vmul.f32 v55, v46  }
0x2e7: {  	v50 =	vadd.s32 $0x6607, v16;
	v43 =	vmul.f32 v60, v59;
	[tilespmem:v32+s28+$0x0] =	vst.idx.msk $0xffff, v1;
	v1 =	vadd.s32 s31, v28  }
0x2e8: {  	v28 =	vmul.f32 v56, v51;
	v21 =	vadd.f32 v29, v21;
	v29 =	vmul.f32 v58, v45  }
0x2e9: {  	v25 =	vadd.f32 v42, v25;
	v22 =	vadd.f32 v31, v22;
	v31 =	vmul.f32 v58, v51  }
0x2ea: {  	v42 =	vadd.s32 $0x6605, v16;
	v21 =	vadd.f32 v29, v21;
	v29 =	vmul.f32 v52, v51  }
0x2eb: {  	v22 =	vadd.f32 v31, v22;
	v31 =	vmul.f32 v52, v59;
	v25 =	vadd.f32 v36, v25  }
0x2ec: {  	v36 =	vadd.s32 s31, v42;
	v21 =	vadd.f32 v29, v21;
	v29 =	vmul.f32 v62, v49  }
0x2ed: {  	v42 =	vadd.s32 $0x6608, v16;
	v22 =	vadd.f32 v31, v22;
	v31 =	vmul.f32 v60, v57  }
0x2ee: {  	v54 =	vmul.f32 v54, v48;
	v23 =	vadd.s32 s31, v42;
	v29 =	vadd.f32 v40, v29  }
0x2ef: {  	v22 =	vadd.f32 v31, v22;
	v31 =	vadd.s32 $0x6604, v16;
	v62 =	vmul.f32 v55, v48  }
0x2f0: {  	v31 =	vadd.s32 s31, v31;
	v63 =	vadd.f32 v54, v29;
	v29 =	vmul.f32 v55, v47  }
0x2f1: {  	v49 =	vadd.s32 $0x6606, v16;
	v48 =	vmul.f32 v58, v47;
	v35 =	vadd.f32 v62, v35  }
0x2f2: {  	v34 =	vadd.s32 s31, v49;
	v49 =	vmul.f32 v58, v46;
	v24 =	vadd.f32 v29, v63  }
0x2f3: {  	v25 =	vadd.f32 v37, v25;
	v27 =	vadd.f32 v48, v35;
	v29 =	vmul.f32 v52, v46  }
0x2f4: {  	v37 =	vadd.s32 s31, v50;
	v54 =	vmul.f32 v52, v45;
	v24 =	vadd.f32 v49, v24  }
0x2f5: {  	v50 =	vmul.f32 v56, v57;
	v27 =	vadd.f32 v29, v27;
	v29 =	vmul.f32 v60, v45  }
0x2f6: {  	v58 =	vmul.f32 v56, v59;
	v55 =	vmul.f32 v60, v51;
	v24 =	vadd.f32 v54, v24  }
0x2f7: {  	v21 =	vadd.f32 v43, v21;
	[tilespmem:v31+s28+$0x0] =	vst.idx.msk $0xffff, v2;
	v2 =	vadd.s32 $0x660A, v16;
	v27 =	vadd.f32 v29, v27  }
0x2f8: {  	v62 =	vmul.f32 v53, v57;
	[tilespmem:v36+s28+$0x0] =	vst.idx.msk $0xffff, v3;
	v2 =	vadd.s32 s31, v2;
	v3 =	vadd.f32 v55, v24  }
0x2f9: {  	v60 =	vadd.f32 v28, v27;
	v27 =	vmul.f32 v53, v59;
	v28 =	vadd.s32 $0x660B, v16  }
0x2fa: {  	p0 =	sne.s32 s0, $0x21;
	v21 =	vadd.f32 v50, v21;
	[tilespmem:v34+s28+$0x0] =	vst.idx.msk $0xffff, v30;
	v63 =	vadd.s32 s31, v28;
	v3 =	vadd.f32 v58, v3  }
.Ltmp4:
0x2fb: {  	[tilespmem:v37+s28+$0x0] =	vst.idx.msk $0xffff, v25;
	v26 =	vadd.f32 v27, v60;
	v27 =	vmul.f32 v61, v57;
	(pc) =	sbr.rel @p0 .LBB2_10-.Ltmp4, $4  }
0x2fc: {  	[tilespmem:v23+s28+$0x0] =	vst.idx.msk $0xffff, v22;
	v3 =	vadd.f32 v62, v3  }
0x2fd: {  	v31 =	vld [tilespmem:$0x1FFF0];
	[tilespmem:v1+s28+$0x0] =	vst.idx.msk $0xffff, v21;
	v1 =	vadd.f32 v27, v26  }
0x2fe: {  	v30 =	vld [tilespmem:$0x1FFE0];
	[tilespmem:v2+s28+$0x0] =	vst.idx.msk $0xffff, v3  }
0x2ff: {  	s0 =	sadd.s32 $0x1, s0;
	v29 =	vld [tilespmem:$0x1FFD0];
	s31 =	sadd.s32 $0xC, s31;
	[tilespmem:v63+s28+$0x0] =	vst.idx.msk $0xffff, v1  }
0x300: {  	s31 =	simm.s32 $0x0;
	s0 =	simm.s32 $0x9000  }
0x301: {  	[hbm4b:s15+s31] =	stream.linear.scatter [tilespmem:s0], [sflag:$0x3], $0x1980, $0x38;
	[tilespmem:$0xF980] =	vst v63  }
0x302: {  	_ =	swait.ge [sflag:s29], $0x14F0  }
0x303: {  	[sflag:s29] =	ssyncset.done $0x0  }
0x304: {  	[sflag:s29] =	ssyncadd.s32 $0xFFFFEB10  }
0x305: {  	[tilespmem:s31], [sflag:$0x1] =	stream.linear.gather [hbm4b:s16+s31], $0x14F0, $0x38;
	[tilespmem:$0xF980] =	vst v63  }
0x306: {  	v1 =	vld.idx.msk [tilespmem:v0+s26+$0x0], $0xffff;
	_ =	sdelay $0x4  }
0x307: {  	v1 =	vtrunc.f32 v1  }
0x308: {  	v1 =	vcvt.f32.s32 v1;
	_ =	sdelay $0x1  }
0x309: {  	v44 =	vmul.u32 $0x22, v1  }
0x30a: {  	s0 =	simm.s32 $0x0  }
.LBB2_12:
0x30b: {  	v2 =	vadd.s32 s0, v44;
	_ =	sdelay $0x4  }
0x30c: {  	v2 =	vld.idx.msk [tilespmem:v2+s22+$0x0], $0xffff;
	_ =	sdelay $0x3  }
0x30d: {  	s3 =	sadd.s32 $0x12D, s0  }
0x30e: {  	v1 =	vadd.s32 s3, v0;
	v26 =	vshrl.u32 v2, $0xA;
	v2 =	vand.u32 $0x3FF, v2  }
0x30f: {  	v25 =	vadd.s32 v31, v2  }
0x310: {  	v27 =	vadd.s32 v4, v26  }
0x311: {  	v28 =	vadd.s32 v4, v2  }
0x312: {  	v56 =	vadd.s32 v31, v26;
	v31 =	vadd.s32 v6, v26  }
0x313: {  	v1 =	vld.idx.msk [tilespmem:v1+s26+$0x0], $0xffff;
	v32 =	vadd.s32 v6, v2  }
0x314: {  	v33 =	vadd.s32 v7, v26;
	v25 =	vld.idx.msk [tilespmem:v25+s26+$0x0], $0xffff  }
0x315: {  	v34 =	vadd.s32 v7, v2;
	v27 =	vld.idx.msk [tilespmem:v27+s26+$0x0], $0xffff  }
0x316: {  	v35 =	vadd.s32 v8, v26;
	v28 =	vld.idx.msk [tilespmem:v28+s26+$0x0], $0xffff  }
0x317: {  	v36 =	vadd.s32 v8, v2;
	v31 =	vld.idx.msk [tilespmem:v31+s26+$0x0], $0xffff  }
0x318: {  	v37 =	vadd.s32 v9, v26;
	v32 =	vld.idx.msk [tilespmem:v32+s26+$0x0], $0xffff  }
0x319: {  	v38 =	vadd.s32 v9, v2;
	v33 =	vld.idx.msk [tilespmem:v33+s26+$0x0], $0xffff  }
0x31a: {  	v39 =	vadd.s32 v10, v26;
	v34 =	vld.idx.msk [tilespmem:v34+s26+$0x0], $0xffff  }
0x31b: {  	v40 =	vadd.s32 v10, v2;
	v35 =	vld.idx.msk [tilespmem:v35+s26+$0x0], $0xffff  }
0x31c: {  	v41 =	vadd.s32 v11, v26;
	v36 =	vld.idx.msk [tilespmem:v36+s26+$0x0], $0xffff  }
0x31d: {  	v42 =	vadd.s32 v11, v2;
	v37 =	vld.idx.msk [tilespmem:v37+s26+$0x0], $0xffff  }
0x31e: {  	v43 =	vadd.s32 v12, v26;
	v38 =	vld.idx.msk [tilespmem:v38+s26+$0x0], $0xffff  }
0x31f: {  	v1 =	vtrunc.f32 v1;
	v51 =	vadd.s32 v12, v2;
	v39 =	vld.idx.msk [tilespmem:v39+s26+$0x0], $0xffff  }
0x320: {  	v52 =	vadd.s32 v13, v26;
	v1 =	vcvt.f32.s32 v1;
	v40 =	vld.idx.msk [tilespmem:v40+s26+$0x0], $0xffff  }
0x321: {  	v53 =	vadd.s32 v13, v2;
	v41 =	vld.idx.msk [tilespmem:v41+s26+$0x0], $0xffff  }
0x322: {  	v54 =	vadd.s32 v14, v26;
	v1 =	vmul.u32 $0x9, v1;
	v42 =	vld.idx.msk [tilespmem:v42+s26+$0x0], $0xffff  }
0x323: {  	v43 =	vld.idx.msk [tilespmem:v43+s26+$0x0], $0xffff  }
0x324: {  	v3 =	vadd.s32 $0x1, v1;
	v51 =	vld.idx.msk [tilespmem:v51+s26+$0x0], $0xffff  }
0x325: {  	v21 =	vadd.s32 $0x2, v1;
	v52 =	vld.idx.msk [tilespmem:v52+s26+$0x0], $0xffff  }
0x326: {  	v22 =	vadd.s32 $0x3, v1;
	v53 =	vld.idx.msk [tilespmem:v53+s26+$0x0], $0xffff  }
0x327: {  	v23 =	vadd.s32 $0x4, v1;
	v59 =	vld.idx.msk [tilespmem:v54+s26+$0x0], $0xffff  }
0x328: {  	v24 =	vadd.s32 $0x5, v1;
	v49 =	vld.idx.msk [tilespmem:v1+s24+$0x0], $0xffff  }
0x329: {  	v50 =	vld.idx.msk [tilespmem:v3+s24+$0x0], $0xffff  }
0x32a: {  	v3 =	vadd.s32 v29, v26;
	v48 =	vld.idx.msk [tilespmem:v21+s24+$0x0], $0xffff  }
0x32b: {  	v47 =	vld.idx.msk [tilespmem:v22+s24+$0x0], $0xffff;
	v22 =	vadd.s32 v30, v26  }
0x32c: {  	v21 =	vadd.s32 v29, v2;
	v46 =	vld.idx.msk [tilespmem:v23+s24+$0x0], $0xffff;
	v29 =	vadd.s32 v5, v26  }
0x32d: {  	v23 =	vadd.s32 v30, v2;
	v45 =	vld.idx.msk [tilespmem:v24+s24+$0x0], $0xffff;
	v30 =	vadd.s32 v5, v2  }
0x32e: {  	v24 =	vld.idx.msk [tilespmem:v56+s26+$0x0], $0xffff  }
0x32f: {  	v3 =	vld.idx.msk [tilespmem:v3+s26+$0x0], $0xffff  }
0x330: {  	v60 =	vadd.s32 v17, v2;
	v22 =	vld.idx.msk [tilespmem:v22+s26+$0x0], $0xffff  }
0x331: {  	v57 =	vadd.s32 v15, v2;
	v29 =	vld.idx.msk [tilespmem:v29+s26+$0x0], $0xffff  }
0x332: {  	v55 =	vadd.s32 v14, v2;
	v30 =	vld.idx.msk [tilespmem:v30+s26+$0x0], $0xffff  }
0x333: {  	v56 =	vadd.s32 v15, v26;
	v27 =	vadd.f32 v28, v27;
	v31 =	vadd.f32 v32, v31;
	v23 =	vld.idx.msk [tilespmem:v23+s26+$0x0], $0xffff  }
0x334: {  	v58 =	vadd.s32 v17, v26;
	v32 =	vadd.f32 v34, v33;
	v62 =	vadd.f32 v42, v41;
	v21 =	vld.idx.msk [tilespmem:v21+s26+$0x0], $0xffff  }
0x335: {  	v34 =	vadd.s32 v18, v2;
	v63 =	vadd.f32 v51, v43;
	v51 =	vld.idx.msk [tilespmem:v60+s26+$0x0], $0xffff;
	v24 =	vadd.f32 v25, v24  }
0x336: {  	v54 =	vadd.f32 v53, v52;
	v25 =	vadd.f32 v36, v35;
	v35 =	vld.idx.msk [tilespmem:v57+s26+$0x0], $0xffff;
	v57 =	vadd.s32 v19, v26  }
0x337: {  	v61 =	vmul.f32 v24, v48;
	v28 =	vadd.f32 v30, v29;
	v29 =	vld.idx.msk [tilespmem:v55+s26+$0x0], $0xffff;
	v30 =	vadd.s32 v18, v26  }
0x338: {  	v33 =	vld.idx.msk [tilespmem:v56+s26+$0x0], $0xffff;
	v23 =	vadd.f32 v23, v22;
	v22 =	vadd.f32 v38, v37;
	v38 =	vadd.s32 v19, v2  }
0x339: {  	v3 =	vadd.f32 v21, v3;
	v21 =	vadd.f32 v40, v39;
	v37 =	vld.idx.msk [tilespmem:v58+s26+$0x0], $0xffff;
	v40 =	vadd.s32 v20, v26  }
0x33a: {  	v41 =	vadd.s32 v20, v2;
	v34 =	vld.idx.msk [tilespmem:v34+s26+$0x0], $0xffff;
	v56 =	vmul.f32 v24, v50;
	v24 =	vmul.f32 v24, v49  }
0x33b: {  	v26 =	vadd.s32 v0, v26;
	v36 =	vld.idx.msk [tilespmem:v57+s26+$0x0], $0xffff;
	v3 =	vmul.f32 v3, v49;
	v60 =	vmul.f32 v23, v50  }
0x33c: {  	v43 =	vmul.f32 v25, v50;
	v30 =	vld.idx.msk [tilespmem:v30+s26+$0x0], $0xffff;
	v55 =	vadd.f32 v29, v59;
	v29 =	vadd.s32 $0x6, v1  }
0x33d: {  	v2 =	vadd.s32 v0, v2;
	v58 =	vadd.f32 v35, v33;
	v3 =	vadd.f32 v60, v3;
	v33 =	vld.idx.msk [tilespmem:v38+s26+$0x0], $0xffff  }
0x33e: {  	v39 =	vadd.s32 $0x7, v1;
	v23 =	vmul.f32 v23, v49;
	v52 =	vadd.f32 v51, v37;
	v37 =	vld.idx.msk [tilespmem:v40+s26+$0x0], $0xffff  }
0x33f: {  	v57 =	vmul.f32 v27, v47;
	v35 =	vmul.f32 v31, v47;
	v40 =	vld.idx.msk [tilespmem:v41+s26+$0x0], $0xffff;
	v3 =	vadd.f32 v61, v3  }
0x340: {  	v23 =	vadd.f32 v56, v23;
	v59 =	vmul.f32 v27, v48;
	v1 =	vadd.s32 $0x8, v1;
	v26 =	vld.idx.msk [tilespmem:v26+s26+$0x0], $0xffff  }
0x341: {  	v61 =	vmul.f32 v27, v50;
	v3 =	vadd.f32 v57, v3;
	v51 =	vld.idx.msk [tilespmem:v29+s24+$0x0], $0xffff;
	v29 =	vmul.f32 v28, v46  }
0x342: {  	v2 =	vld.idx.msk [tilespmem:v2+s26+$0x0], $0xffff;
	v23 =	vadd.f32 v59, v23;
	v60 =	vadd.f32 v34, v30;
	v30 =	vmul.f32 v28, v47  }
0x343: {  	v41 =	vmul.f32 v22, v46;
	v59 =	vld.idx.msk [tilespmem:v39+s24+$0x0], $0xffff;
	v24 =	vadd.f32 v61, v24;
	v3 =	vadd.f32 v29, v3  }
0x344: {  	v29 =	vmul.f32 v31, v45;
	v23 =	vadd.f32 v30, v23;
	v30 =	vmul.f32 v31, v46  }
0x345: {  	v56 =	vadd.f32 v33, v36;
	v53 =	vadd.f32 v40, v37;
	v57 =	vld.idx.msk [tilespmem:v1+s24+$0x0], $0xffff;
	v37 =	vmul.f32 v32, v46  }
0x346: {  	v3 =	vadd.f32 v29, v3;
	v23 =	vadd.f32 v30, v23;
	v29 =	vmul.f32 v32, v45  }
0x347: {  	v61 =	vadd.f32 v2, v26;
	v30 =	vmul.f32 v28, v48;
	v1 =	vmul.f32 v32, v51  }
0x348: {  	v36 =	vmul.f32 v25, v59;
	v39 =	vmul.f32 v21, v59;
	v2 =	vadd.f32 v29, v23  }
0x349: {  	v23 =	vmul.f32 v25, v51;
	v1 =	vadd.f32 v1, v3;
	v3 =	vadd.f32 v30, v24  }
0x34a: {  	v38 =	vmul.f32 v22, v57;
	v40 =	vmul.f32 v21, v51  }
0x34b: {  	v2 =	vadd.f32 v23, v2;
	v23 =	vmul.f32 v22, v59;
	v3 =	vadd.f32 v35, v3  }
0x34c: {  	v42 =	vmul.f32 v63, v57;
	v30 =	vmul.f32 v25, v45;
	v1 =	vadd.f32 v36, v1  }
0x34d: {  	v2 =	vadd.f32 v23, v2;
	v23 =	vmul.f32 v21, v57;
	v3 =	vadd.f32 v37, v3  }
0x34e: {  	v24 =	vadd.f32 v38, v1;
	v1 =	vmul.f32 v27, v49;
	v27 =	vmul.f32 v28, v50  }
0x34f: {  	v29 =	vadd.s32 $0x7F80, v16;
	v23 =	vadd.f32 v23, v2;
	v2 =	vadd.f32 v30, v3  }
0x350: {  	v3 =	vmul.f32 v22, v51;
	v1 =	vadd.f32 v27, v1;
	v27 =	vmul.f32 v31, v48  }
0x351: {  	v26 =	vadd.s32 s31, v29;
	v28 =	vmul.f32 v28, v49;
	v30 =	vmul.f32 v31, v50  }
0x352: {  	v2 =	vadd.f32 v3, v2;
	v1 =	vadd.f32 v27, v1;
	v3 =	vmul.f32 v32, v47  }
0x353: {  	v29 =	vadd.s32 $0x7F81, v16;
	v28 =	vadd.f32 v30, v28;
	v30 =	vmul.f32 v32, v48  }
0x354: {  	v36 =	vmul.f32 v22, v48;
	v1 =	vadd.f32 v3, v1;
	v3 =	vmul.f32 v25, v46  }
0x355: {  	v27 =	vadd.s32 s31, v29;
	v29 =	vmul.f32 v25, v47;
	v28 =	vadd.f32 v30, v28  }
0x356: {  	v37 =	vmul.f32 v54, v57;
	v1 =	vadd.f32 v3, v1;
	v3 =	vmul.f32 v22, v45  }
0x357: {  	v2 =	vadd.f32 v39, v2;
	v30 =	vmul.f32 v62, v57;
	v29 =	vadd.f32 v29, v28  }
0x358: {  	v1 =	vadd.f32 v3, v1;
	v3 =	vmul.f32 v31, v49;
	v31 =	vmul.f32 v32, v50  }
0x359: {  	v28 =	vadd.f32 v30, v2;
	v2 =	vadd.f32 v41, v29;
	v29 =	vmul.f32 v21, v45  }
0x35a: {  	v38 =	vmul.f32 v54, v59;
	v30 =	vmul.f32 v25, v48;
	v3 =	vadd.f32 v31, v3  }
0x35b: {  	v39 =	vmul.f32 v54, v51;
	v25 =	vmul.f32 v25, v49;
	v2 =	vadd.f32 v29, v2  }
0x35c: {  	v29 =	vmul.f32 v62, v51;
	v3 =	vadd.f32 v30, v3;
	v30 =	vmul.f32 v22, v47  }
0x35d: {  	v41 =	vmul.f32 v55, v59;
	v1 =	vadd.f32 v40, v1;
	v31 =	vmul.f32 v62, v59  }
0x35e: {  	v2 =	vadd.f32 v29, v2;
	v29 =	vmul.f32 v21, v46;
	v3 =	vadd.f32 v30, v3  }
0x35f: {  	v40 =	vmul.f32 v55, v57;
	v1 =	vadd.f32 v31, v1;
	v31 =	vmul.f32 v32, v49  }
0x360: {  	v30 =	vmul.f32 v63, v59;
	v3 =	vadd.f32 v29, v3;
	v29 =	vmul.f32 v62, v45  }
0x361: {  	v31 =	vadd.f32 v43, v31;
	v1 =	vadd.f32 v42, v1;
	v42 =	vmul.f32 v55, v51  }
0x362: {  	v43 =	vmul.f32 v58, v57;
	v3 =	vadd.f32 v29, v3;
	v29 =	vmul.f32 v63, v51  }
0x363: {  	v2 =	vadd.f32 v30, v2;
	v30 =	vadd.f32 v36, v31;
	v31 =	vmul.f32 v21, v47  }
0x364: {  	v36 =	vmul.f32 v58, v59;
	v3 =	vadd.f32 v29, v3;
	v29 =	vmul.f32 v22, v50  }
0x365: {  	v30 =	vadd.f32 v31, v30;
	v31 =	vmul.f32 v62, v46;
	v2 =	vadd.f32 v37, v2  }
0x366: {  	v37 =	vmul.f32 v52, v57;
	v25 =	vadd.f32 v29, v25;
	v29 =	vmul.f32 v21, v48  }
0x367: {  	v30 =	vadd.f32 v31, v30;
	v31 =	vmul.f32 v63, v45;
	v22 =	vmul.f32 v22, v49  }
0x368: {  	v3 =	vadd.f32 v38, v3;
	v25 =	vadd.f32 v29, v25;
	v29 =	vmul.f32 v62, v47  }
0x369: {  	v30 =	vadd.f32 v31, v30;
	v31 =	vmul.f32 v21, v50;
	v21 =	vmul.f32 v21, v49  }
0x36a: {  	v38 =	vadd.s32 $0x7F82, v16;
	v25 =	vadd.f32 v29, v25;
	v29 =	vmul.f32 v63, v46  }
0x36b: {  	v33 =	vadd.s32 s31, v38;
	v22 =	vadd.f32 v31, v22;
	v31 =	vmul.f32 v62, v48  }
0x36c: {  	v30 =	vadd.f32 v39, v30;
	v25 =	vadd.f32 v29, v25;
	v29 =	vmul.f32 v54, v45  }
0x36d: {  	[tilespmem:v26+s28+$0x0] =	vst.idx.msk $0xffff, v24;
	v3 =	vadd.f32 v40, v3;
	v39 =	vadd.s32 $0x7F83, v16;
	v40 =	vmul.f32 v63, v50  }
0x36e: {  	[tilespmem:v27+s28+$0x0] =	vst.idx.msk $0xffff, v23;
	v32 =	vadd.s32 s31, v39;
	v25 =	vadd.f32 v29, v25;
	v29 =	vmul.f32 v62, v50  }
0x36f: {  	v22 =	vadd.f32 v31, v22;
	v31 =	vmul.f32 v63, v47;
	v30 =	vadd.f32 v41, v30  }
0x370: {  	v41 =	vmul.f32 v63, v49;
	v21 =	vadd.f32 v29, v21;
	v29 =	vmul.f32 v63, v48  }
0x371: {  	v22 =	vadd.f32 v31, v22;
	v31 =	vmul.f32 v54, v46;
	v30 =	vadd.f32 v43, v30  }
0x372: {  	v43 =	vmul.f32 v54, v50;
	v21 =	vadd.f32 v29, v21;
	v29 =	vmul.f32 v54, v47  }
0x373: {  	[tilespmem:v33+s28+$0x0] =	vst.idx.msk $0xffff, v28;
	v28 =	vadd.s32 $0x7F89, v16;
	v22 =	vadd.f32 v31, v22;
	v31 =	vmul.f32 v55, v45  }
0x374: {  	v35 =	vadd.f32 v43, v41;
	v21 =	vadd.f32 v29, v21;
	v29 =	vmul.f32 v55, v46  }
0x375: {  	v50 =	vadd.s32 $0x7F87, v16;
	v43 =	vmul.f32 v60, v59;
	[tilespmem:v32+s28+$0x0] =	vst.idx.msk $0xffff, v1;
	v1 =	vadd.s32 s31, v28  }
0x376: {  	v28 =	vmul.f32 v56, v51;
	v21 =	vadd.f32 v29, v21;
	v29 =	vmul.f32 v58, v45  }
0x377: {  	v25 =	vadd.f32 v42, v25;
	v22 =	vadd.f32 v31, v22;
	v31 =	vmul.f32 v58, v51  }
0x378: {  	v42 =	vadd.s32 $0x7F85, v16;
	v21 =	vadd.f32 v29, v21;
	v29 =	vmul.f32 v52, v51  }
0x379: {  	v22 =	vadd.f32 v31, v22;
	v31 =	vmul.f32 v52, v59;
	v25 =	vadd.f32 v36, v25  }
0x37a: {  	v36 =	vadd.s32 s31, v42;
	v21 =	vadd.f32 v29, v21;
	v29 =	vmul.f32 v62, v49  }
0x37b: {  	v42 =	vadd.s32 $0x7F88, v16;
	v22 =	vadd.f32 v31, v22;
	v31 =	vmul.f32 v60, v57  }
0x37c: {  	v54 =	vmul.f32 v54, v48;
	v23 =	vadd.s32 s31, v42;
	v29 =	vadd.f32 v40, v29  }
0x37d: {  	v22 =	vadd.f32 v31, v22;
	v31 =	vadd.s32 $0x7F84, v16;
	v62 =	vmul.f32 v55, v48  }
0x37e: {  	v31 =	vadd.s32 s31, v31;
	v63 =	vadd.f32 v54, v29;
	v29 =	vmul.f32 v55, v47  }
0x37f: {  	v49 =	vadd.s32 $0x7F86, v16;
	v48 =	vmul.f32 v58, v47;
	v35 =	vadd.f32 v62, v35  }
0x380: {  	v34 =	vadd.s32 s31, v49;
	v49 =	vmul.f32 v58, v46;
	v24 =	vadd.f32 v29, v63  }
0x381: {  	v25 =	vadd.f32 v37, v25;
	v27 =	vadd.f32 v48, v35;
	v29 =	vmul.f32 v52, v46  }
0x382: {  	v37 =	vadd.s32 s31, v50;
	v54 =	vmul.f32 v52, v45;
	v24 =	vadd.f32 v49, v24  }
0x383: {  	v50 =	vmul.f32 v56, v57;
	v27 =	vadd.f32 v29, v27;
	v29 =	vmul.f32 v60, v45  }
0x384: {  	v58 =	vmul.f32 v56, v59;
	v55 =	vmul.f32 v60, v51;
	v24 =	vadd.f32 v54, v24  }
0x385: {  	v21 =	vadd.f32 v43, v21;
	[tilespmem:v31+s28+$0x0] =	vst.idx.msk $0xffff, v2;
	v2 =	vadd.s32 $0x7F8A, v16;
	v27 =	vadd.f32 v29, v27  }
0x386: {  	v62 =	vmul.f32 v53, v57;
	[tilespmem:v36+s28+$0x0] =	vst.idx.msk $0xffff, v3;
	v2 =	vadd.s32 s31, v2;
	v3 =	vadd.f32 v55, v24  }
0x387: {  	v60 =	vadd.f32 v28, v27;
	v27 =	vmul.f32 v53, v59;
	v28 =	vadd.s32 $0x7F8B, v16  }
0x388: {  	p0 =	sne.s32 s0, $0x21;
	v21 =	vadd.f32 v50, v21;
	[tilespmem:v34+s28+$0x0] =	vst.idx.msk $0xffff, v30;
	v63 =	vadd.s32 s31, v28;
	v3 =	vadd.f32 v58, v3  }
.Ltmp5:
0x389: {  	[tilespmem:v37+s28+$0x0] =	vst.idx.msk $0xffff, v25;
	v26 =	vadd.f32 v27, v60;
	v27 =	vmul.f32 v61, v57;
	(pc) =	sbr.rel @p0 .LBB2_12-.Ltmp5, $4  }
0x38a: {  	[tilespmem:v23+s28+$0x0] =	vst.idx.msk $0xffff, v22;
	v3 =	vadd.f32 v62, v3  }
0x38b: {  	v31 =	vld [tilespmem:$0x1FFF0];
	[tilespmem:v1+s28+$0x0] =	vst.idx.msk $0xffff, v21;
	v1 =	vadd.f32 v27, v26  }
0x38c: {  	v30 =	vld [tilespmem:$0x1FFE0];
	[tilespmem:v2+s28+$0x0] =	vst.idx.msk $0xffff, v3  }
0x38d: {  	s0 =	sadd.s32 $0x1, s0;
	v29 =	vld [tilespmem:$0x1FFD0];
	s31 =	sadd.s32 $0xC, s31;
	[tilespmem:v63+s28+$0x0] =	vst.idx.msk $0xffff, v1  }
0x38e: {  	s31 =	simm.s32 $0x0;
	s0 =	simm.s32 $0xA980  }
0x38f: {  	[hbm4b:s17+s31] =	stream.linear.scatter [tilespmem:s0], [sflag:$0x3], $0x1980, $0x38;
	[tilespmem:$0xF980] =	vst v63  }
0x390: {  	_ =	swait.ge [sflag:s25], $0x14F0  }
0x391: {  	[sflag:s25] =	ssyncset.done $0x0  }
0x392: {  	[sflag:s25] =	ssyncadd.s32 $0xFFFFEB10  }
0x393: {  	[tilespmem:s26], [sflag:$0x2] =	stream.linear.gather [hbm4b:s18+s31], $0x14F0, $0x38;
	[tilespmem:$0xF980] =	vst v63  }
0x394: {  	v1 =	vld.idx.msk [tilespmem:v0+s31+$0x0], $0xffff;
	_ =	sdelay $0x4  }
0x395: {  	v1 =	vtrunc.f32 v1  }
0x396: {  	v1 =	vcvt.f32.s32 v1;
	_ =	sdelay $0x1  }
0x397: {  	v44 =	vmul.u32 $0x22, v1  }
0x398: {  	s0 =	simm.s32 $0x0  }
.LBB2_14:
0x399: {  	v2 =	vadd.s32 s0, v44;
	_ =	sdelay $0x4  }
0x39a: {  	v2 =	vld.idx.msk [tilespmem:v2+s22+$0x0], $0xffff;
	_ =	sdelay $0x3  }
0x39b: {  	s3 =	sadd.s32 $0x12D, s0  }
0x39c: {  	v1 =	vadd.s32 s3, v0;
	v26 =	vshrl.u32 v2, $0xA;
	v2 =	vand.u32 $0x3FF, v2  }
0x39d: {  	v25 =	vadd.s32 v31, v2  }
0x39e: {  	v27 =	vadd.s32 v4, v26  }
0x39f: {  	v28 =	vadd.s32 v4, v2  }
0x3a0: {  	v56 =	vadd.s32 v31, v26;
	v31 =	vadd.s32 v6, v26  }
0x3a1: {  	v1 =	vld.idx.msk [tilespmem:v1+s2+$0x0], $0xffff;
	v32 =	vadd.s32 v6, v2  }
0x3a2: {  	v33 =	vadd.s32 v7, v26;
	v25 =	vld.idx.msk [tilespmem:v25+s2+$0x0], $0xffff  }
0x3a3: {  	v34 =	vadd.s32 v7, v2;
	v27 =	vld.idx.msk [tilespmem:v27+s2+$0x0], $0xffff  }
0x3a4: {  	v35 =	vadd.s32 v8, v26;
	v28 =	vld.idx.msk [tilespmem:v28+s2+$0x0], $0xffff  }
0x3a5: {  	v36 =	vadd.s32 v8, v2;
	v31 =	vld.idx.msk [tilespmem:v31+s2+$0x0], $0xffff  }
0x3a6: {  	v37 =	vadd.s32 v9, v26;
	v32 =	vld.idx.msk [tilespmem:v32+s2+$0x0], $0xffff  }
0x3a7: {  	v38 =	vadd.s32 v9, v2;
	v33 =	vld.idx.msk [tilespmem:v33+s2+$0x0], $0xffff  }
0x3a8: {  	v39 =	vadd.s32 v10, v26;
	v34 =	vld.idx.msk [tilespmem:v34+s2+$0x0], $0xffff  }
0x3a9: {  	v40 =	vadd.s32 v10, v2;
	v35 =	vld.idx.msk [tilespmem:v35+s2+$0x0], $0xffff  }
0x3aa: {  	v41 =	vadd.s32 v11, v26;
	v36 =	vld.idx.msk [tilespmem:v36+s2+$0x0], $0xffff  }
0x3ab: {  	v42 =	vadd.s32 v11, v2;
	v37 =	vld.idx.msk [tilespmem:v37+s2+$0x0], $0xffff  }
0x3ac: {  	v43 =	vadd.s32 v12, v26;
	v38 =	vld.idx.msk [tilespmem:v38+s2+$0x0], $0xffff  }
0x3ad: {  	v1 =	vtrunc.f32 v1;
	v51 =	vadd.s32 v12, v2;
	v39 =	vld.idx.msk [tilespmem:v39+s2+$0x0], $0xffff  }
0x3ae: {  	v52 =	vadd.s32 v13, v26;
	v1 =	vcvt.f32.s32 v1;
	v40 =	vld.idx.msk [tilespmem:v40+s2+$0x0], $0xffff  }
0x3af: {  	v53 =	vadd.s32 v13, v2;
	v41 =	vld.idx.msk [tilespmem:v41+s2+$0x0], $0xffff  }
0x3b0: {  	v54 =	vadd.s32 v14, v26;
	v1 =	vmul.u32 $0x9, v1;
	v42 =	vld.idx.msk [tilespmem:v42+s2+$0x0], $0xffff  }
0x3b1: {  	v43 =	vld.idx.msk [tilespmem:v43+s2+$0x0], $0xffff  }
0x3b2: {  	v3 =	vadd.s32 $0x1, v1;
	v51 =	vld.idx.msk [tilespmem:v51+s2+$0x0], $0xffff  }
0x3b3: {  	v21 =	vadd.s32 $0x2, v1;
	v52 =	vld.idx.msk [tilespmem:v52+s2+$0x0], $0xffff  }
0x3b4: {  	v22 =	vadd.s32 $0x3, v1;
	v53 =	vld.idx.msk [tilespmem:v53+s2+$0x0], $0xffff  }
0x3b5: {  	v23 =	vadd.s32 $0x4, v1;
	v59 =	vld.idx.msk [tilespmem:v54+s2+$0x0], $0xffff  }
0x3b6: {  	v24 =	vadd.s32 $0x5, v1;
	v49 =	vld.idx.msk [tilespmem:v1+s24+$0x0], $0xffff  }
0x3b7: {  	v50 =	vld.idx.msk [tilespmem:v3+s24+$0x0], $0xffff  }
0x3b8: {  	v3 =	vadd.s32 v29, v26;
	v48 =	vld.idx.msk [tilespmem:v21+s24+$0x0], $0xffff  }
0x3b9: {  	v47 =	vld.idx.msk [tilespmem:v22+s24+$0x0], $0xffff;
	v22 =	vadd.s32 v30, v26  }
0x3ba: {  	v21 =	vadd.s32 v29, v2;
	v46 =	vld.idx.msk [tilespmem:v23+s24+$0x0], $0xffff;
	v29 =	vadd.s32 v5, v26  }
0x3bb: {  	v23 =	vadd.s32 v30, v2;
	v45 =	vld.idx.msk [tilespmem:v24+s24+$0x0], $0xffff;
	v30 =	vadd.s32 v5, v2  }
0x3bc: {  	v24 =	vld.idx.msk [tilespmem:v56+s2+$0x0], $0xffff  }
0x3bd: {  	v3 =	vld.idx.msk [tilespmem:v3+s2+$0x0], $0xffff  }
0x3be: {  	v60 =	vadd.s32 v17, v2;
	v22 =	vld.idx.msk [tilespmem:v22+s2+$0x0], $0xffff  }
0x3bf: {  	v57 =	vadd.s32 v15, v2;
	v29 =	vld.idx.msk [tilespmem:v29+s2+$0x0], $0xffff  }
0x3c0: {  	v55 =	vadd.s32 v14, v2;
	v30 =	vld.idx.msk [tilespmem:v30+s2+$0x0], $0xffff  }
0x3c1: {  	v56 =	vadd.s32 v15, v26;
	v27 =	vadd.f32 v28, v27;
	v31 =	vadd.f32 v32, v31;
	v23 =	vld.idx.msk [tilespmem:v23+s2+$0x0], $0xffff  }
0x3c2: {  	v58 =	vadd.s32 v17, v26;
	v32 =	vadd.f32 v34, v33;
	v62 =	vadd.f32 v42, v41;
	v21 =	vld.idx.msk [tilespmem:v21+s2+$0x0], $0xffff  }
0x3c3: {  	v34 =	vadd.s32 v18, v2;
	v63 =	vadd.f32 v51, v43;
	v51 =	vld.idx.msk [tilespmem:v60+s2+$0x0], $0xffff;
	v24 =	vadd.f32 v25, v24  }
0x3c4: {  	v54 =	vadd.f32 v53, v52;
	v25 =	vadd.f32 v36, v35;
	v35 =	vld.idx.msk [tilespmem:v57+s2+$0x0], $0xffff;
	v57 =	vadd.s32 v19, v26  }
0x3c5: {  	v61 =	vmul.f32 v24, v48;
	v28 =	vadd.f32 v30, v29;
	v29 =	vld.idx.msk [tilespmem:v55+s2+$0x0], $0xffff;
	v30 =	vadd.s32 v18, v26  }
0x3c6: {  	v33 =	vld.idx.msk [tilespmem:v56+s2+$0x0], $0xffff;
	v23 =	vadd.f32 v23, v22;
	v22 =	vadd.f32 v38, v37;
	v38 =	vadd.s32 v19, v2  }
0x3c7: {  	v3 =	vadd.f32 v21, v3;
	v21 =	vadd.f32 v40, v39;
	v37 =	vld.idx.msk [tilespmem:v58+s2+$0x0], $0xffff;
	v40 =	vadd.s32 v20, v26  }
0x3c8: {  	v41 =	vadd.s32 v20, v2;
	v34 =	vld.idx.msk [tilespmem:v34+s2+$0x0], $0xffff;
	v56 =	vmul.f32 v24, v50;
	v24 =	vmul.f32 v24, v49  }
0x3c9: {  	v26 =	vadd.s32 v0, v26;
	v36 =	vld.idx.msk [tilespmem:v57+s2+$0x0], $0xffff;
	v3 =	vmul.f32 v3, v49;
	v60 =	vmul.f32 v23, v50  }
0x3ca: {  	v43 =	vmul.f32 v25, v50;
	v30 =	vld.idx.msk [tilespmem:v30+s2+$0x0], $0xffff;
	v55 =	vadd.f32 v29, v59;
	v29 =	vadd.s32 $0x6, v1  }
0x3cb: {  	v2 =	vadd.s32 v0, v2;
	v58 =	vadd.f32 v35, v33;
	v3 =	vadd.f32 v60, v3;
	v33 =	vld.idx.msk [tilespmem:v38+s2+$0x0], $0xffff  }
0x3cc: {  	v39 =	vadd.s32 $0x7, v1;
	v23 =	vmul.f32 v23, v49;
	v52 =	vadd.f32 v51, v37;
	v37 =	vld.idx.msk [tilespmem:v40+s2+$0x0], $0xffff  }
0x3cd: {  	v57 =	vmul.f32 v27, v47;
	v35 =	vmul.f32 v31, v47;
	v40 =	vld.idx.msk [tilespmem:v41+s2+$0x0], $0xffff;
	v3 =	vadd.f32 v61, v3  }
0x3ce: {  	v23 =	vadd.f32 v56, v23;
	v59 =	vmul.f32 v27, v48;
	v1 =	vadd.s32 $0x8, v1;
	v26 =	vld.idx.msk [tilespmem:v26+s2+$0x0], $0xffff  }
0x3cf: {  	v61 =	vmul.f32 v27, v50;
	v3 =	vadd.f32 v57, v3;
	v51 =	vld.idx.msk [tilespmem:v29+s24+$0x0], $0xffff;
	v29 =	vmul.f32 v28, v46  }
0x3d0: {  	v2 =	vld.idx.msk [tilespmem:v2+s2+$0x0], $0xffff;
	v23 =	vadd.f32 v59, v23;
	v60 =	vadd.f32 v34, v30;
	v30 =	vmul.f32 v28, v47  }
0x3d1: {  	v41 =	vmul.f32 v22, v46;
	v59 =	vld.idx.msk [tilespmem:v39+s24+$0x0], $0xffff;
	v24 =	vadd.f32 v61, v24;
	v3 =	vadd.f32 v29, v3  }
0x3d2: {  	v29 =	vmul.f32 v31, v45;
	v23 =	vadd.f32 v30, v23;
	v30 =	vmul.f32 v31, v46  }
0x3d3: {  	v56 =	vadd.f32 v33, v36;
	v53 =	vadd.f32 v40, v37;
	v57 =	vld.idx.msk [tilespmem:v1+s24+$0x0], $0xffff;
	v37 =	vmul.f32 v32, v46  }
0x3d4: {  	v3 =	vadd.f32 v29, v3;
	v23 =	vadd.f32 v30, v23;
	v29 =	vmul.f32 v32, v45  }
0x3d5: {  	v61 =	vadd.f32 v2, v26;
	v30 =	vmul.f32 v28, v48;
	v1 =	vmul.f32 v32, v51  }
0x3d6: {  	v36 =	vmul.f32 v25, v59;
	v39 =	vmul.f32 v21, v59;
	v2 =	vadd.f32 v29, v23  }
0x3d7: {  	v23 =	vmul.f32 v25, v51;
	v1 =	vadd.f32 v1, v3;
	v3 =	vadd.f32 v30, v24  }
0x3d8: {  	v38 =	vmul.f32 v22, v57;
	v40 =	vmul.f32 v21, v51  }
0x3d9: {  	v2 =	vadd.f32 v23, v2;
	v23 =	vmul.f32 v22, v59;
	v3 =	vadd.f32 v35, v3  }
0x3da: {  	v42 =	vmul.f32 v63, v57;
	v30 =	vmul.f32 v25, v45;
	v1 =	vadd.f32 v36, v1  }
0x3db: {  	v2 =	vadd.f32 v23, v2;
	v23 =	vmul.f32 v21, v57;
	v3 =	vadd.f32 v37, v3  }
0x3dc: {  	v24 =	vadd.f32 v38, v1;
	v1 =	vmul.f32 v27, v49;
	v27 =	vmul.f32 v28, v50  }
0x3dd: {  	v29 =	vadd.s32 $0x9900, v16;
	v23 =	vadd.f32 v23, v2;
	v2 =	vadd.f32 v30, v3  }
0x3de: {  	v3 =	vmul.f32 v22, v51;
	v1 =	vadd.f32 v27, v1;
	v27 =	vmul.f32 v31, v48  }
0x3df: {  	v26 =	vadd.s32 s31, v29;
	v28 =	vmul.f32 v28, v49;
	v30 =	vmul.f32 v31, v50  }
0x3e0: {  	v2 =	vadd.f32 v3, v2;
	v1 =	vadd.f32 v27, v1;
	v3 =	vmul.f32 v32, v47  }
0x3e1: {  	v29 =	vadd.s32 $0x9901, v16;
	v28 =	vadd.f32 v30, v28;
	v30 =	vmul.f32 v32, v48  }
0x3e2: {  	v36 =	vmul.f32 v22, v48;
	v1 =	vadd.f32 v3, v1;
	v3 =	vmul.f32 v25, v46  }
0x3e3: {  	v27 =	vadd.s32 s31, v29;
	v29 =	vmul.f32 v25, v47;
	v28 =	vadd.f32 v30, v28  }
0x3e4: {  	v37 =	vmul.f32 v54, v57;
	v1 =	vadd.f32 v3, v1;
	v3 =	vmul.f32 v22, v45  }
0x3e5: {  	v2 =	vadd.f32 v39, v2;
	v30 =	vmul.f32 v62, v57;
	v29 =	vadd.f32 v29, v28  }
0x3e6: {  	v1 =	vadd.f32 v3, v1;
	v3 =	vmul.f32 v31, v49;
	v31 =	vmul.f32 v32, v50  }
0x3e7: {  	v28 =	vadd.f32 v30, v2;
	v2 =	vadd.f32 v41, v29;
	v29 =	vmul.f32 v21, v45  }
0x3e8: {  	v38 =	vmul.f32 v54, v59;
	v30 =	vmul.f32 v25, v48;
	v3 =	vadd.f32 v31, v3  }
0x3e9: {  	v39 =	vmul.f32 v54, v51;
	v25 =	vmul.f32 v25, v49;
	v2 =	vadd.f32 v29, v2  }
0x3ea: {  	v29 =	vmul.f32 v62, v51;
	v3 =	vadd.f32 v30, v3;
	v30 =	vmul.f32 v22, v47  }
0x3eb: {  	v41 =	vmul.f32 v55, v59;
	v1 =	vadd.f32 v40, v1;
	v31 =	vmul.f32 v62, v59  }
0x3ec: {  	v2 =	vadd.f32 v29, v2;
	v29 =	vmul.f32 v21, v46;
	v3 =	vadd.f32 v30, v3  }
0x3ed: {  	v40 =	vmul.f32 v55, v57;
	v1 =	vadd.f32 v31, v1;
	v31 =	vmul.f32 v32, v49  }
0x3ee: {  	v30 =	vmul.f32 v63, v59;
	v3 =	vadd.f32 v29, v3;
	v29 =	vmul.f32 v62, v45  }
0x3ef: {  	v31 =	vadd.f32 v43, v31;
	v1 =	vadd.f32 v42, v1;
	v42 =	vmul.f32 v55, v51  }
0x3f0: {  	v43 =	vmul.f32 v58, v57;
	v3 =	vadd.f32 v29, v3;
	v29 =	vmul.f32 v63, v51  }
0x3f1: {  	v2 =	vadd.f32 v30, v2;
	v30 =	vadd.f32 v36, v31;
	v31 =	vmul.f32 v21, v47  }
0x3f2: {  	v36 =	vmul.f32 v58, v59;
	v3 =	vadd.f32 v29, v3;
	v29 =	vmul.f32 v22, v50  }
0x3f3: {  	v30 =	vadd.f32 v31, v30;
	v31 =	vmul.f32 v62, v46;
	v2 =	vadd.f32 v37, v2  }
0x3f4: {  	v37 =	vmul.f32 v52, v57;
	v25 =	vadd.f32 v29, v25;
	v29 =	vmul.f32 v21, v48  }
0x3f5: {  	v30 =	vadd.f32 v31, v30;
	v31 =	vmul.f32 v63, v45;
	v22 =	vmul.f32 v22, v49  }
0x3f6: {  	v3 =	vadd.f32 v38, v3;
	v25 =	vadd.f32 v29, v25;
	v29 =	vmul.f32 v62, v47  }
0x3f7: {  	v30 =	vadd.f32 v31, v30;
	v31 =	vmul.f32 v21, v50;
	v21 =	vmul.f32 v21, v49  }
0x3f8: {  	v38 =	vadd.s32 $0x9902, v16;
	v25 =	vadd.f32 v29, v25;
	v29 =	vmul.f32 v63, v46  }
0x3f9: {  	v33 =	vadd.s32 s31, v38;
	v22 =	vadd.f32 v31, v22;
	v31 =	vmul.f32 v62, v48  }
0x3fa: {  	v30 =	vadd.f32 v39, v30;
	v25 =	vadd.f32 v29, v25;
	v29 =	vmul.f32 v54, v45  }
0x3fb: {  	[tilespmem:v26+s28+$0x0] =	vst.idx.msk $0xffff, v24;
	v3 =	vadd.f32 v40, v3;
	v39 =	vadd.s32 $0x9903, v16;
	v40 =	vmul.f32 v63, v50  }
0x3fc: {  	[tilespmem:v27+s28+$0x0] =	vst.idx.msk $0xffff, v23;
	v32 =	vadd.s32 s31, v39;
	v25 =	vadd.f32 v29, v25;
	v29 =	vmul.f32 v62, v50  }
0x3fd: {  	v22 =	vadd.f32 v31, v22;
	v31 =	vmul.f32 v63, v47;
	v30 =	vadd.f32 v41, v30  }
0x3fe: {  	v41 =	vmul.f32 v63, v49;
	v21 =	vadd.f32 v29, v21;
	v29 =	vmul.f32 v63, v48  }
0x3ff: {  	v22 =	vadd.f32 v31, v22;
	v31 =	vmul.f32 v54, v46;
	v30 =	vadd.f32 v43, v30  }
0x400: {  	v43 =	vmul.f32 v54, v50;
	v21 =	vadd.f32 v29, v21;
	v29 =	vmul.f32 v54, v47  }
0x401: {  	[tilespmem:v33+s28+$0x0] =	vst.idx.msk $0xffff, v28;
	v28 =	vadd.s32 $0x9909, v16;
	v22 =	vadd.f32 v31, v22;
	v31 =	vmul.f32 v55, v45  }
0x402: {  	v35 =	vadd.f32 v43, v41;
	v21 =	vadd.f32 v29, v21;
	v29 =	vmul.f32 v55, v46  }
0x403: {  	v50 =	vadd.s32 $0x9907, v16;
	v43 =	vmul.f32 v60, v59;
	[tilespmem:v32+s28+$0x0] =	vst.idx.msk $0xffff, v1;
	v1 =	vadd.s32 s31, v28  }
0x404: {  	v28 =	vmul.f32 v56, v51;
	v21 =	vadd.f32 v29, v21;
	v29 =	vmul.f32 v58, v45  }
0x405: {  	v25 =	vadd.f32 v42, v25;
	v22 =	vadd.f32 v31, v22;
	v31 =	vmul.f32 v58, v51  }
0x406: {  	v42 =	vadd.s32 $0x9905, v16;
	v21 =	vadd.f32 v29, v21;
	v29 =	vmul.f32 v52, v51  }
0x407: {  	v22 =	vadd.f32 v31, v22;
	v31 =	vmul.f32 v52, v59;
	v25 =	vadd.f32 v36, v25  }
0x408: {  	v36 =	vadd.s32 s31, v42;
	v21 =	vadd.f32 v29, v21;
	v29 =	vmul.f32 v62, v49  }
0x409: {  	v42 =	vadd.s32 $0x9908, v16;
	v22 =	vadd.f32 v31, v22;
	v31 =	vmul.f32 v60, v57  }
0x40a: {  	v54 =	vmul.f32 v54, v48;
	v23 =	vadd.s32 s31, v42;
	v29 =	vadd.f32 v40, v29  }
0x40b: {  	v22 =	vadd.f32 v31, v22;
	v31 =	vadd.s32 $0x9904, v16;
	v62 =	vmul.f32 v55, v48  }
0x40c: {  	v31 =	vadd.s32 s31, v31;
	v63 =	vadd.f32 v54, v29;
	v29 =	vmul.f32 v55, v47  }
0x40d: {  	v49 =	vadd.s32 $0x9906, v16;
	v48 =	vmul.f32 v58, v47;
	v35 =	vadd.f32 v62, v35  }
0x40e: {  	v34 =	vadd.s32 s31, v49;
	v49 =	vmul.f32 v58, v46;
	v24 =	vadd.f32 v29, v63  }
0x40f: {  	v25 =	vadd.f32 v37, v25;
	v27 =	vadd.f32 v48, v35;
	v29 =	vmul.f32 v52, v46  }
0x410: {  	v37 =	vadd.s32 s31, v50;
	v54 =	vmul.f32 v52, v45;
	v24 =	vadd.f32 v49, v24  }
0x411: {  	v50 =	vmul.f32 v56, v57;
	v27 =	vadd.f32 v29, v27;
	v29 =	vmul.f32 v60, v45  }
0x412: {  	v58 =	vmul.f32 v56, v59;
	v55 =	vmul.f32 v60, v51;
	v24 =	vadd.f32 v54, v24  }
0x413: {  	v21 =	vadd.f32 v43, v21;
	[tilespmem:v31+s28+$0x0] =	vst.idx.msk $0xffff, v2;
	v2 =	vadd.s32 $0x990A, v16;
	v27 =	vadd.f32 v29, v27  }
0x414: {  	v62 =	vmul.f32 v53, v57;
	[tilespmem:v36+s28+$0x0] =	vst.idx.msk $0xffff, v3;
	v2 =	vadd.s32 s31, v2;
	v3 =	vadd.f32 v55, v24  }
0x415: {  	v60 =	vadd.f32 v28, v27;
	v27 =	vmul.f32 v53, v59;
	v28 =	vadd.s32 $0x990B, v16  }
0x416: {  	p0 =	sne.s32 s0, $0x21;
	v21 =	vadd.f32 v50, v21;
	[tilespmem:v34+s28+$0x0] =	vst.idx.msk $0xffff, v30;
	v63 =	vadd.s32 s31, v28;
	v3 =	vadd.f32 v58, v3  }
.Ltmp6:
0x417: {  	[tilespmem:v37+s28+$0x0] =	vst.idx.msk $0xffff, v25;
	v26 =	vadd.f32 v27, v60;
	v27 =	vmul.f32 v61, v57;
	(pc) =	sbr.rel @p0 .LBB2_14-.Ltmp6, $4  }
0x418: {  	[tilespmem:v23+s28+$0x0] =	vst.idx.msk $0xffff, v22;
	v3 =	vadd.f32 v62, v3  }
0x419: {  	v31 =	vld [tilespmem:$0x1FFF0];
	[tilespmem:v1+s28+$0x0] =	vst.idx.msk $0xffff, v21;
	v1 =	vadd.f32 v27, v26  }
0x41a: {  	v30 =	vld [tilespmem:$0x1FFE0];
	[tilespmem:v2+s28+$0x0] =	vst.idx.msk $0xffff, v3  }
0x41b: {  	s0 =	sadd.s32 $0x1, s0;
	v29 =	vld [tilespmem:$0x1FFD0];
	s31 =	sadd.s32 $0xC, s31;
	[tilespmem:v63+s28+$0x0] =	vst.idx.msk $0xffff, v1  }
0x41c: {  	s31 =	simm.s32 $0x0;
	s0 =	simm.s32 $0xC300  }
0x41d: {  	[hbm4b:s19+s31] =	stream.linear.scatter [tilespmem:s0], [sflag:$0x3], $0x1980, $0x38;
	[tilespmem:$0xF980] =	vst v63  }
0x41e: {  	_ =	swait.ge [sflag:s29], $0x14F0  }
0x41f: {  	[sflag:s29] =	ssyncset.done $0x0  }
0x420: {  	[sflag:s29] =	ssyncadd.s32 $0xFFFFEB10  }
0x421: {  	v1 =	vld.idx.msk [tilespmem:v0+s26+$0x0], $0xffff;
	_ =	sdelay $0x4  }
0x422: {  	v1 =	vtrunc.f32 v1  }
0x423: {  	v1 =	vcvt.f32.s32 v1;
	_ =	sdelay $0x1  }
0x424: {  	v44 =	vmul.u32 $0x22, v1  }
0x425: {  	s0 =	simm.s32 $0x0  }
.LBB2_16:
0x426: {  	v2 =	vadd.s32 s0, v44;
	_ =	sdelay $0x4  }
0x427: {  	v2 =	vld.idx.msk [tilespmem:v2+s22+$0x0], $0xffff;
	_ =	sdelay $0x3  }
0x428: {  	s3 =	sadd.s32 $0x12D, s0  }
0x429: {  	v1 =	vadd.s32 s3, v0;
	v26 =	vshrl.u32 v2, $0xA;
	v2 =	vand.u32 $0x3FF, v2  }
0x42a: {  	v25 =	vadd.s32 v31, v2  }
0x42b: {  	v27 =	vadd.s32 v4, v26  }
0x42c: {  	v28 =	vadd.s32 v4, v2  }
0x42d: {  	v56 =	vadd.s32 v31, v26;
	v31 =	vadd.s32 v6, v26  }
0x42e: {  	v1 =	vld.idx.msk [tilespmem:v1+s26+$0x0], $0xffff;
	v32 =	vadd.s32 v6, v2  }
0x42f: {  	v33 =	vadd.s32 v7, v26;
	v25 =	vld.idx.msk [tilespmem:v25+s26+$0x0], $0xffff  }
0x430: {  	v34 =	vadd.s32 v7, v2;
	v27 =	vld.idx.msk [tilespmem:v27+s26+$0x0], $0xffff  }
0x431: {  	v35 =	vadd.s32 v8, v26;
	v28 =	vld.idx.msk [tilespmem:v28+s26+$0x0], $0xffff  }
0x432: {  	v36 =	vadd.s32 v8, v2;
	v31 =	vld.idx.msk [tilespmem:v31+s26+$0x0], $0xffff  }
0x433: {  	v37 =	vadd.s32 v9, v26;
	v32 =	vld.idx.msk [tilespmem:v32+s26+$0x0], $0xffff  }
0x434: {  	v38 =	vadd.s32 v9, v2;
	v33 =	vld.idx.msk [tilespmem:v33+s26+$0x0], $0xffff  }
0x435: {  	v39 =	vadd.s32 v10, v26;
	v34 =	vld.idx.msk [tilespmem:v34+s26+$0x0], $0xffff  }
0x436: {  	v40 =	vadd.s32 v10, v2;
	v35 =	vld.idx.msk [tilespmem:v35+s26+$0x0], $0xffff  }
0x437: {  	v41 =	vadd.s32 v11, v26;
	v36 =	vld.idx.msk [tilespmem:v36+s26+$0x0], $0xffff  }
0x438: {  	v42 =	vadd.s32 v11, v2;
	v37 =	vld.idx.msk [tilespmem:v37+s26+$0x0], $0xffff  }
0x439: {  	v43 =	vadd.s32 v12, v26;
	v38 =	vld.idx.msk [tilespmem:v38+s26+$0x0], $0xffff  }
0x43a: {  	v1 =	vtrunc.f32 v1;
	v51 =	vadd.s32 v12, v2;
	v39 =	vld.idx.msk [tilespmem:v39+s26+$0x0], $0xffff  }
0x43b: {  	v52 =	vadd.s32 v13, v26;
	v1 =	vcvt.f32.s32 v1;
	v40 =	vld.idx.msk [tilespmem:v40+s26+$0x0], $0xffff  }
0x43c: {  	v53 =	vadd.s32 v13, v2;
	v41 =	vld.idx.msk [tilespmem:v41+s26+$0x0], $0xffff  }
0x43d: {  	v54 =	vadd.s32 v14, v26;
	v1 =	vmul.u32 $0x9, v1;
	v42 =	vld.idx.msk [tilespmem:v42+s26+$0x0], $0xffff  }
0x43e: {  	v43 =	vld.idx.msk [tilespmem:v43+s26+$0x0], $0xffff  }
0x43f: {  	v3 =	vadd.s32 $0x1, v1;
	v51 =	vld.idx.msk [tilespmem:v51+s26+$0x0], $0xffff  }
0x440: {  	v21 =	vadd.s32 $0x2, v1;
	v52 =	vld.idx.msk [tilespmem:v52+s26+$0x0], $0xffff  }
0x441: {  	v22 =	vadd.s32 $0x3, v1;
	v53 =	vld.idx.msk [tilespmem:v53+s26+$0x0], $0xffff  }
0x442: {  	v23 =	vadd.s32 $0x4, v1;
	v59 =	vld.idx.msk [tilespmem:v54+s26+$0x0], $0xffff  }
0x443: {  	v24 =	vadd.s32 $0x5, v1;
	v49 =	vld.idx.msk [tilespmem:v1+s24+$0x0], $0xffff  }
0x444: {  	v50 =	vld.idx.msk [tilespmem:v3+s24+$0x0], $0xffff  }
0x445: {  	v3 =	vadd.s32 v29, v26;
	v48 =	vld.idx.msk [tilespmem:v21+s24+$0x0], $0xffff  }
0x446: {  	v47 =	vld.idx.msk [tilespmem:v22+s24+$0x0], $0xffff;
	v22 =	vadd.s32 v30, v26  }
0x447: {  	v21 =	vadd.s32 v29, v2;
	v46 =	vld.idx.msk [tilespmem:v23+s24+$0x0], $0xffff;
	v29 =	vadd.s32 v5, v26  }
0x448: {  	v23 =	vadd.s32 v30, v2;
	v45 =	vld.idx.msk [tilespmem:v24+s24+$0x0], $0xffff;
	v30 =	vadd.s32 v5, v2  }
0x449: {  	v24 =	vld.idx.msk [tilespmem:v56+s26+$0x0], $0xffff  }
0x44a: {  	v3 =	vld.idx.msk [tilespmem:v3+s26+$0x0], $0xffff  }
0x44b: {  	v60 =	vadd.s32 v17, v2;
	v22 =	vld.idx.msk [tilespmem:v22+s26+$0x0], $0xffff  }
0x44c: {  	v57 =	vadd.s32 v15, v2;
	v29 =	vld.idx.msk [tilespmem:v29+s26+$0x0], $0xffff  }
0x44d: {  	v55 =	vadd.s32 v14, v2;
	v30 =	vld.idx.msk [tilespmem:v30+s26+$0x0], $0xffff  }
0x44e: {  	v56 =	vadd.s32 v15, v26;
	v27 =	vadd.f32 v28, v27;
	v31 =	vadd.f32 v32, v31;
	v23 =	vld.idx.msk [tilespmem:v23+s26+$0x0], $0xffff  }
0x44f: {  	v58 =	vadd.s32 v17, v26;
	v32 =	vadd.f32 v34, v33;
	v62 =	vadd.f32 v42, v41;
	v21 =	vld.idx.msk [tilespmem:v21+s26+$0x0], $0xffff  }
0x450: {  	v34 =	vadd.s32 v18, v2;
	v63 =	vadd.f32 v51, v43;
	v51 =	vld.idx.msk [tilespmem:v60+s26+$0x0], $0xffff;
	v24 =	vadd.f32 v25, v24  }
0x451: {  	v54 =	vadd.f32 v53, v52;
	v25 =	vadd.f32 v36, v35;
	v35 =	vld.idx.msk [tilespmem:v57+s26+$0x0], $0xffff;
	v57 =	vadd.s32 v19, v26  }
0x452: {  	v61 =	vmul.f32 v24, v48;
	v28 =	vadd.f32 v30, v29;
	v29 =	vld.idx.msk [tilespmem:v55+s26+$0x0], $0xffff;
	v30 =	vadd.s32 v18, v26  }
0x453: {  	v33 =	vld.idx.msk [tilespmem:v56+s26+$0x0], $0xffff;
	v23 =	vadd.f32 v23, v22;
	v22 =	vadd.f32 v38, v37;
	v38 =	vadd.s32 v19, v2  }
0x454: {  	v3 =	vadd.f32 v21, v3;
	v21 =	vadd.f32 v40, v39;
	v37 =	vld.idx.msk [tilespmem:v58+s26+$0x0], $0xffff;
	v40 =	vadd.s32 v20, v26  }
0x455: {  	v41 =	vadd.s32 v20, v2;
	v34 =	vld.idx.msk [tilespmem:v34+s26+$0x0], $0xffff;
	v56 =	vmul.f32 v24, v50;
	v24 =	vmul.f32 v24, v49  }
0x456: {  	v26 =	vadd.s32 v0, v26;
	v36 =	vld.idx.msk [tilespmem:v57+s26+$0x0], $0xffff;
	v3 =	vmul.f32 v3, v49;
	v60 =	vmul.f32 v23, v50  }
0x457: {  	v43 =	vmul.f32 v25, v50;
	v30 =	vld.idx.msk [tilespmem:v30+s26+$0x0], $0xffff;
	v55 =	vadd.f32 v29, v59;
	v29 =	vadd.s32 $0x6, v1  }
0x458: {  	v2 =	vadd.s32 v0, v2;
	v58 =	vadd.f32 v35, v33;
	v3 =	vadd.f32 v60, v3;
	v33 =	vld.idx.msk [tilespmem:v38+s26+$0x0], $0xffff  }
0x459: {  	v39 =	vadd.s32 $0x7, v1;
	v23 =	vmul.f32 v23, v49;
	v52 =	vadd.f32 v51, v37;
	v37 =	vld.idx.msk [tilespmem:v40+s26+$0x0], $0xffff  }
0x45a: {  	v57 =	vmul.f32 v27, v47;
	v35 =	vmul.f32 v31, v47;
	v40 =	vld.idx.msk [tilespmem:v41+s26+$0x0], $0xffff;
	v3 =	vadd.f32 v61, v3  }
0x45b: {  	v23 =	vadd.f32 v56, v23;
	v59 =	vmul.f32 v27, v48;
	v1 =	vadd.s32 $0x8, v1;
	v26 =	vld.idx.msk [tilespmem:v26+s26+$0x0], $0xffff  }
0x45c: {  	v61 =	vmul.f32 v27, v50;
	v3 =	vadd.f32 v57, v3;
	v51 =	vld.idx.msk [tilespmem:v29+s24+$0x0], $0xffff;
	v29 =	vmul.f32 v28, v46  }
0x45d: {  	v2 =	vld.idx.msk [tilespmem:v2+s26+$0x0], $0xffff;
	v23 =	vadd.f32 v59, v23;
	v60 =	vadd.f32 v34, v30;
	v30 =	vmul.f32 v28, v47  }
0x45e: {  	v41 =	vmul.f32 v22, v46;
	v59 =	vld.idx.msk [tilespmem:v39+s24+$0x0], $0xffff;
	v24 =	vadd.f32 v61, v24;
	v3 =	vadd.f32 v29, v3  }
0x45f: {  	v29 =	vmul.f32 v31, v45;
	v23 =	vadd.f32 v30, v23;
	v30 =	vmul.f32 v31, v46  }
0x460: {  	v56 =	vadd.f32 v33, v36;
	v53 =	vadd.f32 v40, v37;
	v57 =	vld.idx.msk [tilespmem:v1+s24+$0x0], $0xffff;
	v37 =	vmul.f32 v32, v46  }
0x461: {  	v3 =	vadd.f32 v29, v3;
	v23 =	vadd.f32 v30, v23;
	v29 =	vmul.f32 v32, v45  }
0x462: {  	v61 =	vadd.f32 v2, v26;
	v30 =	vmul.f32 v28, v48;
	v1 =	vmul.f32 v32, v51  }
0x463: {  	v36 =	vmul.f32 v25, v59;
	v39 =	vmul.f32 v21, v59;
	v2 =	vadd.f32 v29, v23  }
0x464: {  	v23 =	vmul.f32 v25, v51;
	v1 =	vadd.f32 v1, v3;
	v3 =	vadd.f32 v30, v24  }
0x465: {  	v38 =	vmul.f32 v22, v57;
	v40 =	vmul.f32 v21, v51  }
0x466: {  	v2 =	vadd.f32 v23, v2;
	v23 =	vmul.f32 v22, v59;
	v3 =	vadd.f32 v35, v3  }
0x467: {  	v42 =	vmul.f32 v63, v57;
	v30 =	vmul.f32 v25, v45;
	v1 =	vadd.f32 v36, v1  }
0x468: {  	v2 =	vadd.f32 v23, v2;
	v23 =	vmul.f32 v21, v57;
	v3 =	vadd.f32 v37, v3  }
0x469: {  	v24 =	vadd.f32 v38, v1;
	v1 =	vmul.f32 v27, v49;
	v27 =	vmul.f32 v28, v50  }
0x46a: {  	v29 =	vadd.s32 $0xB280, v16;
	v23 =	vadd.f32 v23, v2;
	v2 =	vadd.f32 v30, v3  }
0x46b: {  	v3 =	vmul.f32 v22, v51;
	v1 =	vadd.f32 v27, v1;
	v27 =	vmul.f32 v31, v48  }
0x46c: {  	v26 =	vadd.s32 s31, v29;
	v28 =	vmul.f32 v28, v49;
	v30 =	vmul.f32 v31, v50  }
0x46d: {  	v2 =	vadd.f32 v3, v2;
	v1 =	vadd.f32 v27, v1;
	v3 =	vmul.f32 v32, v47  }
0x46e: {  	v29 =	vadd.s32 $0xB281, v16;
	v28 =	vadd.f32 v30, v28;
	v30 =	vmul.f32 v32, v48  }
0x46f: {  	v36 =	vmul.f32 v22, v48;
	v1 =	vadd.f32 v3, v1;
	v3 =	vmul.f32 v25, v46  }
0x470: {  	v27 =	vadd.s32 s31, v29;
	v29 =	vmul.f32 v25, v47;
	v28 =	vadd.f32 v30, v28  }
0x471: {  	v37 =	vmul.f32 v54, v57;
	v1 =	vadd.f32 v3, v1;
	v3 =	vmul.f32 v22, v45  }
0x472: {  	v2 =	vadd.f32 v39, v2;
	v30 =	vmul.f32 v62, v57;
	v29 =	vadd.f32 v29, v28  }
0x473: {  	v1 =	vadd.f32 v3, v1;
	v3 =	vmul.f32 v31, v49;
	v31 =	vmul.f32 v32, v50  }
0x474: {  	v28 =	vadd.f32 v30, v2;
	v2 =	vadd.f32 v41, v29;
	v29 =	vmul.f32 v21, v45  }
0x475: {  	v38 =	vmul.f32 v54, v59;
	v30 =	vmul.f32 v25, v48;
	v3 =	vadd.f32 v31, v3  }
0x476: {  	v39 =	vmul.f32 v54, v51;
	v25 =	vmul.f32 v25, v49;
	v2 =	vadd.f32 v29, v2  }
0x477: {  	v29 =	vmul.f32 v62, v51;
	v3 =	vadd.f32 v30, v3;
	v30 =	vmul.f32 v22, v47  }
0x478: {  	v41 =	vmul.f32 v55, v59;
	v1 =	vadd.f32 v40, v1;
	v31 =	vmul.f32 v62, v59  }
0x479: {  	v2 =	vadd.f32 v29, v2;
	v29 =	vmul.f32 v21, v46;
	v3 =	vadd.f32 v30, v3  }
0x47a: {  	v40 =	vmul.f32 v55, v57;
	v1 =	vadd.f32 v31, v1;
	v31 =	vmul.f32 v32, v49  }
0x47b: {  	v30 =	vmul.f32 v63, v59;
	v3 =	vadd.f32 v29, v3;
	v29 =	vmul.f32 v62, v45  }
0x47c: {  	v31 =	vadd.f32 v43, v31;
	v1 =	vadd.f32 v42, v1;
	v42 =	vmul.f32 v55, v51  }
0x47d: {  	v43 =	vmul.f32 v58, v57;
	v3 =	vadd.f32 v29, v3;
	v29 =	vmul.f32 v63, v51  }
0x47e: {  	v2 =	vadd.f32 v30, v2;
	v30 =	vadd.f32 v36, v31;
	v31 =	vmul.f32 v21, v47  }
0x47f: {  	v36 =	vmul.f32 v58, v59;
	v3 =	vadd.f32 v29, v3;
	v29 =	vmul.f32 v22, v50  }
0x480: {  	v30 =	vadd.f32 v31, v30;
	v31 =	vmul.f32 v62, v46;
	v2 =	vadd.f32 v37, v2  }
0x481: {  	v37 =	vmul.f32 v52, v57;
	v25 =	vadd.f32 v29, v25;
	v29 =	vmul.f32 v21, v48  }
0x482: {  	v30 =	vadd.f32 v31, v30;
	v31 =	vmul.f32 v63, v45;
	v22 =	vmul.f32 v22, v49  }
0x483: {  	v3 =	vadd.f32 v38, v3;
	v25 =	vadd.f32 v29, v25;
	v29 =	vmul.f32 v62, v47  }
0x484: {  	v30 =	vadd.f32 v31, v30;
	v31 =	vmul.f32 v21, v50;
	v21 =	vmul.f32 v21, v49  }
0x485: {  	v38 =	vadd.s32 $0xB282, v16;
	v25 =	vadd.f32 v29, v25;
	v29 =	vmul.f32 v63, v46  }
0x486: {  	v33 =	vadd.s32 s31, v38;
	v22 =	vadd.f32 v31, v22;
	v31 =	vmul.f32 v62, v48  }
0x487: {  	v30 =	vadd.f32 v39, v30;
	v25 =	vadd.f32 v29, v25;
	v29 =	vmul.f32 v54, v45  }
0x488: {  	[tilespmem:v26+s28+$0x0] =	vst.idx.msk $0xffff, v24;
	v3 =	vadd.f32 v40, v3;
	v39 =	vadd.s32 $0xB283, v16;
	v40 =	vmul.f32 v63, v50  }
0x489: {  	[tilespmem:v27+s28+$0x0] =	vst.idx.msk $0xffff, v23;
	v32 =	vadd.s32 s31, v39;
	v25 =	vadd.f32 v29, v25;
	v29 =	vmul.f32 v62, v50  }
0x48a: {  	v22 =	vadd.f32 v31, v22;
	v31 =	vmul.f32 v63, v47;
	v30 =	vadd.f32 v41, v30  }
0x48b: {  	v41 =	vmul.f32 v63, v49;
	v21 =	vadd.f32 v29, v21;
	v29 =	vmul.f32 v63, v48  }
0x48c: {  	v22 =	vadd.f32 v31, v22;
	v31 =	vmul.f32 v54, v46;
	v30 =	vadd.f32 v43, v30  }
0x48d: {  	v43 =	vmul.f32 v54, v50;
	v21 =	vadd.f32 v29, v21;
	v29 =	vmul.f32 v54, v47  }
0x48e: {  	[tilespmem:v33+s28+$0x0] =	vst.idx.msk $0xffff, v28;
	v28 =	vadd.s32 $0xB289, v16;
	v22 =	vadd.f32 v31, v22;
	v31 =	vmul.f32 v55, v45  }
0x48f: {  	v35 =	vadd.f32 v43, v41;
	v21 =	vadd.f32 v29, v21;
	v29 =	vmul.f32 v55, v46  }
0x490: {  	v50 =	vadd.s32 $0xB287, v16;
	v43 =	vmul.f32 v60, v59;
	[tilespmem:v32+s28+$0x0] =	vst.idx.msk $0xffff, v1;
	v1 =	vadd.s32 s31, v28  }
0x491: {  	v28 =	vmul.f32 v56, v51;
	v21 =	vadd.f32 v29, v21;
	v29 =	vmul.f32 v58, v45  }
0x492: {  	v25 =	vadd.f32 v42, v25;
	v22 =	vadd.f32 v31, v22;
	v31 =	vmul.f32 v58, v51  }
0x493: {  	v42 =	vadd.s32 $0xB285, v16;
	v21 =	vadd.f32 v29, v21;
	v29 =	vmul.f32 v52, v51  }
0x494: {  	v22 =	vadd.f32 v31, v22;
	v31 =	vmul.f32 v52, v59;
	v25 =	vadd.f32 v36, v25  }
0x495: {  	v36 =	vadd.s32 s31, v42;
	v21 =	vadd.f32 v29, v21;
	v29 =	vmul.f32 v62, v49  }
0x496: {  	v42 =	vadd.s32 $0xB288, v16;
	v22 =	vadd.f32 v31, v22;
	v31 =	vmul.f32 v60, v57  }
0x497: {  	v54 =	vmul.f32 v54, v48;
	v23 =	vadd.s32 s31, v42;
	v29 =	vadd.f32 v40, v29  }
0x498: {  	v22 =	vadd.f32 v31, v22;
	v31 =	vadd.s32 $0xB284, v16;
	v62 =	vmul.f32 v55, v48  }
0x499: {  	v31 =	vadd.s32 s31, v31;
	v63 =	vadd.f32 v54, v29;
	v29 =	vmul.f32 v55, v47  }
0x49a: {  	v49 =	vadd.s32 $0xB286, v16;
	v48 =	vmul.f32 v58, v47;
	v35 =	vadd.f32 v62, v35  }
0x49b: {  	v34 =	vadd.s32 s31, v49;
	v49 =	vmul.f32 v58, v46;
	v24 =	vadd.f32 v29, v63  }
0x49c: {  	v25 =	vadd.f32 v37, v25;
	v27 =	vadd.f32 v48, v35;
	v29 =	vmul.f32 v52, v46  }
0x49d: {  	v37 =	vadd.s32 s31, v50;
	v54 =	vmul.f32 v52, v45;
	v24 =	vadd.f32 v49, v24  }
0x49e: {  	v50 =	vmul.f32 v56, v57;
	v27 =	vadd.f32 v29, v27;
	v29 =	vmul.f32 v60, v45  }
0x49f: {  	v58 =	vmul.f32 v56, v59;
	v55 =	vmul.f32 v60, v51;
	v24 =	vadd.f32 v54, v24  }
0x4a0: {  	v21 =	vadd.f32 v43, v21;
	[tilespmem:v31+s28+$0x0] =	vst.idx.msk $0xffff, v2;
	v2 =	vadd.s32 $0xB28A, v16;
	v27 =	vadd.f32 v29, v27  }
0x4a1: {  	v62 =	vmul.f32 v53, v57;
	[tilespmem:v36+s28+$0x0] =	vst.idx.msk $0xffff, v3;
	v2 =	vadd.s32 s31, v2;
	v3 =	vadd.f32 v55, v24  }
0x4a2: {  	v60 =	vadd.f32 v28, v27;
	v27 =	vmul.f32 v53, v59;
	v28 =	vadd.s32 $0xB28B, v16  }
0x4a3: {  	p0 =	sne.s32 s0, $0x21;
	v21 =	vadd.f32 v50, v21;
	[tilespmem:v34+s28+$0x0] =	vst.idx.msk $0xffff, v30;
	v63 =	vadd.s32 s31, v28;
	v3 =	vadd.f32 v58, v3  }
.Ltmp7:
0x4a4: {  	[tilespmem:v37+s28+$0x0] =	vst.idx.msk $0xffff, v25;
	v26 =	vadd.f32 v27, v60;
	v27 =	vmul.f32 v61, v57;
	(pc) =	sbr.rel @p0 .LBB2_16-.Ltmp7, $4  }
0x4a5: {  	[tilespmem:v23+s28+$0x0] =	vst.idx.msk $0xffff, v22;
	v3 =	vadd.f32 v62, v3  }
0x4a6: {  	v31 =	vld [tilespmem:$0x1FFF0];
	[tilespmem:v1+s28+$0x0] =	vst.idx.msk $0xffff, v21;
	v1 =	vadd.f32 v27, v26  }
0x4a7: {  	v30 =	vld [tilespmem:$0x1FFE0];
	[tilespmem:v2+s28+$0x0] =	vst.idx.msk $0xffff, v3  }
0x4a8: {  	s0 =	sadd.s32 $0x1, s0;
	v29 =	vld [tilespmem:$0x1FFD0];
	s31 =	sadd.s32 $0xC, s31;
	[tilespmem:v63+s28+$0x0] =	vst.idx.msk $0xffff, v1  }
0x4a9: {  	s0 =	simm.s32 $0xDC80  }
0x4aa: {  	[hbm4b:s20+s2] =	stream.linear.scatter [tilespmem:s0], [sflag:$0x3], $0x1980, $0x38;
	[tilespmem:$0xF980] =	vst v63  }
0x4ab: {  	_ =	swait.ge [sflag:s1], $0x1980  }
0x4ac: {  	[sflag:s1] =	ssyncset.done $0x0  }
0x4ad: {  	[sflag:s1] =	ssyncadd.s32 $0xFFFFE680  }
0x4ae: {  	_ =	swait.ge [sflag:s1], $0x1980  }
0x4af: {  	[sflag:s1] =	ssyncset.done $0x0  }
0x4b0: {  	[sflag:s1] =	ssyncadd.s32 $0xFFFFE680  }
0x4b1: {  	_ =	swait.ge [sflag:s1], $0x1980  }
0x4b2: {  	[sflag:s1] =	ssyncset.done $0x0  }
0x4b3: {  	[sflag:s1] =	ssyncadd.s32 $0xFFFFE680  }
0x4b4: {  	_ =	swait.ge [sflag:s1], $0x1980  }
0x4b5: {  	[sflag:s1] =	ssyncset.done $0x0  }
0x4b6: {  	[sflag:s1] =	ssyncadd.s32 $0xFFFFE680  }
0x4b7: {  	_ =	swait.ge [sflag:s1], $0x1980  }
0x4b8: {  	[sflag:s1] =	ssyncset.done $0x0  }
0x4b9: {  	[sflag:s1] =	ssyncadd.s32 $0xFFFFE680  }
0x4ba: {  	_ =	swait.ge [sflag:s1], $0x1980  }
0x4bb: {  	[sflag:s1] =	ssyncset.done $0x0  }
0x4bc: {  	s30 =	sadd.s32 $0x1, s30;
	[sflag:s1] =	ssyncadd.s32 $0xFFFFE680  }
0x4bd: {  	p0 =	sne.s32 s30, s21;
	_ =	swait.ge [sflag:s1], $0x1980  }
.Ltmp8:
0x4be: {  	[sflag:s1] =	ssyncset.done $0x0;
	(pc) =	sbr.rel @p0 .LBB2_1-.Ltmp8, $4  }
0x4bf: {  	[sflag:s1] =	ssyncadd.s32 $0xFFFFE680  }
0x4c0: {  	_ =	swait.ge [sflag:s1], $0x1980  }
0x4c1: {  	[sflag:s1] =	ssyncset.done $0x0  }
0x4c2: {  	[sflag:s1] =	ssyncadd.s32 $0xFFFFE680  }
0x4c3: {  	_ =	sfence.sel $0x180000  }
0x4c4: {  	[bflag:$0x0] =	sbarrier.arrive $0xFFFF  }
0x4c5: {  	_ =	strace $0x90000047  }
0x4c6: {  	s0 =	stileid.u32;
	[bflag:$0x2] =	sbarrier.arrive $0xFFFF  }
0x4c7: {  	p0 =	sne.s32 s0, $0x0;
	s0 =	rddreg [dreg:$0x2]  }
0x4c8: {  	s0 =	sadd.s32 @!p0 $0x100000, s0  }
0x4c9: {  	[sflag:s0] =	ssyncadd.tile.s32 @!p0 $0x1;
	_ =	shalt  }
.Lfunc_end2:
_tile_overlayer_lowered:
.L_overlay_start_2:
0x4ca: {  	(tag) =	ssettag $0x2  }
0x4cb: {  	s0 =	rddreg [dreg:$0x0];
	s2 =	stileid.u32  }
0x4cc: {  	s1 =	rddreg [dreg:$0x1];
	p0 =	sne.s32 s2, $0x0  }
0x4cd: {  	s3 =	rddreg [dreg:$0x2];
	[bflag:$0x3] =	sbarrier.arrive $0xFFFF;
	s2 =	simm.s32 @!p0 $0x1C04  }
0x4ce: {  	[timem:s3], [sflag:s2] =	dma.local @!p0 [hbm:s0], s1  }
0x4cf: {  	s0 =	simm.s32 @!p0 $0x4  }
0x4d0: {  	_ =	swait.ge @!p0 [sflag:s0], s1  }
0x4d1: {  	s1 =	ssub.s32 @!p0 $0x0, s1;
	[sflag:s0] =	ssyncset.done @!p0 $0x0  }
0x4d2: {  	[sflag:s0] =	ssyncadd.s32 @!p0 s1  }
0x4d3: {  	[bflag:$0x3] =	sbarrier.arrive $0xFFFF  }
0x4d4: {  	_ =	shalt  }

</sc_bundles>
